<compile_context>
chip_gen: v7x
topology: tpu7x:2x2x1
jax: 0.10.2.dev20260603
libtpu: 0.0.44.dev20260713+nightly
codegen_flags: <defaults>
</compile_context>

<pallas_src>
import functools

import jax
import jax.numpy as jnp
from jax import lax
from jax.experimental import pallas as pl
from jax.experimental.pallas import tpu as pltpu
from jax.experimental.pallas import tpu_sc as plsc

NC = 2
NS = 16
_W = NC * NS
_D = 6
_F = 64


def _batch_size(epw):
  del epw
  return 128


def _mesh():
  return plsc.VectorSubcoreMesh(
      core_axis_name="c", subcore_axis_name="s",
      num_cores=NC, num_subcores=NS)


def _row_split(n_nodes):
  ra = (n_nodes // NS) // 8 * 8
  return ra, n_nodes - NS * ra


def _sc_degree(dst2, dst_t, n_nodes):
  _, nb, b = dst2.shape
  tail = dst_t.shape[1] if dst_t is not None else 0
  ra, res = _row_split(n_nodes)

  scr = [pltpu.VMEM((nb, b), jnp.int32)]
  if tail:
    scr.append(pltpu.VMEM((tail,), jnp.int32))
  scr += [
      pltpu.VMEM((b, 16), jnp.float32),
      pltpu.VMEM_SHARED((n_nodes, 16), jnp.float32),
      pltpu.SemaphoreType.DMA,
  ]

  @functools.partial(
      pl.kernel,
      out_type=jax.ShapeDtypeStruct((NC, n_nodes, 16), jnp.float32),
      mesh=_mesh(),
      compiler_params=pltpu.CompilerParams(use_tc_tiling_on_sc=False),
      scratch_types=scr,
  )
  def deg_kernel(*refs):
    it = iter(refs)
    dst_hbm = next(it)
    dstt_hbm = next(it) if tail else None
    out_hbm = next(it)
    didx = next(it)
    didx_t = next(it) if tail else None
    ones_v = next(it)
    cnt_sh = next(it)
    sem = next(it)
    cid = lax.axis_index("c")
    sid = lax.axis_index("s")
    wid = sid * NC + cid
    tb = sid * ra

    def fill_row(i, carry):
      ones_v[i, :] = jnp.full((16,), 1.0, jnp.float32)
      return carry
    lax.fori_loop(0, b, fill_row, 0)
    pltpu.sync_copy(dst_hbm.at[wid], didx)
    if tail:
      pltpu.sync_copy(dstt_hbm.at[wid], didx_t)

    done = 0
    while done < ra:
      sz = min(b, ra - done)
      pltpu.sync_copy(ones_v.at[pl.ds(0, sz)],
                      cnt_sh.at[pl.ds(tb + done, sz)])
      done += sz
    if res:
      @pl.when(sid == NS - 1)
      def _():
        pltpu.sync_copy(ones_v.at[pl.ds(0, res)],
                        cnt_sh.at[pl.ds(NS * ra, res)])
    plsc.subcore_barrier()

    def batch(i, carry):
      pltpu.async_copy(ones_v, cnt_sh.at[didx.at[i]], sem, add=True)
      @pl.when(i >= _D)
      def _():
        pltpu.make_async_copy(ones_v, cnt_sh.at[didx.at[i]], sem).wait()
      return carry
    lax.fori_loop(0, nb, batch, 0)
    for d in range(min(_D, nb)):
      pltpu.make_async_copy(ones_v, cnt_sh.at[didx.at[d]], sem).wait()
    if tail:
      pltpu.sync_copy(ones_v.at[pl.ds(0, tail)], cnt_sh.at[didx_t], add=True)
    plsc.subcore_barrier()

    pltpu.sync_copy(cnt_sh.at[pl.ds(tb, ra)],
                    out_hbm.at[cid, pl.ds(tb, ra)])
    if res:
      @pl.when(sid == NS - 1)
      def _():
        pltpu.sync_copy(cnt_sh.at[pl.ds(NS * ra, res)],
                        out_hbm.at[cid, pl.ds(NS * ra, res)])

  args = (dst2, dst_t) if tail else (dst2,)
  return deg_kernel(*args)


def _sc_edge_agg(src2, dst2, src_t, dst_t, hp3):
  npass, n_nodes, f = hp3.shape
  _, nb, b = src2.shape
  tail = src_t.shape[1] if src_t is not None else 0
  ra, res = _row_split(n_nodes)
  kmain = nb // _D
  rem = nb % _D

  scr = [pltpu.VMEM((nb, b), jnp.int32), pltpu.VMEM((nb, b), jnp.int32)]
  if tail:
    scr += [pltpu.VMEM((tail,), jnp.int32), pltpu.VMEM((tail,), jnp.int32)]
  scr += [
      [pltpu.VMEM((b, f), jnp.float32)] * _D,
      [pltpu.SemaphoreType.DMA] * _D,
      [pltpu.SemaphoreType.DMA] * _D,
      pltpu.VMEM_SHARED((n_nodes, f), jnp.float32),
  ]

  @functools.partial(
      pl.kernel,
      out_type=jax.ShapeDtypeStruct((NC, npass, n_nodes, f), jnp.float32),
      mesh=_mesh(),
      compiler_params=pltpu.CompilerParams(use_tc_tiling_on_sc=False),
      scratch_types=scr,
  )
  def agg_kernel(*refs):
    it = iter(refs)
    src_hbm = next(it)
    dst_hbm = next(it)
    srct_hbm = next(it) if tail else None
    dstt_hbm = next(it) if tail else None
    hp_hbm = next(it)
    out_hbm = next(it)
    sidx = next(it)
    didx = next(it)
    sidx_t = next(it) if tail else None
    didx_t = next(it) if tail else None
    rows = next(it)
    gsem = next(it)
    ssem = next(it)
    agg_sh = next(it)
    cid = lax.axis_index("c")
    sid = lax.axis_index("s")
    wid = sid * NC + cid
    tb = sid * ra

    pltpu.sync_copy(src_hbm.at[wid], sidx)
    pltpu.sync_copy(dst_hbm.at[wid], didx)
    if tail:
      pltpu.sync_copy(srct_hbm.at[wid], sidx_t)
      pltpu.sync_copy(dstt_hbm.at[wid], didx_t)

    for p in range(npass):
      hview = hp_hbm.at[p]

      pltpu.sync_copy(hview.at[pl.ds(tb, ra)], agg_sh.at[pl.ds(tb, ra)])
      if res:
        @pl.when(sid == NS - 1)
        def _():
          pltpu.sync_copy(hview.at[pl.ds(NS * ra, res)],
                          agg_sh.at[pl.ds(NS * ra, res)])
      plsc.subcore_barrier()

      def start_gather(i, d):
        pltpu.async_copy(hview.at[sidx.at[i]], rows[d], gsem[d])

      def wait_gather(i, d):
        pltpu.make_async_copy(hview.at[sidx.at[i]], rows[d], gsem[d]).wait()

      def start_scatter(i, d):
        pltpu.async_copy(rows[d], agg_sh.at[didx.at[i]], ssem[d], add=True)

      def wait_scatter(i, d):
        pltpu.make_async_copy(rows[d], agg_sh.at[didx.at[i]], ssem[d]).wait()

      for d in range(min(_D, nb)):
        start_gather(d, d)

      def kbody(k, carry):
        for d in range(_D):
          i = k * _D + d
          wait_gather(i, d)
          start_scatter(i, d)
          @pl.when(i + _D < nb)
          def _():
            wait_scatter(i, d)
            start_gather(i + _D, d)
        return carry
      lax.fori_loop(0, kmain, kbody, 0)
      for d in range(rem):
        i = kmain * _D + d
        wait_gather(i, d)
        start_scatter(i, d)
      for d in range(min(_D, nb)):
        wait_scatter(0, d)
      if tail:
        pltpu.async_copy(hview.at[sidx_t], rows[0].at[pl.ds(0, tail)],
                         gsem[0]).wait()
        pltpu.sync_copy(rows[0].at[pl.ds(0, tail)], agg_sh.at[didx_t],
                        add=True)
      plsc.subcore_barrier()

      pltpu.sync_copy(agg_sh.at[pl.ds(tb, ra)],
                      out_hbm.at[cid, p, pl.ds(tb, ra)])
      if res:
        @pl.when(sid == NS - 1)
        def _():
          pltpu.sync_copy(agg_sh.at[pl.ds(NS * ra, res)],
                          out_hbm.at[cid, p, pl.ds(NS * ra, res)])
      if p + 1 < npass:
        plsc.subcore_barrier()

  args = ((src2, dst2, src_t, dst_t, hp3) if tail
          else (src2, dst2, hp3))
  return agg_kernel(*args)


_TC_PARAMS = pltpu.CompilerParams(
    dimension_semantics=("arbitrary",))


def _tc_first(x_pk, w1bd, deg_pk, blkh):
  nh, nf2 = x_pk.shape
  npass = w1bd.shape[0]

  def body(deg_ref, x_ref, w_ref, dinv_ref, h1p_ref):
    de = deg_ref[0, :, 0:1] + deg_ref[1, :, 0:1] - 1.0
    do = deg_ref[0, :, 16:17] + deg_ref[1, :, 16:17] - 1.0
    dinv = jnp.concatenate(
        [jnp.broadcast_to(lax.rsqrt(de), (blkh, _F)),
         jnp.broadcast_to(lax.rsqrt(do), (blkh, _F))], axis=1)
    dinv_ref[...] = dinv
    for p in range(npass):
      h1p_ref[p] = jnp.dot(x_ref[...], w_ref[p],
                           preferred_element_type=jnp.float32) * dinv

  grid = (nh // blkh,)
  return pl.pallas_call(
      body,
      grid=grid,
      in_specs=[
          pl.BlockSpec((NC, blkh, 32), lambda i: (0, i, 0)),
          pl.BlockSpec((blkh, nf2), lambda i: (i, 0)),
          pl.BlockSpec((npass, nf2, 2 * _F), lambda i: (0, 0, 0)),
      ],
      out_specs=[
          pl.BlockSpec((blkh, 2 * _F), lambda i: (i, 0)),
          pl.BlockSpec((npass, blkh, 2 * _F), lambda i: (0, i, 0)),
      ],
      out_shape=[
          jax.ShapeDtypeStruct((nh, 2 * _F), jnp.float32),
          jax.ShapeDtypeStruct((npass, nh, 2 * _F), jnp.float32),
      ],
      compiler_params=_TC_PARAMS,
  )(deg_pk, x_pk, w1bd)


def _tc_mid(agg1_pk, h1p_pk, dinv_pk, b1pk, w2bd, blkh):
  npass, nh, _ = h1p_pk.shape

  def body(a_ref, hp_ref, dinv_ref, b_ref, w_ref, out_ref):
    dinv = dinv_ref[...]
    acc = None
    for p in range(npass):
      s = a_ref[0, p] + a_ref[1, p] - hp_ref[p]
      h1 = jnp.maximum(s * dinv + b_ref[p], 0.0)
      t = jnp.dot(h1, w_ref[p], preferred_element_type=jnp.float32)
      acc = t if acc is None else acc + t
    out_ref[...] = acc * dinv

  grid = (nh // blkh,)
  return pl.pallas_call(
      body,
      grid=grid,
      in_specs=[
          pl.BlockSpec((NC, npass, blkh, 2 * _F), lambda i: (0, 0, i, 0)),
          pl.BlockSpec((npass, blkh, 2 * _F), lambda i: (0, i, 0)),
          pl.BlockSpec((blkh, 2 * _F), lambda i: (i, 0)),
          pl.BlockSpec((npass, 1, 2 * _F), lambda i: (0, 0, 0)),
          pl.BlockSpec((npass, 2 * _F, 2 * _F), lambda i: (0, 0, 0)),
      ],
      out_specs=pl.BlockSpec((blkh, 2 * _F), lambda i: (i, 0)),
      out_shape=jax.ShapeDtypeStruct((nh, 2 * _F), jnp.float32),
      compiler_params=_TC_PARAMS,
  )(agg1_pk, h1p_pk, dinv_pk, b1pk, w2bd)


def _tc_last(agg2_pk, h2p_pk, dinv_pk, b2pk, blkh):
  nh, _ = h2p_pk.shape

  def lsm(f):
    m = jnp.max(f, axis=1, keepdims=True)
    sh = f - m
    return sh - jnp.log(jnp.sum(jnp.exp(sh), axis=1, keepdims=True))

  def body(a_ref, hp_ref, dinv_ref, b_ref, fin_ref, logp_ref):
    s = a_ref[0] + a_ref[1] - hp_ref[...]
    fin = s * dinv_ref[...] + b_ref[...]
    fin_ref[...] = fin
    logp_ref[...] = jnp.concatenate(
        [lsm(fin[:, :_F]), lsm(fin[:, _F:])], axis=1)

  grid = (nh // blkh,)
  return pl.pallas_call(
      body,
      grid=grid,
      in_specs=[
          pl.BlockSpec((NC, blkh, 2 * _F), lambda i: (0, i, 0)),
          pl.BlockSpec((blkh, 2 * _F), lambda i: (i, 0)),
          pl.BlockSpec((blkh, 2 * _F), lambda i: (i, 0)),
          pl.BlockSpec((1, 2 * _F), lambda i: (0, 0)),
      ],
      out_specs=[
          pl.BlockSpec((blkh, 2 * _F), lambda i: (i, 0)),
          pl.BlockSpec((blkh, 2 * _F), lambda i: (i, 0)),
      ],
      out_shape=[
          jax.ShapeDtypeStruct((nh, 2 * _F), jnp.float32),
          jax.ShapeDtypeStruct((nh, 2 * _F), jnp.float32),
      ],
      compiler_params=_TC_PARAMS,
  )(agg2_pk, h2p_pk, dinv_pk, b2pk)


def _block_diag2(w):
  k = w.shape[0]
  z = jnp.zeros((k, _F), jnp.float32)
  return jnp.concatenate(
      [jnp.concatenate([w, z], axis=1),
       jnp.concatenate([z, w], axis=1)], axis=0)


def kernel(x, edge_index, W1, b1, W2, b2):
  n = x.shape[0]
  e = edge_index.shape[1]
  nf = x.shape[1]
  src = edge_index[0]
  dst = edge_index[1]
  nh = n // 2
  blkh = 1000 if nh % 1000 == 0 else 8
  npass = W1.shape[1] // _F

  epw = e // _W
  b = _batch_size(epw)
  nb = epw // b
  if nb * b == epw:
    src2 = src.reshape(_W, nb, b)
    dst2 = dst.reshape(_W, nb, b)
    src_t = dst_t = None
  else:
    src_w = src.reshape(_W, epw)
    dst_w = dst.reshape(_W, epw)
    src2 = src_w[:, :nb * b].reshape(_W, nb, b)
    dst2 = dst_w[:, :nb * b].reshape(_W, nb, b)
    src_t = src_w[:, nb * b:]
    dst_t = dst_w[:, nb * b:]

  x_pk = x.reshape(nh, 2 * nf)
  w1bd = jnp.stack([_block_diag2(W1[:, p * _F:(p + 1) * _F])
                    for p in range(npass)])
  w2bd = jnp.stack([_block_diag2(W2[p * _F:(p + 1) * _F, :])
                    for p in range(npass)])
  b1pk = jnp.stack([jnp.concatenate([b1[p * _F:(p + 1) * _F]] * 2)
                    for p in range(npass)])[:, None, :]
  b2pk = jnp.concatenate([b2, b2]).reshape(1, 2 * _F)

  deg_parts = _sc_degree(dst2, dst_t, n)
  deg_pk = deg_parts.reshape(NC, nh, 32)
  dinv_pk, h1p_pk = _tc_first(x_pk, w1bd, deg_pk, blkh)
  agg1 = _sc_edge_agg(src2, dst2, src_t, dst_t,
                      h1p_pk.reshape(npass, n, _F))
  h2p_pk = _tc_mid(agg1.reshape(NC, npass, nh, 2 * _F), h1p_pk,
                   dinv_pk, b1pk, w2bd, blkh)
  agg2 = _sc_edge_agg(src2, dst2, src_t, dst_t, h2p_pk.reshape(1, n, _F))
  fin_pk, logp_pk = _tc_last(agg2.reshape(NC, nh, 2 * _F), h2p_pk,
                             dinv_pk, b2pk, blkh)
  return (fin_pk.reshape(n, _F), logp_pk.reshape(n, _F))

# --- scband reference (transcript-rebuilt; emitter-appended) ---
"""Pipeline reference for scband-our-gcn-90666759618859 (READ-ONLY COPY).

The authoritative reference and input builder live on the scoring server;
editing this copy changes nothing except your own understanding.
"""

import jax, jax.numpy as jnp
import numpy as np

N = 10000
E = 320000
NFEAT = 128
HIDDEN = 128
NCLASS = 64


def setup_inputs(seed: int = 0) -> dict:
    key = jax.random.key(seed)
    k1, k2, k3, k4, k5, k6 = jax.random.split(key, 6)
    x = jax.random.normal(k1, (N, NFEAT), dtype=jnp.float32)
    edge_index = jax.random.randint(k2, (2, E), 0, N, dtype=jnp.int32)
    W1 = jax.random.normal(k3, (NFEAT, HIDDEN), dtype=jnp.float32) * (1.0 / np.sqrt(NFEAT))
    b1 = jnp.zeros((HIDDEN,), dtype=jnp.float32)
    W2 = jax.random.normal(k4, (HIDDEN, NCLASS), dtype=jnp.float32) * (1.0 / np.sqrt(HIDDEN))
    b2 = jnp.zeros((NCLASS,), dtype=jnp.float32)
    return {"x": x, "edge_index": edge_index, "W1": W1, "b1": b1, "W2": W2, "b2": b2}


def _gcn_layer(x, W, b, src_full, dst_full, norm):
    h = x @ W
    msg = h[src_full] * norm[:, None]
    out = jax.ops.segment_sum(msg, dst_full, num_segments=N)
    return out + b


def reference(x, edge_index, W1, b1, W2, b2):
    # GCN normalization with self-loops: A_hat = D^{-1/2} (A + I) D^{-1/2}
    src = edge_index[0]
    dst = edge_index[1]
    loop = jnp.arange(N, dtype=src.dtype)
    src_full = jnp.concatenate([src, loop])
    dst_full = jnp.concatenate([dst, loop])
    ones = jnp.ones((src_full.shape[0],), dtype=jnp.float32)
    deg = jax.ops.segment_sum(ones, dst_full, num_segments=N)
    dinv = jnp.where(deg > 0, jax.lax.rsqrt(deg), 0.0)
    norm = dinv[src_full] * dinv[dst_full]
    # conv1 + relu (dropout is identity in eval mode)
    h = jax.nn.relu(_gcn_layer(x, W1, b1, src_full, dst_full, norm))
    # conv2
    final = _gcn_layer(h, W2, b2, src_full, dst_full, norm)
    logp = jax.nn.log_softmax(final, axis=1)
    return (final, logp)

if __name__ == "__main__":
    import jax
    _d = setup_inputs()
    print(jax.jit(kernel)(*tuple(_d.values())))

</pallas_src>

<mosaic_0001>
#map = affine_map<(d0, d1) -> (0, 0, 0)>
#map1 = affine_map<(d0, d1) -> (0, 0)>
module attributes {stable_mosaic.version = 14 : i64} {
  func.func @deg_kernel(%arg0: i32, %arg1: i32, %arg2: memref<32x78x128xi32, #tpu.memory_space<hbm>>, %arg3: memref<32x16xi32, #tpu.memory_space<hbm>>, %arg4: memref<2x10000x16xf32, #tpu.memory_space<hbm>>, %arg5: memref<78x128xi32, #tpu.memory_space<vmem>>, %arg6: memref<16xi32, #tpu.memory_space<vmem>>, %arg7: memref<128x16xf32, #tpu.memory_space<vmem>>, %arg8: memref<10000x16xf32, #tpu.memory_space<vmem_shared>>, %arg9: memref<!tpu.dma_semaphore, #tpu.memory_space<semaphore_mem>>) attributes {dimension_semantics = [#tpu.dimension_semantics<core_parallel>, #tpu.dimension_semantics<subcore_parallel>], iteration_bounds = array<i64: 2, 16>, scalar_prefetch = 0 : i64, scratch_operands = 5 : i64, tpu.core_type = #tpu.core_type<sc_vector_subcore>, window_params = [{transform_indices = #map}, {transform_indices = #map1}, {transform_indices = #map}]} {
    %mul3A = arith.constant 2 : i32
    %mul3A_0 = arith.muli %arg1, %mul3A : i32
    %add3A = arith.addi %mul3A_0, %arg0 : i32
    %mul3A_1 = arith.constant 624 : i32
    %mul3A_2 = arith.muli %arg1, %mul3A_1 : i32
    %scan3A = arith.constant 0 : i32
    %scan3A_3 = arith.constant 0 : i32
    %scan3A_4 = arith.constant 128 : i32
    %scan3A_5 = arith.addi %scan3A_3, %scan3A_4 : i32
    %scan3A_6 = arith.constant 1 : i32
    scf.for %scan3A_73 = %scan3A_3 to %scan3A_5 step %scan3A_6  : i32 {
      %broadcast_in_dim3A = arith.constant 1.000000e+00 : f32
      %broadcast_in_dim3A_74 = vector.broadcast %broadcast_in_dim3A : f32 to vector<16xf32>
      %swap3A = arith.index_cast %scan3A_73 : i32 to index
      %swap3A_75 = arith.constant 0 : index
      %swap3A_76 = tpu.vector_load %arg7[%swap3A, %swap3A_75] {strides = array<i32>} : memref<128x16xf32, #tpu.memory_space<vmem>>, vector<1x16xf32>,
      %swap3A_77 = vector.shape_cast %swap3A_76 : vector<1x16xf32> to vector<16xf32>
      %swap3A_78 = vector.shape_cast %broadcast_in_dim3A_74 : vector<16xf32> to vector<1x16xf32>
      tpu.vector_store %arg7[%swap3A, %swap3A_75], %swap3A_78 {strides = array<i32>} : memref<128x16xf32, #tpu.memory_space<vmem>>, vector<1x16xf32>,
    }
    %scan3A_7 = arith.constant 128 : i32
    "tpu.region"() ({
      %run_scoped3A = tpu.sem_alloc : memref<!tpu.dma_semaphore, #tpu.memory_space<semaphore_mem>>
      %dma_start3A = arith.constant 0 : i32
      %dma_start3A_73 = arith.constant 0 : i32
      %dma_start3A_74 = tpu.memref_slice %arg2[%add3A, %dma_start3A, %dma_start3A_73] : memref<32x78x128xi32, #tpu.memory_space<hbm>> -> memref<1x78x128xi32, #tpu.memory_space<hbm>>
      %dma_start3A_75 = tpu.memref_squeeze %dma_start3A_74 : memref<1x78x128xi32, #tpu.memory_space<hbm>> -> memref<78x128xi32, #tpu.memory_space<hbm>>
      %dma_start3A_76 = arith.constant 0 : i32
      %dma_start3A_77 = arith.constant 0 : i32
      %dma_start3A_78 = tpu.memref_slice %arg2[%add3A, %dma_start3A_76, %dma_start3A_77] : memref<32x78x128xi32, #tpu.memory_space<hbm>> -> memref<1x78x128xi32, #tpu.memory_space<hbm>>
      %dma_start3A_79 = tpu.memref_squeeze %dma_start3A_78 : memref<1x78x128xi32, #tpu.memory_space<hbm>> -> memref<78x128xi32, #tpu.memory_space<hbm>>
      tpu.enqueue_dma source(%dma_start3A_79 : memref<78x128xi32, #tpu.memory_space<hbm>>) target(%arg5 : memref<78x128xi32, #tpu.memory_space<vmem>>) target_semaphore(%run_scoped3A : memref<!tpu.dma_semaphore, #tpu.memory_space<semaphore_mem>>)
      %dma_wait3A_80 = arith.constant 0 : i32
      %dma_wait3A_81 = arith.constant 0 : i32
      %dma_wait3A_82 = tpu.memref_slice %arg2[%add3A, %dma_wait3A_80, %dma_wait3A_81] : memref<32x78x128xi32, #tpu.memory_space<hbm>> -> memref<1x78x128xi32, #tpu.memory_space<hbm>>
      %dma_wait3A_83 = tpu.memref_squeeze %dma_wait3A_82 : memref<1x78x128xi32, #tpu.memory_space<hbm>> -> memref<78x128xi32, #tpu.memory_space<hbm>>
      %dma_wait3A_84 = arith.constant 0 : i32
      %dma_wait3A_85 = arith.constant 0 : i32
      %dma_wait3A_86 = tpu.memref_slice %arg2[%add3A, %dma_wait3A_84, %dma_wait3A_85] : memref<32x78x128xi32, #tpu.memory_space<hbm>> -> memref<1x78x128xi32, #tpu.memory_space<hbm>>
      %dma_wait3A_87 = tpu.memref_squeeze %dma_wait3A_86 : memref<1x78x128xi32, #tpu.memory_space<hbm>> -> memref<78x128xi32, #tpu.memory_space<hbm>>
      tpu.wait_dma2 semaphore(%run_scoped3A : memref<!tpu.dma_semaphore, #tpu.memory_space<semaphore_mem>>) src(%dma_wait3A_87 : memref<78x128xi32, #tpu.memory_space<hbm>>) dst(%arg5 : memref<78x128xi32, #tpu.memory_space<vmem>>)
      tpu.yield
    }) : () -> ()
    "tpu.region"() ({
      %run_scoped3A = tpu.sem_alloc : memref<!tpu.dma_semaphore, #tpu.memory_space<semaphore_mem>>
      %dma_start3A = arith.constant 0 : i32
      %dma_start3A_73 = tpu.memref_slice %arg3[%add3A, %dma_start3A] : memref<32x16xi32, #tpu.memory_space<hbm>> -> memref<1x16xi32, #tpu.memory_space<hbm>>
      %dma_start3A_74 = tpu.memref_squeeze %dma_start3A_73 : memref<1x16xi32, #tpu.memory_space<hbm>> -> memref<16xi32, #tpu.memory_space<hbm>>
      %dma_start3A_75 = arith.constant 0 : i32
      %dma_start3A_76 = tpu.memref_slice %arg3[%add3A, %dma_start3A_75] : memref<32x16xi32, #tpu.memory_space<hbm>> -> memref<1x16xi32, #tpu.memory_space<hbm>>
      %dma_start3A_77 = tpu.memref_squeeze %dma_start3A_76 : memref<1x16xi32, #tpu.memory_space<hbm>> -> memref<16xi32, #tpu.memory_space<hbm>>
      tpu.enqueue_dma source(%dma_start3A_77 : memref<16xi32, #tpu.memory_space<hbm>>) target(%arg6 : memref<16xi32, #tpu.memory_space<vmem>>) target_semaphore(%run_scoped3A : memref<!tpu.dma_semaphore, #tpu.memory_space<semaphore_mem>>)
      %dma_wait3A_78 = arith.constant 0 : i32
      %dma_wait3A_79 = tpu.memref_slice %arg3[%add3A, %dma_wait3A_78] : memref<32x16xi32, #tpu.memory_space<hbm>> -> memref<1x16xi32, #tpu.memory_space<hbm>>
      %dma_wait3A_80 = tpu.memref_squeeze %dma_wait3A_79 : memref<1x16xi32, #tpu.memory_space<hbm>> -> memref<16xi32, #tpu.memory_space<hbm>>
      %dma_wait3A_81 = arith.constant 0 : i32
      %dma_wait3A_82 = tpu.memref_slice %arg3[%add3A, %dma_wait3A_81] : memref<32x16xi32, #tpu.memory_space<hbm>> -> memref<1x16xi32, #tpu.memory_space<hbm>>
      %dma_wait3A_83 = tpu.memref_squeeze %dma_wait3A_82 : memref<1x16xi32, #tpu.memory_space<hbm>> -> memref<16xi32, #tpu.memory_space<hbm>>
      tpu.wait_dma2 semaphore(%run_scoped3A : memref<!tpu.dma_semaphore, #tpu.memory_space<semaphore_mem>>) src(%dma_wait3A_83 : memref<16xi32, #tpu.memory_space<hbm>>) dst(%arg6 : memref<16xi32, #tpu.memory_space<vmem>>)
      tpu.yield
    }) : () -> ()
    %add3A_8 = arith.constant 0 : i32
    %add3A_9 = arith.addi %mul3A_2, %add3A_8 : i32
    "tpu.region"() ({
      %run_scoped3A = tpu.sem_alloc : memref<!tpu.dma_semaphore, #tpu.memory_space<semaphore_mem>>
      %dma_start3A = arith.constant 0 : i32
      %dma_start3A_73 = arith.constant 0 : i32
      %dma_start3A_74 = tpu.memref_slice %arg7[%dma_start3A, %dma_start3A_73] : memref<128x16xf32, #tpu.memory_space<vmem>> -> memref<128x16xf32, #tpu.memory_space<vmem>>
      %dma_start3A_75 = arith.constant 0 : i32
      %dma_start3A_76 = tpu.memref_slice %arg8[%add3A_9, %dma_start3A_75] : memref<10000x16xf32, #tpu.memory_space<vmem_shared>> -> memref<128x16xf32, #tpu.memory_space<vmem_shared>>
      %dma_start3A_77 = arith.constant 0 : i32
      %dma_start3A_78 = tpu.memref_slice %arg8[%add3A_9, %dma_start3A_77] : memref<10000x16xf32, #tpu.memory_space<vmem_shared>> -> memref<128x16xf32, #tpu.memory_space<vmem_shared>>
      %dma_start3A_79 = arith.constant 0 : i32
      %dma_start3A_80 = arith.constant 0 : i32
      %dma_start3A_81 = tpu.memref_slice %arg7[%dma_start3A_79, %dma_start3A_80] : memref<128x16xf32, #tpu.memory_space<vmem>> -> memref<128x16xf32, #tpu.memory_space<vmem>>
      tpu.enqueue_dma source(%dma_start3A_81 : memref<128x16xf32, #tpu.memory_space<vmem>>) target(%dma_start3A_78 : memref<128x16xf32, #tpu.memory_space<vmem_shared>>) target_semaphore(%run_scoped3A : memref<!tpu.dma_semaphore, #tpu.memory_space<semaphore_mem>>)
      %dma_wait3A_82 = arith.constant 0 : i32
      %dma_wait3A_83 = arith.constant 0 : i32
      %dma_wait3A_84 = tpu.memref_slice %arg7[%dma_wait3A_82, %dma_wait3A_83] : memref<128x16xf32, #tpu.memory_space<vmem>> -> memref<128x16xf32, #tpu.memory_space<vmem>>
      %dma_wait3A_85 = arith.constant 0 : i32
      %dma_wait3A_86 = tpu.memref_slice %arg8[%add3A_9, %dma_wait3A_85] : memref<10000x16xf32, #tpu.memory_space<vmem_shared>> -> memref<128x16xf32, #tpu.memory_space<vmem_shared>>
      %dma_wait3A_87 = arith.constant 0 : i32
      %dma_wait3A_88 = tpu.memref_slice %arg8[%add3A_9, %dma_wait3A_87] : memref<10000x16xf32, #tpu.memory_space<vmem_shared>> -> memref<128x16xf32, #tpu.memory_space<vmem_shared>>
      %dma_wait3A_89 = arith.constant 0 : i32
      %dma_wait3A_90 = arith.constant 0 : i32
      %dma_wait3A_91 = tpu.memref_slice %arg7[%dma_wait3A_89, %dma_wait3A_90] : memref<128x16xf32, #tpu.memory_space<vmem>> -> memref<128x16xf32, #tpu.memory_space<vmem>>
      tpu.wait_dma2 semaphore(%run_scoped3A : memref<!tpu.dma_semaphore, #tpu.memory_space<semaphore_mem>>) src(%dma_wait3A_91 : memref<128x16xf32, #tpu.memory_space<vmem>>) dst(%dma_wait3A_88 : memref<128x16xf32, #tpu.memory_space<vmem_shared>>)
      tpu.yield
    }) : () -> ()
    %add3A_10 = arith.constant 128 : i32
    %add3A_11 = arith.addi %mul3A_2, %add3A_10 : i32
    "tpu.region"() ({
      %run_scoped3A = tpu.sem_alloc : memref<!tpu.dma_semaphore, #tpu.memory_space<semaphore_mem>>
      %dma_start3A = arith.constant 0 : i32
      %dma_start3A_73 = arith.constant 0 : i32
      %dma_start3A_74 = tpu.memref_slice %arg7[%dma_start3A, %dma_start3A_73] : memref<128x16xf32, #tpu.memory_space<vmem>> -> memref<128x16xf32, #tpu.memory_space<vmem>>
      %dma_start3A_75 = arith.constant 0 : i32
      %dma_start3A_76 = tpu.memref_slice %arg8[%add3A_11, %dma_start3A_75] : memref<10000x16xf32, #tpu.memory_space<vmem_shared>> -> memref<128x16xf32, #tpu.memory_space<vmem_shared>>
      %dma_start3A_77 = arith.constant 0 : i32
      %dma_start3A_78 = tpu.memref_slice %arg8[%add3A_11, %dma_start3A_77] : memref<10000x16xf32, #tpu.memory_space<vmem_shared>> -> memref<128x16xf32, #tpu.memory_space<vmem_shared>>
      %dma_start3A_79 = arith.constant 0 : i32
      %dma_start3A_80 = arith.constant 0 : i32
      %dma_start3A_81 = tpu.memref_slice %arg7[%dma_start3A_79, %dma_start3A_80] : memref<128x16xf32, #tpu.memory_space<vmem>> -> memref<128x16xf32, #tpu.memory_space<vmem>>
      tpu.enqueue_dma source(%dma_start3A_81 : memref<128x16xf32, #tpu.memory_space<vmem>>) target(%dma_start3A_78 : memref<128x16xf32, #tpu.memory_space<vmem_shared>>) target_semaphore(%run_scoped3A : memref<!tpu.dma_semaphore, #tpu.memory_space<semaphore_mem>>)
      %dma_wait3A_82 = arith.constant 0 : i32
      %dma_wait3A_83 = arith.constant 0 : i32
      %dma_wait3A_84 = tpu.memref_slice %arg7[%dma_wait3A_82, %dma_wait3A_83] : memref<128x16xf32, #tpu.memory_space<vmem>> -> memref<128x16xf32, #tpu.memory_space<vmem>>
      %dma_wait3A_85 = arith.constant 0 : i32
      %dma_wait3A_86 = tpu.memref_slice %arg8[%add3A_11, %dma_wait3A_85] : memref<10000x16xf32, #tpu.memory_space<vmem_shared>> -> memref<128x16xf32, #tpu.memory_space<vmem_shared>>
      %dma_wait3A_87 = arith.constant 0 : i32
      %dma_wait3A_88 = tpu.memref_slice %arg8[%add3A_11, %dma_wait3A_87] : memref<10000x16xf32, #tpu.memory_space<vmem_shared>> -> memref<128x16xf32, #tpu.memory_space<vmem_shared>>
      %dma_wait3A_89 = arith.constant 0 : i32
      %dma_wait3A_90 = arith.constant 0 : i32
      %dma_wait3A_91 = tpu.memref_slice %arg7[%dma_wait3A_89, %dma_wait3A_90] : memref<128x16xf32, #tpu.memory_space<vmem>> -> memref<128x16xf32, #tpu.memory_space<vmem>>
      tpu.wait_dma2 semaphore(%run_scoped3A : memref<!tpu.dma_semaphore, #tpu.memory_space<semaphore_mem>>) src(%dma_wait3A_91 : memref<128x16xf32, #tpu.memory_space<vmem>>) dst(%dma_wait3A_88 : memref<128x16xf32, #tpu.memory_space<vmem_shared>>)
      tpu.yield
    }) : () -> ()
    %add3A_12 = arith.constant 256 : i32
    %add3A_13 = arith.addi %mul3A_2, %add3A_12 : i32
    "tpu.region"() ({
      %run_scoped3A = tpu.sem_alloc : memref<!tpu.dma_semaphore, #tpu.memory_space<semaphore_mem>>
      %dma_start3A = arith.constant 0 : i32
      %dma_start3A_73 = arith.constant 0 : i32
      %dma_start3A_74 = tpu.memref_slice %arg7[%dma_start3A, %dma_start3A_73] : memref<128x16xf32, #tpu.memory_space<vmem>> -> memref<128x16xf32, #tpu.memory_space<vmem>>
      %dma_start3A_75 = arith.constant 0 : i32
      %dma_start3A_76 = tpu.memref_slice %arg8[%add3A_13, %dma_start3A_75] : memref<10000x16xf32, #tpu.memory_space<vmem_shared>> -> memref<128x16xf32, #tpu.memory_space<vmem_shared>>
      %dma_start3A_77 = arith.constant 0 : i32
      %dma_start3A_78 = tpu.memref_slice %arg8[%add3A_13, %dma_start3A_77] : memref<10000x16xf32, #tpu.memory_space<vmem_shared>> -> memref<128x16xf32, #tpu.memory_space<vmem_shared>>
      %dma_start3A_79 = arith.constant 0 : i32
      %dma_start3A_80 = arith.constant 0 : i32
      %dma_start3A_81 = tpu.memref_slice %arg7[%dma_start3A_79, %dma_start3A_80] : memref<128x16xf32, #tpu.memory_space<vmem>> -> memref<128x16xf32, #tpu.memory_space<vmem>>
      tpu.enqueue_dma source(%dma_start3A_81 : memref<128x16xf32, #tpu.memory_space<vmem>>) target(%dma_start3A_78 : memref<128x16xf32, #tpu.memory_space<vmem_shared>>) target_semaphore(%run_scoped3A : memref<!tpu.dma_semaphore, #tpu.memory_space<semaphore_mem>>)
      %dma_wait3A_82 = arith.constant 0 : i32
      %dma_wait3A_83 = arith.constant 0 : i32
      %dma_wait3A_84 = tpu.memref_slice %arg7[%dma_wait3A_82, %dma_wait3A_83] : memref<128x16xf32, #tpu.memory_space<vmem>> -> memref<128x16xf32, #tpu.memory_space<vmem>>
      %dma_wait3A_85 = arith.constant 0 : i32
      %dma_wait3A_86 = tpu.memref_slice %arg8[%add3A_13, %dma_wait3A_85] : memref<10000x16xf32, #tpu.memory_space<vmem_shared>> -> memref<128x16xf32, #tpu.memory_space<vmem_shared>>
      %dma_wait3A_87 = arith.constant 0 : i32
      %dma_wait3A_88 = tpu.memref_slice %arg8[%add3A_13, %dma_wait3A_87] : memref<10000x16xf32, #tpu.memory_space<vmem_shared>> -> memref<128x16xf32, #tpu.memory_space<vmem_shared>>
      %dma_wait3A_89 = arith.constant 0 : i32
      %dma_wait3A_90 = arith.constant 0 : i32
      %dma_wait3A_91 = tpu.memref_slice %arg7[%dma_wait3A_89, %dma_wait3A_90] : memref<128x16xf32, #tpu.memory_space<vmem>> -> memref<128x16xf32, #tpu.memory_space<vmem>>
      tpu.wait_dma2 semaphore(%run_scoped3A : memref<!tpu.dma_semaphore, #tpu.memory_space<semaphore_mem>>) src(%dma_wait3A_91 : memref<128x16xf32, #tpu.memory_space<vmem>>) dst(%dma_wait3A_88 : memref<128x16xf32, #tpu.memory_space<vmem_shared>>)
      tpu.yield
    }) : () -> ()
    %add3A_14 = arith.constant 384 : i32
    %add3A_15 = arith.addi %mul3A_2, %add3A_14 : i32
    "tpu.region"() ({
      %run_scoped3A = tpu.sem_alloc : memref<!tpu.dma_semaphore, #tpu.memory_space<semaphore_mem>>
      %dma_start3A = arith.constant 0 : i32
      %dma_start3A_73 = arith.constant 0 : i32
      %dma_start3A_74 = tpu.memref_slice %arg7[%dma_start3A, %dma_start3A_73] : memref<128x16xf32, #tpu.memory_space<vmem>> -> memref<128x16xf32, #tpu.memory_space<vmem>>
      %dma_start3A_75 = arith.constant 0 : i32
      %dma_start3A_76 = tpu.memref_slice %arg8[%add3A_15, %dma_start3A_75] : memref<10000x16xf32, #tpu.memory_space<vmem_shared>> -> memref<128x16xf32, #tpu.memory_space<vmem_shared>>
      %dma_start3A_77 = arith.constant 0 : i32
      %dma_start3A_78 = tpu.memref_slice %arg8[%add3A_15, %dma_start3A_77] : memref<10000x16xf32, #tpu.memory_space<vmem_shared>> -> memref<128x16xf32, #tpu.memory_space<vmem_shared>>
      %dma_start3A_79 = arith.constant 0 : i32
      %dma_start3A_80 = arith.constant 0 : i32
      %dma_start3A_81 = tpu.memref_slice %arg7[%dma_start3A_79, %dma_start3A_80] : memref<128x16xf32, #tpu.memory_space<vmem>> -> memref<128x16xf32, #tpu.memory_space<vmem>>
      tpu.enqueue_dma source(%dma_start3A_81 : memref<128x16xf32, #tpu.memory_space<vmem>>) target(%dma_start3A_78 : memref<128x16xf32, #tpu.memory_space<vmem_shared>>) target_semaphore(%run_scoped3A : memref<!tpu.dma_semaphore, #tpu.memory_space<semaphore_mem>>)
      %dma_wait3A_82 = arith.constant 0 : i32
      %dma_wait3A_83 = arith.constant 0 : i32
      %dma_wait3A_84 = tpu.memref_slice %arg7[%dma_wait3A_82, %dma_wait3A_83] : memref<128x16xf32, #tpu.memory_space<vmem>> -> memref<128x16xf32, #tpu.memory_space<vmem>>
      %dma_wait3A_85 = arith.constant 0 : i32
      %dma_wait3A_86 = tpu.memref_slice %arg8[%add3A_15, %dma_wait3A_85] : memref<10000x16xf32, #tpu.memory_space<vmem_shared>> -> memref<128x16xf32, #tpu.memory_space<vmem_shared>>
      %dma_wait3A_87 = arith.constant 0 : i32
      %dma_wait3A_88 = tpu.memref_slice %arg8[%add3A_15, %dma_wait3A_87] : memref<10000x16xf32, #tpu.memory_space<vmem_shared>> -> memref<128x16xf32, #tpu.memory_space<vmem_shared>>
      %dma_wait3A_89 = arith.constant 0 : i32
      %dma_wait3A_90 = arith.constant 0 : i32
      %dma_wait3A_91 = tpu.memref_slice %arg7[%dma_wait3A_89, %dma_wait3A_90] : memref<128x16xf32, #tpu.memory_space<vmem>> -> memref<128x16xf32, #tpu.memory_space<vmem>>
      tpu.wait_dma2 semaphore(%run_scoped3A : memref<!tpu.dma_semaphore, #tpu.memory_space<semaphore_mem>>) src(%dma_wait3A_91 : memref<128x16xf32, #tpu.memory_space<vmem>>) dst(%dma_wait3A_88 : memref<128x16xf32, #tpu.memory_space<vmem_shared>>)
      tpu.yield
    }) : () -> ()
    %add3A_16 = arith.constant 512 : i32
    %add3A_17 = arith.addi %mul3A_2, %add3A_16 : i32
    "tpu.region"() ({
      %run_scoped3A = tpu.sem_alloc : memref<!tpu.dma_semaphore, #tpu.memory_space<semaphore_mem>>
      %dma_start3A = arith.constant 0 : i32
      %dma_start3A_73 = arith.constant 0 : i32
      %dma_start3A_74 = tpu.memref_slice %arg7[%dma_start3A, %dma_start3A_73] : memref<128x16xf32, #tpu.memory_space<vmem>> -> memref<112x16xf32, #tpu.memory_space<vmem>>
      %dma_start3A_75 = arith.constant 0 : i32
      %dma_start3A_76 = tpu.memref_slice %arg8[%add3A_17, %dma_start3A_75] : memref<10000x16xf32, #tpu.memory_space<vmem_shared>> -> memref<112x16xf32, #tpu.memory_space<vmem_shared>>
      %dma_start3A_77 = arith.constant 0 : i32
      %dma_start3A_78 = tpu.memref_slice %arg8[%add3A_17, %dma_start3A_77] : memref<10000x16xf32, #tpu.memory_space<vmem_shared>> -> memref<112x16xf32, #tpu.memory_space<vmem_shared>>
      %dma_start3A_79 = arith.constant 0 : i32
      %dma_start3A_80 = arith.constant 0 : i32
      %dma_start3A_81 = tpu.memref_slice %arg7[%dma_start3A_79, %dma_start3A_80] : memref<128x16xf32, #tpu.memory_space<vmem>> -> memref<112x16xf32, #tpu.memory_space<vmem>>
      tpu.enqueue_dma source(%dma_start3A_81 : memref<112x16xf32, #tpu.memory_space<vmem>>) target(%dma_start3A_78 : memref<112x16xf32, #tpu.memory_space<vmem_shared>>) target_semaphore(%run_scoped3A : memref<!tpu.dma_semaphore, #tpu.memory_space<semaphore_mem>>)
      %dma_wait3A_82 = arith.constant 0 : i32
      %dma_wait3A_83 = arith.constant 0 : i32
      %dma_wait3A_84 = tpu.memref_slice %arg7[%dma_wait3A_82, %dma_wait3A_83] : memref<128x16xf32, #tpu.memory_space<vmem>> -> memref<112x16xf32, #tpu.memory_space<vmem>>
      %dma_wait3A_85 = arith.constant 0 : i32
      %dma_wait3A_86 = tpu.memref_slice %arg8[%add3A_17, %dma_wait3A_85] : memref<10000x16xf32, #tpu.memory_space<vmem_shared>> -> memref<112x16xf32, #tpu.memory_space<vmem_shared>>
      %dma_wait3A_87 = arith.constant 0 : i32
      %dma_wait3A_88 = tpu.memref_slice %arg8[%add3A_17, %dma_wait3A_87] : memref<10000x16xf32, #tpu.memory_space<vmem_shared>> -> memref<112x16xf32, #tpu.memory_space<vmem_shared>>
      %dma_wait3A_89 = arith.constant 0 : i32
      %dma_wait3A_90 = arith.constant 0 : i32
      %dma_wait3A_91 = tpu.memref_slice %arg7[%dma_wait3A_89, %dma_wait3A_90] : memref<128x16xf32, #tpu.memory_space<vmem>> -> memref<112x16xf32, #tpu.memory_space<vmem>>
      tpu.wait_dma2 semaphore(%run_scoped3A : memref<!tpu.dma_semaphore, #tpu.memory_space<semaphore_mem>>) src(%dma_wait3A_91 : memref<112x16xf32, #tpu.memory_space<vmem>>) dst(%dma_wait3A_88 : memref<112x16xf32, #tpu.memory_space<vmem_shared>>)
      tpu.yield
    }) : () -> ()
    %eq3A = arith.constant 15 : i32
    %eq3A_18 = arith.cmpi eq, %arg1, %eq3A : i32
    %convert_element_type3A = arith.extui %eq3A_18 : i1 to i32
    %cond3A = arith.constant 0 : i32
    %cond3A_19 = arith.cmpi ne, %convert_element_type3A, %cond3A : i32
    scf.if %cond3A_19 {
      "tpu.region"() ({
        %run_scoped3A = tpu.sem_alloc : memref<!tpu.dma_semaphore, #tpu.memory_space<semaphore_mem>>
        %dma_start3A = arith.constant 0 : i32
        %dma_start3A_73 = arith.constant 0 : i32
        %dma_start3A_74 = tpu.memref_slice %arg7[%dma_start3A, %dma_start3A_73] : memref<128x16xf32, #tpu.memory_space<vmem>> -> memref<16x16xf32, #tpu.memory_space<vmem>>
        %dma_start3A_75 = arith.constant 9984 : i32
        %dma_start3A_76 = arith.constant 0 : i32
        %dma_start3A_77 = tpu.memref_slice %arg8[%dma_start3A_75, %dma_start3A_76] : memref<10000x16xf32, #tpu.memory_space<vmem_shared>> -> memref<16x16xf32, #tpu.memory_space<vmem_shared>>
        %dma_start3A_78 = arith.constant 9984 : i32
        %dma_start3A_79 = arith.constant 0 : i32
        %dma_start3A_80 = tpu.memref_slice %arg8[%dma_start3A_78, %dma_start3A_79] : memref<10000x16xf32, #tpu.memory_space<vmem_shared>> -> memref<16x16xf32, #tpu.memory_space<vmem_shared>>
        %dma_start3A_81 = arith.constant 0 : i32
        %dma_start3A_82 = arith.constant 0 : i32
        %dma_start3A_83 = tpu.memref_slice %arg7[%dma_start3A_81, %dma_start3A_82] : memref<128x16xf32, #tpu.memory_space<vmem>> -> memref<16x16xf32, #tpu.memory_space<vmem>>
        tpu.enqueue_dma source(%dma_start3A_83 : memref<16x16xf32, #tpu.memory_space<vmem>>) target(%dma_start3A_80 : memref<16x16xf32, #tpu.memory_space<vmem_shared>>) target_semaphore(%run_scoped3A : memref<!tpu.dma_semaphore, #tpu.memory_space<semaphore_mem>>)
        %dma_wait3A_84 = arith.constant 0 : i32
        %dma_wait3A_85 = arith.constant 0 : i32
        %dma_wait3A_86 = tpu.memref_slice %arg7[%dma_wait3A_84, %dma_wait3A_85] : memref<128x16xf32, #tpu.memory_space<vmem>> -> memref<16x16xf32, #tpu.memory_space<vmem>>
        %dma_wait3A_87 = arith.constant 9984 : i32
        %dma_wait3A_88 = arith.constant 0 : i32
        %dma_wait3A_89 = tpu.memref_slice %arg8[%dma_wait3A_87, %dma_wait3A_88] : memref<10000x16xf32, #tpu.memory_space<vmem_shared>> -> memref<16x16xf32, #tpu.memory_space<vmem_shared>>
        %dma_wait3A_90 = arith.constant 9984 : i32
        %dma_wait3A_91 = arith.constant 0 : i32
        %dma_wait3A_92 = tpu.memref_slice %arg8[%dma_wait3A_90, %dma_wait3A_91] : memref<10000x16xf32, #tpu.memory_space<vmem_shared>> -> memref<16x16xf32, #tpu.memory_space<vmem_shared>>
        %dma_wait3A_93 = arith.constant 0 : i32
        %dma_wait3A_94 = arith.constant 0 : i32
        %dma_wait3A_95 = tpu.memref_slice %arg7[%dma_wait3A_93, %dma_wait3A_94] : memref<128x16xf32, #tpu.memory_space<vmem>> -> memref<16x16xf32, #tpu.memory_space<vmem>>
        tpu.wait_dma2 semaphore(%run_scoped3A : memref<!tpu.dma_semaphore, #tpu.memory_space<semaphore_mem>>) src(%dma_wait3A_95 : memref<16x16xf32, #tpu.memory_space<vmem>>) dst(%dma_wait3A_92 : memref<16x16xf32, #tpu.memory_space<vmem_shared>>)
        tpu.yield
      }) : () -> ()
    } else {
    }
    %barrier3A = arith.constant 0 : index
    tpu.barrier barrier_id(%barrier3A)
    %scan3A_20 = arith.constant 0 : i32
    %scan3A_21 = arith.constant 0 : i32
    %scan3A_22 = arith.constant 78 : i32
    %scan3A_23 = arith.addi %scan3A_21, %scan3A_22 : i32
    %scan3A_24 = arith.constant 1 : i32
    scf.for %scan3A_73 = %scan3A_21 to %scan3A_23 step %scan3A_24  : i32 {
      %dma_start3A = arith.constant 0 : i32
      %dma_start3A_74 = tpu.memref_slice %arg5[%scan3A_73, %dma_start3A] : memref<78x128xi32, #tpu.memory_space<vmem>> -> memref<1x128xi32, #tpu.memory_space<vmem>>
      %dma_start3A_75 = tpu.memref_squeeze %dma_start3A_74 : memref<1x128xi32, #tpu.memory_space<vmem>> -> memref<128xi32, #tpu.memory_space<vmem>>
      %dma_start3A_76 = arith.constant 0 : i32
      %dma_start3A_77 = arith.constant 0 : i32
      %dma_start3A_78 = tpu.memref_slice %arg8[%dma_start3A_76, %dma_start3A_77] : memref<10000x16xf32, #tpu.memory_space<vmem_shared>> -> memref<10000x16xf32, #tpu.memory_space<vmem_shared>>
      tpu.enqueue_indirect_dma source(%arg7 : memref<128x16xf32, #tpu.memory_space<vmem>>) target(%dma_start3A_78 : memref<10000x16xf32, #tpu.memory_space<vmem_shared>>) offsets(%dma_start3A_75 : memref<128xi32, #tpu.memory_space<vmem>>) semaphore(%arg9 : memref<!tpu.dma_semaphore, #tpu.memory_space<semaphore_mem>>) {add = true}
      %ge3A = arith.constant 6 : i32
      %ge3A_79 = arith.cmpi sge, %scan3A_73, %ge3A : i32
      %convert_element_type3A_80 = arith.extui %ge3A_79 : i1 to i32
      %cond3A_81 = arith.constant 0 : i32
      %cond3A_82 = arith.cmpi ne, %convert_element_type3A_80, %cond3A_81 : i32
      scf.if %cond3A_82 {
        %dma_wait3A_83 = arith.constant 0 : i32
        %dma_wait3A_84 = tpu.memref_slice %arg5[%scan3A_73, %dma_wait3A_83] : memref<78x128xi32, #tpu.memory_space<vmem>> -> memref<1x128xi32, #tpu.memory_space<vmem>>
        %dma_wait3A_85 = tpu.memref_squeeze %dma_wait3A_84 : memref<1x128xi32, #tpu.memory_space<vmem>> -> memref<128xi32, #tpu.memory_space<vmem>>
        %dma_wait3A_86 = arith.constant 0 : i32
        %dma_wait3A_87 = arith.constant 0 : i32
        %dma_wait3A_88 = tpu.memref_slice %arg8[%dma_wait3A_86, %dma_wait3A_87] : memref<10000x16xf32, #tpu.memory_space<vmem_shared>> -> memref<10000x16xf32, #tpu.memory_space<vmem_shared>>
        tpu.wait_indirect_dma semaphore(%arg9 : memref<!tpu.dma_semaphore, #tpu.memory_space<semaphore_mem>>) src(%arg7 : memref<128x16xf32, #tpu.memory_space<vmem>>) dst(%dma_wait3A_88 : memref<10000x16xf32, #tpu.memory_space<vmem_shared>>)
      } else {
      }
    }
    %scan3A_25 = arith.constant 78 : i32
    %dma_wait3A = arith.constant 0 : i32
    %dma_wait3A_26 = arith.constant 0 : i32
    %dma_wait3A_27 = tpu.memref_slice %arg5[%dma_wait3A, %dma_wait3A_26] : memref<78x128xi32, #tpu.memory_space<vmem>> -> memref<1x128xi32, #tpu.memory_space<vmem>>
    %dma_wait3A_28 = tpu.memref_squeeze %dma_wait3A_27 : memref<1x128xi32, #tpu.memory_space<vmem>> -> memref<128xi32, #tpu.memory_space<vmem>>
    %dma_wait3A_29 = arith.constant 0 : i32
    %dma_wait3A_30 = arith.constant 0 : i32
    %dma_wait3A_31 = tpu.memref_slice %arg8[%dma_wait3A_29, %dma_wait3A_30] : memref<10000x16xf32, #tpu.memory_space<vmem_shared>> -> memref<10000x16xf32, #tpu.memory_space<vmem_shared>>
    tpu.wait_indirect_dma semaphore(%arg9 : memref<!tpu.dma_semaphore, #tpu.memory_space<semaphore_mem>>) src(%arg7 : memref<128x16xf32, #tpu.memory_space<vmem>>) dst(%dma_wait3A_31 : memref<10000x16xf32, #tpu.memory_space<vmem_shared>>)
    %dma_wait3A_32 = arith.constant 1 : i32
    %dma_wait3A_33 = arith.constant 0 : i32
    %dma_wait3A_34 = tpu.memref_slice %arg5[%dma_wait3A_32, %dma_wait3A_33] : memref<78x128xi32, #tpu.memory_space<vmem>> -> memref<1x128xi32, #tpu.memory_space<vmem>>
    %dma_wait3A_35 = tpu.memref_squeeze %dma_wait3A_34 : memref<1x128xi32, #tpu.memory_space<vmem>> -> memref<128xi32, #tpu.memory_space<vmem>>
    %dma_wait3A_36 = arith.constant 0 : i32
    %dma_wait3A_37 = arith.constant 0 : i32
    %dma_wait3A_38 = tpu.memref_slice %arg8[%dma_wait3A_36, %dma_wait3A_37] : memref<10000x16xf32, #tpu.memory_space<vmem_shared>> -> memref<10000x16xf32, #tpu.memory_space<vmem_shared>>
    tpu.wait_indirect_dma semaphore(%arg9 : memref<!tpu.dma_semaphore, #tpu.memory_space<semaphore_mem>>) src(%arg7 : memref<128x16xf32, #tpu.memory_space<vmem>>) dst(%dma_wait3A_38 : memref<10000x16xf32, #tpu.memory_space<vmem_shared>>)
    %dma_wait3A_39 = arith.constant 2 : i32
    %dma_wait3A_40 = arith.constant 0 : i32
    %dma_wait3A_41 = tpu.memref_slice %arg5[%dma_wait3A_39, %dma_wait3A_40] : memref<78x128xi32, #tpu.memory_space<vmem>> -> memref<1x128xi32, #tpu.memory_space<vmem>>
    %dma_wait3A_42 = tpu.memref_squeeze %dma_wait3A_41 : memref<1x128xi32, #tpu.memory_space<vmem>> -> memref<128xi32, #tpu.memory_space<vmem>>
    %dma_wait3A_43 = arith.constant 0 : i32
    %dma_wait3A_44 = arith.constant 0 : i32
    %dma_wait3A_45 = tpu.memref_slice %arg8[%dma_wait3A_43, %dma_wait3A_44] : memref<10000x16xf32, #tpu.memory_space<vmem_shared>> -> memref<10000x16xf32, #tpu.memory_space<vmem_shared>>
    tpu.wait_indirect_dma semaphore(%arg9 : memref<!tpu.dma_semaphore, #tpu.memory_space<semaphore_mem>>) src(%arg7 : memref<128x16xf32, #tpu.memory_space<vmem>>) dst(%dma_wait3A_45 : memref<10000x16xf32, #tpu.memory_space<vmem_shared>>)
    %dma_wait3A_46 = arith.constant 3 : i32
    %dma_wait3A_47 = arith.constant 0 : i32
    %dma_wait3A_48 = tpu.memref_slice %arg5[%dma_wait3A_46, %dma_wait3A_47] : memref<78x128xi32, #tpu.memory_space<vmem>> -> memref<1x128xi32, #tpu.memory_space<vmem>>
    %dma_wait3A_49 = tpu.memref_squeeze %dma_wait3A_48 : memref<1x128xi32, #tpu.memory_space<vmem>> -> memref<128xi32, #tpu.memory_space<vmem>>
    %dma_wait3A_50 = arith.constant 0 : i32
    %dma_wait3A_51 = arith.constant 0 : i32
    %dma_wait3A_52 = tpu.memref_slice %arg8[%dma_wait3A_50, %dma_wait3A_51] : memref<10000x16xf32, #tpu.memory_space<vmem_shared>> -> memref<10000x16xf32, #tpu.memory_space<vmem_shared>>
    tpu.wait_indirect_dma semaphore(%arg9 : memref<!tpu.dma_semaphore, #tpu.memory_space<semaphore_mem>>) src(%arg7 : memref<128x16xf32, #tpu.memory_space<vmem>>) dst(%dma_wait3A_52 : memref<10000x16xf32, #tpu.memory_space<vmem_shared>>)
    %dma_wait3A_53 = arith.constant 4 : i32
    %dma_wait3A_54 = arith.constant 0 : i32
    %dma_wait3A_55 = tpu.memref_slice %arg5[%dma_wait3A_53, %dma_wait3A_54] : memref<78x128xi32, #tpu.memory_space<vmem>> -> memref<1x128xi32, #tpu.memory_space<vmem>>
    %dma_wait3A_56 = tpu.memref_squeeze %dma_wait3A_55 : memref<1x128xi32, #tpu.memory_space<vmem>> -> memref<128xi32, #tpu.memory_space<vmem>>
    %dma_wait3A_57 = arith.constant 0 : i32
    %dma_wait3A_58 = arith.constant 0 : i32
    %dma_wait3A_59 = tpu.memref_slice %arg8[%dma_wait3A_57, %dma_wait3A_58] : memref<10000x16xf32, #tpu.memory_space<vmem_shared>> -> memref<10000x16xf32, #tpu.memory_space<vmem_shared>>
    tpu.wait_indirect_dma semaphore(%arg9 : memref<!tpu.dma_semaphore, #tpu.memory_space<semaphore_mem>>) src(%arg7 : memref<128x16xf32, #tpu.memory_space<vmem>>) dst(%dma_wait3A_59 : memref<10000x16xf32, #tpu.memory_space<vmem_shared>>)
    %dma_wait3A_60 = arith.constant 5 : i32
    %dma_wait3A_61 = arith.constant 0 : i32
    %dma_wait3A_62 = tpu.memref_slice %arg5[%dma_wait3A_60, %dma_wait3A_61] : memref<78x128xi32, #tpu.memory_space<vmem>> -> memref<1x128xi32, #tpu.memory_space<vmem>>
    %dma_wait3A_63 = tpu.memref_squeeze %dma_wait3A_62 : memref<1x128xi32, #tpu.memory_space<vmem>> -> memref<128xi32, #tpu.memory_space<vmem>>
    %dma_wait3A_64 = arith.constant 0 : i32
    %dma_wait3A_65 = arith.constant 0 : i32
    %dma_wait3A_66 = tpu.memref_slice %arg8[%dma_wait3A_64, %dma_wait3A_65] : memref<10000x16xf32, #tpu.memory_space<vmem_shared>> -> memref<10000x16xf32, #tpu.memory_space<vmem_shared>>
    tpu.wait_indirect_dma semaphore(%arg9 : memref<!tpu.dma_semaphore, #tpu.memory_space<semaphore_mem>>) src(%arg7 : memref<128x16xf32, #tpu.memory_space<vmem>>) dst(%dma_wait3A_66 : memref<10000x16xf32, #tpu.memory_space<vmem_shared>>)
    "tpu.region"() ({
      %run_scoped3A = tpu.sem_alloc : memref<!tpu.dma_semaphore, #tpu.memory_space<semaphore_mem>>
      %dma_start3A = arith.constant 0 : i32
      %dma_start3A_73 = arith.constant 0 : i32
      %dma_start3A_74 = tpu.memref_slice %arg7[%dma_start3A, %dma_start3A_73] : memref<128x16xf32, #tpu.memory_space<vmem>> -> memref<16x16xf32, #tpu.memory_space<vmem>>
      %dma_start3A_75 = arith.constant 0 : i32
      %dma_start3A_76 = arith.constant 0 : i32
      %dma_start3A_77 = tpu.memref_slice %arg8[%dma_start3A_75, %dma_start3A_76] : memref<10000x16xf32, #tpu.memory_space<vmem_shared>> -> memref<10000x16xf32, #tpu.memory_space<vmem_shared>>
      tpu.enqueue_indirect_dma source(%dma_start3A_74 : memref<16x16xf32, #tpu.memory_space<vmem>>) target(%dma_start3A_77 : memref<10000x16xf32, #tpu.memory_space<vmem_shared>>) offsets(%arg6 : memref<16xi32, #tpu.memory_space<vmem>>) semaphore(%run_scoped3A : memref<!tpu.dma_semaphore, #tpu.memory_space<semaphore_mem>>) {add = true}
      %dma_wait3A_78 = arith.constant 0 : i32
      %dma_wait3A_79 = arith.constant 0 : i32
      %dma_wait3A_80 = tpu.memref_slice %arg7[%dma_wait3A_78, %dma_wait3A_79] : memref<128x16xf32, #tpu.memory_space<vmem>> -> memref<16x16xf32, #tpu.memory_space<vmem>>
      %dma_wait3A_81 = arith.constant 0 : i32
      %dma_wait3A_82 = arith.constant 0 : i32
      %dma_wait3A_83 = tpu.memref_slice %arg8[%dma_wait3A_81, %dma_wait3A_82] : memref<10000x16xf32, #tpu.memory_space<vmem_shared>> -> memref<10000x16xf32, #tpu.memory_space<vmem_shared>>
      tpu.wait_indirect_dma semaphore(%run_scoped3A : memref<!tpu.dma_semaphore, #tpu.memory_space<semaphore_mem>>) src(%dma_wait3A_80 : memref<16x16xf32, #tpu.memory_space<vmem>>) dst(%dma_wait3A_83 : memref<10000x16xf32, #tpu.memory_space<vmem_shared>>)
      tpu.yield
    }) : () -> ()
    %barrier3A_67 = arith.constant 0 : index
    tpu.barrier barrier_id(%barrier3A_67)
    "tpu.region"() ({
      %run_scoped3A = tpu.sem_alloc : memref<!tpu.dma_semaphore, #tpu.memory_space<semaphore_mem>>
      %dma_start3A = arith.constant 0 : i32
      %dma_start3A_73 = tpu.memref_slice %arg4[%arg0, %mul3A_2, %dma_start3A] : memref<2x10000x16xf32, #tpu.memory_space<hbm>> -> memref<1x624x16xf32, #tpu.memory_space<hbm>>
      %dma_start3A_74 = tpu.memref_squeeze %dma_start3A_73 : memref<1x624x16xf32, #tpu.memory_space<hbm>> -> memref<624x16xf32, #tpu.memory_space<hbm>>
      %dma_start3A_75 = arith.constant 0 : i32
      %dma_start3A_76 = tpu.memref_slice %arg8[%mul3A_2, %dma_start3A_75] : memref<10000x16xf32, #tpu.memory_space<vmem_shared>> -> memref<624x16xf32, #tpu.memory_space<vmem_shared>>
      tpu.enqueue_dma source(%dma_start3A_76 : memref<624x16xf32, #tpu.memory_space<vmem_shared>>) target(%dma_start3A_74 : memref<624x16xf32, #tpu.memory_space<hbm>>) target_semaphore(%run_scoped3A : memref<!tpu.dma_semaphore, #tpu.memory_space<semaphore_mem>>)
      %dma_wait3A_77 = arith.constant 0 : i32
      %dma_wait3A_78 = tpu.memref_slice %arg4[%arg0, %mul3A_2, %dma_wait3A_77] : memref<2x10000x16xf32, #tpu.memory_space<hbm>> -> memref<1x624x16xf32, #tpu.memory_space<hbm>>
      %dma_wait3A_79 = tpu.memref_squeeze %dma_wait3A_78 : memref<1x624x16xf32, #tpu.memory_space<hbm>> -> memref<624x16xf32, #tpu.memory_space<hbm>>
      %dma_wait3A_80 = arith.constant 0 : i32
      %dma_wait3A_81 = tpu.memref_slice %arg8[%mul3A_2, %dma_wait3A_80] : memref<10000x16xf32, #tpu.memory_space<vmem_shared>> -> memref<624x16xf32, #tpu.memory_space<vmem_shared>>
      tpu.wait_dma2 semaphore(%run_scoped3A : memref<!tpu.dma_semaphore, #tpu.memory_space<semaphore_mem>>) src(%dma_wait3A_81 : memref<624x16xf32, #tpu.memory_space<vmem_shared>>) dst(%dma_wait3A_79 : memref<624x16xf32, #tpu.memory_space<hbm>>)
      tpu.yield
    }) : () -> ()
    %eq3A_68 = arith.constant 15 : i32
    %eq3A_69 = arith.cmpi eq, %arg1, %eq3A_68 : i32
    %convert_element_type3A_70 = arith.extui %eq3A_69 : i1 to i32
    %cond3A_71 = arith.constant 0 : i32
    %cond3A_72 = arith.cmpi ne, %convert_element_type3A_70, %cond3A_71 : i32
    scf.if %cond3A_72 {
      "tpu.region"() ({
        %run_scoped3A = tpu.sem_alloc : memref<!tpu.dma_semaphore, #tpu.memory_space<semaphore_mem>>
        %dma_start3A = arith.constant 9984 : i32
        %dma_start3A_73 = arith.constant 0 : i32
        %dma_start3A_74 = tpu.memref_slice %arg4[%arg0, %dma_start3A, %dma_start3A_73] : memref<2x10000x16xf32, #tpu.memory_space<hbm>> -> memref<1x16x16xf32, #tpu.memory_space<hbm>>
        %dma_start3A_75 = tpu.memref_squeeze %dma_start3A_74 : memref<1x16x16xf32, #tpu.memory_space<hbm>> -> memref<16x16xf32, #tpu.memory_space<hbm>>
        %dma_start3A_76 = arith.constant 9984 : i32
        %dma_start3A_77 = arith.constant 0 : i32
        %dma_start3A_78 = tpu.memref_slice %arg8[%dma_start3A_76, %dma_start3A_77] : memref<10000x16xf32, #tpu.memory_space<vmem_shared>> -> memref<16x16xf32, #tpu.memory_space<vmem_shared>>
        tpu.enqueue_dma source(%dma_start3A_78 : memref<16x16xf32, #tpu.memory_space<vmem_shared>>) target(%dma_start3A_75 : memref<16x16xf32, #tpu.memory_space<hbm>>) target_semaphore(%run_scoped3A : memref<!tpu.dma_semaphore, #tpu.memory_space<semaphore_mem>>)
        %dma_wait3A_79 = arith.constant 9984 : i32
        %dma_wait3A_80 = arith.constant 0 : i32
        %dma_wait3A_81 = tpu.memref_slice %arg4[%arg0, %dma_wait3A_79, %dma_wait3A_80] : memref<2x10000x16xf32, #tpu.memory_space<hbm>> -> memref<1x16x16xf32, #tpu.memory_space<hbm>>
        %dma_wait3A_82 = tpu.memref_squeeze %dma_wait3A_81 : memref<1x16x16xf32, #tpu.memory_space<hbm>> -> memref<16x16xf32, #tpu.memory_space<hbm>>
        %dma_wait3A_83 = arith.constant 9984 : i32
        %dma_wait3A_84 = arith.constant 0 : i32
        %dma_wait3A_85 = tpu.memref_slice %arg8[%dma_wait3A_83, %dma_wait3A_84] : memref<10000x16xf32, #tpu.memory_space<vmem_shared>> -> memref<16x16xf32, #tpu.memory_space<vmem_shared>>
        tpu.wait_dma2 semaphore(%run_scoped3A : memref<!tpu.dma_semaphore, #tpu.memory_space<semaphore_mem>>) src(%dma_wait3A_85 : memref<16x16xf32, #tpu.memory_space<vmem_shared>>) dst(%dma_wait3A_82 : memref<16x16xf32, #tpu.memory_space<hbm>>)
        tpu.yield
      }) : () -> ()
    } else {
    }
    return
  }
}

#map = affine_map<(d0, d1) -> (0, 0, 0)>
#map1 = affine_map<(d0, d1) -> (0, 0)>
#map2 = affine_map<(d0, d1) -> (0, 0, 0, 0)>
module attributes {stable_mosaic.version = 14 : i64} {
  func.func @agg_kernel(%arg0: i32, %arg1: i32, %arg2: memref<32x78x128xi32, #tpu.memory_space<hbm>>, %arg3: memref<32x78x128xi32, #tpu.memory_space<hbm>>, %arg4: memref<32x16xi32, #tpu.memory_space<hbm>>, %arg5: memref<32x16xi32, #tpu.memory_space<hbm>>, %arg6: memref<2x10000x64xf32, #tpu.memory_space<hbm>>, %arg7: memref<2x2x10000x64xf32, #tpu.memory_space<hbm>>, %arg8: memref<78x128xi32, #tpu.memory_space<vmem>>, %arg9: memref<78x128xi32, #tpu.memory_space<vmem>>, %arg10: memref<16xi32, #tpu.memory_space<vmem>>, %arg11: memref<16xi32, #tpu.memory_space<vmem>>, %arg12: memref<128x64xf32, #tpu.memory_space<vmem>>, %arg13: memref<128x64xf32, #tpu.memory_space<vmem>>, %arg14: memref<128x64xf32, #tpu.memory_space<vmem>>, %arg15: memref<128x64xf32, #tpu.memory_space<vmem>>, %arg16: memref<128x64xf32, #tpu.memory_space<vmem>>, %arg17: memref<128x64xf32, #tpu.memory_space<vmem>>, %arg18: memref<!tpu.dma_semaphore, #tpu.memory_space<semaphore_mem>>, %arg19: memref<!tpu.dma_semaphore, #tpu.memory_space<semaphore_mem>>, %arg20: memref<!tpu.dma_semaphore, #tpu.memory_space<semaphore_mem>>, %arg21: memref<!tpu.dma_semaphore, #tpu.memory_space<semaphore_mem>>, %arg22: memref<!tpu.dma_semaphore, #tpu.memory_space<semaphore_mem>>, %arg23: memref<!tpu.dma_semaphore, #tpu.memory_space<semaphore_mem>>, %arg24: memref<!tpu.dma_semaphore, #tpu.memory_space<semaphore_mem>>, %arg25: memref<!tpu.dma_semaphore, #tpu.memory_space<semaphore_mem>>, %arg26: memref<!tpu.dma_semaphore, #tpu.memory_space<semaphore_mem>>, %arg27: memref<!tpu.dma_semaphore, #tpu.memory_space<semaphore_mem>>, %arg28: memref<!tpu.dma_semaphore, #tpu.memory_space<semaphore_mem>>, %arg29: memref<!tpu.dma_semaphore, #tpu.memory_space<semaphore_mem>>, %arg30: memref<10000x64xf32, #tpu.memory_space<vmem_shared>>) attributes {dimension_semantics = [#tpu.dimension_semantics<core_parallel>, #tpu.dimension_semantics<subcore_parallel>], iteration_bounds = array<i64: 2, 16>, scalar_prefetch = 0 : i64, scratch_operands = 23 : i64, tpu.core_type = #tpu.core_type<sc_vector_subcore>, window_params = [{transform_indices = #map}, {transform_indices = #map}, {transform_indices = #map1}, {transform_indices = #map1}, {transform_indices = #map}, {transform_indices = #map2}]} {
    %mul3A = arith.constant 2 : i32
    %mul3A_0 = arith.muli %arg1, %mul3A : i32
    %add3A = arith.addi %mul3A_0, %arg0 : i32
    %mul3A_1 = arith.constant 624 : i32
    %mul3A_2 = arith.muli %arg1, %mul3A_1 : i32
    "tpu.region"() ({
      %run_scoped3A_312 = tpu.sem_alloc : memref<!tpu.dma_semaphore, #tpu.memory_space<semaphore_mem>>
      %dma_start3A_313 = arith.constant 0 : i32
      %dma_start3A_314 = arith.constant 0 : i32
      %dma_start3A_315 = tpu.memref_slice %arg2[%add3A, %dma_start3A_313, %dma_start3A_314] : memref<32x78x128xi32, #tpu.memory_space<hbm>> -> memref<1x78x128xi32, #tpu.memory_space<hbm>>
      %dma_start3A_316 = tpu.memref_squeeze %dma_start3A_315 : memref<1x78x128xi32, #tpu.memory_space<hbm>> -> memref<78x128xi32, #tpu.memory_space<hbm>>
      %dma_start3A_317 = arith.constant 0 : i32
      %dma_start3A_318 = arith.constant 0 : i32
      %dma_start3A_319 = tpu.memref_slice %arg2[%add3A, %dma_start3A_317, %dma_start3A_318] : memref<32x78x128xi32, #tpu.memory_space<hbm>> -> memref<1x78x128xi32, #tpu.memory_space<hbm>>
      %dma_start3A_320 = tpu.memref_squeeze %dma_start3A_319 : memref<1x78x128xi32, #tpu.memory_space<hbm>> -> memref<78x128xi32, #tpu.memory_space<hbm>>
      tpu.enqueue_dma source(%dma_start3A_320 : memref<78x128xi32, #tpu.memory_space<hbm>>) target(%arg8 : memref<78x128xi32, #tpu.memory_space<vmem>>) target_semaphore(%run_scoped3A_312 : memref<!tpu.dma_semaphore, #tpu.memory_space<semaphore_mem>>)
      %dma_wait3A_321 = arith.constant 0 : i32
      %dma_wait3A_322 = arith.constant 0 : i32
      %dma_wait3A_323 = tpu.memref_slice %arg2[%add3A, %dma_wait3A_321, %dma_wait3A_322] : memref<32x78x128xi32, #tpu.memory_space<hbm>> -> memref<1x78x128xi32, #tpu.memory_space<hbm>>
      %dma_wait3A_324 = tpu.memref_squeeze %dma_wait3A_323 : memref<1x78x128xi32, #tpu.memory_space<hbm>> -> memref<78x128xi32, #tpu.memory_space<hbm>>
      %dma_wait3A_325 = arith.constant 0 : i32
      %dma_wait3A_326 = arith.constant 0 : i32
      %dma_wait3A_327 = tpu.memref_slice %arg2[%add3A, %dma_wait3A_325, %dma_wait3A_326] : memref<32x78x128xi32, #tpu.memory_space<hbm>> -> memref<1x78x128xi32, #tpu.memory_space<hbm>>
      %dma_wait3A_328 = tpu.memref_squeeze %dma_wait3A_327 : memref<1x78x128xi32, #tpu.memory_space<hbm>> -> memref<78x128xi32, #tpu.memory_space<hbm>>
      tpu.wait_dma2 semaphore(%run_scoped3A_312 : memref<!tpu.dma_semaphore, #tpu.memory_space<semaphore_mem>>) src(%dma_wait3A_328 : memref<78x128xi32, #tpu.memory_space<hbm>>) dst(%arg8 : memref<78x128xi32, #tpu.memory_space<vmem>>)
      tpu.yield
    }) : () -> ()
    "tpu.region"() ({
      %run_scoped3A_312 = tpu.sem_alloc : memref<!tpu.dma_semaphore, #tpu.memory_space<semaphore_mem>>
      %dma_start3A_313 = arith.constant 0 : i32
      %dma_start3A_314 = arith.constant 0 : i32
      %dma_start3A_315 = tpu.memref_slice %arg3[%add3A, %dma_start3A_313, %dma_start3A_314] : memref<32x78x128xi32, #tpu.memory_space<hbm>> -> memref<1x78x128xi32, #tpu.memory_space<hbm>>
      %dma_start3A_316 = tpu.memref_squeeze %dma_start3A_315 : memref<1x78x128xi32, #tpu.memory_space<hbm>> -> memref<78x128xi32, #tpu.memory_space<hbm>>
      %dma_start3A_317 = arith.constant 0 : i32
      %dma_start3A_318 = arith.constant 0 : i32
      %dma_start3A_319 = tpu.memref_slice %arg3[%add3A, %dma_start3A_317, %dma_start3A_318] : memref<32x78x128xi32, #tpu.memory_space<hbm>> -> memref<1x78x128xi32, #tpu.memory_space<hbm>>
      %dma_start3A_320 = tpu.memref_squeeze %dma_start3A_319 : memref<1x78x128xi32, #tpu.memory_space<hbm>> -> memref<78x128xi32, #tpu.memory_space<hbm>>
      tpu.enqueue_dma source(%dma_start3A_320 : memref<78x128xi32, #tpu.memory_space<hbm>>) target(%arg9 : memref<78x128xi32, #tpu.memory_space<vmem>>) target_semaphore(%run_scoped3A_312 : memref<!tpu.dma_semaphore, #tpu.memory_space<semaphore_mem>>)
      %dma_wait3A_321 = arith.constant 0 : i32
      %dma_wait3A_322 = arith.constant 0 : i32
      %dma_wait3A_323 = tpu.memref_slice %arg3[%add3A, %dma_wait3A_321, %dma_wait3A_322] : memref<32x78x128xi32, #tpu.memory_space<hbm>> -> memref<1x78x128xi32, #tpu.memory_space<hbm>>
      %dma_wait3A_324 = tpu.memref_squeeze %dma_wait3A_323 : memref<1x78x128xi32, #tpu.memory_space<hbm>> -> memref<78x128xi32, #tpu.memory_space<hbm>>
      %dma_wait3A_325 = arith.constant 0 : i32
      %dma_wait3A_326 = arith.constant 0 : i32
      %dma_wait3A_327 = tpu.memref_slice %arg3[%add3A, %dma_wait3A_325, %dma_wait3A_326] : memref<32x78x128xi32, #tpu.memory_space<hbm>> -> memref<1x78x128xi32, #tpu.memory_space<hbm>>
      %dma_wait3A_328 = tpu.memref_squeeze %dma_wait3A_327 : memref<1x78x128xi32, #tpu.memory_space<hbm>> -> memref<78x128xi32, #tpu.memory_space<hbm>>
      tpu.wait_dma2 semaphore(%run_scoped3A_312 : memref<!tpu.dma_semaphore, #tpu.memory_space<semaphore_mem>>) src(%dma_wait3A_328 : memref<78x128xi32, #tpu.memory_space<hbm>>) dst(%arg9 : memref<78x128xi32, #tpu.memory_space<vmem>>)
      tpu.yield
    }) : () -> ()
    "tpu.region"() ({
      %run_scoped3A_312 = tpu.sem_alloc : memref<!tpu.dma_semaphore, #tpu.memory_space<semaphore_mem>>
      %dma_start3A_313 = arith.constant 0 : i32
      %dma_start3A_314 = tpu.memref_slice %arg4[%add3A, %dma_start3A_313] : memref<32x16xi32, #tpu.memory_space<hbm>> -> memref<1x16xi32, #tpu.memory_space<hbm>>
      %dma_start3A_315 = tpu.memref_squeeze %dma_start3A_314 : memref<1x16xi32, #tpu.memory_space<hbm>> -> memref<16xi32, #tpu.memory_space<hbm>>
      %dma_start3A_316 = arith.constant 0 : i32
      %dma_start3A_317 = tpu.memref_slice %arg4[%add3A, %dma_start3A_316] : memref<32x16xi32, #tpu.memory_space<hbm>> -> memref<1x16xi32, #tpu.memory_space<hbm>>
      %dma_start3A_318 = tpu.memref_squeeze %dma_start3A_317 : memref<1x16xi32, #tpu.memory_space<hbm>> -> memref<16xi32, #tpu.memory_space<hbm>>
      tpu.enqueue_dma source(%dma_start3A_318 : memref<16xi32, #tpu.memory_space<hbm>>) target(%arg10 : memref<16xi32, #tpu.memory_space<vmem>>) target_semaphore(%run_scoped3A_312 : memref<!tpu.dma_semaphore, #tpu.memory_space<semaphore_mem>>)
      %dma_wait3A_319 = arith.constant 0 : i32
      %dma_wait3A_320 = tpu.memref_slice %arg4[%add3A, %dma_wait3A_319] : memref<32x16xi32, #tpu.memory_space<hbm>> -> memref<1x16xi32, #tpu.memory_space<hbm>>
      %dma_wait3A_321 = tpu.memref_squeeze %dma_wait3A_320 : memref<1x16xi32, #tpu.memory_space<hbm>> -> memref<16xi32, #tpu.memory_space<hbm>>
      %dma_wait3A_322 = arith.constant 0 : i32
      %dma_wait3A_323 = tpu.memref_slice %arg4[%add3A, %dma_wait3A_322] : memref<32x16xi32, #tpu.memory_space<hbm>> -> memref<1x16xi32, #tpu.memory_space<hbm>>
      %dma_wait3A_324 = tpu.memref_squeeze %dma_wait3A_323 : memref<1x16xi32, #tpu.memory_space<hbm>> -> memref<16xi32, #tpu.memory_space<hbm>>
      tpu.wait_dma2 semaphore(%run_scoped3A_312 : memref<!tpu.dma_semaphore, #tpu.memory_space<semaphore_mem>>) src(%dma_wait3A_324 : memref<16xi32, #tpu.memory_space<hbm>>) dst(%arg10 : memref<16xi32, #tpu.memory_space<vmem>>)
      tpu.yield
    }) : () -> ()
    "tpu.region"() ({
      %run_scoped3A_312 = tpu.sem_alloc : memref<!tpu.dma_semaphore, #tpu.memory_space<semaphore_mem>>
      %dma_start3A_313 = arith.constant 0 : i32
      %dma_start3A_314 = tpu.memref_slice %arg5[%add3A, %dma_start3A_313] : memref<32x16xi32, #tpu.memory_space<hbm>> -> memref<1x16xi32, #tpu.memory_space<hbm>>
      %dma_start3A_315 = tpu.memref_squeeze %dma_start3A_314 : memref<1x16xi32, #tpu.memory_space<hbm>> -> memref<16xi32, #tpu.memory_space<hbm>>
      %dma_start3A_316 = arith.constant 0 : i32
      %dma_start3A_317 = tpu.memref_slice %arg5[%add3A, %dma_start3A_316] : memref<32x16xi32, #tpu.memory_space<hbm>> -> memref<1x16xi32, #tpu.memory_space<hbm>>
      %dma_start3A_318 = tpu.memref_squeeze %dma_start3A_317 : memref<1x16xi32, #tpu.memory_space<hbm>> -> memref<16xi32, #tpu.memory_space<hbm>>
      tpu.enqueue_dma source(%dma_start3A_318 : memref<16xi32, #tpu.memory_space<hbm>>) target(%arg11 : memref<16xi32, #tpu.memory_space<vmem>>) target_semaphore(%run_scoped3A_312 : memref<!tpu.dma_semaphore, #tpu.memory_space<semaphore_mem>>)
      %dma_wait3A_319 = arith.constant 0 : i32
      %dma_wait3A_320 = tpu.memref_slice %arg5[%add3A, %dma_wait3A_319] : memref<32x16xi32, #tpu.memory_space<hbm>> -> memref<1x16xi32, #tpu.memory_space<hbm>>
      %dma_wait3A_321 = tpu.memref_squeeze %dma_wait3A_320 : memref<1x16xi32, #tpu.memory_space<hbm>> -> memref<16xi32, #tpu.memory_space<hbm>>
      %dma_wait3A_322 = arith.constant 0 : i32
      %dma_wait3A_323 = tpu.memref_slice %arg5[%add3A, %dma_wait3A_322] : memref<32x16xi32, #tpu.memory_space<hbm>> -> memref<1x16xi32, #tpu.memory_space<hbm>>
      %dma_wait3A_324 = tpu.memref_squeeze %dma_wait3A_323 : memref<1x16xi32, #tpu.memory_space<hbm>> -> memref<16xi32, #tpu.memory_space<hbm>>
      tpu.wait_dma2 semaphore(%run_scoped3A_312 : memref<!tpu.dma_semaphore, #tpu.memory_space<semaphore_mem>>) src(%dma_wait3A_324 : memref<16xi32, #tpu.memory_space<hbm>>) dst(%arg11 : memref<16xi32, #tpu.memory_space<vmem>>)
      tpu.yield
    }) : () -> ()
    %run_scoped3A = arith.constant 0 : i32
    "tpu.region"() ({
      %run_scoped3A_312 = tpu.sem_alloc : memref<!tpu.dma_semaphore, #tpu.memory_space<semaphore_mem>>
      %dma_start3A_313 = arith.constant 0 : i32
      %dma_start3A_314 = tpu.memref_slice %arg30[%mul3A_2, %dma_start3A_313] : memref<10000x64xf32, #tpu.memory_space<vmem_shared>> -> memref<624x64xf32, #tpu.memory_space<vmem_shared>>
      %dma_start3A_315 = arith.constant 0 : i32
      %dma_start3A_316 = arith.constant 0 : i32
      %dma_start3A_317 = tpu.memref_slice %arg6[%run_scoped3A, %dma_start3A_315, %dma_start3A_316] : memref<2x10000x64xf32, #tpu.memory_space<hbm>> -> memref<1x10000x64xf32, #tpu.memory_space<hbm>>
      %dma_start3A_318 = tpu.memref_squeeze %dma_start3A_317 : memref<1x10000x64xf32, #tpu.memory_space<hbm>> -> memref<10000x64xf32, #tpu.memory_space<hbm>>
      %dma_start3A_319 = arith.constant 0 : i32
      %dma_start3A_320 = tpu.memref_slice %dma_start3A_318[%mul3A_2, %dma_start3A_319] : memref<10000x64xf32, #tpu.memory_space<hbm>> -> memref<624x64xf32, #tpu.memory_space<hbm>>
      tpu.enqueue_dma source(%dma_start3A_320 : memref<624x64xf32, #tpu.memory_space<hbm>>) target(%dma_start3A_314 : memref<624x64xf32, #tpu.memory_space<vmem_shared>>) target_semaphore(%run_scoped3A_312 : memref<!tpu.dma_semaphore, #tpu.memory_space<semaphore_mem>>)
      %dma_wait3A_321 = arith.constant 0 : i32
      %dma_wait3A_322 = tpu.memref_slice %arg30[%mul3A_2, %dma_wait3A_321] : memref<10000x64xf32, #tpu.memory_space<vmem_shared>> -> memref<624x64xf32, #tpu.memory_space<vmem_shared>>
      %dma_wait3A_323 = arith.constant 0 : i32
      %dma_wait3A_324 = arith.constant 0 : i32
      %dma_wait3A_325 = tpu.memref_slice %arg6[%run_scoped3A, %dma_wait3A_323, %dma_wait3A_324] : memref<2x10000x64xf32, #tpu.memory_space<hbm>> -> memref<1x10000x64xf32, #tpu.memory_space<hbm>>
      %dma_wait3A_326 = tpu.memref_squeeze %dma_wait3A_325 : memref<1x10000x64xf32, #tpu.memory_space<hbm>> -> memref<10000x64xf32, #tpu.memory_space<hbm>>
      %dma_wait3A_327 = arith.constant 0 : i32
      %dma_wait3A_328 = tpu.memref_slice %dma_wait3A_326[%mul3A_2, %dma_wait3A_327] : memref<10000x64xf32, #tpu.memory_space<hbm>> -> memref<624x64xf32, #tpu.memory_space<hbm>>
      tpu.wait_dma2 semaphore(%run_scoped3A_312 : memref<!tpu.dma_semaphore, #tpu.memory_space<semaphore_mem>>) src(%dma_wait3A_328 : memref<624x64xf32, #tpu.memory_space<hbm>>) dst(%dma_wait3A_322 : memref<624x64xf32, #tpu.memory_space<vmem_shared>>)
      tpu.yield
    }) : () -> ()
    %eq3A = arith.constant 15 : i32
    %eq3A_3 = arith.cmpi eq, %arg1, %eq3A : i32
    %convert_element_type3A = arith.extui %eq3A_3 : i1 to i32
    %cond3A = arith.constant 0 : i32
    %cond3A_4 = arith.constant 0 : i32
    %cond3A_5 = arith.cmpi ne, %convert_element_type3A, %cond3A_4 : i32
    scf.if %cond3A_5 {
      "tpu.region"() ({
        %run_scoped3A_312 = tpu.sem_alloc : memref<!tpu.dma_semaphore, #tpu.memory_space<semaphore_mem>>
        %dma_start3A_313 = arith.constant 9984 : i32
        %dma_start3A_314 = arith.constant 0 : i32
        %dma_start3A_315 = tpu.memref_slice %arg30[%dma_start3A_313, %dma_start3A_314] : memref<10000x64xf32, #tpu.memory_space<vmem_shared>> -> memref<16x64xf32, #tpu.memory_space<vmem_shared>>
        %dma_start3A_316 = arith.constant 0 : i32
        %dma_start3A_317 = arith.constant 0 : i32
        %dma_start3A_318 = tpu.memref_slice %arg6[%cond3A, %dma_start3A_316, %dma_start3A_317] : memref<2x10000x64xf32, #tpu.memory_space<hbm>> -> memref<1x10000x64xf32, #tpu.memory_space<hbm>>
        %dma_start3A_319 = tpu.memref_squeeze %dma_start3A_318 : memref<1x10000x64xf32, #tpu.memory_space<hbm>> -> memref<10000x64xf32, #tpu.memory_space<hbm>>
        %dma_start3A_320 = arith.constant 9984 : i32
        %dma_start3A_321 = arith.constant 0 : i32
        %dma_start3A_322 = tpu.memref_slice %dma_start3A_319[%dma_start3A_320, %dma_start3A_321] : memref<10000x64xf32, #tpu.memory_space<hbm>> -> memref<16x64xf32, #tpu.memory_space<hbm>>
        tpu.enqueue_dma source(%dma_start3A_322 : memref<16x64xf32, #tpu.memory_space<hbm>>) target(%dma_start3A_315 : memref<16x64xf32, #tpu.memory_space<vmem_shared>>) target_semaphore(%run_scoped3A_312 : memref<!tpu.dma_semaphore, #tpu.memory_space<semaphore_mem>>)
        %dma_wait3A_323 = arith.constant 9984 : i32
        %dma_wait3A_324 = arith.constant 0 : i32
        %dma_wait3A_325 = tpu.memref_slice %arg30[%dma_wait3A_323, %dma_wait3A_324] : memref<10000x64xf32, #tpu.memory_space<vmem_shared>> -> memref<16x64xf32, #tpu.memory_space<vmem_shared>>
        %dma_wait3A_326 = arith.constant 0 : i32
        %dma_wait3A_327 = arith.constant 0 : i32
        %dma_wait3A_328 = tpu.memref_slice %arg6[%cond3A, %dma_wait3A_326, %dma_wait3A_327] : memref<2x10000x64xf32, #tpu.memory_space<hbm>> -> memref<1x10000x64xf32, #tpu.memory_space<hbm>>
        %dma_wait3A_329 = tpu.memref_squeeze %dma_wait3A_328 : memref<1x10000x64xf32, #tpu.memory_space<hbm>> -> memref<10000x64xf32, #tpu.memory_space<hbm>>
        %dma_wait3A_330 = arith.constant 9984 : i32
        %dma_wait3A_331 = arith.constant 0 : i32
        %dma_wait3A_332 = tpu.memref_slice %dma_wait3A_329[%dma_wait3A_330, %dma_wait3A_331] : memref<10000x64xf32, #tpu.memory_space<hbm>> -> memref<16x64xf32, #tpu.memory_space<hbm>>
        tpu.wait_dma2 semaphore(%run_scoped3A_312 : memref<!tpu.dma_semaphore, #tpu.memory_space<semaphore_mem>>) src(%dma_wait3A_332 : memref<16x64xf32, #tpu.memory_space<hbm>>) dst(%dma_wait3A_325 : memref<16x64xf32, #tpu.memory_space<vmem_shared>>)
        tpu.yield
      }) : () -> ()
    } else {
    }
    %barrier3A = arith.constant 0 : index
    tpu.barrier barrier_id(%barrier3A)
    %dma_start3A = arith.constant 0 : i32
    %dma_start3A_6 = arith.constant 0 : i32
    %dma_start3A_7 = arith.constant 0 : i32
    %dma_start3A_8 = tpu.memref_slice %arg8[%dma_start3A_6, %dma_start3A_7] : memref<78x128xi32, #tpu.memory_space<vmem>> -> memref<1x128xi32, #tpu.memory_space<vmem>>
    %dma_start3A_9 = tpu.memref_squeeze %dma_start3A_8 : memref<1x128xi32, #tpu.memory_space<vmem>> -> memref<128xi32, #tpu.memory_space<vmem>>
    %dma_start3A_10 = arith.constant 0 : i32
    %dma_start3A_11 = arith.constant 0 : i32
    %dma_start3A_12 = tpu.memref_slice %arg6[%dma_start3A, %dma_start3A_10, %dma_start3A_11] : memref<2x10000x64xf32, #tpu.memory_space<hbm>> -> memref<1x10000x64xf32, #tpu.memory_space<hbm>>
    %dma_start3A_13 = tpu.memref_squeeze %dma_start3A_12 : memref<1x10000x64xf32, #tpu.memory_space<hbm>> -> memref<10000x64xf32, #tpu.memory_space<hbm>>
    %dma_start3A_14 = arith.constant 0 : i32
    %dma_start3A_15 = arith.constant 0 : i32
    %dma_start3A_16 = tpu.memref_slice %dma_start3A_13[%dma_start3A_14, %dma_start3A_15] : memref<10000x64xf32, #tpu.memory_space<hbm>> -> memref<10000x64xf32, #tpu.memory_space<hbm>>
    tpu.enqueue_indirect_dma source(%dma_start3A_16 : memref<10000x64xf32, #tpu.memory_space<hbm>>) target(%arg12 : memref<128x64xf32, #tpu.memory_space<vmem>>) offsets(%dma_start3A_9 : memref<128xi32, #tpu.memory_space<vmem>>) semaphore(%arg18 : memref<!tpu.dma_semaphore, #tpu.memory_space<semaphore_mem>>)
    %dma_start3A_17 = arith.constant 0 : i32
    %dma_start3A_18 = arith.constant 1 : i32
    %dma_start3A_19 = arith.constant 0 : i32
    %dma_start3A_20 = tpu.memref_slice %arg8[%dma_start3A_18, %dma_start3A_19] : memref<78x128xi32, #tpu.memory_space<vmem>> -> memref<1x128xi32, #tpu.memory_space<vmem>>
    %dma_start3A_21 = tpu.memref_squeeze %dma_start3A_20 : memref<1x128xi32, #tpu.memory_space<vmem>> -> memref<128xi32, #tpu.memory_space<vmem>>
    %dma_start3A_22 = arith.constant 0 : i32
    %dma_start3A_23 = arith.constant 0 : i32
    %dma_start3A_24 = tpu.memref_slice %arg6[%dma_start3A_17, %dma_start3A_22, %dma_start3A_23] : memref<2x10000x64xf32, #tpu.memory_space<hbm>> -> memref<1x10000x64xf32, #tpu.memory_space<hbm>>
    %dma_start3A_25 = tpu.memref_squeeze %dma_start3A_24 : memref<1x10000x64xf32, #tpu.memory_space<hbm>> -> memref<10000x64xf32, #tpu.memory_space<hbm>>
    %dma_start3A_26 = arith.constant 0 : i32
    %dma_start3A_27 = arith.constant 0 : i32
    %dma_start3A_28 = tpu.memref_slice %dma_start3A_25[%dma_start3A_26, %dma_start3A_27] : memref<10000x64xf32, #tpu.memory_space<hbm>> -> memref<10000x64xf32, #tpu.memory_space<hbm>>
    tpu.enqueue_indirect_dma source(%dma_start3A_28 : memref<10000x64xf32, #tpu.memory_space<hbm>>) target(%arg13 : memref<128x64xf32, #tpu.memory_space<vmem>>) offsets(%dma_start3A_21 : memref<128xi32, #tpu.memory_space<vmem>>) semaphore(%arg19 : memref<!tpu.dma_semaphore, #tpu.memory_space<semaphore_mem>>)
    %dma_start3A_29 = arith.constant 0 : i32
    %dma_start3A_30 = arith.constant 2 : i32
    %dma_start3A_31 = arith.constant 0 : i32
    %dma_start3A_32 = tpu.memref_slice %arg8[%dma_start3A_30, %dma_start3A_31] : memref<78x128xi32, #tpu.memory_space<vmem>> -> memref<1x128xi32, #tpu.memory_space<vmem>>
    %dma_start3A_33 = tpu.memref_squeeze %dma_start3A_32 : memref<1x128xi32, #tpu.memory_space<vmem>> -> memref<128xi32, #tpu.memory_space<vmem>>
    %dma_start3A_34 = arith.constant 0 : i32
    %dma_start3A_35 = arith.constant 0 : i32
    %dma_start3A_36 = tpu.memref_slice %arg6[%dma_start3A_29, %dma_start3A_34, %dma_start3A_35] : memref<2x10000x64xf32, #tpu.memory_space<hbm>> -> memref<1x10000x64xf32, #tpu.memory_space<hbm>>
    %dma_start3A_37 = tpu.memref_squeeze %dma_start3A_36 : memref<1x10000x64xf32, #tpu.memory_space<hbm>> -> memref<10000x64xf32, #tpu.memory_space<hbm>>
    %dma_start3A_38 = arith.constant 0 : i32
    %dma_start3A_39 = arith.constant 0 : i32
    %dma_start3A_40 = tpu.memref_slice %dma_start3A_37[%dma_start3A_38, %dma_start3A_39] : memref<10000x64xf32, #tpu.memory_space<hbm>> -> memref<10000x64xf32, #tpu.memory_space<hbm>>
    tpu.enqueue_indirect_dma source(%dma_start3A_40 : memref<10000x64xf32, #tpu.memory_space<hbm>>) target(%arg14 : memref<128x64xf32, #tpu.memory_space<vmem>>) offsets(%dma_start3A_33 : memref<128xi32, #tpu.memory_space<vmem>>) semaphore(%arg20 : memref<!tpu.dma_semaphore, #tpu.memory_space<semaphore_mem>>)
    %dma_start3A_41 = arith.constant 0 : i32
    %dma_start3A_42 = arith.constant 3 : i32
    %dma_start3A_43 = arith.constant 0 : i32
    %dma_start3A_44 = tpu.memref_slice %arg8[%dma_start3A_42, %dma_start3A_43] : memref<78x128xi32, #tpu.memory_space<vmem>> -> memref<1x128xi32, #tpu.memory_space<vmem>>
    %dma_start3A_45 = tpu.memref_squeeze %dma_start3A_44 : memref<1x128xi32, #tpu.memory_space<vmem>> -> memref<128xi32, #tpu.memory_space<vmem>>
    %dma_start3A_46 = arith.constant 0 : i32
    %dma_start3A_47 = arith.constant 0 : i32
    %dma_start3A_48 = tpu.memref_slice %arg6[%dma_start3A_41, %dma_start3A_46, %dma_start3A_47] : memref<2x10000x64xf32, #tpu.memory_space<hbm>> -> memref<1x10000x64xf32, #tpu.memory_space<hbm>>
    %dma_start3A_49 = tpu.memref_squeeze %dma_start3A_48 : memref<1x10000x64xf32, #tpu.memory_space<hbm>> -> memref<10000x64xf32, #tpu.memory_space<hbm>>
    %dma_start3A_50 = arith.constant 0 : i32
    %dma_start3A_51 = arith.constant 0 : i32
    %dma_start3A_52 = tpu.memref_slice %dma_start3A_49[%dma_start3A_50, %dma_start3A_51] : memref<10000x64xf32, #tpu.memory_space<hbm>> -> memref<10000x64xf32, #tpu.memory_space<hbm>>
    tpu.enqueue_indirect_dma source(%dma_start3A_52 : memref<10000x64xf32, #tpu.memory_space<hbm>>) target(%arg15 : memref<128x64xf32, #tpu.memory_space<vmem>>) offsets(%dma_start3A_45 : memref<128xi32, #tpu.memory_space<vmem>>) semaphore(%arg21 : memref<!tpu.dma_semaphore, #tpu.memory_space<semaphore_mem>>)
    %dma_start3A_53 = arith.constant 0 : i32
    %dma_start3A_54 = arith.constant 4 : i32
    %dma_start3A_55 = arith.constant 0 : i32
    %dma_start3A_56 = tpu.memref_slice %arg8[%dma_start3A_54, %dma_start3A_55] : memref<78x128xi32, #tpu.memory_space<vmem>> -> memref<1x128xi32, #tpu.memory_space<vmem>>
    %dma_start3A_57 = tpu.memref_squeeze %dma_start3A_56 : memref<1x128xi32, #tpu.memory_space<vmem>> -> memref<128xi32, #tpu.memory_space<vmem>>
    %dma_start3A_58 = arith.constant 0 : i32
    %dma_start3A_59 = arith.constant 0 : i32
    %dma_start3A_60 = tpu.memref_slice %arg6[%dma_start3A_53, %dma_start3A_58, %dma_start3A_59] : memref<2x10000x64xf32, #tpu.memory_space<hbm>> -> memref<1x10000x64xf32, #tpu.memory_space<hbm>>
    %dma_start3A_61 = tpu.memref_squeeze %dma_start3A_60 : memref<1x10000x64xf32, #tpu.memory_space<hbm>> -> memref<10000x64xf32, #tpu.memory_space<hbm>>
    %dma_start3A_62 = arith.constant 0 : i32
    %dma_start3A_63 = arith.constant 0 : i32
    %dma_start3A_64 = tpu.memref_slice %dma_start3A_61[%dma_start3A_62, %dma_start3A_63] : memref<10000x64xf32, #tpu.memory_space<hbm>> -> memref<10000x64xf32, #tpu.memory_space<hbm>>
    tpu.enqueue_indirect_dma source(%dma_start3A_64 : memref<10000x64xf32, #tpu.memory_space<hbm>>) target(%arg16 : memref<128x64xf32, #tpu.memory_space<vmem>>) offsets(%dma_start3A_57 : memref<128xi32, #tpu.memory_space<vmem>>) semaphore(%arg22 : memref<!tpu.dma_semaphore, #tpu.memory_space<semaphore_mem>>)
    %dma_start3A_65 = arith.constant 0 : i32
    %dma_start3A_66 = arith.constant 5 : i32
    %dma_start3A_67 = arith.constant 0 : i32
    %dma_start3A_68 = tpu.memref_slice %arg8[%dma_start3A_66, %dma_start3A_67] : memref<78x128xi32, #tpu.memory_space<vmem>> -> memref<1x128xi32, #tpu.memory_space<vmem>>
    %dma_start3A_69 = tpu.memref_squeeze %dma_start3A_68 : memref<1x128xi32, #tpu.memory_space<vmem>> -> memref<128xi32, #tpu.memory_space<vmem>>
    %dma_start3A_70 = arith.constant 0 : i32
    %dma_start3A_71 = arith.constant 0 : i32
    %dma_start3A_72 = tpu.memref_slice %arg6[%dma_start3A_65, %dma_start3A_70, %dma_start3A_71] : memref<2x10000x64xf32, #tpu.memory_space<hbm>> -> memref<1x10000x64xf32, #tpu.memory_space<hbm>>
    %dma_start3A_73 = tpu.memref_squeeze %dma_start3A_72 : memref<1x10000x64xf32, #tpu.memory_space<hbm>> -> memref<10000x64xf32, #tpu.memory_space<hbm>>
    %dma_start3A_74 = arith.constant 0 : i32
    %dma_start3A_75 = arith.constant 0 : i32
    %dma_start3A_76 = tpu.memref_slice %dma_start3A_73[%dma_start3A_74, %dma_start3A_75] : memref<10000x64xf32, #tpu.memory_space<hbm>> -> memref<10000x64xf32, #tpu.memory_space<hbm>>
    tpu.enqueue_indirect_dma source(%dma_start3A_76 : memref<10000x64xf32, #tpu.memory_space<hbm>>) target(%arg17 : memref<128x64xf32, #tpu.memory_space<vmem>>) offsets(%dma_start3A_69 : memref<128xi32, #tpu.memory_space<vmem>>) semaphore(%arg23 : memref<!tpu.dma_semaphore, #tpu.memory_space<semaphore_mem>>)
    %scan3A = arith.constant 0 : i32
    %scan3A_77 = arith.constant 0 : i32
    %scan3A_78 = arith.constant 0 : i32
    %scan3A_79 = arith.constant 13 : i32
    %scan3A_80 = arith.addi %scan3A_78, %scan3A_79 : i32
    %scan3A_81 = arith.constant 1 : i32
    scf.for %scan3A_312 = %scan3A_78 to %scan3A_80 step %scan3A_81  : i32 {
      %mul3A_313 = arith.constant 6 : i32
      %mul3A_314 = arith.muli %scan3A_312, %mul3A_313 : i32
      %add3A_315 = arith.constant 0 : i32
      %add3A_316 = arith.addi %mul3A_314, %add3A_315 : i32
      %dma_wait3A_317 = arith.constant 0 : i32
      %dma_wait3A_318 = tpu.memref_slice %arg8[%add3A_316, %dma_wait3A_317] : memref<78x128xi32, #tpu.memory_space<vmem>> -> memref<1x128xi32, #tpu.memory_space<vmem>>
      %dma_wait3A_319 = tpu.memref_squeeze %dma_wait3A_318 : memref<1x128xi32, #tpu.memory_space<vmem>> -> memref<128xi32, #tpu.memory_space<vmem>>
      %dma_wait3A_320 = arith.constant 0 : i32
      %dma_wait3A_321 = arith.constant 0 : i32
      %dma_wait3A_322 = tpu.memref_slice %arg6[%scan3A_77, %dma_wait3A_320, %dma_wait3A_321] : memref<2x10000x64xf32, #tpu.memory_space<hbm>> -> memref<1x10000x64xf32, #tpu.memory_space<hbm>>
      %dma_wait3A_323 = tpu.memref_squeeze %dma_wait3A_322 : memref<1x10000x64xf32, #tpu.memory_space<hbm>> -> memref<10000x64xf32, #tpu.memory_space<hbm>>
      %dma_wait3A_324 = arith.constant 0 : i32
      %dma_wait3A_325 = arith.constant 0 : i32
      %dma_wait3A_326 = tpu.memref_slice %dma_wait3A_323[%dma_wait3A_324, %dma_wait3A_325] : memref<10000x64xf32, #tpu.memory_space<hbm>> -> memref<10000x64xf32, #tpu.memory_space<hbm>>
      tpu.wait_indirect_dma semaphore(%arg18 : memref<!tpu.dma_semaphore, #tpu.memory_space<semaphore_mem>>) src(%dma_wait3A_326 : memref<10000x64xf32, #tpu.memory_space<hbm>>) dst(%arg12 : memref<128x64xf32, #tpu.memory_space<vmem>>)
      %dma_start3A_327 = arith.constant 0 : i32
      %dma_start3A_328 = tpu.memref_slice %arg9[%add3A_316, %dma_start3A_327] : memref<78x128xi32, #tpu.memory_space<vmem>> -> memref<1x128xi32, #tpu.memory_space<vmem>>
      %dma_start3A_329 = tpu.memref_squeeze %dma_start3A_328 : memref<1x128xi32, #tpu.memory_space<vmem>> -> memref<128xi32, #tpu.memory_space<vmem>>
      %dma_start3A_330 = arith.constant 0 : i32
      %dma_start3A_331 = arith.constant 0 : i32
      %dma_start3A_332 = tpu.memref_slice %arg30[%dma_start3A_330, %dma_start3A_331] : memref<10000x64xf32, #tpu.memory_space<vmem_shared>> -> memref<10000x64xf32, #tpu.memory_space<vmem_shared>>
      tpu.enqueue_indirect_dma source(%arg12 : memref<128x64xf32, #tpu.memory_space<vmem>>) target(%dma_start3A_332 : memref<10000x64xf32, #tpu.memory_space<vmem_shared>>) offsets(%dma_start3A_329 : memref<128xi32, #tpu.memory_space<vmem>>) semaphore(%arg24 : memref<!tpu.dma_semaphore, #tpu.memory_space<semaphore_mem>>) {add = true}
      %add3A_333 = arith.constant 6 : i32
      %add3A_334 = arith.addi %add3A_316, %add3A_333 : i32
      %lt3A = arith.constant 78 : i32
      %lt3A_335 = arith.cmpi slt, %add3A_334, %lt3A : i32
      %convert_element_type3A_336 = arith.extui %lt3A_335 : i1 to i32
      %cond3A_337 = arith.constant 0 : i32
      %cond3A_338 = arith.cmpi ne, %convert_element_type3A_336, %cond3A_337 : i32
      scf.if %cond3A_338 {
        %dma_wait3A_474 = arith.constant 0 : i32
        %dma_wait3A_475 = tpu.memref_slice %arg9[%add3A_316, %dma_wait3A_474] : memref<78x128xi32, #tpu.memory_space<vmem>> -> memref<1x128xi32, #tpu.memory_space<vmem>>
        %dma_wait3A_476 = tpu.memref_squeeze %dma_wait3A_475 : memref<1x128xi32, #tpu.memory_space<vmem>> -> memref<128xi32, #tpu.memory_space<vmem>>
        %dma_wait3A_477 = arith.constant 0 : i32
        %dma_wait3A_478 = arith.constant 0 : i32
        %dma_wait3A_479 = tpu.memref_slice %arg30[%dma_wait3A_477, %dma_wait3A_478] : memref<10000x64xf32, #tpu.memory_space<vmem_shared>> -> memref<10000x64xf32, #tpu.memory_space<vmem_shared>>
        tpu.wait_indirect_dma semaphore(%arg24 : memref<!tpu.dma_semaphore, #tpu.memory_space<semaphore_mem>>) src(%arg12 : memref<128x64xf32, #tpu.memory_space<vmem>>) dst(%dma_wait3A_479 : memref<10000x64xf32, #tpu.memory_space<vmem_shared>>)
        %add3A_480 = arith.constant 6 : i32
        %add3A_481 = arith.addi %add3A_316, %add3A_480 : i32
        %dma_start3A_482 = arith.constant 0 : i32
        %dma_start3A_483 = tpu.memref_slice %arg8[%add3A_481, %dma_start3A_482] : memref<78x128xi32, #tpu.memory_space<vmem>> -> memref<1x128xi32, #tpu.memory_space<vmem>>
        %dma_start3A_484 = tpu.memref_squeeze %dma_start3A_483 : memref<1x128xi32, #tpu.memory_space<vmem>> -> memref<128xi32, #tpu.memory_space<vmem>>
        %dma_start3A_485 = arith.constant 0 : i32
        %dma_start3A_486 = arith.constant 0 : i32
        %dma_start3A_487 = tpu.memref_slice %arg6[%scan3A_77, %dma_start3A_485, %dma_start3A_486] : memref<2x10000x64xf32, #tpu.memory_space<hbm>> -> memref<1x10000x64xf32, #tpu.memory_space<hbm>>
        %dma_start3A_488 = tpu.memref_squeeze %dma_start3A_487 : memref<1x10000x64xf32, #tpu.memory_space<hbm>> -> memref<10000x64xf32, #tpu.memory_space<hbm>>
        %dma_start3A_489 = arith.constant 0 : i32
        %dma_start3A_490 = arith.constant 0 : i32
        %dma_start3A_491 = tpu.memref_slice %dma_start3A_488[%dma_start3A_489, %dma_start3A_490] : memref<10000x64xf32, #tpu.memory_space<hbm>> -> memref<10000x64xf32, #tpu.memory_space<hbm>>
        tpu.enqueue_indirect_dma source(%dma_start3A_491 : memref<10000x64xf32, #tpu.memory_space<hbm>>) target(%arg12 : memref<128x64xf32, #tpu.memory_space<vmem>>) offsets(%dma_start3A_484 : memref<128xi32, #tpu.memory_space<vmem>>) semaphore(%arg18 : memref<!tpu.dma_semaphore, #tpu.memory_space<semaphore_mem>>)
      } else {
      }
      %mul3A_339 = arith.constant 6 : i32
      %mul3A_340 = arith.muli %scan3A_312, %mul3A_339 : i32
      %add3A_341 = arith.constant 1 : i32
      %add3A_342 = arith.addi %mul3A_340, %add3A_341 : i32
      %dma_wait3A_343 = arith.constant 0 : i32
      %dma_wait3A_344 = tpu.memref_slice %arg8[%add3A_342, %dma_wait3A_343] : memref<78x128xi32, #tpu.memory_space<vmem>> -> memref<1x128xi32, #tpu.memory_space<vmem>>
      %dma_wait3A_345 = tpu.memref_squeeze %dma_wait3A_344 : memref<1x128xi32, #tpu.memory_space<vmem>> -> memref<128xi32, #tpu.memory_space<vmem>>
      %dma_wait3A_346 = arith.constant 0 : i32
      %dma_wait3A_347 = arith.constant 0 : i32
      %dma_wait3A_348 = tpu.memref_slice %arg6[%scan3A_77, %dma_wait3A_346, %dma_wait3A_347] : memref<2x10000x64xf32, #tpu.memory_space<hbm>> -> memref<1x10000x64xf32, #tpu.memory_space<hbm>>
      %dma_wait3A_349 = tpu.memref_squeeze %dma_wait3A_348 : memref<1x10000x64xf32, #tpu.memory_space<hbm>> -> memref<10000x64xf32, #tpu.memory_space<hbm>>
      %dma_wait3A_350 = arith.constant 0 : i32
      %dma_wait3A_351 = arith.constant 0 : i32
      %dma_wait3A_352 = tpu.memref_slice %dma_wait3A_349[%dma_wait3A_350, %dma_wait3A_351] : memref<10000x64xf32, #tpu.memory_space<hbm>> -> memref<10000x64xf32, #tpu.memory_space<hbm>>
      tpu.wait_indirect_dma semaphore(%arg19 : memref<!tpu.dma_semaphore, #tpu.memory_space<semaphore_mem>>) src(%dma_wait3A_352 : memref<10000x64xf32, #tpu.memory_space<hbm>>) dst(%arg13 : memref<128x64xf32, #tpu.memory_space<vmem>>)
      %dma_start3A_353 = arith.constant 0 : i32
      %dma_start3A_354 = tpu.memref_slice %arg9[%add3A_342, %dma_start3A_353] : memref<78x128xi32, #tpu.memory_space<vmem>> -> memref<1x128xi32, #tpu.memory_space<vmem>>
      %dma_start3A_355 = tpu.memref_squeeze %dma_start3A_354 : memref<1x128xi32, #tpu.memory_space<vmem>> -> memref<128xi32, #tpu.memory_space<vmem>>
      %dma_start3A_356 = arith.constant 0 : i32
      %dma_start3A_357 = arith.constant 0 : i32
      %dma_start3A_358 = tpu.memref_slice %arg30[%dma_start3A_356, %dma_start3A_357] : memref<10000x64xf32, #tpu.memory_space<vmem_shared>> -> memref<10000x64xf32, #tpu.memory_space<vmem_shared>>
      tpu.enqueue_indirect_dma source(%arg13 : memref<128x64xf32, #tpu.memory_space<vmem>>) target(%dma_start3A_358 : memref<10000x64xf32, #tpu.memory_space<vmem_shared>>) offsets(%dma_start3A_355 : memref<128xi32, #tpu.memory_space<vmem>>) semaphore(%arg25 : memref<!tpu.dma_semaphore, #tpu.memory_space<semaphore_mem>>) {add = true}
      %add3A_359 = arith.constant 6 : i32
      %add3A_360 = arith.addi %add3A_342, %add3A_359 : i32
      %lt3A_361 = arith.constant 78 : i32
      %lt3A_362 = arith.cmpi slt, %add3A_360, %lt3A_361 : i32
      %convert_element_type3A_363 = arith.extui %lt3A_362 : i1 to i32
      %cond3A_364 = arith.constant 0 : i32
      %cond3A_365 = arith.cmpi ne, %convert_element_type3A_363, %cond3A_364 : i32
      scf.if %cond3A_365 {
        %dma_wait3A_474 = arith.constant 0 : i32
        %dma_wait3A_475 = tpu.memref_slice %arg9[%add3A_342, %dma_wait3A_474] : memref<78x128xi32, #tpu.memory_space<vmem>> -> memref<1x128xi32, #tpu.memory_space<vmem>>
        %dma_wait3A_476 = tpu.memref_squeeze %dma_wait3A_475 : memref<1x128xi32, #tpu.memory_space<vmem>> -> memref<128xi32, #tpu.memory_space<vmem>>
        %dma_wait3A_477 = arith.constant 0 : i32
        %dma_wait3A_478 = arith.constant 0 : i32
        %dma_wait3A_479 = tpu.memref_slice %arg30[%dma_wait3A_477, %dma_wait3A_478] : memref<10000x64xf32, #tpu.memory_space<vmem_shared>> -> memref<10000x64xf32, #tpu.memory_space<vmem_shared>>
        tpu.wait_indirect_dma semaphore(%arg25 : memref<!tpu.dma_semaphore, #tpu.memory_space<semaphore_mem>>) src(%arg13 : memref<128x64xf32, #tpu.memory_space<vmem>>) dst(%dma_wait3A_479 : memref<10000x64xf32, #tpu.memory_space<vmem_shared>>)
        %add3A_480 = arith.constant 6 : i32
        %add3A_481 = arith.addi %add3A_342, %add3A_480 : i32
        %dma_start3A_482 = arith.constant 0 : i32
        %dma_start3A_483 = tpu.memref_slice %arg8[%add3A_481, %dma_start3A_482] : memref<78x128xi32, #tpu.memory_space<vmem>> -> memref<1x128xi32, #tpu.memory_space<vmem>>
        %dma_start3A_484 = tpu.memref_squeeze %dma_start3A_483 : memref<1x128xi32, #tpu.memory_space<vmem>> -> memref<128xi32, #tpu.memory_space<vmem>>
        %dma_start3A_485 = arith.constant 0 : i32
        %dma_start3A_486 = arith.constant 0 : i32
        %dma_start3A_487 = tpu.memref_slice %arg6[%scan3A_77, %dma_start3A_485, %dma_start3A_486] : memref<2x10000x64xf32, #tpu.memory_space<hbm>> -> memref<1x10000x64xf32, #tpu.memory_space<hbm>>
        %dma_start3A_488 = tpu.memref_squeeze %dma_start3A_487 : memref<1x10000x64xf32, #tpu.memory_space<hbm>> -> memref<10000x64xf32, #tpu.memory_space<hbm>>
        %dma_start3A_489 = arith.constant 0 : i32
        %dma_start3A_490 = arith.constant 0 : i32
        %dma_start3A_491 = tpu.memref_slice %dma_start3A_488[%dma_start3A_489, %dma_start3A_490] : memref<10000x64xf32, #tpu.memory_space<hbm>> -> memref<10000x64xf32, #tpu.memory_space<hbm>>
        tpu.enqueue_indirect_dma source(%dma_start3A_491 : memref<10000x64xf32, #tpu.memory_space<hbm>>) target(%arg13 : memref<128x64xf32, #tpu.memory_space<vmem>>) offsets(%dma_start3A_484 : memref<128xi32, #tpu.memory_space<vmem>>) semaphore(%arg19 : memref<!tpu.dma_semaphore, #tpu.memory_space<semaphore_mem>>)
      } else {
      }
      %mul3A_366 = arith.constant 6 : i32
      %mul3A_367 = arith.muli %scan3A_312, %mul3A_366 : i32
      %add3A_368 = arith.constant 2 : i32
      %add3A_369 = arith.addi %mul3A_367, %add3A_368 : i32
      %dma_wait3A_370 = arith.constant 0 : i32
      %dma_wait3A_371 = tpu.memref_slice %arg8[%add3A_369, %dma_wait3A_370] : memref<78x128xi32, #tpu.memory_space<vmem>> -> memref<1x128xi32, #tpu.memory_space<vmem>>
      %dma_wait3A_372 = tpu.memref_squeeze %dma_wait3A_371 : memref<1x128xi32, #tpu.memory_space<vmem>> -> memref<128xi32, #tpu.memory_space<vmem>>
      %dma_wait3A_373 = arith.constant 0 : i32
      %dma_wait3A_374 = arith.constant 0 : i32
      %dma_wait3A_375 = tpu.memref_slice %arg6[%scan3A_77, %dma_wait3A_373, %dma_wait3A_374] : memref<2x10000x64xf32, #tpu.memory_space<hbm>> -> memref<1x10000x64xf32, #tpu.memory_space<hbm>>
      %dma_wait3A_376 = tpu.memref_squeeze %dma_wait3A_375 : memref<1x10000x64xf32, #tpu.memory_space<hbm>> -> memref<10000x64xf32, #tpu.memory_space<hbm>>
      %dma_wait3A_377 = arith.constant 0 : i32
      %dma_wait3A_378 = arith.constant 0 : i32
      %dma_wait3A_379 = tpu.memref_slice %dma_wait3A_376[%dma_wait3A_377, %dma_wait3A_378] : memref<10000x64xf32, #tpu.memory_space<hbm>> -> memref<10000x64xf32, #tpu.memory_space<hbm>>
      tpu.wait_indirect_dma semaphore(%arg20 : memref<!tpu.dma_semaphore, #tpu.memory_space<semaphore_mem>>) src(%dma_wait3A_379 : memref<10000x64xf32, #tpu.memory_space<hbm>>) dst(%arg14 : memref<128x64xf32, #tpu.memory_space<vmem>>)
      %dma_start3A_380 = arith.constant 0 : i32
      %dma_start3A_381 = tpu.memref_slice %arg9[%add3A_369, %dma_start3A_380] : memref<78x128xi32, #tpu.memory_space<vmem>> -> memref<1x128xi32, #tpu.memory_space<vmem>>
      %dma_start3A_382 = tpu.memref_squeeze %dma_start3A_381 : memref<1x128xi32, #tpu.memory_space<vmem>> -> memref<128xi32, #tpu.memory_space<vmem>>
      %dma_start3A_383 = arith.constant 0 : i32
      %dma_start3A_384 = arith.constant 0 : i32
      %dma_start3A_385 = tpu.memref_slice %arg30[%dma_start3A_383, %dma_start3A_384] : memref<10000x64xf32, #tpu.memory_space<vmem_shared>> -> memref<10000x64xf32, #tpu.memory_space<vmem_shared>>
      tpu.enqueue_indirect_dma source(%arg14 : memref<128x64xf32, #tpu.memory_space<vmem>>) target(%dma_start3A_385 : memref<10000x64xf32, #tpu.memory_space<vmem_shared>>) offsets(%dma_start3A_382 : memref<128xi32, #tpu.memory_space<vmem>>) semaphore(%arg26 : memref<!tpu.dma_semaphore, #tpu.memory_space<semaphore_mem>>) {add = true}
      %add3A_386 = arith.constant 6 : i32
      %add3A_387 = arith.addi %add3A_369, %add3A_386 : i32
      %lt3A_388 = arith.constant 78 : i32
      %lt3A_389 = arith.cmpi slt, %add3A_387, %lt3A_388 : i32
      %convert_element_type3A_390 = arith.extui %lt3A_389 : i1 to i32
      %cond3A_391 = arith.constant 0 : i32
      %cond3A_392 = arith.cmpi ne, %convert_element_type3A_390, %cond3A_391 : i32
      scf.if %cond3A_392 {
        %dma_wait3A_474 = arith.constant 0 : i32
        %dma_wait3A_475 = tpu.memref_slice %arg9[%add3A_369, %dma_wait3A_474] : memref<78x128xi32, #tpu.memory_space<vmem>> -> memref<1x128xi32, #tpu.memory_space<vmem>>
        %dma_wait3A_476 = tpu.memref_squeeze %dma_wait3A_475 : memref<1x128xi32, #tpu.memory_space<vmem>> -> memref<128xi32, #tpu.memory_space<vmem>>
        %dma_wait3A_477 = arith.constant 0 : i32
        %dma_wait3A_478 = arith.constant 0 : i32
        %dma_wait3A_479 = tpu.memref_slice %arg30[%dma_wait3A_477, %dma_wait3A_478] : memref<10000x64xf32, #tpu.memory_space<vmem_shared>> -> memref<10000x64xf32, #tpu.memory_space<vmem_shared>>
        tpu.wait_indirect_dma semaphore(%arg26 : memref<!tpu.dma_semaphore, #tpu.memory_space<semaphore_mem>>) src(%arg14 : memref<128x64xf32, #tpu.memory_space<vmem>>) dst(%dma_wait3A_479 : memref<10000x64xf32, #tpu.memory_space<vmem_shared>>)
        %add3A_480 = arith.constant 6 : i32
        %add3A_481 = arith.addi %add3A_369, %add3A_480 : i32
        %dma_start3A_482 = arith.constant 0 : i32
        %dma_start3A_483 = tpu.memref_slice %arg8[%add3A_481, %dma_start3A_482] : memref<78x128xi32, #tpu.memory_space<vmem>> -> memref<1x128xi32, #tpu.memory_space<vmem>>
        %dma_start3A_484 = tpu.memref_squeeze %dma_start3A_483 : memref<1x128xi32, #tpu.memory_space<vmem>> -> memref<128xi32, #tpu.memory_space<vmem>>
        %dma_start3A_485 = arith.constant 0 : i32
        %dma_start3A_486 = arith.constant 0 : i32
        %dma_start3A_487 = tpu.memref_slice %arg6[%scan3A_77, %dma_start3A_485, %dma_start3A_486] : memref<2x10000x64xf32, #tpu.memory_space<hbm>> -> memref<1x10000x64xf32, #tpu.memory_space<hbm>>
        %dma_start3A_488 = tpu.memref_squeeze %dma_start3A_487 : memref<1x10000x64xf32, #tpu.memory_space<hbm>> -> memref<10000x64xf32, #tpu.memory_space<hbm>>
        %dma_start3A_489 = arith.constant 0 : i32
        %dma_start3A_490 = arith.constant 0 : i32
        %dma_start3A_491 = tpu.memref_slice %dma_start3A_488[%dma_start3A_489, %dma_start3A_490] : memref<10000x64xf32, #tpu.memory_space<hbm>> -> memref<10000x64xf32, #tpu.memory_space<hbm>>
        tpu.enqueue_indirect_dma source(%dma_start3A_491 : memref<10000x64xf32, #tpu.memory_space<hbm>>) target(%arg14 : memref<128x64xf32, #tpu.memory_space<vmem>>) offsets(%dma_start3A_484 : memref<128xi32, #tpu.memory_space<vmem>>) semaphore(%arg20 : memref<!tpu.dma_semaphore, #tpu.memory_space<semaphore_mem>>)
      } else {
      }
      %mul3A_393 = arith.constant 6 : i32
      %mul3A_394 = arith.muli %scan3A_312, %mul3A_393 : i32
      %add3A_395 = arith.constant 3 : i32
      %add3A_396 = arith.addi %mul3A_394, %add3A_395 : i32
      %dma_wait3A_397 = arith.constant 0 : i32
      %dma_wait3A_398 = tpu.memref_slice %arg8[%add3A_396, %dma_wait3A_397] : memref<78x128xi32, #tpu.memory_space<vmem>> -> memref<1x128xi32, #tpu.memory_space<vmem>>
      %dma_wait3A_399 = tpu.memref_squeeze %dma_wait3A_398 : memref<1x128xi32, #tpu.memory_space<vmem>> -> memref<128xi32, #tpu.memory_space<vmem>>
      %dma_wait3A_400 = arith.constant 0 : i32
      %dma_wait3A_401 = arith.constant 0 : i32
      %dma_wait3A_402 = tpu.memref_slice %arg6[%scan3A_77, %dma_wait3A_400, %dma_wait3A_401] : memref<2x10000x64xf32, #tpu.memory_space<hbm>> -> memref<1x10000x64xf32, #tpu.memory_space<hbm>>
      %dma_wait3A_403 = tpu.memref_squeeze %dma_wait3A_402 : memref<1x10000x64xf32, #tpu.memory_space<hbm>> -> memref<10000x64xf32, #tpu.memory_space<hbm>>
      %dma_wait3A_404 = arith.constant 0 : i32
      %dma_wait3A_405 = arith.constant 0 : i32
      %dma_wait3A_406 = tpu.memref_slice %dma_wait3A_403[%dma_wait3A_404, %dma_wait3A_405] : memref<10000x64xf32, #tpu.memory_space<hbm>> -> memref<10000x64xf32, #tpu.memory_space<hbm>>
      tpu.wait_indirect_dma semaphore(%arg21 : memref<!tpu.dma_semaphore, #tpu.memory_space<semaphore_mem>>) src(%dma_wait3A_406 : memref<10000x64xf32, #tpu.memory_space<hbm>>) dst(%arg15 : memref<128x64xf32, #tpu.memory_space<vmem>>)
      %dma_start3A_407 = arith.constant 0 : i32
      %dma_start3A_408 = tpu.memref_slice %arg9[%add3A_396, %dma_start3A_407] : memref<78x128xi32, #tpu.memory_space<vmem>> -> memref<1x128xi32, #tpu.memory_space<vmem>>
      %dma_start3A_409 = tpu.memref_squeeze %dma_start3A_408 : memref<1x128xi32, #tpu.memory_space<vmem>> -> memref<128xi32, #tpu.memory_space<vmem>>
      %dma_start3A_410 = arith.constant 0 : i32
      %dma_start3A_411 = arith.constant 0 : i32
      %dma_start3A_412 = tpu.memref_slice %arg30[%dma_start3A_410, %dma_start3A_411] : memref<10000x64xf32, #tpu.memory_space<vmem_shared>> -> memref<10000x64xf32, #tpu.memory_space<vmem_shared>>
      tpu.enqueue_indirect_dma source(%arg15 : memref<128x64xf32, #tpu.memory_space<vmem>>) target(%dma_start3A_412 : memref<10000x64xf32, #tpu.memory_space<vmem_shared>>) offsets(%dma_start3A_409 : memref<128xi32, #tpu.memory_space<vmem>>) semaphore(%arg27 : memref<!tpu.dma_semaphore, #tpu.memory_space<semaphore_mem>>) {add = true}
      %add3A_413 = arith.constant 6 : i32
      %add3A_414 = arith.addi %add3A_396, %add3A_413 : i32
      %lt3A_415 = arith.constant 78 : i32
      %lt3A_416 = arith.cmpi slt, %add3A_414, %lt3A_415 : i32
      %convert_element_type3A_417 = arith.extui %lt3A_416 : i1 to i32
      %cond3A_418 = arith.constant 0 : i32
      %cond3A_419 = arith.cmpi ne, %convert_element_type3A_417, %cond3A_418 : i32
      scf.if %cond3A_419 {
        %dma_wait3A_474 = arith.constant 0 : i32
        %dma_wait3A_475 = tpu.memref_slice %arg9[%add3A_396, %dma_wait3A_474] : memref<78x128xi32, #tpu.memory_space<vmem>> -> memref<1x128xi32, #tpu.memory_space<vmem>>
        %dma_wait3A_476 = tpu.memref_squeeze %dma_wait3A_475 : memref<1x128xi32, #tpu.memory_space<vmem>> -> memref<128xi32, #tpu.memory_space<vmem>>
        %dma_wait3A_477 = arith.constant 0 : i32
        %dma_wait3A_478 = arith.constant 0 : i32
        %dma_wait3A_479 = tpu.memref_slice %arg30[%dma_wait3A_477, %dma_wait3A_478] : memref<10000x64xf32, #tpu.memory_space<vmem_shared>> -> memref<10000x64xf32, #tpu.memory_space<vmem_shared>>
        tpu.wait_indirect_dma semaphore(%arg27 : memref<!tpu.dma_semaphore, #tpu.memory_space<semaphore_mem>>) src(%arg15 : memref<128x64xf32, #tpu.memory_space<vmem>>) dst(%dma_wait3A_479 : memref<10000x64xf32, #tpu.memory_space<vmem_shared>>)
        %add3A_480 = arith.constant 6 : i32
        %add3A_481 = arith.addi %add3A_396, %add3A_480 : i32
        %dma_start3A_482 = arith.constant 0 : i32
        %dma_start3A_483 = tpu.memref_slice %arg8[%add3A_481, %dma_start3A_482] : memref<78x128xi32, #tpu.memory_space<vmem>> -> memref<1x128xi32, #tpu.memory_space<vmem>>
        %dma_start3A_484 = tpu.memref_squeeze %dma_start3A_483 : memref<1x128xi32, #tpu.memory_space<vmem>> -> memref<128xi32, #tpu.memory_space<vmem>>
        %dma_start3A_485 = arith.constant 0 : i32
        %dma_start3A_486 = arith.constant 0 : i32
        %dma_start3A_487 = tpu.memref_slice %arg6[%scan3A_77, %dma_start3A_485, %dma_start3A_486] : memref<2x10000x64xf32, #tpu.memory_space<hbm>> -> memref<1x10000x64xf32, #tpu.memory_space<hbm>>
        %dma_start3A_488 = tpu.memref_squeeze %dma_start3A_487 : memref<1x10000x64xf32, #tpu.memory_space<hbm>> -> memref<10000x64xf32, #tpu.memory_space<hbm>>
        %dma_start3A_489 = arith.constant 0 : i32
        %dma_start3A_490 = arith.constant 0 : i32
        %dma_start3A_491 = tpu.memref_slice %dma_start3A_488[%dma_start3A_489, %dma_start3A_490] : memref<10000x64xf32, #tpu.memory_space<hbm>> -> memref<10000x64xf32, #tpu.memory_space<hbm>>
        tpu.enqueue_indirect_dma source(%dma_start3A_491 : memref<10000x64xf32, #tpu.memory_space<hbm>>) target(%arg15 : memref<128x64xf32, #tpu.memory_space<vmem>>) offsets(%dma_start3A_484 : memref<128xi32, #tpu.memory_space<vmem>>) semaphore(%arg21 : memref<!tpu.dma_semaphore, #tpu.memory_space<semaphore_mem>>)
      } else {
      }
      %mul3A_420 = arith.constant 6 : i32
      %mul3A_421 = arith.muli %scan3A_312, %mul3A_420 : i32
      %add3A_422 = arith.constant 4 : i32
      %add3A_423 = arith.addi %mul3A_421, %add3A_422 : i32
      %dma_wait3A_424 = arith.constant 0 : i32
      %dma_wait3A_425 = tpu.memref_slice %arg8[%add3A_423, %dma_wait3A_424] : memref<78x128xi32, #tpu.memory_space<vmem>> -> memref<1x128xi32, #tpu.memory_space<vmem>>
      %dma_wait3A_426 = tpu.memref_squeeze %dma_wait3A_425 : memref<1x128xi32, #tpu.memory_space<vmem>> -> memref<128xi32, #tpu.memory_space<vmem>>
      %dma_wait3A_427 = arith.constant 0 : i32
      %dma_wait3A_428 = arith.constant 0 : i32
      %dma_wait3A_429 = tpu.memref_slice %arg6[%scan3A_77, %dma_wait3A_427, %dma_wait3A_428] : memref<2x10000x64xf32, #tpu.memory_space<hbm>> -> memref<1x10000x64xf32, #tpu.memory_space<hbm>>
      %dma_wait3A_430 = tpu.memref_squeeze %dma_wait3A_429 : memref<1x10000x64xf32, #tpu.memory_space<hbm>> -> memref<10000x64xf32, #tpu.memory_space<hbm>>
      %dma_wait3A_431 = arith.constant 0 : i32
      %dma_wait3A_432 = arith.constant 0 : i32
      %dma_wait3A_433 = tpu.memref_slice %dma_wait3A_430[%dma_wait3A_431, %dma_wait3A_432] : memref<10000x64xf32, #tpu.memory_space<hbm>> -> memref<10000x64xf32, #tpu.memory_space<hbm>>
      tpu.wait_indirect_dma semaphore(%arg22 : memref<!tpu.dma_semaphore, #tpu.memory_space<semaphore_mem>>) src(%dma_wait3A_433 : memref<10000x64xf32, #tpu.memory_space<hbm>>) dst(%arg16 : memref<128x64xf32, #tpu.memory_space<vmem>>)
      %dma_start3A_434 = arith.constant 0 : i32
      %dma_start3A_435 = tpu.memref_slice %arg9[%add3A_423, %dma_start3A_434] : memref<78x128xi32, #tpu.memory_space<vmem>> -> memref<1x128xi32, #tpu.memory_space<vmem>>
      %dma_start3A_436 = tpu.memref_squeeze %dma_start3A_435 : memref<1x128xi32, #tpu.memory_space<vmem>> -> memref<128xi32, #tpu.memory_space<vmem>>
      %dma_start3A_437 = arith.constant 0 : i32
      %dma_start3A_438 = arith.constant 0 : i32
      %dma_start3A_439 = tpu.memref_slice %arg30[%dma_start3A_437, %dma_start3A_438] : memref<10000x64xf32, #tpu.memory_space<vmem_shared>> -> memref<10000x64xf32, #tpu.memory_space<vmem_shared>>
      tpu.enqueue_indirect_dma source(%arg16 : memref<128x64xf32, #tpu.memory_space<vmem>>) target(%dma_start3A_439 : memref<10000x64xf32, #tpu.memory_space<vmem_shared>>) offsets(%dma_start3A_436 : memref<128xi32, #tpu.memory_space<vmem>>) semaphore(%arg28 : memref<!tpu.dma_semaphore, #tpu.memory_space<semaphore_mem>>) {add = true}
      %add3A_440 = arith.constant 6 : i32
      %add3A_441 = arith.addi %add3A_423, %add3A_440 : i32
      %lt3A_442 = arith.constant 78 : i32
      %lt3A_443 = arith.cmpi slt, %add3A_441, %lt3A_442 : i32
      %convert_element_type3A_444 = arith.extui %lt3A_443 : i1 to i32
      %cond3A_445 = arith.constant 0 : i32
      %cond3A_446 = arith.cmpi ne, %convert_element_type3A_444, %cond3A_445 : i32
      scf.if %cond3A_446 {
        %dma_wait3A_474 = arith.constant 0 : i32
        %dma_wait3A_475 = tpu.memref_slice %arg9[%add3A_423, %dma_wait3A_474] : memref<78x128xi32, #tpu.memory_space<vmem>> -> memref<1x128xi32, #tpu.memory_space<vmem>>
        %dma_wait3A_476 = tpu.memref_squeeze %dma_wait3A_475 : memref<1x128xi32, #tpu.memory_space<vmem>> -> memref<128xi32, #tpu.memory_space<vmem>>
        %dma_wait3A_477 = arith.constant 0 : i32
        %dma_wait3A_478 = arith.constant 0 : i32
        %dma_wait3A_479 = tpu.memref_slice %arg30[%dma_wait3A_477, %dma_wait3A_478] : memref<10000x64xf32, #tpu.memory_space<vmem_shared>> -> memref<10000x64xf32, #tpu.memory_space<vmem_shared>>
        tpu.wait_indirect_dma semaphore(%arg28 : memref<!tpu.dma_semaphore, #tpu.memory_space<semaphore_mem>>) src(%arg16 : memref<128x64xf32, #tpu.memory_space<vmem>>) dst(%dma_wait3A_479 : memref<10000x64xf32, #tpu.memory_space<vmem_shared>>)
        %add3A_480 = arith.constant 6 : i32
        %add3A_481 = arith.addi %add3A_423, %add3A_480 : i32
        %dma_start3A_482 = arith.constant 0 : i32
        %dma_start3A_483 = tpu.memref_slice %arg8[%add3A_481, %dma_start3A_482] : memref<78x128xi32, #tpu.memory_space<vmem>> -> memref<1x128xi32, #tpu.memory_space<vmem>>
        %dma_start3A_484 = tpu.memref_squeeze %dma_start3A_483 : memref<1x128xi32, #tpu.memory_space<vmem>> -> memref<128xi32, #tpu.memory_space<vmem>>
        %dma_start3A_485 = arith.constant 0 : i32
        %dma_start3A_486 = arith.constant 0 : i32
        %dma_start3A_487 = tpu.memref_slice %arg6[%scan3A_77, %dma_start3A_485, %dma_start3A_486] : memref<2x10000x64xf32, #tpu.memory_space<hbm>> -> memref<1x10000x64xf32, #tpu.memory_space<hbm>>
        %dma_start3A_488 = tpu.memref_squeeze %dma_start3A_487 : memref<1x10000x64xf32, #tpu.memory_space<hbm>> -> memref<10000x64xf32, #tpu.memory_space<hbm>>
        %dma_start3A_489 = arith.constant 0 : i32
        %dma_start3A_490 = arith.constant 0 : i32
        %dma_start3A_491 = tpu.memref_slice %dma_start3A_488[%dma_start3A_489, %dma_start3A_490] : memref<10000x64xf32, #tpu.memory_space<hbm>> -> memref<10000x64xf32, #tpu.memory_space<hbm>>
        tpu.enqueue_indirect_dma source(%dma_start3A_491 : memref<10000x64xf32, #tpu.memory_space<hbm>>) target(%arg16 : memref<128x64xf32, #tpu.memory_space<vmem>>) offsets(%dma_start3A_484 : memref<128xi32, #tpu.memory_space<vmem>>) semaphore(%arg22 : memref<!tpu.dma_semaphore, #tpu.memory_space<semaphore_mem>>)
      } else {
      }
      %mul3A_447 = arith.constant 6 : i32
      %mul3A_448 = arith.muli %scan3A_312, %mul3A_447 : i32
      %add3A_449 = arith.constant 5 : i32
      %add3A_450 = arith.addi %mul3A_448, %add3A_449 : i32
      %dma_wait3A_451 = arith.constant 0 : i32
      %dma_wait3A_452 = tpu.memref_slice %arg8[%add3A_450, %dma_wait3A_451] : memref<78x128xi32, #tpu.memory_space<vmem>> -> memref<1x128xi32, #tpu.memory_space<vmem>>
      %dma_wait3A_453 = tpu.memref_squeeze %dma_wait3A_452 : memref<1x128xi32, #tpu.memory_space<vmem>> -> memref<128xi32, #tpu.memory_space<vmem>>
      %dma_wait3A_454 = arith.constant 0 : i32
      %dma_wait3A_455 = arith.constant 0 : i32
      %dma_wait3A_456 = tpu.memref_slice %arg6[%scan3A_77, %dma_wait3A_454, %dma_wait3A_455] : memref<2x10000x64xf32, #tpu.memory_space<hbm>> -> memref<1x10000x64xf32, #tpu.memory_space<hbm>>
      %dma_wait3A_457 = tpu.memref_squeeze %dma_wait3A_456 : memref<1x10000x64xf32, #tpu.memory_space<hbm>> -> memref<10000x64xf32, #tpu.memory_space<hbm>>
      %dma_wait3A_458 = arith.constant 0 : i32
      %dma_wait3A_459 = arith.constant 0 : i32
      %dma_wait3A_460 = tpu.memref_slice %dma_wait3A_457[%dma_wait3A_458, %dma_wait3A_459] : memref<10000x64xf32, #tpu.memory_space<hbm>> -> memref<10000x64xf32, #tpu.memory_space<hbm>>
      tpu.wait_indirect_dma semaphore(%arg23 : memref<!tpu.dma_semaphore, #tpu.memory_space<semaphore_mem>>) src(%dma_wait3A_460 : memref<10000x64xf32, #tpu.memory_space<hbm>>) dst(%arg17 : memref<128x64xf32, #tpu.memory_space<vmem>>)
      %dma_start3A_461 = arith.constant 0 : i32
      %dma_start3A_462 = tpu.memref_slice %arg9[%add3A_450, %dma_start3A_461] : memref<78x128xi32, #tpu.memory_space<vmem>> -> memref<1x128xi32, #tpu.memory_space<vmem>>
      %dma_start3A_463 = tpu.memref_squeeze %dma_start3A_462 : memref<1x128xi32, #tpu.memory_space<vmem>> -> memref<128xi32, #tpu.memory_space<vmem>>
      %dma_start3A_464 = arith.constant 0 : i32
      %dma_start3A_465 = arith.constant 0 : i32
      %dma_start3A_466 = tpu.memref_slice %arg30[%dma_start3A_464, %dma_start3A_465] : memref<10000x64xf32, #tpu.memory_space<vmem_shared>> -> memref<10000x64xf32, #tpu.memory_space<vmem_shared>>
      tpu.enqueue_indirect_dma source(%arg17 : memref<128x64xf32, #tpu.memory_space<vmem>>) target(%dma_start3A_466 : memref<10000x64xf32, #tpu.memory_space<vmem_shared>>) offsets(%dma_start3A_463 : memref<128xi32, #tpu.memory_space<vmem>>) semaphore(%arg29 : memref<!tpu.dma_semaphore, #tpu.memory_space<semaphore_mem>>) {add = true}
      %add3A_467 = arith.constant 6 : i32
      %add3A_468 = arith.addi %add3A_450, %add3A_467 : i32
      %lt3A_469 = arith.constant 78 : i32
      %lt3A_470 = arith.cmpi slt, %add3A_468, %lt3A_469 : i32
      %convert_element_type3A_471 = arith.extui %lt3A_470 : i1 to i32
      %cond3A_472 = arith.constant 0 : i32
      %cond3A_473 = arith.cmpi ne, %convert_element_type3A_471, %cond3A_472 : i32
      scf.if %cond3A_473 {
        %dma_wait3A_474 = arith.constant 0 : i32
        %dma_wait3A_475 = tpu.memref_slice %arg9[%add3A_450, %dma_wait3A_474] : memref<78x128xi32, #tpu.memory_space<vmem>> -> memref<1x128xi32, #tpu.memory_space<vmem>>
        %dma_wait3A_476 = tpu.memref_squeeze %dma_wait3A_475 : memref<1x128xi32, #tpu.memory_space<vmem>> -> memref<128xi32, #tpu.memory_space<vmem>>
        %dma_wait3A_477 = arith.constant 0 : i32
        %dma_wait3A_478 = arith.constant 0 : i32
        %dma_wait3A_479 = tpu.memref_slice %arg30[%dma_wait3A_477, %dma_wait3A_478] : memref<10000x64xf32, #tpu.memory_space<vmem_shared>> -> memref<10000x64xf32, #tpu.memory_space<vmem_shared>>
        tpu.wait_indirect_dma semaphore(%arg29 : memref<!tpu.dma_semaphore, #tpu.memory_space<semaphore_mem>>) src(%arg17 : memref<128x64xf32, #tpu.memory_space<vmem>>) dst(%dma_wait3A_479 : memref<10000x64xf32, #tpu.memory_space<vmem_shared>>)
        %add3A_480 = arith.constant 6 : i32
        %add3A_481 = arith.addi %add3A_450, %add3A_480 : i32
        %dma_start3A_482 = arith.constant 0 : i32
        %dma_start3A_483 = tpu.memref_slice %arg8[%add3A_481, %dma_start3A_482] : memref<78x128xi32, #tpu.memory_space<vmem>> -> memref<1x128xi32, #tpu.memory_space<vmem>>
        %dma_start3A_484 = tpu.memref_squeeze %dma_start3A_483 : memref<1x128xi32, #tpu.memory_space<vmem>> -> memref<128xi32, #tpu.memory_space<vmem>>
        %dma_start3A_485 = arith.constant 0 : i32
        %dma_start3A_486 = arith.constant 0 : i32
        %dma_start3A_487 = tpu.memref_slice %arg6[%scan3A_77, %dma_start3A_485, %dma_start3A_486] : memref<2x10000x64xf32, #tpu.memory_space<hbm>> -> memref<1x10000x64xf32, #tpu.memory_space<hbm>>
        %dma_start3A_488 = tpu.memref_squeeze %dma_start3A_487 : memref<1x10000x64xf32, #tpu.memory_space<hbm>> -> memref<10000x64xf32, #tpu.memory_space<hbm>>
        %dma_start3A_489 = arith.constant 0 : i32
        %dma_start3A_490 = arith.constant 0 : i32
        %dma_start3A_491 = tpu.memref_slice %dma_start3A_488[%dma_start3A_489, %dma_start3A_490] : memref<10000x64xf32, #tpu.memory_space<hbm>> -> memref<10000x64xf32, #tpu.memory_space<hbm>>
        tpu.enqueue_indirect_dma source(%dma_start3A_491 : memref<10000x64xf32, #tpu.memory_space<hbm>>) target(%arg17 : memref<128x64xf32, #tpu.memory_space<vmem>>) offsets(%dma_start3A_484 : memref<128xi32, #tpu.memory_space<vmem>>) semaphore(%arg23 : memref<!tpu.dma_semaphore, #tpu.memory_space<semaphore_mem>>)
      } else {
      }
    }
    %scan3A_82 = arith.constant 13 : i32
    %dma_wait3A = arith.constant 0 : i32
    %dma_wait3A_83 = arith.constant 0 : i32
    %dma_wait3A_84 = tpu.memref_slice %arg9[%dma_wait3A, %dma_wait3A_83] : memref<78x128xi32, #tpu.memory_space<vmem>> -> memref<1x128xi32, #tpu.memory_space<vmem>>
    %dma_wait3A_85 = tpu.memref_squeeze %dma_wait3A_84 : memref<1x128xi32, #tpu.memory_space<vmem>> -> memref<128xi32, #tpu.memory_space<vmem>>
    %dma_wait3A_86 = arith.constant 0 : i32
    %dma_wait3A_87 = arith.constant 0 : i32
    %dma_wait3A_88 = tpu.memref_slice %arg30[%dma_wait3A_86, %dma_wait3A_87] : memref<10000x64xf32, #tpu.memory_space<vmem_shared>> -> memref<10000x64xf32, #tpu.memory_space<vmem_shared>>
    tpu.wait_indirect_dma semaphore(%arg24 : memref<!tpu.dma_semaphore, #tpu.memory_space<semaphore_mem>>) src(%arg12 : memref<128x64xf32, #tpu.memory_space<vmem>>) dst(%dma_wait3A_88 : memref<10000x64xf32, #tpu.memory_space<vmem_shared>>)
    %dma_wait3A_89 = arith.constant 0 : i32
    %dma_wait3A_90 = arith.constant 0 : i32
    %dma_wait3A_91 = tpu.memref_slice %arg9[%dma_wait3A_89, %dma_wait3A_90] : memref<78x128xi32, #tpu.memory_space<vmem>> -> memref<1x128xi32, #tpu.memory_space<vmem>>
    %dma_wait3A_92 = tpu.memref_squeeze %dma_wait3A_91 : memref<1x128xi32, #tpu.memory_space<vmem>> -> memref<128xi32, #tpu.memory_space<vmem>>
    %dma_wait3A_93 = arith.constant 0 : i32
    %dma_wait3A_94 = arith.constant 0 : i32
    %dma_wait3A_95 = tpu.memref_slice %arg30[%dma_wait3A_93, %dma_wait3A_94] : memref<10000x64xf32, #tpu.memory_space<vmem_shared>> -> memref<10000x64xf32, #tpu.memory_space<vmem_shared>>
    tpu.wait_indirect_dma semaphore(%arg25 : memref<!tpu.dma_semaphore, #tpu.memory_space<semaphore_mem>>) src(%arg13 : memref<128x64xf32, #tpu.memory_space<vmem>>) dst(%dma_wait3A_95 : memref<10000x64xf32, #tpu.memory_space<vmem_shared>>)
    %dma_wait3A_96 = arith.constant 0 : i32
    %dma_wait3A_97 = arith.constant 0 : i32
    %dma_wait3A_98 = tpu.memref_slice %arg9[%dma_wait3A_96, %dma_wait3A_97] : memref<78x128xi32, #tpu.memory_space<vmem>> -> memref<1x128xi32, #tpu.memory_space<vmem>>
    %dma_wait3A_99 = tpu.memref_squeeze %dma_wait3A_98 : memref<1x128xi32, #tpu.memory_space<vmem>> -> memref<128xi32, #tpu.memory_space<vmem>>
    %dma_wait3A_100 = arith.constant 0 : i32
    %dma_wait3A_101 = arith.constant 0 : i32
    %dma_wait3A_102 = tpu.memref_slice %arg30[%dma_wait3A_100, %dma_wait3A_101] : memref<10000x64xf32, #tpu.memory_space<vmem_shared>> -> memref<10000x64xf32, #tpu.memory_space<vmem_shared>>
    tpu.wait_indirect_dma semaphore(%arg26 : memref<!tpu.dma_semaphore, #tpu.memory_space<semaphore_mem>>) src(%arg14 : memref<128x64xf32, #tpu.memory_space<vmem>>) dst(%dma_wait3A_102 : memref<10000x64xf32, #tpu.memory_space<vmem_shared>>)
    %dma_wait3A_103 = arith.constant 0 : i32
    %dma_wait3A_104 = arith.constant 0 : i32
    %dma_wait3A_105 = tpu.memref_slice %arg9[%dma_wait3A_103, %dma_wait3A_104] : memref<78x128xi32, #tpu.memory_space<vmem>> -> memref<1x128xi32, #tpu.memory_space<vmem>>
    %dma_wait3A_106 = tpu.memref_squeeze %dma_wait3A_105 : memref<1x128xi32, #tpu.memory_space<vmem>> -> memref<128xi32, #tpu.memory_space<vmem>>
    %dma_wait3A_107 = arith.constant 0 : i32
    %dma_wait3A_108 = arith.constant 0 : i32
    %dma_wait3A_109 = tpu.memref_slice %arg30[%dma_wait3A_107, %dma_wait3A_108] : memref<10000x64xf32, #tpu.memory_space<vmem_shared>> -> memref<10000x64xf32, #tpu.memory_space<vmem_shared>>
    tpu.wait_indirect_dma semaphore(%arg27 : memref<!tpu.dma_semaphore, #tpu.memory_space<semaphore_mem>>) src(%arg15 : memref<128x64xf32, #tpu.memory_space<vmem>>) dst(%dma_wait3A_109 : memref<10000x64xf32, #tpu.memory_space<vmem_shared>>)
    %dma_wait3A_110 = arith.constant 0 : i32
    %dma_wait3A_111 = arith.constant 0 : i32
    %dma_wait3A_112 = tpu.memref_slice %arg9[%dma_wait3A_110, %dma_wait3A_111] : memref<78x128xi32, #tpu.memory_space<vmem>> -> memref<1x128xi32, #tpu.memory_space<vmem>>
    %dma_wait3A_113 = tpu.memref_squeeze %dma_wait3A_112 : memref<1x128xi32, #tpu.memory_space<vmem>> -> memref<128xi32, #tpu.memory_space<vmem>>
    %dma_wait3A_114 = arith.constant 0 : i32
    %dma_wait3A_115 = arith.constant 0 : i32
    %dma_wait3A_116 = tpu.memref_slice %arg30[%dma_wait3A_114, %dma_wait3A_115] : memref<10000x64xf32, #tpu.memory_space<vmem_shared>> -> memref<10000x64xf32, #tpu.memory_space<vmem_shared>>
    tpu.wait_indirect_dma semaphore(%arg28 : memref<!tpu.dma_semaphore, #tpu.memory_space<semaphore_mem>>) src(%arg16 : memref<128x64xf32, #tpu.memory_space<vmem>>) dst(%dma_wait3A_116 : memref<10000x64xf32, #tpu.memory_space<vmem_shared>>)
    %dma_wait3A_117 = arith.constant 0 : i32
    %dma_wait3A_118 = arith.constant 0 : i32
    %dma_wait3A_119 = tpu.memref_slice %arg9[%dma_wait3A_117, %dma_wait3A_118] : memref<78x128xi32, #tpu.memory_space<vmem>> -> memref<1x128xi32, #tpu.memory_space<vmem>>
    %dma_wait3A_120 = tpu.memref_squeeze %dma_wait3A_119 : memref<1x128xi32, #tpu.memory_space<vmem>> -> memref<128xi32, #tpu.memory_space<vmem>>
    %dma_wait3A_121 = arith.constant 0 : i32
    %dma_wait3A_122 = arith.constant 0 : i32
    %dma_wait3A_123 = tpu.memref_slice %arg30[%dma_wait3A_121, %dma_wait3A_122] : memref<10000x64xf32, #tpu.memory_space<vmem_shared>> -> memref<10000x64xf32, #tpu.memory_space<vmem_shared>>
    tpu.wait_indirect_dma semaphore(%arg29 : memref<!tpu.dma_semaphore, #tpu.memory_space<semaphore_mem>>) src(%arg17 : memref<128x64xf32, #tpu.memory_space<vmem>>) dst(%dma_wait3A_123 : memref<10000x64xf32, #tpu.memory_space<vmem_shared>>)
    %dma_start3A_124 = arith.constant 0 : i32
    %dma_start3A_125 = arith.constant 0 : i32
    %dma_start3A_126 = arith.constant 0 : i32
    %dma_start3A_127 = tpu.memref_slice %arg12[%dma_start3A_125, %dma_start3A_126] : memref<128x64xf32, #tpu.memory_space<vmem>> -> memref<16x64xf32, #tpu.memory_space<vmem>>
    %dma_start3A_128 = arith.constant 0 : i32
    %dma_start3A_129 = arith.constant 0 : i32
    %dma_start3A_130 = tpu.memref_slice %arg6[%dma_start3A_124, %dma_start3A_128, %dma_start3A_129] : memref<2x10000x64xf32, #tpu.memory_space<hbm>> -> memref<1x10000x64xf32, #tpu.memory_space<hbm>>
    %dma_start3A_131 = tpu.memref_squeeze %dma_start3A_130 : memref<1x10000x64xf32, #tpu.memory_space<hbm>> -> memref<10000x64xf32, #tpu.memory_space<hbm>>
    %dma_start3A_132 = arith.constant 0 : i32
    %dma_start3A_133 = arith.constant 0 : i32
    %dma_start3A_134 = tpu.memref_slice %dma_start3A_131[%dma_start3A_132, %dma_start3A_133] : memref<10000x64xf32, #tpu.memory_space<hbm>> -> memref<10000x64xf32, #tpu.memory_space<hbm>>
    tpu.enqueue_indirect_dma source(%dma_start3A_134 : memref<10000x64xf32, #tpu.memory_space<hbm>>) target(%dma_start3A_127 : memref<16x64xf32, #tpu.memory_space<vmem>>) offsets(%arg10 : memref<16xi32, #tpu.memory_space<vmem>>) semaphore(%arg18 : memref<!tpu.dma_semaphore, #tpu.memory_space<semaphore_mem>>)
    %dma_wait3A_135 = arith.constant 0 : i32
    %dma_wait3A_136 = arith.constant 0 : i32
    %dma_wait3A_137 = arith.constant 0 : i32
    %dma_wait3A_138 = tpu.memref_slice %arg12[%dma_wait3A_136, %dma_wait3A_137] : memref<128x64xf32, #tpu.memory_space<vmem>> -> memref<16x64xf32, #tpu.memory_space<vmem>>
    %dma_wait3A_139 = arith.constant 0 : i32
    %dma_wait3A_140 = arith.constant 0 : i32
    %dma_wait3A_141 = tpu.memref_slice %arg6[%dma_wait3A_135, %dma_wait3A_139, %dma_wait3A_140] : memref<2x10000x64xf32, #tpu.memory_space<hbm>> -> memref<1x10000x64xf32, #tpu.memory_space<hbm>>
    %dma_wait3A_142 = tpu.memref_squeeze %dma_wait3A_141 : memref<1x10000x64xf32, #tpu.memory_space<hbm>> -> memref<10000x64xf32, #tpu.memory_space<hbm>>
    %dma_wait3A_143 = arith.constant 0 : i32
    %dma_wait3A_144 = arith.constant 0 : i32
    %dma_wait3A_145 = tpu.memref_slice %dma_wait3A_142[%dma_wait3A_143, %dma_wait3A_144] : memref<10000x64xf32, #tpu.memory_space<hbm>> -> memref<10000x64xf32, #tpu.memory_space<hbm>>
    tpu.wait_indirect_dma semaphore(%arg18 : memref<!tpu.dma_semaphore, #tpu.memory_space<semaphore_mem>>) src(%dma_wait3A_145 : memref<10000x64xf32, #tpu.memory_space<hbm>>) dst(%dma_wait3A_138 : memref<16x64xf32, #tpu.memory_space<vmem>>)
    "tpu.region"() ({
      %run_scoped3A_312 = tpu.sem_alloc : memref<!tpu.dma_semaphore, #tpu.memory_space<semaphore_mem>>
      %dma_start3A_313 = arith.constant 0 : i32
      %dma_start3A_314 = arith.constant 0 : i32
      %dma_start3A_315 = tpu.memref_slice %arg12[%dma_start3A_313, %dma_start3A_314] : memref<128x64xf32, #tpu.memory_space<vmem>> -> memref<16x64xf32, #tpu.memory_space<vmem>>
      %dma_start3A_316 = arith.constant 0 : i32
      %dma_start3A_317 = arith.constant 0 : i32
      %dma_start3A_318 = tpu.memref_slice %arg30[%dma_start3A_316, %dma_start3A_317] : memref<10000x64xf32, #tpu.memory_space<vmem_shared>> -> memref<10000x64xf32, #tpu.memory_space<vmem_shared>>
      tpu.enqueue_indirect_dma source(%dma_start3A_315 : memref<16x64xf32, #tpu.memory_space<vmem>>) target(%dma_start3A_318 : memref<10000x64xf32, #tpu.memory_space<vmem_shared>>) offsets(%arg11 : memref<16xi32, #tpu.memory_space<vmem>>) semaphore(%run_scoped3A_312 : memref<!tpu.dma_semaphore, #tpu.memory_space<semaphore_mem>>) {add = true}
      %dma_wait3A_319 = arith.constant 0 : i32
      %dma_wait3A_320 = arith.constant 0 : i32
      %dma_wait3A_321 = tpu.memref_slice %arg12[%dma_wait3A_319, %dma_wait3A_320] : memref<128x64xf32, #tpu.memory_space<vmem>> -> memref<16x64xf32, #tpu.memory_space<vmem>>
      %dma_wait3A_322 = arith.constant 0 : i32
      %dma_wait3A_323 = arith.constant 0 : i32
      %dma_wait3A_324 = tpu.memref_slice %arg30[%dma_wait3A_322, %dma_wait3A_323] : memref<10000x64xf32, #tpu.memory_space<vmem_shared>> -> memref<10000x64xf32, #tpu.memory_space<vmem_shared>>
      tpu.wait_indirect_dma semaphore(%run_scoped3A_312 : memref<!tpu.dma_semaphore, #tpu.memory_space<semaphore_mem>>) src(%dma_wait3A_321 : memref<16x64xf32, #tpu.memory_space<vmem>>) dst(%dma_wait3A_324 : memref<10000x64xf32, #tpu.memory_space<vmem_shared>>)
      tpu.yield
    }) : () -> ()
    %barrier3A_146 = arith.constant 0 : index
    tpu.barrier barrier_id(%barrier3A_146)
    %run_scoped3A_147 = arith.constant 0 : i32
    "tpu.region"() ({
      %run_scoped3A_312 = tpu.sem_alloc : memref<!tpu.dma_semaphore, #tpu.memory_space<semaphore_mem>>
      %dma_start3A_313 = arith.constant 0 : i32
      %dma_start3A_314 = tpu.memref_slice %arg7[%arg0, %run_scoped3A_147, %mul3A_2, %dma_start3A_313] : memref<2x2x10000x64xf32, #tpu.memory_space<hbm>> -> memref<1x1x624x64xf32, #tpu.memory_space<hbm>>
      %dma_start3A_315 = tpu.memref_squeeze %dma_start3A_314 : memref<1x1x624x64xf32, #tpu.memory_space<hbm>> -> memref<624x64xf32, #tpu.memory_space<hbm>>
      %dma_start3A_316 = arith.constant 0 : i32
      %dma_start3A_317 = tpu.memref_slice %arg30[%mul3A_2, %dma_start3A_316] : memref<10000x64xf32, #tpu.memory_space<vmem_shared>> -> memref<624x64xf32, #tpu.memory_space<vmem_shared>>
      tpu.enqueue_dma source(%dma_start3A_317 : memref<624x64xf32, #tpu.memory_space<vmem_shared>>) target(%dma_start3A_315 : memref<624x64xf32, #tpu.memory_space<hbm>>) target_semaphore(%run_scoped3A_312 : memref<!tpu.dma_semaphore, #tpu.memory_space<semaphore_mem>>)
      %dma_wait3A_318 = arith.constant 0 : i32
      %dma_wait3A_319 = tpu.memref_slice %arg7[%arg0, %run_scoped3A_147, %mul3A_2, %dma_wait3A_318] : memref<2x2x10000x64xf32, #tpu.memory_space<hbm>> -> memref<1x1x624x64xf32, #tpu.memory_space<hbm>>
      %dma_wait3A_320 = tpu.memref_squeeze %dma_wait3A_319 : memref<1x1x624x64xf32, #tpu.memory_space<hbm>> -> memref<624x64xf32, #tpu.memory_space<hbm>>
      %dma_wait3A_321 = arith.constant 0 : i32
      %dma_wait3A_322 = tpu.memref_slice %arg30[%mul3A_2, %dma_wait3A_321] : memref<10000x64xf32, #tpu.memory_space<vmem_shared>> -> memref<624x64xf32, #tpu.memory_space<vmem_shared>>
      tpu.wait_dma2 semaphore(%run_scoped3A_312 : memref<!tpu.dma_semaphore, #tpu.memory_space<semaphore_mem>>) src(%dma_wait3A_322 : memref<624x64xf32, #tpu.memory_space<vmem_shared>>) dst(%dma_wait3A_320 : memref<624x64xf32, #tpu.memory_space<hbm>>)
      tpu.yield
    }) : () -> ()
    %eq3A_148 = arith.constant 15 : i32
    %eq3A_149 = arith.cmpi eq, %arg1, %eq3A_148 : i32
    %convert_element_type3A_150 = arith.extui %eq3A_149 : i1 to i32
    %cond3A_151 = arith.constant 0 : i32
    %cond3A_152 = arith.cmpi ne, %convert_element_type3A_150, %cond3A_151 : i32
    scf.if %cond3A_152 {
      %run_scoped3A_312 = arith.constant 0 : i32
      "tpu.region"() ({
        %run_scoped3A_313 = tpu.sem_alloc : memref<!tpu.dma_semaphore, #tpu.memory_space<semaphore_mem>>
        %dma_start3A_314 = arith.constant 9984 : i32
        %dma_start3A_315 = arith.constant 0 : i32
        %dma_start3A_316 = tpu.memref_slice %arg7[%arg0, %run_scoped3A_312, %dma_start3A_314, %dma_start3A_315] : memref<2x2x10000x64xf32, #tpu.memory_space<hbm>> -> memref<1x1x16x64xf32, #tpu.memory_space<hbm>>
        %dma_start3A_317 = tpu.memref_squeeze %dma_start3A_316 : memref<1x1x16x64xf32, #tpu.memory_space<hbm>> -> memref<16x64xf32, #tpu.memory_space<hbm>>
        %dma_start3A_318 = arith.constant 9984 : i32
        %dma_start3A_319 = arith.constant 0 : i32
        %dma_start3A_320 = tpu.memref_slice %arg30[%dma_start3A_318, %dma_start3A_319] : memref<10000x64xf32, #tpu.memory_space<vmem_shared>> -> memref<16x64xf32, #tpu.memory_space<vmem_shared>>
        tpu.enqueue_dma source(%dma_start3A_320 : memref<16x64xf32, #tpu.memory_space<vmem_shared>>) target(%dma_start3A_317 : memref<16x64xf32, #tpu.memory_space<hbm>>) target_semaphore(%run_scoped3A_313 : memref<!tpu.dma_semaphore, #tpu.memory_space<semaphore_mem>>)
        %dma_wait3A_321 = arith.constant 9984 : i32
        %dma_wait3A_322 = arith.constant 0 : i32
        %dma_wait3A_323 = tpu.memref_slice %arg7[%arg0, %run_scoped3A_312, %dma_wait3A_321, %dma_wait3A_322] : memref<2x2x10000x64xf32, #tpu.memory_space<hbm>> -> memref<1x1x16x64xf32, #tpu.memory_space<hbm>>
        %dma_wait3A_324 = tpu.memref_squeeze %dma_wait3A_323 : memref<1x1x16x64xf32, #tpu.memory_space<hbm>> -> memref<16x64xf32, #tpu.memory_space<hbm>>
        %dma_wait3A_325 = arith.constant 9984 : i32
        %dma_wait3A_326 = arith.constant 0 : i32
        %dma_wait3A_327 = tpu.memref_slice %arg30[%dma_wait3A_325, %dma_wait3A_326] : memref<10000x64xf32, #tpu.memory_space<vmem_shared>> -> memref<16x64xf32, #tpu.memory_space<vmem_shared>>
        tpu.wait_dma2 semaphore(%run_scoped3A_313 : memref<!tpu.dma_semaphore, #tpu.memory_space<semaphore_mem>>) src(%dma_wait3A_327 : memref<16x64xf32, #tpu.memory_space<vmem_shared>>) dst(%dma_wait3A_324 : memref<16x64xf32, #tpu.memory_space<hbm>>)
        tpu.yield
      }) : () -> ()
    } else {
    }
    %barrier3A_153 = arith.constant 0 : index
    tpu.barrier barrier_id(%barrier3A_153)
    %run_scoped3A_154 = arith.constant 1 : i32
    "tpu.region"() ({
      %run_scoped3A_312 = tpu.sem_alloc : memref<!tpu.dma_semaphore, #tpu.memory_space<semaphore_mem>>
      %dma_start3A_313 = arith.constant 0 : i32
      %dma_start3A_314 = tpu.memref_slice %arg30[%mul3A_2, %dma_start3A_313] : memref<10000x64xf32, #tpu.memory_space<vmem_shared>> -> memref<624x64xf32, #tpu.memory_space<vmem_shared>>
      %dma_start3A_315 = arith.constant 0 : i32
      %dma_start3A_316 = arith.constant 0 : i32
      %dma_start3A_317 = tpu.memref_slice %arg6[%run_scoped3A_154, %dma_start3A_315, %dma_start3A_316] : memref<2x10000x64xf32, #tpu.memory_space<hbm>> -> memref<1x10000x64xf32, #tpu.memory_space<hbm>>
      %dma_start3A_318 = tpu.memref_squeeze %dma_start3A_317 : memref<1x10000x64xf32, #tpu.memory_space<hbm>> -> memref<10000x64xf32, #tpu.memory_space<hbm>>
      %dma_start3A_319 = arith.constant 0 : i32
      %dma_start3A_320 = tpu.memref_slice %dma_start3A_318[%mul3A_2, %dma_start3A_319] : memref<10000x64xf32, #tpu.memory_space<hbm>> -> memref<624x64xf32, #tpu.memory_space<hbm>>
      tpu.enqueue_dma source(%dma_start3A_320 : memref<624x64xf32, #tpu.memory_space<hbm>>) target(%dma_start3A_314 : memref<624x64xf32, #tpu.memory_space<vmem_shared>>) target_semaphore(%run_scoped3A_312 : memref<!tpu.dma_semaphore, #tpu.memory_space<semaphore_mem>>)
      %dma_wait3A_321 = arith.constant 0 : i32
      %dma_wait3A_322 = tpu.memref_slice %arg30[%mul3A_2, %dma_wait3A_321] : memref<10000x64xf32, #tpu.memory_space<vmem_shared>> -> memref<624x64xf32, #tpu.memory_space<vmem_shared>>
      %dma_wait3A_323 = arith.constant 0 : i32
      %dma_wait3A_324 = arith.constant 0 : i32
      %dma_wait3A_325 = tpu.memref_slice %arg6[%run_scoped3A_154, %dma_wait3A_323, %dma_wait3A_324] : memref<2x10000x64xf32, #tpu.memory_space<hbm>> -> memref<1x10000x64xf32, #tpu.memory_space<hbm>>
      %dma_wait3A_326 = tpu.memref_squeeze %dma_wait3A_325 : memref<1x10000x64xf32, #tpu.memory_space<hbm>> -> memref<10000x64xf32, #tpu.memory_space<hbm>>
      %dma_wait3A_327 = arith.constant 0 : i32
      %dma_wait3A_328 = tpu.memref_slice %dma_wait3A_326[%mul3A_2, %dma_wait3A_327] : memref<10000x64xf32, #tpu.memory_space<hbm>> -> memref<624x64xf32, #tpu.memory_space<hbm>>
      tpu.wait_dma2 semaphore(%run_scoped3A_312 : memref<!tpu.dma_semaphore, #tpu.memory_space<semaphore_mem>>) src(%dma_wait3A_328 : memref<624x64xf32, #tpu.memory_space<hbm>>) dst(%dma_wait3A_322 : memref<624x64xf32, #tpu.memory_space<vmem_shared>>)
      tpu.yield
    }) : () -> ()
    %eq3A_155 = arith.constant 15 : i32
    %eq3A_156 = arith.cmpi eq, %arg1, %eq3A_155 : i32
    %convert_element_type3A_157 = arith.extui %eq3A_156 : i1 to i32
    %cond3A_158 = arith.constant 1 : i32
    %cond3A_159 = arith.constant 0 : i32
    %cond3A_160 = arith.cmpi ne, %convert_element_type3A_157, %cond3A_159 : i32
    scf.if %cond3A_160 {
      "tpu.region"() ({
        %run_scoped3A_312 = tpu.sem_alloc : memref<!tpu.dma_semaphore, #tpu.memory_space<semaphore_mem>>
        %dma_start3A_313 = arith.constant 9984 : i32
        %dma_start3A_314 = arith.constant 0 : i32
        %dma_start3A_315 = tpu.memref_slice %arg30[%dma_start3A_313, %dma_start3A_314] : memref<10000x64xf32, #tpu.memory_space<vmem_shared>> -> memref<16x64xf32, #tpu.memory_space<vmem_shared>>
        %dma_start3A_316 = arith.constant 0 : i32
        %dma_start3A_317 = arith.constant 0 : i32
        %dma_start3A_318 = tpu.memref_slice %arg6[%cond3A_158, %dma_start3A_316, %dma_start3A_317] : memref<2x10000x64xf32, #tpu.memory_space<hbm>> -> memref<1x10000x64xf32, #tpu.memory_space<hbm>>
        %dma_start3A_319 = tpu.memref_squeeze %dma_start3A_318 : memref<1x10000x64xf32, #tpu.memory_space<hbm>> -> memref<10000x64xf32, #tpu.memory_space<hbm>>
        %dma_start3A_320 = arith.constant 9984 : i32
        %dma_start3A_321 = arith.constant 0 : i32
        %dma_start3A_322 = tpu.memref_slice %dma_start3A_319[%dma_start3A_320, %dma_start3A_321] : memref<10000x64xf32, #tpu.memory_space<hbm>> -> memref<16x64xf32, #tpu.memory_space<hbm>>
        tpu.enqueue_dma source(%dma_start3A_322 : memref<16x64xf32, #tpu.memory_space<hbm>>) target(%dma_start3A_315 : memref<16x64xf32, #tpu.memory_space<vmem_shared>>) target_semaphore(%run_scoped3A_312 : memref<!tpu.dma_semaphore, #tpu.memory_space<semaphore_mem>>)
        %dma_wait3A_323 = arith.constant 9984 : i32
        %dma_wait3A_324 = arith.constant 0 : i32
        %dma_wait3A_325 = tpu.memref_slice %arg30[%dma_wait3A_323, %dma_wait3A_324] : memref<10000x64xf32, #tpu.memory_space<vmem_shared>> -> memref<16x64xf32, #tpu.memory_space<vmem_shared>>
        %dma_wait3A_326 = arith.constant 0 : i32
        %dma_wait3A_327 = arith.constant 0 : i32
        %dma_wait3A_328 = tpu.memref_slice %arg6[%cond3A_158, %dma_wait3A_326, %dma_wait3A_327] : memref<2x10000x64xf32, #tpu.memory_space<hbm>> -> memref<1x10000x64xf32, #tpu.memory_space<hbm>>
        %dma_wait3A_329 = tpu.memref_squeeze %dma_wait3A_328 : memref<1x10000x64xf32, #tpu.memory_space<hbm>> -> memref<10000x64xf32, #tpu.memory_space<hbm>>
        %dma_wait3A_330 = arith.constant 9984 : i32
        %dma_wait3A_331 = arith.constant 0 : i32
        %dma_wait3A_332 = tpu.memref_slice %dma_wait3A_329[%dma_wait3A_330, %dma_wait3A_331] : memref<10000x64xf32, #tpu.memory_space<hbm>> -> memref<16x64xf32, #tpu.memory_space<hbm>>
        tpu.wait_dma2 semaphore(%run_scoped3A_312 : memref<!tpu.dma_semaphore, #tpu.memory_space<semaphore_mem>>) src(%dma_wait3A_332 : memref<16x64xf32, #tpu.memory_space<hbm>>) dst(%dma_wait3A_325 : memref<16x64xf32, #tpu.memory_space<vmem_shared>>)
        tpu.yield
      }) : () -> ()
    } else {
    }
    %barrier3A_161 = arith.constant 0 : index
    tpu.barrier barrier_id(%barrier3A_161)
    %dma_start3A_162 = arith.constant 1 : i32
    %dma_start3A_163 = arith.constant 0 : i32
    %dma_start3A_164 = arith.constant 0 : i32
    %dma_start3A_165 = tpu.memref_slice %arg8[%dma_start3A_163, %dma_start3A_164] : memref<78x128xi32, #tpu.memory_space<vmem>> -> memref<1x128xi32, #tpu.memory_space<vmem>>
    %dma_start3A_166 = tpu.memref_squeeze %dma_start3A_165 : memref<1x128xi32, #tpu.memory_space<vmem>> -> memref<128xi32, #tpu.memory_space<vmem>>
    %dma_start3A_167 = arith.constant 0 : i32
    %dma_start3A_168 = arith.constant 0 : i32
    %dma_start3A_169 = tpu.memref_slice %arg6[%dma_start3A_162, %dma_start3A_167, %dma_start3A_168] : memref<2x10000x64xf32, #tpu.memory_space<hbm>> -> memref<1x10000x64xf32, #tpu.memory_space<hbm>>
    %dma_start3A_170 = tpu.memref_squeeze %dma_start3A_169 : memref<1x10000x64xf32, #tpu.memory_space<hbm>> -> memref<10000x64xf32, #tpu.memory_space<hbm>>
    %dma_start3A_171 = arith.constant 0 : i32
    %dma_start3A_172 = arith.constant 0 : i32
    %dma_start3A_173 = tpu.memref_slice %dma_start3A_170[%dma_start3A_171, %dma_start3A_172] : memref<10000x64xf32, #tpu.memory_space<hbm>> -> memref<10000x64xf32, #tpu.memory_space<hbm>>
    tpu.enqueue_indirect_dma source(%dma_start3A_173 : memref<10000x64xf32, #tpu.memory_space<hbm>>) target(%arg12 : memref<128x64xf32, #tpu.memory_space<vmem>>) offsets(%dma_start3A_166 : memref<128xi32, #tpu.memory_space<vmem>>) semaphore(%arg18 : memref<!tpu.dma_semaphore, #tpu.memory_space<semaphore_mem>>)
    %dma_start3A_174 = arith.constant 1 : i32
    %dma_start3A_175 = arith.constant 1 : i32
    %dma_start3A_176 = arith.constant 0 : i32
    %dma_start3A_177 = tpu.memref_slice %arg8[%dma_start3A_175, %dma_start3A_176] : memref<78x128xi32, #tpu.memory_space<vmem>> -> memref<1x128xi32, #tpu.memory_space<vmem>>
    %dma_start3A_178 = tpu.memref_squeeze %dma_start3A_177 : memref<1x128xi32, #tpu.memory_space<vmem>> -> memref<128xi32, #tpu.memory_space<vmem>>
    %dma_start3A_179 = arith.constant 0 : i32
    %dma_start3A_180 = arith.constant 0 : i32
    %dma_start3A_181 = tpu.memref_slice %arg6[%dma_start3A_174, %dma_start3A_179, %dma_start3A_180] : memref<2x10000x64xf32, #tpu.memory_space<hbm>> -> memref<1x10000x64xf32, #tpu.memory_space<hbm>>
    %dma_start3A_182 = tpu.memref_squeeze %dma_start3A_181 : memref<1x10000x64xf32, #tpu.memory_space<hbm>> -> memref<10000x64xf32, #tpu.memory_space<hbm>>
    %dma_start3A_183 = arith.constant 0 : i32
    %dma_start3A_184 = arith.constant 0 : i32
    %dma_start3A_185 = tpu.memref_slice %dma_start3A_182[%dma_start3A_183, %dma_start3A_184] : memref<10000x64xf32, #tpu.memory_space<hbm>> -> memref<10000x64xf32, #tpu.memory_space<hbm>>
    tpu.enqueue_indirect_dma source(%dma_start3A_185 : memref<10000x64xf32, #tpu.memory_space<hbm>>) target(%arg13 : memref<128x64xf32, #tpu.memory_space<vmem>>) offsets(%dma_start3A_178 : memref<128xi32, #tpu.memory_space<vmem>>) semaphore(%arg19 : memref<!tpu.dma_semaphore, #tpu.memory_space<semaphore_mem>>)
    %dma_start3A_186 = arith.constant 1 : i32
    %dma_start3A_187 = arith.constant 2 : i32
    %dma_start3A_188 = arith.constant 0 : i32
    %dma_start3A_189 = tpu.memref_slice %arg8[%dma_start3A_187, %dma_start3A_188] : memref<78x128xi32, #tpu.memory_space<vmem>> -> memref<1x128xi32, #tpu.memory_space<vmem>>
    %dma_start3A_190 = tpu.memref_squeeze %dma_start3A_189 : memref<1x128xi32, #tpu.memory_space<vmem>> -> memref<128xi32, #tpu.memory_space<vmem>>
    %dma_start3A_191 = arith.constant 0 : i32
    %dma_start3A_192 = arith.constant 0 : i32
    %dma_start3A_193 = tpu.memref_slice %arg6[%dma_start3A_186, %dma_start3A_191, %dma_start3A_192] : memref<2x10000x64xf32, #tpu.memory_space<hbm>> -> memref<1x10000x64xf32, #tpu.memory_space<hbm>>
    %dma_start3A_194 = tpu.memref_squeeze %dma_start3A_193 : memref<1x10000x64xf32, #tpu.memory_space<hbm>> -> memref<10000x64xf32, #tpu.memory_space<hbm>>
    %dma_start3A_195 = arith.constant 0 : i32
    %dma_start3A_196 = arith.constant 0 : i32
    %dma_start3A_197 = tpu.memref_slice %dma_start3A_194[%dma_start3A_195, %dma_start3A_196] : memref<10000x64xf32, #tpu.memory_space<hbm>> -> memref<10000x64xf32, #tpu.memory_space<hbm>>
    tpu.enqueue_indirect_dma source(%dma_start3A_197 : memref<10000x64xf32, #tpu.memory_space<hbm>>) target(%arg14 : memref<128x64xf32, #tpu.memory_space<vmem>>) offsets(%dma_start3A_190 : memref<128xi32, #tpu.memory_space<vmem>>) semaphore(%arg20 : memref<!tpu.dma_semaphore, #tpu.memory_space<semaphore_mem>>)
    %dma_start3A_198 = arith.constant 1 : i32
    %dma_start3A_199 = arith.constant 3 : i32
    %dma_start3A_200 = arith.constant 0 : i32
    %dma_start3A_201 = tpu.memref_slice %arg8[%dma_start3A_199, %dma_start3A_200] : memref<78x128xi32, #tpu.memory_space<vmem>> -> memref<1x128xi32, #tpu.memory_space<vmem>>
    %dma_start3A_202 = tpu.memref_squeeze %dma_start3A_201 : memref<1x128xi32, #tpu.memory_space<vmem>> -> memref<128xi32, #tpu.memory_space<vmem>>
    %dma_start3A_203 = arith.constant 0 : i32
    %dma_start3A_204 = arith.constant 0 : i32
    %dma_start3A_205 = tpu.memref_slice %arg6[%dma_start3A_198, %dma_start3A_203, %dma_start3A_204] : memref<2x10000x64xf32, #tpu.memory_space<hbm>> -> memref<1x10000x64xf32, #tpu.memory_space<hbm>>
    %dma_start3A_206 = tpu.memref_squeeze %dma_start3A_205 : memref<1x10000x64xf32, #tpu.memory_space<hbm>> -> memref<10000x64xf32, #tpu.memory_space<hbm>>
    %dma_start3A_207 = arith.constant 0 : i32
    %dma_start3A_208 = arith.constant 0 : i32
    %dma_start3A_209 = tpu.memref_slice %dma_start3A_206[%dma_start3A_207, %dma_start3A_208] : memref<10000x64xf32, #tpu.memory_space<hbm>> -> memref<10000x64xf32, #tpu.memory_space<hbm>>
    tpu.enqueue_indirect_dma source(%dma_start3A_209 : memref<10000x64xf32, #tpu.memory_space<hbm>>) target(%arg15 : memref<128x64xf32, #tpu.memory_space<vmem>>) offsets(%dma_start3A_202 : memref<128xi32, #tpu.memory_space<vmem>>) semaphore(%arg21 : memref<!tpu.dma_semaphore, #tpu.memory_space<semaphore_mem>>)
    %dma_start3A_210 = arith.constant 1 : i32
    %dma_start3A_211 = arith.constant 4 : i32
    %dma_start3A_212 = arith.constant 0 : i32
    %dma_start3A_213 = tpu.memref_slice %arg8[%dma_start3A_211, %dma_start3A_212] : memref<78x128xi32, #tpu.memory_space<vmem>> -> memref<1x128xi32, #tpu.memory_space<vmem>>
    %dma_start3A_214 = tpu.memref_squeeze %dma_start3A_213 : memref<1x128xi32, #tpu.memory_space<vmem>> -> memref<128xi32, #tpu.memory_space<vmem>>
    %dma_start3A_215 = arith.constant 0 : i32
    %dma_start3A_216 = arith.constant 0 : i32
    %dma_start3A_217 = tpu.memref_slice %arg6[%dma_start3A_210, %dma_start3A_215, %dma_start3A_216] : memref<2x10000x64xf32, #tpu.memory_space<hbm>> -> memref<1x10000x64xf32, #tpu.memory_space<hbm>>
    %dma_start3A_218 = tpu.memref_squeeze %dma_start3A_217 : memref<1x10000x64xf32, #tpu.memory_space<hbm>> -> memref<10000x64xf32, #tpu.memory_space<hbm>>
    %dma_start3A_219 = arith.constant 0 : i32
    %dma_start3A_220 = arith.constant 0 : i32
    %dma_start3A_221 = tpu.memref_slice %dma_start3A_218[%dma_start3A_219, %dma_start3A_220] : memref<10000x64xf32, #tpu.memory_space<hbm>> -> memref<10000x64xf32, #tpu.memory_space<hbm>>
    tpu.enqueue_indirect_dma source(%dma_start3A_221 : memref<10000x64xf32, #tpu.memory_space<hbm>>) target(%arg16 : memref<128x64xf32, #tpu.memory_space<vmem>>) offsets(%dma_start3A_214 : memref<128xi32, #tpu.memory_space<vmem>>) semaphore(%arg22 : memref<!tpu.dma_semaphore, #tpu.memory_space<semaphore_mem>>)
    %dma_start3A_222 = arith.constant 1 : i32
    %dma_start3A_223 = arith.constant 5 : i32
    %dma_start3A_224 = arith.constant 0 : i32
    %dma_start3A_225 = tpu.memref_slice %arg8[%dma_start3A_223, %dma_start3A_224] : memref<78x128xi32, #tpu.memory_space<vmem>> -> memref<1x128xi32, #tpu.memory_space<vmem>>
    %dma_start3A_226 = tpu.memref_squeeze %dma_start3A_225 : memref<1x128xi32, #tpu.memory_space<vmem>> -> memref<128xi32, #tpu.memory_space<vmem>>
    %dma_start3A_227 = arith.constant 0 : i32
    %dma_start3A_228 = arith.constant 0 : i32
    %dma_start3A_229 = tpu.memref_slice %arg6[%dma_start3A_222, %dma_start3A_227, %dma_start3A_228] : memref<2x10000x64xf32, #tpu.memory_space<hbm>> -> memref<1x10000x64xf32, #tpu.memory_space<hbm>>
    %dma_start3A_230 = tpu.memref_squeeze %dma_start3A_229 : memref<1x10000x64xf32, #tpu.memory_space<hbm>> -> memref<10000x64xf32, #tpu.memory_space<hbm>>
    %dma_start3A_231 = arith.constant 0 : i32
    %dma_start3A_232 = arith.constant 0 : i32
    %dma_start3A_233 = tpu.memref_slice %dma_start3A_230[%dma_start3A_231, %dma_start3A_232] : memref<10000x64xf32, #tpu.memory_space<hbm>> -> memref<10000x64xf32, #tpu.memory_space<hbm>>
    tpu.enqueue_indirect_dma source(%dma_start3A_233 : memref<10000x64xf32, #tpu.memory_space<hbm>>) target(%arg17 : memref<128x64xf32, #tpu.memory_space<vmem>>) offsets(%dma_start3A_226 : memref<128xi32, #tpu.memory_space<vmem>>) semaphore(%arg23 : memref<!tpu.dma_semaphore, #tpu.memory_space<semaphore_mem>>)
    %scan3A_234 = arith.constant 0 : i32
    %scan3A_235 = arith.constant 1 : i32
    %scan3A_236 = arith.constant 0 : i32
    %scan3A_237 = arith.constant 13 : i32
    %scan3A_238 = arith.addi %scan3A_236, %scan3A_237 : i32
    %scan3A_239 = arith.constant 1 : i32
    scf.for %scan3A_312 = %scan3A_236 to %scan3A_238 step %scan3A_239  : i32 {
      %mul3A_313 = arith.constant 6 : i32
      %mul3A_314 = arith.muli %scan3A_312, %mul3A_313 : i32
      %add3A_315 = arith.constant 0 : i32
      %add3A_316 = arith.addi %mul3A_314, %add3A_315 : i32
      %dma_wait3A_317 = arith.constant 0 : i32
      %dma_wait3A_318 = tpu.memref_slice %arg8[%add3A_316, %dma_wait3A_317] : memref<78x128xi32, #tpu.memory_space<vmem>> -> memref<1x128xi32, #tpu.memory_space<vmem>>
      %dma_wait3A_319 = tpu.memref_squeeze %dma_wait3A_318 : memref<1x128xi32, #tpu.memory_space<vmem>> -> memref<128xi32, #tpu.memory_space<vmem>>
      %dma_wait3A_320 = arith.constant 0 : i32
      %dma_wait3A_321 = arith.constant 0 : i32
      %dma_wait3A_322 = tpu.memref_slice %arg6[%scan3A_235, %dma_wait3A_320, %dma_wait3A_321] : memref<2x10000x64xf32, #tpu.memory_space<hbm>> -> memref<1x10000x64xf32, #tpu.memory_space<hbm>>
      %dma_wait3A_323 = tpu.memref_squeeze %dma_wait3A_322 : memref<1x10000x64xf32, #tpu.memory_space<hbm>> -> memref<10000x64xf32, #tpu.memory_space<hbm>>
      %dma_wait3A_324 = arith.constant 0 : i32
      %dma_wait3A_325 = arith.constant 0 : i32
      %dma_wait3A_326 = tpu.memref_slice %dma_wait3A_323[%dma_wait3A_324, %dma_wait3A_325] : memref<10000x64xf32, #tpu.memory_space<hbm>> -> memref<10000x64xf32, #tpu.memory_space<hbm>>
      tpu.wait_indirect_dma semaphore(%arg18 : memref<!tpu.dma_semaphore, #tpu.memory_space<semaphore_mem>>) src(%dma_wait3A_326 : memref<10000x64xf32, #tpu.memory_space<hbm>>) dst(%arg12 : memref<128x64xf32, #tpu.memory_space<vmem>>)
      %dma_start3A_327 = arith.constant 0 : i32
      %dma_start3A_328 = tpu.memref_slice %arg9[%add3A_316, %dma_start3A_327] : memref<78x128xi32, #tpu.memory_space<vmem>> -> memref<1x128xi32, #tpu.memory_space<vmem>>
      %dma_start3A_329 = tpu.memref_squeeze %dma_start3A_328 : memref<1x128xi32, #tpu.memory_space<vmem>> -> memref<128xi32, #tpu.memory_space<vmem>>
      %dma_start3A_330 = arith.constant 0 : i32
      %dma_start3A_331 = arith.constant 0 : i32
      %dma_start3A_332 = tpu.memref_slice %arg30[%dma_start3A_330, %dma_start3A_331] : memref<10000x64xf32, #tpu.memory_space<vmem_shared>> -> memref<10000x64xf32, #tpu.memory_space<vmem_shared>>
      tpu.enqueue_indirect_dma source(%arg12 : memref<128x64xf32, #tpu.memory_space<vmem>>) target(%dma_start3A_332 : memref<10000x64xf32, #tpu.memory_space<vmem_shared>>) offsets(%dma_start3A_329 : memref<128xi32, #tpu.memory_space<vmem>>) semaphore(%arg24 : memref<!tpu.dma_semaphore, #tpu.memory_space<semaphore_mem>>) {add = true}
      %add3A_333 = arith.constant 6 : i32
      %add3A_334 = arith.addi %add3A_316, %add3A_333 : i32
      %lt3A = arith.constant 78 : i32
      %lt3A_335 = arith.cmpi slt, %add3A_334, %lt3A : i32
      %convert_element_type3A_336 = arith.extui %lt3A_335 : i1 to i32
      %cond3A_337 = arith.constant 0 : i32
      %cond3A_338 = arith.cmpi ne, %convert_element_type3A_336, %cond3A_337 : i32
      scf.if %cond3A_338 {
        %dma_wait3A_474 = arith.constant 0 : i32
        %dma_wait3A_475 = tpu.memref_slice %arg9[%add3A_316, %dma_wait3A_474] : memref<78x128xi32, #tpu.memory_space<vmem>> -> memref<1x128xi32, #tpu.memory_space<vmem>>
        %dma_wait3A_476 = tpu.memref_squeeze %dma_wait3A_475 : memref<1x128xi32, #tpu.memory_space<vmem>> -> memref<128xi32, #tpu.memory_space<vmem>>
        %dma_wait3A_477 = arith.constant 0 : i32
        %dma_wait3A_478 = arith.constant 0 : i32
        %dma_wait3A_479 = tpu.memref_slice %arg30[%dma_wait3A_477, %dma_wait3A_478] : memref<10000x64xf32, #tpu.memory_space<vmem_shared>> -> memref<10000x64xf32, #tpu.memory_space<vmem_shared>>
        tpu.wait_indirect_dma semaphore(%arg24 : memref<!tpu.dma_semaphore, #tpu.memory_space<semaphore_mem>>) src(%arg12 : memref<128x64xf32, #tpu.memory_space<vmem>>) dst(%dma_wait3A_479 : memref<10000x64xf32, #tpu.memory_space<vmem_shared>>)
        %add3A_480 = arith.constant 6 : i32
        %add3A_481 = arith.addi %add3A_316, %add3A_480 : i32
        %dma_start3A_482 = arith.constant 0 : i32
        %dma_start3A_483 = tpu.memref_slice %arg8[%add3A_481, %dma_start3A_482] : memref<78x128xi32, #tpu.memory_space<vmem>> -> memref<1x128xi32, #tpu.memory_space<vmem>>
        %dma_start3A_484 = tpu.memref_squeeze %dma_start3A_483 : memref<1x128xi32, #tpu.memory_space<vmem>> -> memref<128xi32, #tpu.memory_space<vmem>>
        %dma_start3A_485 = arith.constant 0 : i32
        %dma_start3A_486 = arith.constant 0 : i32
        %dma_start3A_487 = tpu.memref_slice %arg6[%scan3A_235, %dma_start3A_485, %dma_start3A_486] : memref<2x10000x64xf32, #tpu.memory_space<hbm>> -> memref<1x10000x64xf32, #tpu.memory_space<hbm>>
        %dma_start3A_488 = tpu.memref_squeeze %dma_start3A_487 : memref<1x10000x64xf32, #tpu.memory_space<hbm>> -> memref<10000x64xf32, #tpu.memory_space<hbm>>
        %dma_start3A_489 = arith.constant 0 : i32
        %dma_start3A_490 = arith.constant 0 : i32
        %dma_start3A_491 = tpu.memref_slice %dma_start3A_488[%dma_start3A_489, %dma_start3A_490] : memref<10000x64xf32, #tpu.memory_space<hbm>> -> memref<10000x64xf32, #tpu.memory_space<hbm>>
        tpu.enqueue_indirect_dma source(%dma_start3A_491 : memref<10000x64xf32, #tpu.memory_space<hbm>>) target(%arg12 : memref<128x64xf32, #tpu.memory_space<vmem>>) offsets(%dma_start3A_484 : memref<128xi32, #tpu.memory_space<vmem>>) semaphore(%arg18 : memref<!tpu.dma_semaphore, #tpu.memory_space<semaphore_mem>>)
      } else {
      }
      %mul3A_339 = arith.constant 6 : i32
      %mul3A_340 = arith.muli %scan3A_312, %mul3A_339 : i32
      %add3A_341 = arith.constant 1 : i32
      %add3A_342 = arith.addi %mul3A_340, %add3A_341 : i32
      %dma_wait3A_343 = arith.constant 0 : i32
      %dma_wait3A_344 = tpu.memref_slice %arg8[%add3A_342, %dma_wait3A_343] : memref<78x128xi32, #tpu.memory_space<vmem>> -> memref<1x128xi32, #tpu.memory_space<vmem>>
      %dma_wait3A_345 = tpu.memref_squeeze %dma_wait3A_344 : memref<1x128xi32, #tpu.memory_space<vmem>> -> memref<128xi32, #tpu.memory_space<vmem>>
      %dma_wait3A_346 = arith.constant 0 : i32
      %dma_wait3A_347 = arith.constant 0 : i32
      %dma_wait3A_348 = tpu.memref_slice %arg6[%scan3A_235, %dma_wait3A_346, %dma_wait3A_347] : memref<2x10000x64xf32, #tpu.memory_space<hbm>> -> memref<1x10000x64xf32, #tpu.memory_space<hbm>>
      %dma_wait3A_349 = tpu.memref_squeeze %dma_wait3A_348 : memref<1x10000x64xf32, #tpu.memory_space<hbm>> -> memref<10000x64xf32, #tpu.memory_space<hbm>>
      %dma_wait3A_350 = arith.constant 0 : i32
      %dma_wait3A_351 = arith.constant 0 : i32
      %dma_wait3A_352 = tpu.memref_slice %dma_wait3A_349[%dma_wait3A_350, %dma_wait3A_351] : memref<10000x64xf32, #tpu.memory_space<hbm>> -> memref<10000x64xf32, #tpu.memory_space<hbm>>
      tpu.wait_indirect_dma semaphore(%arg19 : memref<!tpu.dma_semaphore, #tpu.memory_space<semaphore_mem>>) src(%dma_wait3A_352 : memref<10000x64xf32, #tpu.memory_space<hbm>>) dst(%arg13 : memref<128x64xf32, #tpu.memory_space<vmem>>)
      %dma_start3A_353 = arith.constant 0 : i32
      %dma_start3A_354 = tpu.memref_slice %arg9[%add3A_342, %dma_start3A_353] : memref<78x128xi32, #tpu.memory_space<vmem>> -> memref<1x128xi32, #tpu.memory_space<vmem>>
      %dma_start3A_355 = tpu.memref_squeeze %dma_start3A_354 : memref<1x128xi32, #tpu.memory_space<vmem>> -> memref<128xi32, #tpu.memory_space<vmem>>
      %dma_start3A_356 = arith.constant 0 : i32
      %dma_start3A_357 = arith.constant 0 : i32
      %dma_start3A_358 = tpu.memref_slice %arg30[%dma_start3A_356, %dma_start3A_357] : memref<10000x64xf32, #tpu.memory_space<vmem_shared>> -> memref<10000x64xf32, #tpu.memory_space<vmem_shared>>
      tpu.enqueue_indirect_dma source(%arg13 : memref<128x64xf32, #tpu.memory_space<vmem>>) target(%dma_start3A_358 : memref<10000x64xf32, #tpu.memory_space<vmem_shared>>) offsets(%dma_start3A_355 : memref<128xi32, #tpu.memory_space<vmem>>) semaphore(%arg25 : memref<!tpu.dma_semaphore, #tpu.memory_space<semaphore_mem>>) {add = true}
      %add3A_359 = arith.constant 6 : i32
      %add3A_360 = arith.addi %add3A_342, %add3A_359 : i32
      %lt3A_361 = arith.constant 78 : i32
      %lt3A_362 = arith.cmpi slt, %add3A_360, %lt3A_361 : i32
      %convert_element_type3A_363 = arith.extui %lt3A_362 : i1 to i32
      %cond3A_364 = arith.constant 0 : i32
      %cond3A_365 = arith.cmpi ne, %convert_element_type3A_363, %cond3A_364 : i32
      scf.if %cond3A_365 {
        %dma_wait3A_474 = arith.constant 0 : i32
        %dma_wait3A_475 = tpu.memref_slice %arg9[%add3A_342, %dma_wait3A_474] : memref<78x128xi32, #tpu.memory_space<vmem>> -> memref<1x128xi32, #tpu.memory_space<vmem>>
        %dma_wait3A_476 = tpu.memref_squeeze %dma_wait3A_475 : memref<1x128xi32, #tpu.memory_space<vmem>> -> memref<128xi32, #tpu.memory_space<vmem>>
        %dma_wait3A_477 = arith.constant 0 : i32
        %dma_wait3A_478 = arith.constant 0 : i32
        %dma_wait3A_479 = tpu.memref_slice %arg30[%dma_wait3A_477, %dma_wait3A_478] : memref<10000x64xf32, #tpu.memory_space<vmem_shared>> -> memref<10000x64xf32, #tpu.memory_space<vmem_shared>>
        tpu.wait_indirect_dma semaphore(%arg25 : memref<!tpu.dma_semaphore, #tpu.memory_space<semaphore_mem>>) src(%arg13 : memref<128x64xf32, #tpu.memory_space<vmem>>) dst(%dma_wait3A_479 : memref<10000x64xf32, #tpu.memory_space<vmem_shared>>)
        %add3A_480 = arith.constant 6 : i32
        %add3A_481 = arith.addi %add3A_342, %add3A_480 : i32
        %dma_start3A_482 = arith.constant 0 : i32
        %dma_start3A_483 = tpu.memref_slice %arg8[%add3A_481, %dma_start3A_482] : memref<78x128xi32, #tpu.memory_space<vmem>> -> memref<1x128xi32, #tpu.memory_space<vmem>>
        %dma_start3A_484 = tpu.memref_squeeze %dma_start3A_483 : memref<1x128xi32, #tpu.memory_space<vmem>> -> memref<128xi32, #tpu.memory_space<vmem>>
        %dma_start3A_485 = arith.constant 0 : i32
        %dma_start3A_486 = arith.constant 0 : i32
        %dma_start3A_487 = tpu.memref_slice %arg6[%scan3A_235, %dma_start3A_485, %dma_start3A_486] : memref<2x10000x64xf32, #tpu.memory_space<hbm>> -> memref<1x10000x64xf32, #tpu.memory_space<hbm>>
        %dma_start3A_488 = tpu.memref_squeeze %dma_start3A_487 : memref<1x10000x64xf32, #tpu.memory_space<hbm>> -> memref<10000x64xf32, #tpu.memory_space<hbm>>
        %dma_start3A_489 = arith.constant 0 : i32
        %dma_start3A_490 = arith.constant 0 : i32
        %dma_start3A_491 = tpu.memref_slice %dma_start3A_488[%dma_start3A_489, %dma_start3A_490] : memref<10000x64xf32, #tpu.memory_space<hbm>> -> memref<10000x64xf32, #tpu.memory_space<hbm>>
        tpu.enqueue_indirect_dma source(%dma_start3A_491 : memref<10000x64xf32, #tpu.memory_space<hbm>>) target(%arg13 : memref<128x64xf32, #tpu.memory_space<vmem>>) offsets(%dma_start3A_484 : memref<128xi32, #tpu.memory_space<vmem>>) semaphore(%arg19 : memref<!tpu.dma_semaphore, #tpu.memory_space<semaphore_mem>>)
      } else {
      }
      %mul3A_366 = arith.constant 6 : i32
      %mul3A_367 = arith.muli %scan3A_312, %mul3A_366 : i32
      %add3A_368 = arith.constant 2 : i32
      %add3A_369 = arith.addi %mul3A_367, %add3A_368 : i32
      %dma_wait3A_370 = arith.constant 0 : i32
      %dma_wait3A_371 = tpu.memref_slice %arg8[%add3A_369, %dma_wait3A_370] : memref<78x128xi32, #tpu.memory_space<vmem>> -> memref<1x128xi32, #tpu.memory_space<vmem>>
      %dma_wait3A_372 = tpu.memref_squeeze %dma_wait3A_371 : memref<1x128xi32, #tpu.memory_space<vmem>> -> memref<128xi32, #tpu.memory_space<vmem>>
      %dma_wait3A_373 = arith.constant 0 : i32
      %dma_wait3A_374 = arith.constant 0 : i32
      %dma_wait3A_375 = tpu.memref_slice %arg6[%scan3A_235, %dma_wait3A_373, %dma_wait3A_374] : memref<2x10000x64xf32, #tpu.memory_space<hbm>> -> memref<1x10000x64xf32, #tpu.memory_space<hbm>>
      %dma_wait3A_376 = tpu.memref_squeeze %dma_wait3A_375 : memref<1x10000x64xf32, #tpu.memory_space<hbm>> -> memref<10000x64xf32, #tpu.memory_space<hbm>>
      %dma_wait3A_377 = arith.constant 0 : i32
      %dma_wait3A_378 = arith.constant 0 : i32
      %dma_wait3A_379 = tpu.memref_slice %dma_wait3A_376[%dma_wait3A_377, %dma_wait3A_378] : memref<10000x64xf32, #tpu.memory_space<hbm>> -> memref<10000x64xf32, #tpu.memory_space<hbm>>
      tpu.wait_indirect_dma semaphore(%arg20 : memref<!tpu.dma_semaphore, #tpu.memory_space<semaphore_mem>>) src(%dma_wait3A_379 : memref<10000x64xf32, #tpu.memory_space<hbm>>) dst(%arg14 : memref<128x64xf32, #tpu.memory_space<vmem>>)
      %dma_start3A_380 = arith.constant 0 : i32
      %dma_start3A_381 = tpu.memref_slice %arg9[%add3A_369, %dma_start3A_380] : memref<78x128xi32, #tpu.memory_space<vmem>> -> memref<1x128xi32, #tpu.memory_space<vmem>>
      %dma_start3A_382 = tpu.memref_squeeze %dma_start3A_381 : memref<1x128xi32, #tpu.memory_space<vmem>> -> memref<128xi32, #tpu.memory_space<vmem>>
      %dma_start3A_383 = arith.constant 0 : i32
      %dma_start3A_384 = arith.constant 0 : i32
      %dma_start3A_385 = tpu.memref_slice %arg30[%dma_start3A_383, %dma_start3A_384] : memref<10000x64xf32, #tpu.memory_space<vmem_shared>> -> memref<10000x64xf32, #tpu.memory_space<vmem_shared>>
      tpu.enqueue_indirect_dma source(%arg14 : memref<128x64xf32, #tpu.memory_space<vmem>>) target(%dma_start3A_385 : memref<10000x64xf32, #tpu.memory_space<vmem_shared>>) offsets(%dma_start3A_382 : memref<128xi32, #tpu.memory_space<vmem>>) semaphore(%arg26 : memref<!tpu.dma_semaphore, #tpu.memory_space<semaphore_mem>>) {add = true}
      %add3A_386 = arith.constant 6 : i32
      %add3A_387 = arith.addi %add3A_369, %add3A_386 : i32
      %lt3A_388 = arith.constant 78 : i32
      %lt3A_389 = arith.cmpi slt, %add3A_387, %lt3A_388 : i32
      %convert_element_type3A_390 = arith.extui %lt3A_389 : i1 to i32
      %cond3A_391 = arith.constant 0 : i32
      %cond3A_392 = arith.cmpi ne, %convert_element_type3A_390, %cond3A_391 : i32
      scf.if %cond3A_392 {
        %dma_wait3A_474 = arith.constant 0 : i32
        %dma_wait3A_475 = tpu.memref_slice %arg9[%add3A_369, %dma_wait3A_474] : memref<78x128xi32, #tpu.memory_space<vmem>> -> memref<1x128xi32, #tpu.memory_space<vmem>>
        %dma_wait3A_476 = tpu.memref_squeeze %dma_wait3A_475 : memref<1x128xi32, #tpu.memory_space<vmem>> -> memref<128xi32, #tpu.memory_space<vmem>>
        %dma_wait3A_477 = arith.constant 0 : i32
        %dma_wait3A_478 = arith.constant 0 : i32
        %dma_wait3A_479 = tpu.memref_slice %arg30[%dma_wait3A_477, %dma_wait3A_478] : memref<10000x64xf32, #tpu.memory_space<vmem_shared>> -> memref<10000x64xf32, #tpu.memory_space<vmem_shared>>
        tpu.wait_indirect_dma semaphore(%arg26 : memref<!tpu.dma_semaphore, #tpu.memory_space<semaphore_mem>>) src(%arg14 : memref<128x64xf32, #tpu.memory_space<vmem>>) dst(%dma_wait3A_479 : memref<10000x64xf32, #tpu.memory_space<vmem_shared>>)
        %add3A_480 = arith.constant 6 : i32
        %add3A_481 = arith.addi %add3A_369, %add3A_480 : i32
        %dma_start3A_482 = arith.constant 0 : i32
        %dma_start3A_483 = tpu.memref_slice %arg8[%add3A_481, %dma_start3A_482] : memref<78x128xi32, #tpu.memory_space<vmem>> -> memref<1x128xi32, #tpu.memory_space<vmem>>
        %dma_start3A_484 = tpu.memref_squeeze %dma_start3A_483 : memref<1x128xi32, #tpu.memory_space<vmem>> -> memref<128xi32, #tpu.memory_space<vmem>>
        %dma_start3A_485 = arith.constant 0 : i32
        %dma_start3A_486 = arith.constant 0 : i32
        %dma_start3A_487 = tpu.memref_slice %arg6[%scan3A_235, %dma_start3A_485, %dma_start3A_486] : memref<2x10000x64xf32, #tpu.memory_space<hbm>> -> memref<1x10000x64xf32, #tpu.memory_space<hbm>>
        %dma_start3A_488 = tpu.memref_squeeze %dma_start3A_487 : memref<1x10000x64xf32, #tpu.memory_space<hbm>> -> memref<10000x64xf32, #tpu.memory_space<hbm>>
        %dma_start3A_489 = arith.constant 0 : i32
        %dma_start3A_490 = arith.constant 0 : i32
        %dma_start3A_491 = tpu.memref_slice %dma_start3A_488[%dma_start3A_489, %dma_start3A_490] : memref<10000x64xf32, #tpu.memory_space<hbm>> -> memref<10000x64xf32, #tpu.memory_space<hbm>>
        tpu.enqueue_indirect_dma source(%dma_start3A_491 : memref<10000x64xf32, #tpu.memory_space<hbm>>) target(%arg14 : memref<128x64xf32, #tpu.memory_space<vmem>>) offsets(%dma_start3A_484 : memref<128xi32, #tpu.memory_space<vmem>>) semaphore(%arg20 : memref<!tpu.dma_semaphore, #tpu.memory_space<semaphore_mem>>)
      } else {
      }
      %mul3A_393 = arith.constant 6 : i32
      %mul3A_394 = arith.muli %scan3A_312, %mul3A_393 : i32
      %add3A_395 = arith.constant 3 : i32
      %add3A_396 = arith.addi %mul3A_394, %add3A_395 : i32
      %dma_wait3A_397 = arith.constant 0 : i32
      %dma_wait3A_398 = tpu.memref_slice %arg8[%add3A_396, %dma_wait3A_397] : memref<78x128xi32, #tpu.memory_space<vmem>> -> memref<1x128xi32, #tpu.memory_space<vmem>>
      %dma_wait3A_399 = tpu.memref_squeeze %dma_wait3A_398 : memref<1x128xi32, #tpu.memory_space<vmem>> -> memref<128xi32, #tpu.memory_space<vmem>>
      %dma_wait3A_400 = arith.constant 0 : i32
      %dma_wait3A_401 = arith.constant 0 : i32
      %dma_wait3A_402 = tpu.memref_slice %arg6[%scan3A_235, %dma_wait3A_400, %dma_wait3A_401] : memref<2x10000x64xf32, #tpu.memory_space<hbm>> -> memref<1x10000x64xf32, #tpu.memory_space<hbm>>
      %dma_wait3A_403 = tpu.memref_squeeze %dma_wait3A_402 : memref<1x10000x64xf32, #tpu.memory_space<hbm>> -> memref<10000x64xf32, #tpu.memory_space<hbm>>
      %dma_wait3A_404 = arith.constant 0 : i32
      %dma_wait3A_405 = arith.constant 0 : i32
      %dma_wait3A_406 = tpu.memref_slice %dma_wait3A_403[%dma_wait3A_404, %dma_wait3A_405] : memref<10000x64xf32, #tpu.memory_space<hbm>> -> memref<10000x64xf32, #tpu.memory_space<hbm>>
      tpu.wait_indirect_dma semaphore(%arg21 : memref<!tpu.dma_semaphore, #tpu.memory_space<semaphore_mem>>) src(%dma_wait3A_406 : memref<10000x64xf32, #tpu.memory_space<hbm>>) dst(%arg15 : memref<128x64xf32, #tpu.memory_space<vmem>>)
      %dma_start3A_407 = arith.constant 0 : i32
      %dma_start3A_408 = tpu.memref_slice %arg9[%add3A_396, %dma_start3A_407] : memref<78x128xi32, #tpu.memory_space<vmem>> -> memref<1x128xi32, #tpu.memory_space<vmem>>
      %dma_start3A_409 = tpu.memref_squeeze %dma_start3A_408 : memref<1x128xi32, #tpu.memory_space<vmem>> -> memref<128xi32, #tpu.memory_space<vmem>>
      %dma_start3A_410 = arith.constant 0 : i32
      %dma_start3A_411 = arith.constant 0 : i32
      %dma_start3A_412 = tpu.memref_slice %arg30[%dma_start3A_410, %dma_start3A_411] : memref<10000x64xf32, #tpu.memory_space<vmem_shared>> -> memref<10000x64xf32, #tpu.memory_space<vmem_shared>>
      tpu.enqueue_indirect_dma source(%arg15 : memref<128x64xf32, #tpu.memory_space<vmem>>) target(%dma_start3A_412 : memref<10000x64xf32, #tpu.memory_space<vmem_shared>>) offsets(%dma_start3A_409 : memref<128xi32, #tpu.memory_space<vmem>>) semaphore(%arg27 : memref<!tpu.dma_semaphore, #tpu.memory_space<semaphore_mem>>) {add = true}
      %add3A_413 = arith.constant 6 : i32
      %add3A_414 = arith.addi %add3A_396, %add3A_413 : i32
      %lt3A_415 = arith.constant 78 : i32
      %lt3A_416 = arith.cmpi slt, %add3A_414, %lt3A_415 : i32
      %convert_element_type3A_417 = arith.extui %lt3A_416 : i1 to i32
      %cond3A_418 = arith.constant 0 : i32
      %cond3A_419 = arith.cmpi ne, %convert_element_type3A_417, %cond3A_418 : i32
      scf.if %cond3A_419 {
        %dma_wait3A_474 = arith.constant 0 : i32
        %dma_wait3A_475 = tpu.memref_slice %arg9[%add3A_396, %dma_wait3A_474] : memref<78x128xi32, #tpu.memory_space<vmem>> -> memref<1x128xi32, #tpu.memory_space<vmem>>
        %dma_wait3A_476 = tpu.memref_squeeze %dma_wait3A_475 : memref<1x128xi32, #tpu.memory_space<vmem>> -> memref<128xi32, #tpu.memory_space<vmem>>
        %dma_wait3A_477 = arith.constant 0 : i32
        %dma_wait3A_478 = arith.constant 0 : i32
        %dma_wait3A_479 = tpu.memref_slice %arg30[%dma_wait3A_477, %dma_wait3A_478] : memref<10000x64xf32, #tpu.memory_space<vmem_shared>> -> memref<10000x64xf32, #tpu.memory_space<vmem_shared>>
        tpu.wait_indirect_dma semaphore(%arg27 : memref<!tpu.dma_semaphore, #tpu.memory_space<semaphore_mem>>) src(%arg15 : memref<128x64xf32, #tpu.memory_space<vmem>>) dst(%dma_wait3A_479 : memref<10000x64xf32, #tpu.memory_space<vmem_shared>>)
        %add3A_480 = arith.constant 6 : i32
        %add3A_481 = arith.addi %add3A_396, %add3A_480 : i32
        %dma_start3A_482 = arith.constant 0 : i32
        %dma_start3A_483 = tpu.memref_slice %arg8[%add3A_481, %dma_start3A_482] : memref<78x128xi32, #tpu.memory_space<vmem>> -> memref<1x128xi32, #tpu.memory_space<vmem>>
        %dma_start3A_484 = tpu.memref_squeeze %dma_start3A_483 : memref<1x128xi32, #tpu.memory_space<vmem>> -> memref<128xi32, #tpu.memory_space<vmem>>
        %dma_start3A_485 = arith.constant 0 : i32
        %dma_start3A_486 = arith.constant 0 : i32
        %dma_start3A_487 = tpu.memref_slice %arg6[%scan3A_235, %dma_start3A_485, %dma_start3A_486] : memref<2x10000x64xf32, #tpu.memory_space<hbm>> -> memref<1x10000x64xf32, #tpu.memory_space<hbm>>
        %dma_start3A_488 = tpu.memref_squeeze %dma_start3A_487 : memref<1x10000x64xf32, #tpu.memory_space<hbm>> -> memref<10000x64xf32, #tpu.memory_space<hbm>>
        %dma_start3A_489 = arith.constant 0 : i32
        %dma_start3A_490 = arith.constant 0 : i32
        %dma_start3A_491 = tpu.memref_slice %dma_start3A_488[%dma_start3A_489, %dma_start3A_490] : memref<10000x64xf32, #tpu.memory_space<hbm>> -> memref<10000x64xf32, #tpu.memory_space<hbm>>
        tpu.enqueue_indirect_dma source(%dma_start3A_491 : memref<10000x64xf32, #tpu.memory_space<hbm>>) target(%arg15 : memref<128x64xf32, #tpu.memory_space<vmem>>) offsets(%dma_start3A_484 : memref<128xi32, #tpu.memory_space<vmem>>) semaphore(%arg21 : memref<!tpu.dma_semaphore, #tpu.memory_space<semaphore_mem>>)
      } else {
      }
      %mul3A_420 = arith.constant 6 : i32
      %mul3A_421 = arith.muli %scan3A_312, %mul3A_420 : i32
      %add3A_422 = arith.constant 4 : i32
      %add3A_423 = arith.addi %mul3A_421, %add3A_422 : i32
      %dma_wait3A_424 = arith.constant 0 : i32
      %dma_wait3A_425 = tpu.memref_slice %arg8[%add3A_423, %dma_wait3A_424] : memref<78x128xi32, #tpu.memory_space<vmem>> -> memref<1x128xi32, #tpu.memory_space<vmem>>
      %dma_wait3A_426 = tpu.memref_squeeze %dma_wait3A_425 : memref<1x128xi32, #tpu.memory_space<vmem>> -> memref<128xi32, #tpu.memory_space<vmem>>
      %dma_wait3A_427 = arith.constant 0 : i32
      %dma_wait3A_428 = arith.constant 0 : i32
      %dma_wait3A_429 = tpu.memref_slice %arg6[%scan3A_235, %dma_wait3A_427, %dma_wait3A_428] : memref<2x10000x64xf32, #tpu.memory_space<hbm>> -> memref<1x10000x64xf32, #tpu.memory_space<hbm>>
      %dma_wait3A_430 = tpu.memref_squeeze %dma_wait3A_429 : memref<1x10000x64xf32, #tpu.memory_space<hbm>> -> memref<10000x64xf32, #tpu.memory_space<hbm>>
      %dma_wait3A_431 = arith.constant 0 : i32
      %dma_wait3A_432 = arith.constant 0 : i32
      %dma_wait3A_433 = tpu.memref_slice %dma_wait3A_430[%dma_wait3A_431, %dma_wait3A_432] : memref<10000x64xf32, #tpu.memory_space<hbm>> -> memref<10000x64xf32, #tpu.memory_space<hbm>>
      tpu.wait_indirect_dma semaphore(%arg22 : memref<!tpu.dma_semaphore, #tpu.memory_space<semaphore_mem>>) src(%dma_wait3A_433 : memref<10000x64xf32, #tpu.memory_space<hbm>>) dst(%arg16 : memref<128x64xf32, #tpu.memory_space<vmem>>)
      %dma_start3A_434 = arith.constant 0 : i32
      %dma_start3A_435 = tpu.memref_slice %arg9[%add3A_423, %dma_start3A_434] : memref<78x128xi32, #tpu.memory_space<vmem>> -> memref<1x128xi32, #tpu.memory_space<vmem>>
      %dma_start3A_436 = tpu.memref_squeeze %dma_start3A_435 : memref<1x128xi32, #tpu.memory_space<vmem>> -> memref<128xi32, #tpu.memory_space<vmem>>
      %dma_start3A_437 = arith.constant 0 : i32
      %dma_start3A_438 = arith.constant 0 : i32
      %dma_start3A_439 = tpu.memref_slice %arg30[%dma_start3A_437, %dma_start3A_438] : memref<10000x64xf32, #tpu.memory_space<vmem_shared>> -> memref<10000x64xf32, #tpu.memory_space<vmem_shared>>
      tpu.enqueue_indirect_dma source(%arg16 : memref<128x64xf32, #tpu.memory_space<vmem>>) target(%dma_start3A_439 : memref<10000x64xf32, #tpu.memory_space<vmem_shared>>) offsets(%dma_start3A_436 : memref<128xi32, #tpu.memory_space<vmem>>) semaphore(%arg28 : memref<!tpu.dma_semaphore, #tpu.memory_space<semaphore_mem>>) {add = true}
      %add3A_440 = arith.constant 6 : i32
      %add3A_441 = arith.addi %add3A_423, %add3A_440 : i32
      %lt3A_442 = arith.constant 78 : i32
      %lt3A_443 = arith.cmpi slt, %add3A_441, %lt3A_442 : i32
      %convert_element_type3A_444 = arith.extui %lt3A_443 : i1 to i32
      %cond3A_445 = arith.constant 0 : i32
      %cond3A_446 = arith.cmpi ne, %convert_element_type3A_444, %cond3A_445 : i32
      scf.if %cond3A_446 {
        %dma_wait3A_474 = arith.constant 0 : i32
        %dma_wait3A_475 = tpu.memref_slice %arg9[%add3A_423, %dma_wait3A_474] : memref<78x128xi32, #tpu.memory_space<vmem>> -> memref<1x128xi32, #tpu.memory_space<vmem>>
        %dma_wait3A_476 = tpu.memref_squeeze %dma_wait3A_475 : memref<1x128xi32, #tpu.memory_space<vmem>> -> memref<128xi32, #tpu.memory_space<vmem>>
        %dma_wait3A_477 = arith.constant 0 : i32
        %dma_wait3A_478 = arith.constant 0 : i32
        %dma_wait3A_479 = tpu.memref_slice %arg30[%dma_wait3A_477, %dma_wait3A_478] : memref<10000x64xf32, #tpu.memory_space<vmem_shared>> -> memref<10000x64xf32, #tpu.memory_space<vmem_shared>>
        tpu.wait_indirect_dma semaphore(%arg28 : memref<!tpu.dma_semaphore, #tpu.memory_space<semaphore_mem>>) src(%arg16 : memref<128x64xf32, #tpu.memory_space<vmem>>) dst(%dma_wait3A_479 : memref<10000x64xf32, #tpu.memory_space<vmem_shared>>)
        %add3A_480 = arith.constant 6 : i32
        %add3A_481 = arith.addi %add3A_423, %add3A_480 : i32
        %dma_start3A_482 = arith.constant 0 : i32
        %dma_start3A_483 = tpu.memref_slice %arg8[%add3A_481, %dma_start3A_482] : memref<78x128xi32, #tpu.memory_space<vmem>> -> memref<1x128xi32, #tpu.memory_space<vmem>>
        %dma_start3A_484 = tpu.memref_squeeze %dma_start3A_483 : memref<1x128xi32, #tpu.memory_space<vmem>> -> memref<128xi32, #tpu.memory_space<vmem>>
        %dma_start3A_485 = arith.constant 0 : i32
        %dma_start3A_486 = arith.constant 0 : i32
        %dma_start3A_487 = tpu.memref_slice %arg6[%scan3A_235, %dma_start3A_485, %dma_start3A_486] : memref<2x10000x64xf32, #tpu.memory_space<hbm>> -> memref<1x10000x64xf32, #tpu.memory_space<hbm>>
        %dma_start3A_488 = tpu.memref_squeeze %dma_start3A_487 : memref<1x10000x64xf32, #tpu.memory_space<hbm>> -> memref<10000x64xf32, #tpu.memory_space<hbm>>
        %dma_start3A_489 = arith.constant 0 : i32
        %dma_start3A_490 = arith.constant 0 : i32
        %dma_start3A_491 = tpu.memref_slice %dma_start3A_488[%dma_start3A_489, %dma_start3A_490] : memref<10000x64xf32, #tpu.memory_space<hbm>> -> memref<10000x64xf32, #tpu.memory_space<hbm>>
        tpu.enqueue_indirect_dma source(%dma_start3A_491 : memref<10000x64xf32, #tpu.memory_space<hbm>>) target(%arg16 : memref<128x64xf32, #tpu.memory_space<vmem>>) offsets(%dma_start3A_484 : memref<128xi32, #tpu.memory_space<vmem>>) semaphore(%arg22 : memref<!tpu.dma_semaphore, #tpu.memory_space<semaphore_mem>>)
      } else {
      }
      %mul3A_447 = arith.constant 6 : i32
      %mul3A_448 = arith.muli %scan3A_312, %mul3A_447 : i32
      %add3A_449 = arith.constant 5 : i32
      %add3A_450 = arith.addi %mul3A_448, %add3A_449 : i32
      %dma_wait3A_451 = arith.constant 0 : i32
      %dma_wait3A_452 = tpu.memref_slice %arg8[%add3A_450, %dma_wait3A_451] : memref<78x128xi32, #tpu.memory_space<vmem>> -> memref<1x128xi32, #tpu.memory_space<vmem>>
      %dma_wait3A_453 = tpu.memref_squeeze %dma_wait3A_452 : memref<1x128xi32, #tpu.memory_space<vmem>> -> memref<128xi32, #tpu.memory_space<vmem>>
      %dma_wait3A_454 = arith.constant 0 : i32
      %dma_wait3A_455 = arith.constant 0 : i32
      %dma_wait3A_456 = tpu.memref_slice %arg6[%scan3A_235, %dma_wait3A_454, %dma_wait3A_455] : memref<2x10000x64xf32, #tpu.memory_space<hbm>> -> memref<1x10000x64xf32, #tpu.memory_space<hbm>>
      %dma_wait3A_457 = tpu.memref_squeeze %dma_wait3A_456 : memref<1x10000x64xf32, #tpu.memory_space<hbm>> -> memref<10000x64xf32, #tpu.memory_space<hbm>>
      %dma_wait3A_458 = arith.constant 0 : i32
      %dma_wait3A_459 = arith.constant 0 : i32
      %dma_wait3A_460 = tpu.memref_slice %dma_wait3A_457[%dma_wait3A_458, %dma_wait3A_459] : memref<10000x64xf32, #tpu.memory_space<hbm>> -> memref<10000x64xf32, #tpu.memory_space<hbm>>
      tpu.wait_indirect_dma semaphore(%arg23 : memref<!tpu.dma_semaphore, #tpu.memory_space<semaphore_mem>>) src(%dma_wait3A_460 : memref<10000x64xf32, #tpu.memory_space<hbm>>) dst(%arg17 : memref<128x64xf32, #tpu.memory_space<vmem>>)
      %dma_start3A_461 = arith.constant 0 : i32
      %dma_start3A_462 = tpu.memref_slice %arg9[%add3A_450, %dma_start3A_461] : memref<78x128xi32, #tpu.memory_space<vmem>> -> memref<1x128xi32, #tpu.memory_space<vmem>>
      %dma_start3A_463 = tpu.memref_squeeze %dma_start3A_462 : memref<1x128xi32, #tpu.memory_space<vmem>> -> memref<128xi32, #tpu.memory_space<vmem>>
      %dma_start3A_464 = arith.constant 0 : i32
      %dma_start3A_465 = arith.constant 0 : i32
      %dma_start3A_466 = tpu.memref_slice %arg30[%dma_start3A_464, %dma_start3A_465] : memref<10000x64xf32, #tpu.memory_space<vmem_shared>> -> memref<10000x64xf32, #tpu.memory_space<vmem_shared>>
      tpu.enqueue_indirect_dma source(%arg17 : memref<128x64xf32, #tpu.memory_space<vmem>>) target(%dma_start3A_466 : memref<10000x64xf32, #tpu.memory_space<vmem_shared>>) offsets(%dma_start3A_463 : memref<128xi32, #tpu.memory_space<vmem>>) semaphore(%arg29 : memref<!tpu.dma_semaphore, #tpu.memory_space<semaphore_mem>>) {add = true}
      %add3A_467 = arith.constant 6 : i32
      %add3A_468 = arith.addi %add3A_450, %add3A_467 : i32
      %lt3A_469 = arith.constant 78 : i32
      %lt3A_470 = arith.cmpi slt, %add3A_468, %lt3A_469 : i32
      %convert_element_type3A_471 = arith.extui %lt3A_470 : i1 to i32
      %cond3A_472 = arith.constant 0 : i32
      %cond3A_473 = arith.cmpi ne, %convert_element_type3A_471, %cond3A_472 : i32
      scf.if %cond3A_473 {
        %dma_wait3A_474 = arith.constant 0 : i32
        %dma_wait3A_475 = tpu.memref_slice %arg9[%add3A_450, %dma_wait3A_474] : memref<78x128xi32, #tpu.memory_space<vmem>> -> memref<1x128xi32, #tpu.memory_space<vmem>>
        %dma_wait3A_476 = tpu.memref_squeeze %dma_wait3A_475 : memref<1x128xi32, #tpu.memory_space<vmem>> -> memref<128xi32, #tpu.memory_space<vmem>>
        %dma_wait3A_477 = arith.constant 0 : i32
        %dma_wait3A_478 = arith.constant 0 : i32
        %dma_wait3A_479 = tpu.memref_slice %arg30[%dma_wait3A_477, %dma_wait3A_478] : memref<10000x64xf32, #tpu.memory_space<vmem_shared>> -> memref<10000x64xf32, #tpu.memory_space<vmem_shared>>
        tpu.wait_indirect_dma semaphore(%arg29 : memref<!tpu.dma_semaphore, #tpu.memory_space<semaphore_mem>>) src(%arg17 : memref<128x64xf32, #tpu.memory_space<vmem>>) dst(%dma_wait3A_479 : memref<10000x64xf32, #tpu.memory_space<vmem_shared>>)
        %add3A_480 = arith.constant 6 : i32
        %add3A_481 = arith.addi %add3A_450, %add3A_480 : i32
        %dma_start3A_482 = arith.constant 0 : i32
        %dma_start3A_483 = tpu.memref_slice %arg8[%add3A_481, %dma_start3A_482] : memref<78x128xi32, #tpu.memory_space<vmem>> -> memref<1x128xi32, #tpu.memory_space<vmem>>
        %dma_start3A_484 = tpu.memref_squeeze %dma_start3A_483 : memref<1x128xi32, #tpu.memory_space<vmem>> -> memref<128xi32, #tpu.memory_space<vmem>>
        %dma_start3A_485 = arith.constant 0 : i32
        %dma_start3A_486 = arith.constant 0 : i32
        %dma_start3A_487 = tpu.memref_slice %arg6[%scan3A_235, %dma_start3A_485, %dma_start3A_486] : memref<2x10000x64xf32, #tpu.memory_space<hbm>> -> memref<1x10000x64xf32, #tpu.memory_space<hbm>>
        %dma_start3A_488 = tpu.memref_squeeze %dma_start3A_487 : memref<1x10000x64xf32, #tpu.memory_space<hbm>> -> memref<10000x64xf32, #tpu.memory_space<hbm>>
        %dma_start3A_489 = arith.constant 0 : i32
        %dma_start3A_490 = arith.constant 0 : i32
        %dma_start3A_491 = tpu.memref_slice %dma_start3A_488[%dma_start3A_489, %dma_start3A_490] : memref<10000x64xf32, #tpu.memory_space<hbm>> -> memref<10000x64xf32, #tpu.memory_space<hbm>>
        tpu.enqueue_indirect_dma source(%dma_start3A_491 : memref<10000x64xf32, #tpu.memory_space<hbm>>) target(%arg17 : memref<128x64xf32, #tpu.memory_space<vmem>>) offsets(%dma_start3A_484 : memref<128xi32, #tpu.memory_space<vmem>>) semaphore(%arg23 : memref<!tpu.dma_semaphore, #tpu.memory_space<semaphore_mem>>)
      } else {
      }
    }
    %scan3A_240 = arith.constant 13 : i32
    %dma_wait3A_241 = arith.constant 0 : i32
    %dma_wait3A_242 = arith.constant 0 : i32
    %dma_wait3A_243 = tpu.memref_slice %arg9[%dma_wait3A_241, %dma_wait3A_242] : memref<78x128xi32, #tpu.memory_space<vmem>> -> memref<1x128xi32, #tpu.memory_space<vmem>>
    %dma_wait3A_244 = tpu.memref_squeeze %dma_wait3A_243 : memref<1x128xi32, #tpu.memory_space<vmem>> -> memref<128xi32, #tpu.memory_space<vmem>>
    %dma_wait3A_245 = arith.constant 0 : i32
    %dma_wait3A_246 = arith.constant 0 : i32
    %dma_wait3A_247 = tpu.memref_slice %arg30[%dma_wait3A_245, %dma_wait3A_246] : memref<10000x64xf32, #tpu.memory_space<vmem_shared>> -> memref<10000x64xf32, #tpu.memory_space<vmem_shared>>
    tpu.wait_indirect_dma semaphore(%arg24 : memref<!tpu.dma_semaphore, #tpu.memory_space<semaphore_mem>>) src(%arg12 : memref<128x64xf32, #tpu.memory_space<vmem>>) dst(%dma_wait3A_247 : memref<10000x64xf32, #tpu.memory_space<vmem_shared>>)
    %dma_wait3A_248 = arith.constant 0 : i32
    %dma_wait3A_249 = arith.constant 0 : i32
    %dma_wait3A_250 = tpu.memref_slice %arg9[%dma_wait3A_248, %dma_wait3A_249] : memref<78x128xi32, #tpu.memory_space<vmem>> -> memref<1x128xi32, #tpu.memory_space<vmem>>
    %dma_wait3A_251 = tpu.memref_squeeze %dma_wait3A_250 : memref<1x128xi32, #tpu.memory_space<vmem>> -> memref<128xi32, #tpu.memory_space<vmem>>
    %dma_wait3A_252 = arith.constant 0 : i32
    %dma_wait3A_253 = arith.constant 0 : i32
    %dma_wait3A_254 = tpu.memref_slice %arg30[%dma_wait3A_252, %dma_wait3A_253] : memref<10000x64xf32, #tpu.memory_space<vmem_shared>> -> memref<10000x64xf32, #tpu.memory_space<vmem_shared>>
    tpu.wait_indirect_dma semaphore(%arg25 : memref<!tpu.dma_semaphore, #tpu.memory_space<semaphore_mem>>) src(%arg13 : memref<128x64xf32, #tpu.memory_space<vmem>>) dst(%dma_wait3A_254 : memref<10000x64xf32, #tpu.memory_space<vmem_shared>>)
    %dma_wait3A_255 = arith.constant 0 : i32
    %dma_wait3A_256 = arith.constant 0 : i32
    %dma_wait3A_257 = tpu.memref_slice %arg9[%dma_wait3A_255, %dma_wait3A_256] : memref<78x128xi32, #tpu.memory_space<vmem>> -> memref<1x128xi32, #tpu.memory_space<vmem>>
    %dma_wait3A_258 = tpu.memref_squeeze %dma_wait3A_257 : memref<1x128xi32, #tpu.memory_space<vmem>> -> memref<128xi32, #tpu.memory_space<vmem>>
    %dma_wait3A_259 = arith.constant 0 : i32
    %dma_wait3A_260 = arith.constant 0 : i32
    %dma_wait3A_261 = tpu.memref_slice %arg30[%dma_wait3A_259, %dma_wait3A_260] : memref<10000x64xf32, #tpu.memory_space<vmem_shared>> -> memref<10000x64xf32, #tpu.memory_space<vmem_shared>>
    tpu.wait_indirect_dma semaphore(%arg26 : memref<!tpu.dma_semaphore, #tpu.memory_space<semaphore_mem>>) src(%arg14 : memref<128x64xf32, #tpu.memory_space<vmem>>) dst(%dma_wait3A_261 : memref<10000x64xf32, #tpu.memory_space<vmem_shared>>)
    %dma_wait3A_262 = arith.constant 0 : i32
    %dma_wait3A_263 = arith.constant 0 : i32
    %dma_wait3A_264 = tpu.memref_slice %arg9[%dma_wait3A_262, %dma_wait3A_263] : memref<78x128xi32, #tpu.memory_space<vmem>> -> memref<1x128xi32, #tpu.memory_space<vmem>>
    %dma_wait3A_265 = tpu.memref_squeeze %dma_wait3A_264 : memref<1x128xi32, #tpu.memory_space<vmem>> -> memref<128xi32, #tpu.memory_space<vmem>>
    %dma_wait3A_266 = arith.constant 0 : i32
    %dma_wait3A_267 = arith.constant 0 : i32
    %dma_wait3A_268 = tpu.memref_slice %arg30[%dma_wait3A_266, %dma_wait3A_267] : memref<10000x64xf32, #tpu.memory_space<vmem_shared>> -> memref<10000x64xf32, #tpu.memory_space<vmem_shared>>
    tpu.wait_indirect_dma semaphore(%arg27 : memref<!tpu.dma_semaphore, #tpu.memory_space<semaphore_mem>>) src(%arg15 : memref<128x64xf32, #tpu.memory_space<vmem>>) dst(%dma_wait3A_268 : memref<10000x64xf32, #tpu.memory_space<vmem_shared>>)
    %dma_wait3A_269 = arith.constant 0 : i32
    %dma_wait3A_270 = arith.constant 0 : i32
    %dma_wait3A_271 = tpu.memref_slice %arg9[%dma_wait3A_269, %dma_wait3A_270] : memref<78x128xi32, #tpu.memory_space<vmem>> -> memref<1x128xi32, #tpu.memory_space<vmem>>
    %dma_wait3A_272 = tpu.memref_squeeze %dma_wait3A_271 : memref<1x128xi32, #tpu.memory_space<vmem>> -> memref<128xi32, #tpu.memory_space<vmem>>
    %dma_wait3A_273 = arith.constant 0 : i32
    %dma_wait3A_274 = arith.constant 0 : i32
    %dma_wait3A_275 = tpu.memref_slice %arg30[%dma_wait3A_273, %dma_wait3A_274] : memref<10000x64xf32, #tpu.memory_space<vmem_shared>> -> memref<10000x64xf32, #tpu.memory_space<vmem_shared>>
    tpu.wait_indirect_dma semaphore(%arg28 : memref<!tpu.dma_semaphore, #tpu.memory_space<semaphore_mem>>) src(%arg16 : memref<128x64xf32, #tpu.memory_space<vmem>>) dst(%dma_wait3A_275 : memref<10000x64xf32, #tpu.memory_space<vmem_shared>>)
    %dma_wait3A_276 = arith.constant 0 : i32
    %dma_wait3A_277 = arith.constant 0 : i32
    %dma_wait3A_278 = tpu.memref_slice %arg9[%dma_wait3A_276, %dma_wait3A_277] : memref<78x128xi32, #tpu.memory_space<vmem>> -> memref<1x128xi32, #tpu.memory_space<vmem>>
    %dma_wait3A_279 = tpu.memref_squeeze %dma_wait3A_278 : memref<1x128xi32, #tpu.memory_space<vmem>> -> memref<128xi32, #tpu.memory_space<vmem>>
    %dma_wait3A_280 = arith.constant 0 : i32
    %dma_wait3A_281 = arith.constant 0 : i32
    %dma_wait3A_282 = tpu.memref_slice %arg30[%dma_wait3A_280, %dma_wait3A_281] : memref<10000x64xf32, #tpu.memory_space<vmem_shared>> -> memref<10000x64xf32, #tpu.memory_space<vmem_shared>>
    tpu.wait_indirect_dma semaphore(%arg29 : memref<!tpu.dma_semaphore, #tpu.memory_space<semaphore_mem>>) src(%arg17 : memref<128x64xf32, #tpu.memory_space<vmem>>) dst(%dma_wait3A_282 : memref<10000x64xf32, #tpu.memory_space<vmem_shared>>)
    %dma_start3A_283 = arith.constant 1 : i32
    %dma_start3A_284 = arith.constant 0 : i32
    %dma_start3A_285 = arith.constant 0 : i32
    %dma_start3A_286 = tpu.memref_slice %arg12[%dma_start3A_284, %dma_start3A_285] : memref<128x64xf32, #tpu.memory_space<vmem>> -> memref<16x64xf32, #tpu.memory_space<vmem>>
    %dma_start3A_287 = arith.constant 0 : i32
    %dma_start3A_288 = arith.constant 0 : i32
    %dma_start3A_289 = tpu.memref_slice %arg6[%dma_start3A_283, %dma_start3A_287, %dma_start3A_288] : memref<2x10000x64xf32, #tpu.memory_space<hbm>> -> memref<1x10000x64xf32, #tpu.memory_space<hbm>>
    %dma_start3A_290 = tpu.memref_squeeze %dma_start3A_289 : memref<1x10000x64xf32, #tpu.memory_space<hbm>> -> memref<10000x64xf32, #tpu.memory_space<hbm>>
    %dma_start3A_291 = arith.constant 0 : i32
    %dma_start3A_292 = arith.constant 0 : i32
    %dma_start3A_293 = tpu.memref_slice %dma_start3A_290[%dma_start3A_291, %dma_start3A_292] : memref<10000x64xf32, #tpu.memory_space<hbm>> -> memref<10000x64xf32, #tpu.memory_space<hbm>>
    tpu.enqueue_indirect_dma source(%dma_start3A_293 : memref<10000x64xf32, #tpu.memory_space<hbm>>) target(%dma_start3A_286 : memref<16x64xf32, #tpu.memory_space<vmem>>) offsets(%arg10 : memref<16xi32, #tpu.memory_space<vmem>>) semaphore(%arg18 : memref<!tpu.dma_semaphore, #tpu.memory_space<semaphore_mem>>)
    %dma_wait3A_294 = arith.constant 1 : i32
    %dma_wait3A_295 = arith.constant 0 : i32
    %dma_wait3A_296 = arith.constant 0 : i32
    %dma_wait3A_297 = tpu.memref_slice %arg12[%dma_wait3A_295, %dma_wait3A_296] : memref<128x64xf32, #tpu.memory_space<vmem>> -> memref<16x64xf32, #tpu.memory_space<vmem>>
    %dma_wait3A_298 = arith.constant 0 : i32
    %dma_wait3A_299 = arith.constant 0 : i32
    %dma_wait3A_300 = tpu.memref_slice %arg6[%dma_wait3A_294, %dma_wait3A_298, %dma_wait3A_299] : memref<2x10000x64xf32, #tpu.memory_space<hbm>> -> memref<1x10000x64xf32, #tpu.memory_space<hbm>>
    %dma_wait3A_301 = tpu.memref_squeeze %dma_wait3A_300 : memref<1x10000x64xf32, #tpu.memory_space<hbm>> -> memref<10000x64xf32, #tpu.memory_space<hbm>>
    %dma_wait3A_302 = arith.constant 0 : i32
    %dma_wait3A_303 = arith.constant 0 : i32
    %dma_wait3A_304 = tpu.memref_slice %dma_wait3A_301[%dma_wait3A_302, %dma_wait3A_303] : memref<10000x64xf32, #tpu.memory_space<hbm>> -> memref<10000x64xf32, #tpu.memory_space<hbm>>
    tpu.wait_indirect_dma semaphore(%arg18 : memref<!tpu.dma_semaphore, #tpu.memory_space<semaphore_mem>>) src(%dma_wait3A_304 : memref<10000x64xf32, #tpu.memory_space<hbm>>) dst(%dma_wait3A_297 : memref<16x64xf32, #tpu.memory_space<vmem>>)
    "tpu.region"() ({
      %run_scoped3A_312 = tpu.sem_alloc : memref<!tpu.dma_semaphore, #tpu.memory_space<semaphore_mem>>
      %dma_start3A_313 = arith.constant 0 : i32
      %dma_start3A_314 = arith.constant 0 : i32
      %dma_start3A_315 = tpu.memref_slice %arg12[%dma_start3A_313, %dma_start3A_314] : memref<128x64xf32, #tpu.memory_space<vmem>> -> memref<16x64xf32, #tpu.memory_space<vmem>>
      %dma_start3A_316 = arith.constant 0 : i32
      %dma_start3A_317 = arith.constant 0 : i32
      %dma_start3A_318 = tpu.memref_slice %arg30[%dma_start3A_316, %dma_start3A_317] : memref<10000x64xf32, #tpu.memory_space<vmem_shared>> -> memref<10000x64xf32, #tpu.memory_space<vmem_shared>>
      tpu.enqueue_indirect_dma source(%dma_start3A_315 : memref<16x64xf32, #tpu.memory_space<vmem>>) target(%dma_start3A_318 : memref<10000x64xf32, #tpu.memory_space<vmem_shared>>) offsets(%arg11 : memref<16xi32, #tpu.memory_space<vmem>>) semaphore(%run_scoped3A_312 : memref<!tpu.dma_semaphore, #tpu.memory_space<semaphore_mem>>) {add = true}
      %dma_wait3A_319 = arith.constant 0 : i32
      %dma_wait3A_320 = arith.constant 0 : i32
      %dma_wait3A_321 = tpu.memref_slice %arg12[%dma_wait3A_319, %dma_wait3A_320] : memref<128x64xf32, #tpu.memory_space<vmem>> -> memref<16x64xf32, #tpu.memory_space<vmem>>
      %dma_wait3A_322 = arith.constant 0 : i32
      %dma_wait3A_323 = arith.constant 0 : i32
      %dma_wait3A_324 = tpu.memref_slice %arg30[%dma_wait3A_322, %dma_wait3A_323] : memref<10000x64xf32, #tpu.memory_space<vmem_shared>> -> memref<10000x64xf32, #tpu.memory_space<vmem_shared>>
      tpu.wait_indirect_dma semaphore(%run_scoped3A_312 : memref<!tpu.dma_semaphore, #tpu.memory_space<semaphore_mem>>) src(%dma_wait3A_321 : memref<16x64xf32, #tpu.memory_space<vmem>>) dst(%dma_wait3A_324 : memref<10000x64xf32, #tpu.memory_space<vmem_shared>>)
      tpu.yield
    }) : () -> ()
    %barrier3A_305 = arith.constant 0 : index
    tpu.barrier barrier_id(%barrier3A_305)
    %run_scoped3A_306 = arith.constant 1 : i32
    "tpu.region"() ({
      %run_scoped3A_312 = tpu.sem_alloc : memref<!tpu.dma_semaphore, #tpu.memory_space<semaphore_mem>>
      %dma_start3A_313 = arith.constant 0 : i32
      %dma_start3A_314 = tpu.memref_slice %arg7[%arg0, %run_scoped3A_306, %mul3A_2, %dma_start3A_313] : memref<2x2x10000x64xf32, #tpu.memory_space<hbm>> -> memref<1x1x624x64xf32, #tpu.memory_space<hbm>>
      %dma_start3A_315 = tpu.memref_squeeze %dma_start3A_314 : memref<1x1x624x64xf32, #tpu.memory_space<hbm>> -> memref<624x64xf32, #tpu.memory_space<hbm>>
      %dma_start3A_316 = arith.constant 0 : i32
      %dma_start3A_317 = tpu.memref_slice %arg30[%mul3A_2, %dma_start3A_316] : memref<10000x64xf32, #tpu.memory_space<vmem_shared>> -> memref<624x64xf32, #tpu.memory_space<vmem_shared>>
      tpu.enqueue_dma source(%dma_start3A_317 : memref<624x64xf32, #tpu.memory_space<vmem_shared>>) target(%dma_start3A_315 : memref<624x64xf32, #tpu.memory_space<hbm>>) target_semaphore(%run_scoped3A_312 : memref<!tpu.dma_semaphore, #tpu.memory_space<semaphore_mem>>)
      %dma_wait3A_318 = arith.constant 0 : i32
      %dma_wait3A_319 = tpu.memref_slice %arg7[%arg0, %run_scoped3A_306, %mul3A_2, %dma_wait3A_318] : memref<2x2x10000x64xf32, #tpu.memory_space<hbm>> -> memref<1x1x624x64xf32, #tpu.memory_space<hbm>>
      %dma_wait3A_320 = tpu.memref_squeeze %dma_wait3A_319 : memref<1x1x624x64xf32, #tpu.memory_space<hbm>> -> memref<624x64xf32, #tpu.memory_space<hbm>>
      %dma_wait3A_321 = arith.constant 0 : i32
      %dma_wait3A_322 = tpu.memref_slice %arg30[%mul3A_2, %dma_wait3A_321] : memref<10000x64xf32, #tpu.memory_space<vmem_shared>> -> memref<624x64xf32, #tpu.memory_space<vmem_shared>>
      tpu.wait_dma2 semaphore(%run_scoped3A_312 : memref<!tpu.dma_semaphore, #tpu.memory_space<semaphore_mem>>) src(%dma_wait3A_322 : memref<624x64xf32, #tpu.memory_space<vmem_shared>>) dst(%dma_wait3A_320 : memref<624x64xf32, #tpu.memory_space<hbm>>)
      tpu.yield
    }) : () -> ()
    %eq3A_307 = arith.constant 15 : i32
    %eq3A_308 = arith.cmpi eq, %arg1, %eq3A_307 : i32
    %convert_element_type3A_309 = arith.extui %eq3A_308 : i1 to i32
    %cond3A_310 = arith.constant 0 : i32
    %cond3A_311 = arith.cmpi ne, %convert_element_type3A_309, %cond3A_310 : i32
    scf.if %cond3A_311 {
      %run_scoped3A_312 = arith.constant 1 : i32
      "tpu.region"() ({
        %run_scoped3A_313 = tpu.sem_alloc : memref<!tpu.dma_semaphore, #tpu.memory_space<semaphore_mem>>
        %dma_start3A_314 = arith.constant 9984 : i32
        %dma_start3A_315 = arith.constant 0 : i32
        %dma_start3A_316 = tpu.memref_slice %arg7[%arg0, %run_scoped3A_312, %dma_start3A_314, %dma_start3A_315] : memref<2x2x10000x64xf32, #tpu.memory_space<hbm>> -> memref<1x1x16x64xf32, #tpu.memory_space<hbm>>
        %dma_start3A_317 = tpu.memref_squeeze %dma_start3A_316 : memref<1x1x16x64xf32, #tpu.memory_space<hbm>> -> memref<16x64xf32, #tpu.memory_space<hbm>>
        %dma_start3A_318 = arith.constant 9984 : i32
        %dma_start3A_319 = arith.constant 0 : i32
        %dma_start3A_320 = tpu.memref_slice %arg30[%dma_start3A_318, %dma_start3A_319] : memref<10000x64xf32, #tpu.memory_space<vmem_shared>> -> memref<16x64xf32, #tpu.memory_space<vmem_shared>>
        tpu.enqueue_dma source(%dma_start3A_320 : memref<16x64xf32, #tpu.memory_space<vmem_shared>>) target(%dma_start3A_317 : memref<16x64xf32, #tpu.memory_space<hbm>>) target_semaphore(%run_scoped3A_313 : memref<!tpu.dma_semaphore, #tpu.memory_space<semaphore_mem>>)
        %dma_wait3A_321 = arith.constant 9984 : i32
        %dma_wait3A_322 = arith.constant 0 : i32
        %dma_wait3A_323 = tpu.memref_slice %arg7[%arg0, %run_scoped3A_312, %dma_wait3A_321, %dma_wait3A_322] : memref<2x2x10000x64xf32, #tpu.memory_space<hbm>> -> memref<1x1x16x64xf32, #tpu.memory_space<hbm>>
        %dma_wait3A_324 = tpu.memref_squeeze %dma_wait3A_323 : memref<1x1x16x64xf32, #tpu.memory_space<hbm>> -> memref<16x64xf32, #tpu.memory_space<hbm>>
        %dma_wait3A_325 = arith.constant 9984 : i32
        %dma_wait3A_326 = arith.constant 0 : i32
        %dma_wait3A_327 = tpu.memref_slice %arg30[%dma_wait3A_325, %dma_wait3A_326] : memref<10000x64xf32, #tpu.memory_space<vmem_shared>> -> memref<16x64xf32, #tpu.memory_space<vmem_shared>>
        tpu.wait_dma2 semaphore(%run_scoped3A_313 : memref<!tpu.dma_semaphore, #tpu.memory_space<semaphore_mem>>) src(%dma_wait3A_327 : memref<16x64xf32, #tpu.memory_space<vmem_shared>>) dst(%dma_wait3A_324 : memref<16x64xf32, #tpu.memory_space<hbm>>)
        tpu.yield
      }) : () -> ()
    } else {
    }
    return
  }
}

#map = affine_map<(d0, d1) -> (0, 0, 0)>
#map1 = affine_map<(d0, d1) -> (0, 0)>
#map2 = affine_map<(d0, d1) -> (0, 0, 0, 0)>
module attributes {stable_mosaic.version = 14 : i64} {
  func.func @agg_kernel(%arg0: i32, %arg1: i32, %arg2: memref<32x78x128xi32, #tpu.memory_space<hbm>>, %arg3: memref<32x78x128xi32, #tpu.memory_space<hbm>>, %arg4: memref<32x16xi32, #tpu.memory_space<hbm>>, %arg5: memref<32x16xi32, #tpu.memory_space<hbm>>, %arg6: memref<1x10000x64xf32, #tpu.memory_space<hbm>>, %arg7: memref<2x1x10000x64xf32, #tpu.memory_space<hbm>>, %arg8: memref<78x128xi32, #tpu.memory_space<vmem>>, %arg9: memref<78x128xi32, #tpu.memory_space<vmem>>, %arg10: memref<16xi32, #tpu.memory_space<vmem>>, %arg11: memref<16xi32, #tpu.memory_space<vmem>>, %arg12: memref<128x64xf32, #tpu.memory_space<vmem>>, %arg13: memref<128x64xf32, #tpu.memory_space<vmem>>, %arg14: memref<128x64xf32, #tpu.memory_space<vmem>>, %arg15: memref<128x64xf32, #tpu.memory_space<vmem>>, %arg16: memref<128x64xf32, #tpu.memory_space<vmem>>, %arg17: memref<128x64xf32, #tpu.memory_space<vmem>>, %arg18: memref<!tpu.dma_semaphore, #tpu.memory_space<semaphore_mem>>, %arg19: memref<!tpu.dma_semaphore, #tpu.memory_space<semaphore_mem>>, %arg20: memref<!tpu.dma_semaphore, #tpu.memory_space<semaphore_mem>>, %arg21: memref<!tpu.dma_semaphore, #tpu.memory_space<semaphore_mem>>, %arg22: memref<!tpu.dma_semaphore, #tpu.memory_space<semaphore_mem>>, %arg23: memref<!tpu.dma_semaphore, #tpu.memory_space<semaphore_mem>>, %arg24: memref<!tpu.dma_semaphore, #tpu.memory_space<semaphore_mem>>, %arg25: memref<!tpu.dma_semaphore, #tpu.memory_space<semaphore_mem>>, %arg26: memref<!tpu.dma_semaphore, #tpu.memory_space<semaphore_mem>>, %arg27: memref<!tpu.dma_semaphore, #tpu.memory_space<semaphore_mem>>, %arg28: memref<!tpu.dma_semaphore, #tpu.memory_space<semaphore_mem>>, %arg29: memref<!tpu.dma_semaphore, #tpu.memory_space<semaphore_mem>>, %arg30: memref<10000x64xf32, #tpu.memory_space<vmem_shared>>) attributes {dimension_semantics = [#tpu.dimension_semantics<core_parallel>, #tpu.dimension_semantics<subcore_parallel>], iteration_bounds = array<i64: 2, 16>, scalar_prefetch = 0 : i64, scratch_operands = 23 : i64, tpu.core_type = #tpu.core_type<sc_vector_subcore>, window_params = [{transform_indices = #map}, {transform_indices = #map}, {transform_indices = #map1}, {transform_indices = #map1}, {transform_indices = #map}, {transform_indices = #map2}]} {
    %mul3A = arith.constant 2 : i32
    %mul3A_0 = arith.muli %arg1, %mul3A : i32
    %add3A = arith.addi %mul3A_0, %arg0 : i32
    %mul3A_1 = arith.constant 624 : i32
    %mul3A_2 = arith.muli %arg1, %mul3A_1 : i32
    "tpu.region"() ({
      %run_scoped3A_153 = tpu.sem_alloc : memref<!tpu.dma_semaphore, #tpu.memory_space<semaphore_mem>>
      %dma_start3A_154 = arith.constant 0 : i32
      %dma_start3A_155 = arith.constant 0 : i32
      %dma_start3A_156 = tpu.memref_slice %arg2[%add3A, %dma_start3A_154, %dma_start3A_155] : memref<32x78x128xi32, #tpu.memory_space<hbm>> -> memref<1x78x128xi32, #tpu.memory_space<hbm>>
      %dma_start3A_157 = tpu.memref_squeeze %dma_start3A_156 : memref<1x78x128xi32, #tpu.memory_space<hbm>> -> memref<78x128xi32, #tpu.memory_space<hbm>>
      %dma_start3A_158 = arith.constant 0 : i32
      %dma_start3A_159 = arith.constant 0 : i32
      %dma_start3A_160 = tpu.memref_slice %arg2[%add3A, %dma_start3A_158, %dma_start3A_159] : memref<32x78x128xi32, #tpu.memory_space<hbm>> -> memref<1x78x128xi32, #tpu.memory_space<hbm>>
      %dma_start3A_161 = tpu.memref_squeeze %dma_start3A_160 : memref<1x78x128xi32, #tpu.memory_space<hbm>> -> memref<78x128xi32, #tpu.memory_space<hbm>>
      tpu.enqueue_dma source(%dma_start3A_161 : memref<78x128xi32, #tpu.memory_space<hbm>>) target(%arg8 : memref<78x128xi32, #tpu.memory_space<vmem>>) target_semaphore(%run_scoped3A_153 : memref<!tpu.dma_semaphore, #tpu.memory_space<semaphore_mem>>)
      %dma_wait3A_162 = arith.constant 0 : i32
      %dma_wait3A_163 = arith.constant 0 : i32
      %dma_wait3A_164 = tpu.memref_slice %arg2[%add3A, %dma_wait3A_162, %dma_wait3A_163] : memref<32x78x128xi32, #tpu.memory_space<hbm>> -> memref<1x78x128xi32, #tpu.memory_space<hbm>>
      %dma_wait3A_165 = tpu.memref_squeeze %dma_wait3A_164 : memref<1x78x128xi32, #tpu.memory_space<hbm>> -> memref<78x128xi32, #tpu.memory_space<hbm>>
      %dma_wait3A_166 = arith.constant 0 : i32
      %dma_wait3A_167 = arith.constant 0 : i32
      %dma_wait3A_168 = tpu.memref_slice %arg2[%add3A, %dma_wait3A_166, %dma_wait3A_167] : memref<32x78x128xi32, #tpu.memory_space<hbm>> -> memref<1x78x128xi32, #tpu.memory_space<hbm>>
      %dma_wait3A_169 = tpu.memref_squeeze %dma_wait3A_168 : memref<1x78x128xi32, #tpu.memory_space<hbm>> -> memref<78x128xi32, #tpu.memory_space<hbm>>
      tpu.wait_dma2 semaphore(%run_scoped3A_153 : memref<!tpu.dma_semaphore, #tpu.memory_space<semaphore_mem>>) src(%dma_wait3A_169 : memref<78x128xi32, #tpu.memory_space<hbm>>) dst(%arg8 : memref<78x128xi32, #tpu.memory_space<vmem>>)
      tpu.yield
    }) : () -> ()
    "tpu.region"() ({
      %run_scoped3A_153 = tpu.sem_alloc : memref<!tpu.dma_semaphore, #tpu.memory_space<semaphore_mem>>
      %dma_start3A_154 = arith.constant 0 : i32
      %dma_start3A_155 = arith.constant 0 : i32
      %dma_start3A_156 = tpu.memref_slice %arg3[%add3A, %dma_start3A_154, %dma_start3A_155] : memref<32x78x128xi32, #tpu.memory_space<hbm>> -> memref<1x78x128xi32, #tpu.memory_space<hbm>>
      %dma_start3A_157 = tpu.memref_squeeze %dma_start3A_156 : memref<1x78x128xi32, #tpu.memory_space<hbm>> -> memref<78x128xi32, #tpu.memory_space<hbm>>
      %dma_start3A_158 = arith.constant 0 : i32
      %dma_start3A_159 = arith.constant 0 : i32
      %dma_start3A_160 = tpu.memref_slice %arg3[%add3A, %dma_start3A_158, %dma_start3A_159] : memref<32x78x128xi32, #tpu.memory_space<hbm>> -> memref<1x78x128xi32, #tpu.memory_space<hbm>>
      %dma_start3A_161 = tpu.memref_squeeze %dma_start3A_160 : memref<1x78x128xi32, #tpu.memory_space<hbm>> -> memref<78x128xi32, #tpu.memory_space<hbm>>
      tpu.enqueue_dma source(%dma_start3A_161 : memref<78x128xi32, #tpu.memory_space<hbm>>) target(%arg9 : memref<78x128xi32, #tpu.memory_space<vmem>>) target_semaphore(%run_scoped3A_153 : memref<!tpu.dma_semaphore, #tpu.memory_space<semaphore_mem>>)
      %dma_wait3A_162 = arith.constant 0 : i32
      %dma_wait3A_163 = arith.constant 0 : i32
      %dma_wait3A_164 = tpu.memref_slice %arg3[%add3A, %dma_wait3A_162, %dma_wait3A_163] : memref<32x78x128xi32, #tpu.memory_space<hbm>> -> memref<1x78x128xi32, #tpu.memory_space<hbm>>
      %dma_wait3A_165 = tpu.memref_squeeze %dma_wait3A_164 : memref<1x78x128xi32, #tpu.memory_space<hbm>> -> memref<78x128xi32, #tpu.memory_space<hbm>>
      %dma_wait3A_166 = arith.constant 0 : i32
      %dma_wait3A_167 = arith.constant 0 : i32
      %dma_wait3A_168 = tpu.memref_slice %arg3[%add3A, %dma_wait3A_166, %dma_wait3A_167] : memref<32x78x128xi32, #tpu.memory_space<hbm>> -> memref<1x78x128xi32, #tpu.memory_space<hbm>>
      %dma_wait3A_169 = tpu.memref_squeeze %dma_wait3A_168 : memref<1x78x128xi32, #tpu.memory_space<hbm>> -> memref<78x128xi32, #tpu.memory_space<hbm>>
      tpu.wait_dma2 semaphore(%run_scoped3A_153 : memref<!tpu.dma_semaphore, #tpu.memory_space<semaphore_mem>>) src(%dma_wait3A_169 : memref<78x128xi32, #tpu.memory_space<hbm>>) dst(%arg9 : memref<78x128xi32, #tpu.memory_space<vmem>>)
      tpu.yield
    }) : () -> ()
    "tpu.region"() ({
      %run_scoped3A_153 = tpu.sem_alloc : memref<!tpu.dma_semaphore, #tpu.memory_space<semaphore_mem>>
      %dma_start3A_154 = arith.constant 0 : i32
      %dma_start3A_155 = tpu.memref_slice %arg4[%add3A, %dma_start3A_154] : memref<32x16xi32, #tpu.memory_space<hbm>> -> memref<1x16xi32, #tpu.memory_space<hbm>>
      %dma_start3A_156 = tpu.memref_squeeze %dma_start3A_155 : memref<1x16xi32, #tpu.memory_space<hbm>> -> memref<16xi32, #tpu.memory_space<hbm>>
      %dma_start3A_157 = arith.constant 0 : i32
      %dma_start3A_158 = tpu.memref_slice %arg4[%add3A, %dma_start3A_157] : memref<32x16xi32, #tpu.memory_space<hbm>> -> memref<1x16xi32, #tpu.memory_space<hbm>>
      %dma_start3A_159 = tpu.memref_squeeze %dma_start3A_158 : memref<1x16xi32, #tpu.memory_space<hbm>> -> memref<16xi32, #tpu.memory_space<hbm>>
      tpu.enqueue_dma source(%dma_start3A_159 : memref<16xi32, #tpu.memory_space<hbm>>) target(%arg10 : memref<16xi32, #tpu.memory_space<vmem>>) target_semaphore(%run_scoped3A_153 : memref<!tpu.dma_semaphore, #tpu.memory_space<semaphore_mem>>)
      %dma_wait3A_160 = arith.constant 0 : i32
      %dma_wait3A_161 = tpu.memref_slice %arg4[%add3A, %dma_wait3A_160] : memref<32x16xi32, #tpu.memory_space<hbm>> -> memref<1x16xi32, #tpu.memory_space<hbm>>
      %dma_wait3A_162 = tpu.memref_squeeze %dma_wait3A_161 : memref<1x16xi32, #tpu.memory_space<hbm>> -> memref<16xi32, #tpu.memory_space<hbm>>
      %dma_wait3A_163 = arith.constant 0 : i32
      %dma_wait3A_164 = tpu.memref_slice %arg4[%add3A, %dma_wait3A_163] : memref<32x16xi32, #tpu.memory_space<hbm>> -> memref<1x16xi32, #tpu.memory_space<hbm>>
      %dma_wait3A_165 = tpu.memref_squeeze %dma_wait3A_164 : memref<1x16xi32, #tpu.memory_space<hbm>> -> memref<16xi32, #tpu.memory_space<hbm>>
      tpu.wait_dma2 semaphore(%run_scoped3A_153 : memref<!tpu.dma_semaphore, #tpu.memory_space<semaphore_mem>>) src(%dma_wait3A_165 : memref<16xi32, #tpu.memory_space<hbm>>) dst(%arg10 : memref<16xi32, #tpu.memory_space<vmem>>)
      tpu.yield
    }) : () -> ()
    "tpu.region"() ({
      %run_scoped3A_153 = tpu.sem_alloc : memref<!tpu.dma_semaphore, #tpu.memory_space<semaphore_mem>>
      %dma_start3A_154 = arith.constant 0 : i32
      %dma_start3A_155 = tpu.memref_slice %arg5[%add3A, %dma_start3A_154] : memref<32x16xi32, #tpu.memory_space<hbm>> -> memref<1x16xi32, #tpu.memory_space<hbm>>
      %dma_start3A_156 = tpu.memref_squeeze %dma_start3A_155 : memref<1x16xi32, #tpu.memory_space<hbm>> -> memref<16xi32, #tpu.memory_space<hbm>>
      %dma_start3A_157 = arith.constant 0 : i32
      %dma_start3A_158 = tpu.memref_slice %arg5[%add3A, %dma_start3A_157] : memref<32x16xi32, #tpu.memory_space<hbm>> -> memref<1x16xi32, #tpu.memory_space<hbm>>
      %dma_start3A_159 = tpu.memref_squeeze %dma_start3A_158 : memref<1x16xi32, #tpu.memory_space<hbm>> -> memref<16xi32, #tpu.memory_space<hbm>>
      tpu.enqueue_dma source(%dma_start3A_159 : memref<16xi32, #tpu.memory_space<hbm>>) target(%arg11 : memref<16xi32, #tpu.memory_space<vmem>>) target_semaphore(%run_scoped3A_153 : memref<!tpu.dma_semaphore, #tpu.memory_space<semaphore_mem>>)
      %dma_wait3A_160 = arith.constant 0 : i32
      %dma_wait3A_161 = tpu.memref_slice %arg5[%add3A, %dma_wait3A_160] : memref<32x16xi32, #tpu.memory_space<hbm>> -> memref<1x16xi32, #tpu.memory_space<hbm>>
      %dma_wait3A_162 = tpu.memref_squeeze %dma_wait3A_161 : memref<1x16xi32, #tpu.memory_space<hbm>> -> memref<16xi32, #tpu.memory_space<hbm>>
      %dma_wait3A_163 = arith.constant 0 : i32
      %dma_wait3A_164 = tpu.memref_slice %arg5[%add3A, %dma_wait3A_163] : memref<32x16xi32, #tpu.memory_space<hbm>> -> memref<1x16xi32, #tpu.memory_space<hbm>>
      %dma_wait3A_165 = tpu.memref_squeeze %dma_wait3A_164 : memref<1x16xi32, #tpu.memory_space<hbm>> -> memref<16xi32, #tpu.memory_space<hbm>>
      tpu.wait_dma2 semaphore(%run_scoped3A_153 : memref<!tpu.dma_semaphore, #tpu.memory_space<semaphore_mem>>) src(%dma_wait3A_165 : memref<16xi32, #tpu.memory_space<hbm>>) dst(%arg11 : memref<16xi32, #tpu.memory_space<vmem>>)
      tpu.yield
    }) : () -> ()
    %run_scoped3A = arith.constant 0 : i32
    "tpu.region"() ({
      %run_scoped3A_153 = tpu.sem_alloc : memref<!tpu.dma_semaphore, #tpu.memory_space<semaphore_mem>>
      %dma_start3A_154 = arith.constant 0 : i32
      %dma_start3A_155 = tpu.memref_slice %arg30[%mul3A_2, %dma_start3A_154] : memref<10000x64xf32, #tpu.memory_space<vmem_shared>> -> memref<624x64xf32, #tpu.memory_space<vmem_shared>>
      %dma_start3A_156 = arith.constant 0 : i32
      %dma_start3A_157 = arith.constant 0 : i32
      %dma_start3A_158 = tpu.memref_slice %arg6[%run_scoped3A, %dma_start3A_156, %dma_start3A_157] : memref<1x10000x64xf32, #tpu.memory_space<hbm>> -> memref<1x10000x64xf32, #tpu.memory_space<hbm>>
      %dma_start3A_159 = tpu.memref_squeeze %dma_start3A_158 : memref<1x10000x64xf32, #tpu.memory_space<hbm>> -> memref<10000x64xf32, #tpu.memory_space<hbm>>
      %dma_start3A_160 = arith.constant 0 : i32
      %dma_start3A_161 = tpu.memref_slice %dma_start3A_159[%mul3A_2, %dma_start3A_160] : memref<10000x64xf32, #tpu.memory_space<hbm>> -> memref<624x64xf32, #tpu.memory_space<hbm>>
      tpu.enqueue_dma source(%dma_start3A_161 : memref<624x64xf32, #tpu.memory_space<hbm>>) target(%dma_start3A_155 : memref<624x64xf32, #tpu.memory_space<vmem_shared>>) target_semaphore(%run_scoped3A_153 : memref<!tpu.dma_semaphore, #tpu.memory_space<semaphore_mem>>)
      %dma_wait3A_162 = arith.constant 0 : i32
      %dma_wait3A_163 = tpu.memref_slice %arg30[%mul3A_2, %dma_wait3A_162] : memref<10000x64xf32, #tpu.memory_space<vmem_shared>> -> memref<624x64xf32, #tpu.memory_space<vmem_shared>>
      %dma_wait3A_164 = arith.constant 0 : i32
      %dma_wait3A_165 = arith.constant 0 : i32
      %dma_wait3A_166 = tpu.memref_slice %arg6[%run_scoped3A, %dma_wait3A_164, %dma_wait3A_165] : memref<1x10000x64xf32, #tpu.memory_space<hbm>> -> memref<1x10000x64xf32, #tpu.memory_space<hbm>>
      %dma_wait3A_167 = tpu.memref_squeeze %dma_wait3A_166 : memref<1x10000x64xf32, #tpu.memory_space<hbm>> -> memref<10000x64xf32, #tpu.memory_space<hbm>>
      %dma_wait3A_168 = arith.constant 0 : i32
      %dma_wait3A_169 = tpu.memref_slice %dma_wait3A_167[%mul3A_2, %dma_wait3A_168] : memref<10000x64xf32, #tpu.memory_space<hbm>> -> memref<624x64xf32, #tpu.memory_space<hbm>>
      tpu.wait_dma2 semaphore(%run_scoped3A_153 : memref<!tpu.dma_semaphore, #tpu.memory_space<semaphore_mem>>) src(%dma_wait3A_169 : memref<624x64xf32, #tpu.memory_space<hbm>>) dst(%dma_wait3A_163 : memref<624x64xf32, #tpu.memory_space<vmem_shared>>)
      tpu.yield
    }) : () -> ()
    %eq3A = arith.constant 15 : i32
    %eq3A_3 = arith.cmpi eq, %arg1, %eq3A : i32
    %convert_element_type3A = arith.extui %eq3A_3 : i1 to i32
    %cond3A = arith.constant 0 : i32
    %cond3A_4 = arith.constant 0 : i32
    %cond3A_5 = arith.cmpi ne, %convert_element_type3A, %cond3A_4 : i32
    scf.if %cond3A_5 {
      "tpu.region"() ({
        %run_scoped3A_153 = tpu.sem_alloc : memref<!tpu.dma_semaphore, #tpu.memory_space<semaphore_mem>>
        %dma_start3A_154 = arith.constant 9984 : i32
        %dma_start3A_155 = arith.constant 0 : i32
        %dma_start3A_156 = tpu.memref_slice %arg30[%dma_start3A_154, %dma_start3A_155] : memref<10000x64xf32, #tpu.memory_space<vmem_shared>> -> memref<16x64xf32, #tpu.memory_space<vmem_shared>>
        %dma_start3A_157 = arith.constant 0 : i32
        %dma_start3A_158 = arith.constant 0 : i32
        %dma_start3A_159 = tpu.memref_slice %arg6[%cond3A, %dma_start3A_157, %dma_start3A_158] : memref<1x10000x64xf32, #tpu.memory_space<hbm>> -> memref<1x10000x64xf32, #tpu.memory_space<hbm>>
        %dma_start3A_160 = tpu.memref_squeeze %dma_start3A_159 : memref<1x10000x64xf32, #tpu.memory_space<hbm>> -> memref<10000x64xf32, #tpu.memory_space<hbm>>
        %dma_start3A_161 = arith.constant 9984 : i32
        %dma_start3A_162 = arith.constant 0 : i32
        %dma_start3A_163 = tpu.memref_slice %dma_start3A_160[%dma_start3A_161, %dma_start3A_162] : memref<10000x64xf32, #tpu.memory_space<hbm>> -> memref<16x64xf32, #tpu.memory_space<hbm>>
        tpu.enqueue_dma source(%dma_start3A_163 : memref<16x64xf32, #tpu.memory_space<hbm>>) target(%dma_start3A_156 : memref<16x64xf32, #tpu.memory_space<vmem_shared>>) target_semaphore(%run_scoped3A_153 : memref<!tpu.dma_semaphore, #tpu.memory_space<semaphore_mem>>)
        %dma_wait3A_164 = arith.constant 9984 : i32
        %dma_wait3A_165 = arith.constant 0 : i32
        %dma_wait3A_166 = tpu.memref_slice %arg30[%dma_wait3A_164, %dma_wait3A_165] : memref<10000x64xf32, #tpu.memory_space<vmem_shared>> -> memref<16x64xf32, #tpu.memory_space<vmem_shared>>
        %dma_wait3A_167 = arith.constant 0 : i32
        %dma_wait3A_168 = arith.constant 0 : i32
        %dma_wait3A_169 = tpu.memref_slice %arg6[%cond3A, %dma_wait3A_167, %dma_wait3A_168] : memref<1x10000x64xf32, #tpu.memory_space<hbm>> -> memref<1x10000x64xf32, #tpu.memory_space<hbm>>
        %dma_wait3A_170 = tpu.memref_squeeze %dma_wait3A_169 : memref<1x10000x64xf32, #tpu.memory_space<hbm>> -> memref<10000x64xf32, #tpu.memory_space<hbm>>
        %dma_wait3A_171 = arith.constant 9984 : i32
        %dma_wait3A_172 = arith.constant 0 : i32
        %dma_wait3A_173 = tpu.memref_slice %dma_wait3A_170[%dma_wait3A_171, %dma_wait3A_172] : memref<10000x64xf32, #tpu.memory_space<hbm>> -> memref<16x64xf32, #tpu.memory_space<hbm>>
        tpu.wait_dma2 semaphore(%run_scoped3A_153 : memref<!tpu.dma_semaphore, #tpu.memory_space<semaphore_mem>>) src(%dma_wait3A_173 : memref<16x64xf32, #tpu.memory_space<hbm>>) dst(%dma_wait3A_166 : memref<16x64xf32, #tpu.memory_space<vmem_shared>>)
        tpu.yield
      }) : () -> ()
    } else {
    }
    %barrier3A = arith.constant 0 : index
    tpu.barrier barrier_id(%barrier3A)
    %dma_start3A = arith.constant 0 : i32
    %dma_start3A_6 = arith.constant 0 : i32
    %dma_start3A_7 = arith.constant 0 : i32
    %dma_start3A_8 = tpu.memref_slice %arg8[%dma_start3A_6, %dma_start3A_7] : memref<78x128xi32, #tpu.memory_space<vmem>> -> memref<1x128xi32, #tpu.memory_space<vmem>>
    %dma_start3A_9 = tpu.memref_squeeze %dma_start3A_8 : memref<1x128xi32, #tpu.memory_space<vmem>> -> memref<128xi32, #tpu.memory_space<vmem>>
    %dma_start3A_10 = arith.constant 0 : i32
    %dma_start3A_11 = arith.constant 0 : i32
    %dma_start3A_12 = tpu.memref_slice %arg6[%dma_start3A, %dma_start3A_10, %dma_start3A_11] : memref<1x10000x64xf32, #tpu.memory_space<hbm>> -> memref<1x10000x64xf32, #tpu.memory_space<hbm>>
    %dma_start3A_13 = tpu.memref_squeeze %dma_start3A_12 : memref<1x10000x64xf32, #tpu.memory_space<hbm>> -> memref<10000x64xf32, #tpu.memory_space<hbm>>
    %dma_start3A_14 = arith.constant 0 : i32
    %dma_start3A_15 = arith.constant 0 : i32
    %dma_start3A_16 = tpu.memref_slice %dma_start3A_13[%dma_start3A_14, %dma_start3A_15] : memref<10000x64xf32, #tpu.memory_space<hbm>> -> memref<10000x64xf32, #tpu.memory_space<hbm>>
    tpu.enqueue_indirect_dma source(%dma_start3A_16 : memref<10000x64xf32, #tpu.memory_space<hbm>>) target(%arg12 : memref<128x64xf32, #tpu.memory_space<vmem>>) offsets(%dma_start3A_9 : memref<128xi32, #tpu.memory_space<vmem>>) semaphore(%arg18 : memref<!tpu.dma_semaphore, #tpu.memory_space<semaphore_mem>>)
    %dma_start3A_17 = arith.constant 0 : i32
    %dma_start3A_18 = arith.constant 1 : i32
    %dma_start3A_19 = arith.constant 0 : i32
    %dma_start3A_20 = tpu.memref_slice %arg8[%dma_start3A_18, %dma_start3A_19] : memref<78x128xi32, #tpu.memory_space<vmem>> -> memref<1x128xi32, #tpu.memory_space<vmem>>
    %dma_start3A_21 = tpu.memref_squeeze %dma_start3A_20 : memref<1x128xi32, #tpu.memory_space<vmem>> -> memref<128xi32, #tpu.memory_space<vmem>>
    %dma_start3A_22 = arith.constant 0 : i32
    %dma_start3A_23 = arith.constant 0 : i32
    %dma_start3A_24 = tpu.memref_slice %arg6[%dma_start3A_17, %dma_start3A_22, %dma_start3A_23] : memref<1x10000x64xf32, #tpu.memory_space<hbm>> -> memref<1x10000x64xf32, #tpu.memory_space<hbm>>
    %dma_start3A_25 = tpu.memref_squeeze %dma_start3A_24 : memref<1x10000x64xf32, #tpu.memory_space<hbm>> -> memref<10000x64xf32, #tpu.memory_space<hbm>>
    %dma_start3A_26 = arith.constant 0 : i32
    %dma_start3A_27 = arith.constant 0 : i32
    %dma_start3A_28 = tpu.memref_slice %dma_start3A_25[%dma_start3A_26, %dma_start3A_27] : memref<10000x64xf32, #tpu.memory_space<hbm>> -> memref<10000x64xf32, #tpu.memory_space<hbm>>
    tpu.enqueue_indirect_dma source(%dma_start3A_28 : memref<10000x64xf32, #tpu.memory_space<hbm>>) target(%arg13 : memref<128x64xf32, #tpu.memory_space<vmem>>) offsets(%dma_start3A_21 : memref<128xi32, #tpu.memory_space<vmem>>) semaphore(%arg19 : memref<!tpu.dma_semaphore, #tpu.memory_space<semaphore_mem>>)
    %dma_start3A_29 = arith.constant 0 : i32
    %dma_start3A_30 = arith.constant 2 : i32
    %dma_start3A_31 = arith.constant 0 : i32
    %dma_start3A_32 = tpu.memref_slice %arg8[%dma_start3A_30, %dma_start3A_31] : memref<78x128xi32, #tpu.memory_space<vmem>> -> memref<1x128xi32, #tpu.memory_space<vmem>>
    %dma_start3A_33 = tpu.memref_squeeze %dma_start3A_32 : memref<1x128xi32, #tpu.memory_space<vmem>> -> memref<128xi32, #tpu.memory_space<vmem>>
    %dma_start3A_34 = arith.constant 0 : i32
    %dma_start3A_35 = arith.constant 0 : i32
    %dma_start3A_36 = tpu.memref_slice %arg6[%dma_start3A_29, %dma_start3A_34, %dma_start3A_35] : memref<1x10000x64xf32, #tpu.memory_space<hbm>> -> memref<1x10000x64xf32, #tpu.memory_space<hbm>>
    %dma_start3A_37 = tpu.memref_squeeze %dma_start3A_36 : memref<1x10000x64xf32, #tpu.memory_space<hbm>> -> memref<10000x64xf32, #tpu.memory_space<hbm>>
    %dma_start3A_38 = arith.constant 0 : i32
    %dma_start3A_39 = arith.constant 0 : i32
    %dma_start3A_40 = tpu.memref_slice %dma_start3A_37[%dma_start3A_38, %dma_start3A_39] : memref<10000x64xf32, #tpu.memory_space<hbm>> -> memref<10000x64xf32, #tpu.memory_space<hbm>>
    tpu.enqueue_indirect_dma source(%dma_start3A_40 : memref<10000x64xf32, #tpu.memory_space<hbm>>) target(%arg14 : memref<128x64xf32, #tpu.memory_space<vmem>>) offsets(%dma_start3A_33 : memref<128xi32, #tpu.memory_space<vmem>>) semaphore(%arg20 : memref<!tpu.dma_semaphore, #tpu.memory_space<semaphore_mem>>)
    %dma_start3A_41 = arith.constant 0 : i32
    %dma_start3A_42 = arith.constant 3 : i32
    %dma_start3A_43 = arith.constant 0 : i32
    %dma_start3A_44 = tpu.memref_slice %arg8[%dma_start3A_42, %dma_start3A_43] : memref<78x128xi32, #tpu.memory_space<vmem>> -> memref<1x128xi32, #tpu.memory_space<vmem>>
    %dma_start3A_45 = tpu.memref_squeeze %dma_start3A_44 : memref<1x128xi32, #tpu.memory_space<vmem>> -> memref<128xi32, #tpu.memory_space<vmem>>
    %dma_start3A_46 = arith.constant 0 : i32
    %dma_start3A_47 = arith.constant 0 : i32
    %dma_start3A_48 = tpu.memref_slice %arg6[%dma_start3A_41, %dma_start3A_46, %dma_start3A_47] : memref<1x10000x64xf32, #tpu.memory_space<hbm>> -> memref<1x10000x64xf32, #tpu.memory_space<hbm>>
    %dma_start3A_49 = tpu.memref_squeeze %dma_start3A_48 : memref<1x10000x64xf32, #tpu.memory_space<hbm>> -> memref<10000x64xf32, #tpu.memory_space<hbm>>
    %dma_start3A_50 = arith.constant 0 : i32
    %dma_start3A_51 = arith.constant 0 : i32
    %dma_start3A_52 = tpu.memref_slice %dma_start3A_49[%dma_start3A_50, %dma_start3A_51] : memref<10000x64xf32, #tpu.memory_space<hbm>> -> memref<10000x64xf32, #tpu.memory_space<hbm>>
    tpu.enqueue_indirect_dma source(%dma_start3A_52 : memref<10000x64xf32, #tpu.memory_space<hbm>>) target(%arg15 : memref<128x64xf32, #tpu.memory_space<vmem>>) offsets(%dma_start3A_45 : memref<128xi32, #tpu.memory_space<vmem>>) semaphore(%arg21 : memref<!tpu.dma_semaphore, #tpu.memory_space<semaphore_mem>>)
    %dma_start3A_53 = arith.constant 0 : i32
    %dma_start3A_54 = arith.constant 4 : i32
    %dma_start3A_55 = arith.constant 0 : i32
    %dma_start3A_56 = tpu.memref_slice %arg8[%dma_start3A_54, %dma_start3A_55] : memref<78x128xi32, #tpu.memory_space<vmem>> -> memref<1x128xi32, #tpu.memory_space<vmem>>
    %dma_start3A_57 = tpu.memref_squeeze %dma_start3A_56 : memref<1x128xi32, #tpu.memory_space<vmem>> -> memref<128xi32, #tpu.memory_space<vmem>>
    %dma_start3A_58 = arith.constant 0 : i32
    %dma_start3A_59 = arith.constant 0 : i32
    %dma_start3A_60 = tpu.memref_slice %arg6[%dma_start3A_53, %dma_start3A_58, %dma_start3A_59] : memref<1x10000x64xf32, #tpu.memory_space<hbm>> -> memref<1x10000x64xf32, #tpu.memory_space<hbm>>
    %dma_start3A_61 = tpu.memref_squeeze %dma_start3A_60 : memref<1x10000x64xf32, #tpu.memory_space<hbm>> -> memref<10000x64xf32, #tpu.memory_space<hbm>>
    %dma_start3A_62 = arith.constant 0 : i32
    %dma_start3A_63 = arith.constant 0 : i32
    %dma_start3A_64 = tpu.memref_slice %dma_start3A_61[%dma_start3A_62, %dma_start3A_63] : memref<10000x64xf32, #tpu.memory_space<hbm>> -> memref<10000x64xf32, #tpu.memory_space<hbm>>
    tpu.enqueue_indirect_dma source(%dma_start3A_64 : memref<10000x64xf32, #tpu.memory_space<hbm>>) target(%arg16 : memref<128x64xf32, #tpu.memory_space<vmem>>) offsets(%dma_start3A_57 : memref<128xi32, #tpu.memory_space<vmem>>) semaphore(%arg22 : memref<!tpu.dma_semaphore, #tpu.memory_space<semaphore_mem>>)
    %dma_start3A_65 = arith.constant 0 : i32
    %dma_start3A_66 = arith.constant 5 : i32
    %dma_start3A_67 = arith.constant 0 : i32
    %dma_start3A_68 = tpu.memref_slice %arg8[%dma_start3A_66, %dma_start3A_67] : memref<78x128xi32, #tpu.memory_space<vmem>> -> memref<1x128xi32, #tpu.memory_space<vmem>>
    %dma_start3A_69 = tpu.memref_squeeze %dma_start3A_68 : memref<1x128xi32, #tpu.memory_space<vmem>> -> memref<128xi32, #tpu.memory_space<vmem>>
    %dma_start3A_70 = arith.constant 0 : i32
    %dma_start3A_71 = arith.constant 0 : i32
    %dma_start3A_72 = tpu.memref_slice %arg6[%dma_start3A_65, %dma_start3A_70, %dma_start3A_71] : memref<1x10000x64xf32, #tpu.memory_space<hbm>> -> memref<1x10000x64xf32, #tpu.memory_space<hbm>>
    %dma_start3A_73 = tpu.memref_squeeze %dma_start3A_72 : memref<1x10000x64xf32, #tpu.memory_space<hbm>> -> memref<10000x64xf32, #tpu.memory_space<hbm>>
    %dma_start3A_74 = arith.constant 0 : i32
    %dma_start3A_75 = arith.constant 0 : i32
    %dma_start3A_76 = tpu.memref_slice %dma_start3A_73[%dma_start3A_74, %dma_start3A_75] : memref<10000x64xf32, #tpu.memory_space<hbm>> -> memref<10000x64xf32, #tpu.memory_space<hbm>>
    tpu.enqueue_indirect_dma source(%dma_start3A_76 : memref<10000x64xf32, #tpu.memory_space<hbm>>) target(%arg17 : memref<128x64xf32, #tpu.memory_space<vmem>>) offsets(%dma_start3A_69 : memref<128xi32, #tpu.memory_space<vmem>>) semaphore(%arg23 : memref<!tpu.dma_semaphore, #tpu.memory_space<semaphore_mem>>)
    %scan3A = arith.constant 0 : i32
    %scan3A_77 = arith.constant 0 : i32
    %scan3A_78 = arith.constant 0 : i32
    %scan3A_79 = arith.constant 13 : i32
    %scan3A_80 = arith.addi %scan3A_78, %scan3A_79 : i32
    %scan3A_81 = arith.constant 1 : i32
    scf.for %scan3A_153 = %scan3A_78 to %scan3A_80 step %scan3A_81  : i32 {
      %mul3A_154 = arith.constant 6 : i32
      %mul3A_155 = arith.muli %scan3A_153, %mul3A_154 : i32
      %add3A_156 = arith.constant 0 : i32
      %add3A_157 = arith.addi %mul3A_155, %add3A_156 : i32
      %dma_wait3A_158 = arith.constant 0 : i32
      %dma_wait3A_159 = tpu.memref_slice %arg8[%add3A_157, %dma_wait3A_158] : memref<78x128xi32, #tpu.memory_space<vmem>> -> memref<1x128xi32, #tpu.memory_space<vmem>>
      %dma_wait3A_160 = tpu.memref_squeeze %dma_wait3A_159 : memref<1x128xi32, #tpu.memory_space<vmem>> -> memref<128xi32, #tpu.memory_space<vmem>>
      %dma_wait3A_161 = arith.constant 0 : i32
      %dma_wait3A_162 = arith.constant 0 : i32
      %dma_wait3A_163 = tpu.memref_slice %arg6[%scan3A_77, %dma_wait3A_161, %dma_wait3A_162] : memref<1x10000x64xf32, #tpu.memory_space<hbm>> -> memref<1x10000x64xf32, #tpu.memory_space<hbm>>
      %dma_wait3A_164 = tpu.memref_squeeze %dma_wait3A_163 : memref<1x10000x64xf32, #tpu.memory_space<hbm>> -> memref<10000x64xf32, #tpu.memory_space<hbm>>
      %dma_wait3A_165 = arith.constant 0 : i32
      %dma_wait3A_166 = arith.constant 0 : i32
      %dma_wait3A_167 = tpu.memref_slice %dma_wait3A_164[%dma_wait3A_165, %dma_wait3A_166] : memref<10000x64xf32, #tpu.memory_space<hbm>> -> memref<10000x64xf32, #tpu.memory_space<hbm>>
      tpu.wait_indirect_dma semaphore(%arg18 : memref<!tpu.dma_semaphore, #tpu.memory_space<semaphore_mem>>) src(%dma_wait3A_167 : memref<10000x64xf32, #tpu.memory_space<hbm>>) dst(%arg12 : memref<128x64xf32, #tpu.memory_space<vmem>>)
      %dma_start3A_168 = arith.constant 0 : i32
      %dma_start3A_169 = tpu.memref_slice %arg9[%add3A_157, %dma_start3A_168] : memref<78x128xi32, #tpu.memory_space<vmem>> -> memref<1x128xi32, #tpu.memory_space<vmem>>
      %dma_start3A_170 = tpu.memref_squeeze %dma_start3A_169 : memref<1x128xi32, #tpu.memory_space<vmem>> -> memref<128xi32, #tpu.memory_space<vmem>>
      %dma_start3A_171 = arith.constant 0 : i32
      %dma_start3A_172 = arith.constant 0 : i32
      %dma_start3A_173 = tpu.memref_slice %arg30[%dma_start3A_171, %dma_start3A_172] : memref<10000x64xf32, #tpu.memory_space<vmem_shared>> -> memref<10000x64xf32, #tpu.memory_space<vmem_shared>>
      tpu.enqueue_indirect_dma source(%arg12 : memref<128x64xf32, #tpu.memory_space<vmem>>) target(%dma_start3A_173 : memref<10000x64xf32, #tpu.memory_space<vmem_shared>>) offsets(%dma_start3A_170 : memref<128xi32, #tpu.memory_space<vmem>>) semaphore(%arg24 : memref<!tpu.dma_semaphore, #tpu.memory_space<semaphore_mem>>) {add = true}
      %add3A_174 = arith.constant 6 : i32
      %add3A_175 = arith.addi %add3A_157, %add3A_174 : i32
      %lt3A = arith.constant 78 : i32
      %lt3A_176 = arith.cmpi slt, %add3A_175, %lt3A : i32
      %convert_element_type3A_177 = arith.extui %lt3A_176 : i1 to i32
      %cond3A_178 = arith.constant 0 : i32
      %cond3A_179 = arith.cmpi ne, %convert_element_type3A_177, %cond3A_178 : i32
      scf.if %cond3A_179 {
        %dma_wait3A_315 = arith.constant 0 : i32
        %dma_wait3A_316 = tpu.memref_slice %arg9[%add3A_157, %dma_wait3A_315] : memref<78x128xi32, #tpu.memory_space<vmem>> -> memref<1x128xi32, #tpu.memory_space<vmem>>
        %dma_wait3A_317 = tpu.memref_squeeze %dma_wait3A_316 : memref<1x128xi32, #tpu.memory_space<vmem>> -> memref<128xi32, #tpu.memory_space<vmem>>
        %dma_wait3A_318 = arith.constant 0 : i32
        %dma_wait3A_319 = arith.constant 0 : i32
        %dma_wait3A_320 = tpu.memref_slice %arg30[%dma_wait3A_318, %dma_wait3A_319] : memref<10000x64xf32, #tpu.memory_space<vmem_shared>> -> memref<10000x64xf32, #tpu.memory_space<vmem_shared>>
        tpu.wait_indirect_dma semaphore(%arg24 : memref<!tpu.dma_semaphore, #tpu.memory_space<semaphore_mem>>) src(%arg12 : memref<128x64xf32, #tpu.memory_space<vmem>>) dst(%dma_wait3A_320 : memref<10000x64xf32, #tpu.memory_space<vmem_shared>>)
        %add3A_321 = arith.constant 6 : i32
        %add3A_322 = arith.addi %add3A_157, %add3A_321 : i32
        %dma_start3A_323 = arith.constant 0 : i32
        %dma_start3A_324 = tpu.memref_slice %arg8[%add3A_322, %dma_start3A_323] : memref<78x128xi32, #tpu.memory_space<vmem>> -> memref<1x128xi32, #tpu.memory_space<vmem>>
        %dma_start3A_325 = tpu.memref_squeeze %dma_start3A_324 : memref<1x128xi32, #tpu.memory_space<vmem>> -> memref<128xi32, #tpu.memory_space<vmem>>
        %dma_start3A_326 = arith.constant 0 : i32
        %dma_start3A_327 = arith.constant 0 : i32
        %dma_start3A_328 = tpu.memref_slice %arg6[%scan3A_77, %dma_start3A_326, %dma_start3A_327] : memref<1x10000x64xf32, #tpu.memory_space<hbm>> -> memref<1x10000x64xf32, #tpu.memory_space<hbm>>
        %dma_start3A_329 = tpu.memref_squeeze %dma_start3A_328 : memref<1x10000x64xf32, #tpu.memory_space<hbm>> -> memref<10000x64xf32, #tpu.memory_space<hbm>>
        %dma_start3A_330 = arith.constant 0 : i32
        %dma_start3A_331 = arith.constant 0 : i32
        %dma_start3A_332 = tpu.memref_slice %dma_start3A_329[%dma_start3A_330, %dma_start3A_331] : memref<10000x64xf32, #tpu.memory_space<hbm>> -> memref<10000x64xf32, #tpu.memory_space<hbm>>
        tpu.enqueue_indirect_dma source(%dma_start3A_332 : memref<10000x64xf32, #tpu.memory_space<hbm>>) target(%arg12 : memref<128x64xf32, #tpu.memory_space<vmem>>) offsets(%dma_start3A_325 : memref<128xi32, #tpu.memory_space<vmem>>) semaphore(%arg18 : memref<!tpu.dma_semaphore, #tpu.memory_space<semaphore_mem>>)
      } else {
      }
      %mul3A_180 = arith.constant 6 : i32
      %mul3A_181 = arith.muli %scan3A_153, %mul3A_180 : i32
      %add3A_182 = arith.constant 1 : i32
      %add3A_183 = arith.addi %mul3A_181, %add3A_182 : i32
      %dma_wait3A_184 = arith.constant 0 : i32
      %dma_wait3A_185 = tpu.memref_slice %arg8[%add3A_183, %dma_wait3A_184] : memref<78x128xi32, #tpu.memory_space<vmem>> -> memref<1x128xi32, #tpu.memory_space<vmem>>
      %dma_wait3A_186 = tpu.memref_squeeze %dma_wait3A_185 : memref<1x128xi32, #tpu.memory_space<vmem>> -> memref<128xi32, #tpu.memory_space<vmem>>
      %dma_wait3A_187 = arith.constant 0 : i32
      %dma_wait3A_188 = arith.constant 0 : i32
      %dma_wait3A_189 = tpu.memref_slice %arg6[%scan3A_77, %dma_wait3A_187, %dma_wait3A_188] : memref<1x10000x64xf32, #tpu.memory_space<hbm>> -> memref<1x10000x64xf32, #tpu.memory_space<hbm>>
      %dma_wait3A_190 = tpu.memref_squeeze %dma_wait3A_189 : memref<1x10000x64xf32, #tpu.memory_space<hbm>> -> memref<10000x64xf32, #tpu.memory_space<hbm>>
      %dma_wait3A_191 = arith.constant 0 : i32
      %dma_wait3A_192 = arith.constant 0 : i32
      %dma_wait3A_193 = tpu.memref_slice %dma_wait3A_190[%dma_wait3A_191, %dma_wait3A_192] : memref<10000x64xf32, #tpu.memory_space<hbm>> -> memref<10000x64xf32, #tpu.memory_space<hbm>>
      tpu.wait_indirect_dma semaphore(%arg19 : memref<!tpu.dma_semaphore, #tpu.memory_space<semaphore_mem>>) src(%dma_wait3A_193 : memref<10000x64xf32, #tpu.memory_space<hbm>>) dst(%arg13 : memref<128x64xf32, #tpu.memory_space<vmem>>)
      %dma_start3A_194 = arith.constant 0 : i32
      %dma_start3A_195 = tpu.memref_slice %arg9[%add3A_183, %dma_start3A_194] : memref<78x128xi32, #tpu.memory_space<vmem>> -> memref<1x128xi32, #tpu.memory_space<vmem>>
      %dma_start3A_196 = tpu.memref_squeeze %dma_start3A_195 : memref<1x128xi32, #tpu.memory_space<vmem>> -> memref<128xi32, #tpu.memory_space<vmem>>
      %dma_start3A_197 = arith.constant 0 : i32
      %dma_start3A_198 = arith.constant 0 : i32
      %dma_start3A_199 = tpu.memref_slice %arg30[%dma_start3A_197, %dma_start3A_198] : memref<10000x64xf32, #tpu.memory_space<vmem_shared>> -> memref<10000x64xf32, #tpu.memory_space<vmem_shared>>
      tpu.enqueue_indirect_dma source(%arg13 : memref<128x64xf32, #tpu.memory_space<vmem>>) target(%dma_start3A_199 : memref<10000x64xf32, #tpu.memory_space<vmem_shared>>) offsets(%dma_start3A_196 : memref<128xi32, #tpu.memory_space<vmem>>) semaphore(%arg25 : memref<!tpu.dma_semaphore, #tpu.memory_space<semaphore_mem>>) {add = true}
      %add3A_200 = arith.constant 6 : i32
      %add3A_201 = arith.addi %add3A_183, %add3A_200 : i32
      %lt3A_202 = arith.constant 78 : i32
      %lt3A_203 = arith.cmpi slt, %add3A_201, %lt3A_202 : i32
      %convert_element_type3A_204 = arith.extui %lt3A_203 : i1 to i32
      %cond3A_205 = arith.constant 0 : i32
      %cond3A_206 = arith.cmpi ne, %convert_element_type3A_204, %cond3A_205 : i32
      scf.if %cond3A_206 {
        %dma_wait3A_315 = arith.constant 0 : i32
        %dma_wait3A_316 = tpu.memref_slice %arg9[%add3A_183, %dma_wait3A_315] : memref<78x128xi32, #tpu.memory_space<vmem>> -> memref<1x128xi32, #tpu.memory_space<vmem>>
        %dma_wait3A_317 = tpu.memref_squeeze %dma_wait3A_316 : memref<1x128xi32, #tpu.memory_space<vmem>> -> memref<128xi32, #tpu.memory_space<vmem>>
        %dma_wait3A_318 = arith.constant 0 : i32
        %dma_wait3A_319 = arith.constant 0 : i32
        %dma_wait3A_320 = tpu.memref_slice %arg30[%dma_wait3A_318, %dma_wait3A_319] : memref<10000x64xf32, #tpu.memory_space<vmem_shared>> -> memref<10000x64xf32, #tpu.memory_space<vmem_shared>>
        tpu.wait_indirect_dma semaphore(%arg25 : memref<!tpu.dma_semaphore, #tpu.memory_space<semaphore_mem>>) src(%arg13 : memref<128x64xf32, #tpu.memory_space<vmem>>) dst(%dma_wait3A_320 : memref<10000x64xf32, #tpu.memory_space<vmem_shared>>)
        %add3A_321 = arith.constant 6 : i32
        %add3A_322 = arith.addi %add3A_183, %add3A_321 : i32
        %dma_start3A_323 = arith.constant 0 : i32
        %dma_start3A_324 = tpu.memref_slice %arg8[%add3A_322, %dma_start3A_323] : memref<78x128xi32, #tpu.memory_space<vmem>> -> memref<1x128xi32, #tpu.memory_space<vmem>>
        %dma_start3A_325 = tpu.memref_squeeze %dma_start3A_324 : memref<1x128xi32, #tpu.memory_space<vmem>> -> memref<128xi32, #tpu.memory_space<vmem>>
        %dma_start3A_326 = arith.constant 0 : i32
        %dma_start3A_327 = arith.constant 0 : i32
        %dma_start3A_328 = tpu.memref_slice %arg6[%scan3A_77, %dma_start3A_326, %dma_start3A_327] : memref<1x10000x64xf32, #tpu.memory_space<hbm>> -> memref<1x10000x64xf32, #tpu.memory_space<hbm>>
        %dma_start3A_329 = tpu.memref_squeeze %dma_start3A_328 : memref<1x10000x64xf32, #tpu.memory_space<hbm>> -> memref<10000x64xf32, #tpu.memory_space<hbm>>
        %dma_start3A_330 = arith.constant 0 : i32
        %dma_start3A_331 = arith.constant 0 : i32
        %dma_start3A_332 = tpu.memref_slice %dma_start3A_329[%dma_start3A_330, %dma_start3A_331] : memref<10000x64xf32, #tpu.memory_space<hbm>> -> memref<10000x64xf32, #tpu.memory_space<hbm>>
        tpu.enqueue_indirect_dma source(%dma_start3A_332 : memref<10000x64xf32, #tpu.memory_space<hbm>>) target(%arg13 : memref<128x64xf32, #tpu.memory_space<vmem>>) offsets(%dma_start3A_325 : memref<128xi32, #tpu.memory_space<vmem>>) semaphore(%arg19 : memref<!tpu.dma_semaphore, #tpu.memory_space<semaphore_mem>>)
      } else {
      }
      %mul3A_207 = arith.constant 6 : i32
      %mul3A_208 = arith.muli %scan3A_153, %mul3A_207 : i32
      %add3A_209 = arith.constant 2 : i32
      %add3A_210 = arith.addi %mul3A_208, %add3A_209 : i32
      %dma_wait3A_211 = arith.constant 0 : i32
      %dma_wait3A_212 = tpu.memref_slice %arg8[%add3A_210, %dma_wait3A_211] : memref<78x128xi32, #tpu.memory_space<vmem>> -> memref<1x128xi32, #tpu.memory_space<vmem>>
      %dma_wait3A_213 = tpu.memref_squeeze %dma_wait3A_212 : memref<1x128xi32, #tpu.memory_space<vmem>> -> memref<128xi32, #tpu.memory_space<vmem>>
      %dma_wait3A_214 = arith.constant 0 : i32
      %dma_wait3A_215 = arith.constant 0 : i32
      %dma_wait3A_216 = tpu.memref_slice %arg6[%scan3A_77, %dma_wait3A_214, %dma_wait3A_215] : memref<1x10000x64xf32, #tpu.memory_space<hbm>> -> memref<1x10000x64xf32, #tpu.memory_space<hbm>>
      %dma_wait3A_217 = tpu.memref_squeeze %dma_wait3A_216 : memref<1x10000x64xf32, #tpu.memory_space<hbm>> -> memref<10000x64xf32, #tpu.memory_space<hbm>>
      %dma_wait3A_218 = arith.constant 0 : i32
      %dma_wait3A_219 = arith.constant 0 : i32
      %dma_wait3A_220 = tpu.memref_slice %dma_wait3A_217[%dma_wait3A_218, %dma_wait3A_219] : memref<10000x64xf32, #tpu.memory_space<hbm>> -> memref<10000x64xf32, #tpu.memory_space<hbm>>
      tpu.wait_indirect_dma semaphore(%arg20 : memref<!tpu.dma_semaphore, #tpu.memory_space<semaphore_mem>>) src(%dma_wait3A_220 : memref<10000x64xf32, #tpu.memory_space<hbm>>) dst(%arg14 : memref<128x64xf32, #tpu.memory_space<vmem>>)
      %dma_start3A_221 = arith.constant 0 : i32
      %dma_start3A_222 = tpu.memref_slice %arg9[%add3A_210, %dma_start3A_221] : memref<78x128xi32, #tpu.memory_space<vmem>> -> memref<1x128xi32, #tpu.memory_space<vmem>>
      %dma_start3A_223 = tpu.memref_squeeze %dma_start3A_222 : memref<1x128xi32, #tpu.memory_space<vmem>> -> memref<128xi32, #tpu.memory_space<vmem>>
      %dma_start3A_224 = arith.constant 0 : i32
      %dma_start3A_225 = arith.constant 0 : i32
      %dma_start3A_226 = tpu.memref_slice %arg30[%dma_start3A_224, %dma_start3A_225] : memref<10000x64xf32, #tpu.memory_space<vmem_shared>> -> memref<10000x64xf32, #tpu.memory_space<vmem_shared>>
      tpu.enqueue_indirect_dma source(%arg14 : memref<128x64xf32, #tpu.memory_space<vmem>>) target(%dma_start3A_226 : memref<10000x64xf32, #tpu.memory_space<vmem_shared>>) offsets(%dma_start3A_223 : memref<128xi32, #tpu.memory_space<vmem>>) semaphore(%arg26 : memref<!tpu.dma_semaphore, #tpu.memory_space<semaphore_mem>>) {add = true}
      %add3A_227 = arith.constant 6 : i32
      %add3A_228 = arith.addi %add3A_210, %add3A_227 : i32
      %lt3A_229 = arith.constant 78 : i32
      %lt3A_230 = arith.cmpi slt, %add3A_228, %lt3A_229 : i32
      %convert_element_type3A_231 = arith.extui %lt3A_230 : i1 to i32
      %cond3A_232 = arith.constant 0 : i32
      %cond3A_233 = arith.cmpi ne, %convert_element_type3A_231, %cond3A_232 : i32
      scf.if %cond3A_233 {
        %dma_wait3A_315 = arith.constant 0 : i32
        %dma_wait3A_316 = tpu.memref_slice %arg9[%add3A_210, %dma_wait3A_315] : memref<78x128xi32, #tpu.memory_space<vmem>> -> memref<1x128xi32, #tpu.memory_space<vmem>>
        %dma_wait3A_317 = tpu.memref_squeeze %dma_wait3A_316 : memref<1x128xi32, #tpu.memory_space<vmem>> -> memref<128xi32, #tpu.memory_space<vmem>>
        %dma_wait3A_318 = arith.constant 0 : i32
        %dma_wait3A_319 = arith.constant 0 : i32
        %dma_wait3A_320 = tpu.memref_slice %arg30[%dma_wait3A_318, %dma_wait3A_319] : memref<10000x64xf32, #tpu.memory_space<vmem_shared>> -> memref<10000x64xf32, #tpu.memory_space<vmem_shared>>
        tpu.wait_indirect_dma semaphore(%arg26 : memref<!tpu.dma_semaphore, #tpu.memory_space<semaphore_mem>>) src(%arg14 : memref<128x64xf32, #tpu.memory_space<vmem>>) dst(%dma_wait3A_320 : memref<10000x64xf32, #tpu.memory_space<vmem_shared>>)
        %add3A_321 = arith.constant 6 : i32
        %add3A_322 = arith.addi %add3A_210, %add3A_321 : i32
        %dma_start3A_323 = arith.constant 0 : i32
        %dma_start3A_324 = tpu.memref_slice %arg8[%add3A_322, %dma_start3A_323] : memref<78x128xi32, #tpu.memory_space<vmem>> -> memref<1x128xi32, #tpu.memory_space<vmem>>
        %dma_start3A_325 = tpu.memref_squeeze %dma_start3A_324 : memref<1x128xi32, #tpu.memory_space<vmem>> -> memref<128xi32, #tpu.memory_space<vmem>>
        %dma_start3A_326 = arith.constant 0 : i32
        %dma_start3A_327 = arith.constant 0 : i32
        %dma_start3A_328 = tpu.memref_slice %arg6[%scan3A_77, %dma_start3A_326, %dma_start3A_327] : memref<1x10000x64xf32, #tpu.memory_space<hbm>> -> memref<1x10000x64xf32, #tpu.memory_space<hbm>>
        %dma_start3A_329 = tpu.memref_squeeze %dma_start3A_328 : memref<1x10000x64xf32, #tpu.memory_space<hbm>> -> memref<10000x64xf32, #tpu.memory_space<hbm>>
        %dma_start3A_330 = arith.constant 0 : i32
        %dma_start3A_331 = arith.constant 0 : i32
        %dma_start3A_332 = tpu.memref_slice %dma_start3A_329[%dma_start3A_330, %dma_start3A_331] : memref<10000x64xf32, #tpu.memory_space<hbm>> -> memref<10000x64xf32, #tpu.memory_space<hbm>>
        tpu.enqueue_indirect_dma source(%dma_start3A_332 : memref<10000x64xf32, #tpu.memory_space<hbm>>) target(%arg14 : memref<128x64xf32, #tpu.memory_space<vmem>>) offsets(%dma_start3A_325 : memref<128xi32, #tpu.memory_space<vmem>>) semaphore(%arg20 : memref<!tpu.dma_semaphore, #tpu.memory_space<semaphore_mem>>)
      } else {
      }
      %mul3A_234 = arith.constant 6 : i32
      %mul3A_235 = arith.muli %scan3A_153, %mul3A_234 : i32
      %add3A_236 = arith.constant 3 : i32
      %add3A_237 = arith.addi %mul3A_235, %add3A_236 : i32
      %dma_wait3A_238 = arith.constant 0 : i32
      %dma_wait3A_239 = tpu.memref_slice %arg8[%add3A_237, %dma_wait3A_238] : memref<78x128xi32, #tpu.memory_space<vmem>> -> memref<1x128xi32, #tpu.memory_space<vmem>>
      %dma_wait3A_240 = tpu.memref_squeeze %dma_wait3A_239 : memref<1x128xi32, #tpu.memory_space<vmem>> -> memref<128xi32, #tpu.memory_space<vmem>>
      %dma_wait3A_241 = arith.constant 0 : i32
      %dma_wait3A_242 = arith.constant 0 : i32
      %dma_wait3A_243 = tpu.memref_slice %arg6[%scan3A_77, %dma_wait3A_241, %dma_wait3A_242] : memref<1x10000x64xf32, #tpu.memory_space<hbm>> -> memref<1x10000x64xf32, #tpu.memory_space<hbm>>
      %dma_wait3A_244 = tpu.memref_squeeze %dma_wait3A_243 : memref<1x10000x64xf32, #tpu.memory_space<hbm>> -> memref<10000x64xf32, #tpu.memory_space<hbm>>
      %dma_wait3A_245 = arith.constant 0 : i32
      %dma_wait3A_246 = arith.constant 0 : i32
      %dma_wait3A_247 = tpu.memref_slice %dma_wait3A_244[%dma_wait3A_245, %dma_wait3A_246] : memref<10000x64xf32, #tpu.memory_space<hbm>> -> memref<10000x64xf32, #tpu.memory_space<hbm>>
      tpu.wait_indirect_dma semaphore(%arg21 : memref<!tpu.dma_semaphore, #tpu.memory_space<semaphore_mem>>) src(%dma_wait3A_247 : memref<10000x64xf32, #tpu.memory_space<hbm>>) dst(%arg15 : memref<128x64xf32, #tpu.memory_space<vmem>>)
      %dma_start3A_248 = arith.constant 0 : i32
      %dma_start3A_249 = tpu.memref_slice %arg9[%add3A_237, %dma_start3A_248] : memref<78x128xi32, #tpu.memory_space<vmem>> -> memref<1x128xi32, #tpu.memory_space<vmem>>
      %dma_start3A_250 = tpu.memref_squeeze %dma_start3A_249 : memref<1x128xi32, #tpu.memory_space<vmem>> -> memref<128xi32, #tpu.memory_space<vmem>>
      %dma_start3A_251 = arith.constant 0 : i32
      %dma_start3A_252 = arith.constant 0 : i32
      %dma_start3A_253 = tpu.memref_slice %arg30[%dma_start3A_251, %dma_start3A_252] : memref<10000x64xf32, #tpu.memory_space<vmem_shared>> -> memref<10000x64xf32, #tpu.memory_space<vmem_shared>>
      tpu.enqueue_indirect_dma source(%arg15 : memref<128x64xf32, #tpu.memory_space<vmem>>) target(%dma_start3A_253 : memref<10000x64xf32, #tpu.memory_space<vmem_shared>>) offsets(%dma_start3A_250 : memref<128xi32, #tpu.memory_space<vmem>>) semaphore(%arg27 : memref<!tpu.dma_semaphore, #tpu.memory_space<semaphore_mem>>) {add = true}
      %add3A_254 = arith.constant 6 : i32
      %add3A_255 = arith.addi %add3A_237, %add3A_254 : i32
      %lt3A_256 = arith.constant 78 : i32
      %lt3A_257 = arith.cmpi slt, %add3A_255, %lt3A_256 : i32
      %convert_element_type3A_258 = arith.extui %lt3A_257 : i1 to i32
      %cond3A_259 = arith.constant 0 : i32
      %cond3A_260 = arith.cmpi ne, %convert_element_type3A_258, %cond3A_259 : i32
      scf.if %cond3A_260 {
        %dma_wait3A_315 = arith.constant 0 : i32
        %dma_wait3A_316 = tpu.memref_slice %arg9[%add3A_237, %dma_wait3A_315] : memref<78x128xi32, #tpu.memory_space<vmem>> -> memref<1x128xi32, #tpu.memory_space<vmem>>
        %dma_wait3A_317 = tpu.memref_squeeze %dma_wait3A_316 : memref<1x128xi32, #tpu.memory_space<vmem>> -> memref<128xi32, #tpu.memory_space<vmem>>
        %dma_wait3A_318 = arith.constant 0 : i32
        %dma_wait3A_319 = arith.constant 0 : i32
        %dma_wait3A_320 = tpu.memref_slice %arg30[%dma_wait3A_318, %dma_wait3A_319] : memref<10000x64xf32, #tpu.memory_space<vmem_shared>> -> memref<10000x64xf32, #tpu.memory_space<vmem_shared>>
        tpu.wait_indirect_dma semaphore(%arg27 : memref<!tpu.dma_semaphore, #tpu.memory_space<semaphore_mem>>) src(%arg15 : memref<128x64xf32, #tpu.memory_space<vmem>>) dst(%dma_wait3A_320 : memref<10000x64xf32, #tpu.memory_space<vmem_shared>>)
        %add3A_321 = arith.constant 6 : i32
        %add3A_322 = arith.addi %add3A_237, %add3A_321 : i32
        %dma_start3A_323 = arith.constant 0 : i32
        %dma_start3A_324 = tpu.memref_slice %arg8[%add3A_322, %dma_start3A_323] : memref<78x128xi32, #tpu.memory_space<vmem>> -> memref<1x128xi32, #tpu.memory_space<vmem>>
        %dma_start3A_325 = tpu.memref_squeeze %dma_start3A_324 : memref<1x128xi32, #tpu.memory_space<vmem>> -> memref<128xi32, #tpu.memory_space<vmem>>
        %dma_start3A_326 = arith.constant 0 : i32
        %dma_start3A_327 = arith.constant 0 : i32
        %dma_start3A_328 = tpu.memref_slice %arg6[%scan3A_77, %dma_start3A_326, %dma_start3A_327] : memref<1x10000x64xf32, #tpu.memory_space<hbm>> -> memref<1x10000x64xf32, #tpu.memory_space<hbm>>
        %dma_start3A_329 = tpu.memref_squeeze %dma_start3A_328 : memref<1x10000x64xf32, #tpu.memory_space<hbm>> -> memref<10000x64xf32, #tpu.memory_space<hbm>>
        %dma_start3A_330 = arith.constant 0 : i32
        %dma_start3A_331 = arith.constant 0 : i32
        %dma_start3A_332 = tpu.memref_slice %dma_start3A_329[%dma_start3A_330, %dma_start3A_331] : memref<10000x64xf32, #tpu.memory_space<hbm>> -> memref<10000x64xf32, #tpu.memory_space<hbm>>
        tpu.enqueue_indirect_dma source(%dma_start3A_332 : memref<10000x64xf32, #tpu.memory_space<hbm>>) target(%arg15 : memref<128x64xf32, #tpu.memory_space<vmem>>) offsets(%dma_start3A_325 : memref<128xi32, #tpu.memory_space<vmem>>) semaphore(%arg21 : memref<!tpu.dma_semaphore, #tpu.memory_space<semaphore_mem>>)
      } else {
      }
      %mul3A_261 = arith.constant 6 : i32
      %mul3A_262 = arith.muli %scan3A_153, %mul3A_261 : i32
      %add3A_263 = arith.constant 4 : i32
      %add3A_264 = arith.addi %mul3A_262, %add3A_263 : i32
      %dma_wait3A_265 = arith.constant 0 : i32
      %dma_wait3A_266 = tpu.memref_slice %arg8[%add3A_264, %dma_wait3A_265] : memref<78x128xi32, #tpu.memory_space<vmem>> -> memref<1x128xi32, #tpu.memory_space<vmem>>
      %dma_wait3A_267 = tpu.memref_squeeze %dma_wait3A_266 : memref<1x128xi32, #tpu.memory_space<vmem>> -> memref<128xi32, #tpu.memory_space<vmem>>
      %dma_wait3A_268 = arith.constant 0 : i32
      %dma_wait3A_269 = arith.constant 0 : i32
      %dma_wait3A_270 = tpu.memref_slice %arg6[%scan3A_77, %dma_wait3A_268, %dma_wait3A_269] : memref<1x10000x64xf32, #tpu.memory_space<hbm>> -> memref<1x10000x64xf32, #tpu.memory_space<hbm>>
      %dma_wait3A_271 = tpu.memref_squeeze %dma_wait3A_270 : memref<1x10000x64xf32, #tpu.memory_space<hbm>> -> memref<10000x64xf32, #tpu.memory_space<hbm>>
      %dma_wait3A_272 = arith.constant 0 : i32
      %dma_wait3A_273 = arith.constant 0 : i32
      %dma_wait3A_274 = tpu.memref_slice %dma_wait3A_271[%dma_wait3A_272, %dma_wait3A_273] : memref<10000x64xf32, #tpu.memory_space<hbm>> -> memref<10000x64xf32, #tpu.memory_space<hbm>>
      tpu.wait_indirect_dma semaphore(%arg22 : memref<!tpu.dma_semaphore, #tpu.memory_space<semaphore_mem>>) src(%dma_wait3A_274 : memref<10000x64xf32, #tpu.memory_space<hbm>>) dst(%arg16 : memref<128x64xf32, #tpu.memory_space<vmem>>)
      %dma_start3A_275 = arith.constant 0 : i32
      %dma_start3A_276 = tpu.memref_slice %arg9[%add3A_264, %dma_start3A_275] : memref<78x128xi32, #tpu.memory_space<vmem>> -> memref<1x128xi32, #tpu.memory_space<vmem>>
      %dma_start3A_277 = tpu.memref_squeeze %dma_start3A_276 : memref<1x128xi32, #tpu.memory_space<vmem>> -> memref<128xi32, #tpu.memory_space<vmem>>
      %dma_start3A_278 = arith.constant 0 : i32
      %dma_start3A_279 = arith.constant 0 : i32
      %dma_start3A_280 = tpu.memref_slice %arg30[%dma_start3A_278, %dma_start3A_279] : memref<10000x64xf32, #tpu.memory_space<vmem_shared>> -> memref<10000x64xf32, #tpu.memory_space<vmem_shared>>
      tpu.enqueue_indirect_dma source(%arg16 : memref<128x64xf32, #tpu.memory_space<vmem>>) target(%dma_start3A_280 : memref<10000x64xf32, #tpu.memory_space<vmem_shared>>) offsets(%dma_start3A_277 : memref<128xi32, #tpu.memory_space<vmem>>) semaphore(%arg28 : memref<!tpu.dma_semaphore, #tpu.memory_space<semaphore_mem>>) {add = true}
      %add3A_281 = arith.constant 6 : i32
      %add3A_282 = arith.addi %add3A_264, %add3A_281 : i32
      %lt3A_283 = arith.constant 78 : i32
      %lt3A_284 = arith.cmpi slt, %add3A_282, %lt3A_283 : i32
      %convert_element_type3A_285 = arith.extui %lt3A_284 : i1 to i32
      %cond3A_286 = arith.constant 0 : i32
      %cond3A_287 = arith.cmpi ne, %convert_element_type3A_285, %cond3A_286 : i32
      scf.if %cond3A_287 {
        %dma_wait3A_315 = arith.constant 0 : i32
        %dma_wait3A_316 = tpu.memref_slice %arg9[%add3A_264, %dma_wait3A_315] : memref<78x128xi32, #tpu.memory_space<vmem>> -> memref<1x128xi32, #tpu.memory_space<vmem>>
        %dma_wait3A_317 = tpu.memref_squeeze %dma_wait3A_316 : memref<1x128xi32, #tpu.memory_space<vmem>> -> memref<128xi32, #tpu.memory_space<vmem>>
        %dma_wait3A_318 = arith.constant 0 : i32
        %dma_wait3A_319 = arith.constant 0 : i32
        %dma_wait3A_320 = tpu.memref_slice %arg30[%dma_wait3A_318, %dma_wait3A_319] : memref<10000x64xf32, #tpu.memory_space<vmem_shared>> -> memref<10000x64xf32, #tpu.memory_space<vmem_shared>>
        tpu.wait_indirect_dma semaphore(%arg28 : memref<!tpu.dma_semaphore, #tpu.memory_space<semaphore_mem>>) src(%arg16 : memref<128x64xf32, #tpu.memory_space<vmem>>) dst(%dma_wait3A_320 : memref<10000x64xf32, #tpu.memory_space<vmem_shared>>)
        %add3A_321 = arith.constant 6 : i32
        %add3A_322 = arith.addi %add3A_264, %add3A_321 : i32
        %dma_start3A_323 = arith.constant 0 : i32
        %dma_start3A_324 = tpu.memref_slice %arg8[%add3A_322, %dma_start3A_323] : memref<78x128xi32, #tpu.memory_space<vmem>> -> memref<1x128xi32, #tpu.memory_space<vmem>>
        %dma_start3A_325 = tpu.memref_squeeze %dma_start3A_324 : memref<1x128xi32, #tpu.memory_space<vmem>> -> memref<128xi32, #tpu.memory_space<vmem>>
        %dma_start3A_326 = arith.constant 0 : i32
        %dma_start3A_327 = arith.constant 0 : i32
        %dma_start3A_328 = tpu.memref_slice %arg6[%scan3A_77, %dma_start3A_326, %dma_start3A_327] : memref<1x10000x64xf32, #tpu.memory_space<hbm>> -> memref<1x10000x64xf32, #tpu.memory_space<hbm>>
        %dma_start3A_329 = tpu.memref_squeeze %dma_start3A_328 : memref<1x10000x64xf32, #tpu.memory_space<hbm>> -> memref<10000x64xf32, #tpu.memory_space<hbm>>
        %dma_start3A_330 = arith.constant 0 : i32
        %dma_start3A_331 = arith.constant 0 : i32
        %dma_start3A_332 = tpu.memref_slice %dma_start3A_329[%dma_start3A_330, %dma_start3A_331] : memref<10000x64xf32, #tpu.memory_space<hbm>> -> memref<10000x64xf32, #tpu.memory_space<hbm>>
        tpu.enqueue_indirect_dma source(%dma_start3A_332 : memref<10000x64xf32, #tpu.memory_space<hbm>>) target(%arg16 : memref<128x64xf32, #tpu.memory_space<vmem>>) offsets(%dma_start3A_325 : memref<128xi32, #tpu.memory_space<vmem>>) semaphore(%arg22 : memref<!tpu.dma_semaphore, #tpu.memory_space<semaphore_mem>>)
      } else {
      }
      %mul3A_288 = arith.constant 6 : i32
      %mul3A_289 = arith.muli %scan3A_153, %mul3A_288 : i32
      %add3A_290 = arith.constant 5 : i32
      %add3A_291 = arith.addi %mul3A_289, %add3A_290 : i32
      %dma_wait3A_292 = arith.constant 0 : i32
      %dma_wait3A_293 = tpu.memref_slice %arg8[%add3A_291, %dma_wait3A_292] : memref<78x128xi32, #tpu.memory_space<vmem>> -> memref<1x128xi32, #tpu.memory_space<vmem>>
      %dma_wait3A_294 = tpu.memref_squeeze %dma_wait3A_293 : memref<1x128xi32, #tpu.memory_space<vmem>> -> memref<128xi32, #tpu.memory_space<vmem>>
      %dma_wait3A_295 = arith.constant 0 : i32
      %dma_wait3A_296 = arith.constant 0 : i32
      %dma_wait3A_297 = tpu.memref_slice %arg6[%scan3A_77, %dma_wait3A_295, %dma_wait3A_296] : memref<1x10000x64xf32, #tpu.memory_space<hbm>> -> memref<1x10000x64xf32, #tpu.memory_space<hbm>>
      %dma_wait3A_298 = tpu.memref_squeeze %dma_wait3A_297 : memref<1x10000x64xf32, #tpu.memory_space<hbm>> -> memref<10000x64xf32, #tpu.memory_space<hbm>>
      %dma_wait3A_299 = arith.constant 0 : i32
      %dma_wait3A_300 = arith.constant 0 : i32
      %dma_wait3A_301 = tpu.memref_slice %dma_wait3A_298[%dma_wait3A_299, %dma_wait3A_300] : memref<10000x64xf32, #tpu.memory_space<hbm>> -> memref<10000x64xf32, #tpu.memory_space<hbm>>
      tpu.wait_indirect_dma semaphore(%arg23 : memref<!tpu.dma_semaphore, #tpu.memory_space<semaphore_mem>>) src(%dma_wait3A_301 : memref<10000x64xf32, #tpu.memory_space<hbm>>) dst(%arg17 : memref<128x64xf32, #tpu.memory_space<vmem>>)
      %dma_start3A_302 = arith.constant 0 : i32
      %dma_start3A_303 = tpu.memref_slice %arg9[%add3A_291, %dma_start3A_302] : memref<78x128xi32, #tpu.memory_space<vmem>> -> memref<1x128xi32, #tpu.memory_space<vmem>>
      %dma_start3A_304 = tpu.memref_squeeze %dma_start3A_303 : memref<1x128xi32, #tpu.memory_space<vmem>> -> memref<128xi32, #tpu.memory_space<vmem>>
      %dma_start3A_305 = arith.constant 0 : i32
      %dma_start3A_306 = arith.constant 0 : i32
      %dma_start3A_307 = tpu.memref_slice %arg30[%dma_start3A_305, %dma_start3A_306] : memref<10000x64xf32, #tpu.memory_space<vmem_shared>> -> memref<10000x64xf32, #tpu.memory_space<vmem_shared>>
      tpu.enqueue_indirect_dma source(%arg17 : memref<128x64xf32, #tpu.memory_space<vmem>>) target(%dma_start3A_307 : memref<10000x64xf32, #tpu.memory_space<vmem_shared>>) offsets(%dma_start3A_304 : memref<128xi32, #tpu.memory_space<vmem>>) semaphore(%arg29 : memref<!tpu.dma_semaphore, #tpu.memory_space<semaphore_mem>>) {add = true}
      %add3A_308 = arith.constant 6 : i32
      %add3A_309 = arith.addi %add3A_291, %add3A_308 : i32
      %lt3A_310 = arith.constant 78 : i32
      %lt3A_311 = arith.cmpi slt, %add3A_309, %lt3A_310 : i32
      %convert_element_type3A_312 = arith.extui %lt3A_311 : i1 to i32
      %cond3A_313 = arith.constant 0 : i32
      %cond3A_314 = arith.cmpi ne, %convert_element_type3A_312, %cond3A_313 : i32
      scf.if %cond3A_314 {
        %dma_wait3A_315 = arith.constant 0 : i32
        %dma_wait3A_316 = tpu.memref_slice %arg9[%add3A_291, %dma_wait3A_315] : memref<78x128xi32, #tpu.memory_space<vmem>> -> memref<1x128xi32, #tpu.memory_space<vmem>>
        %dma_wait3A_317 = tpu.memref_squeeze %dma_wait3A_316 : memref<1x128xi32, #tpu.memory_space<vmem>> -> memref<128xi32, #tpu.memory_space<vmem>>
        %dma_wait3A_318 = arith.constant 0 : i32
        %dma_wait3A_319 = arith.constant 0 : i32
        %dma_wait3A_320 = tpu.memref_slice %arg30[%dma_wait3A_318, %dma_wait3A_319] : memref<10000x64xf32, #tpu.memory_space<vmem_shared>> -> memref<10000x64xf32, #tpu.memory_space<vmem_shared>>
        tpu.wait_indirect_dma semaphore(%arg29 : memref<!tpu.dma_semaphore, #tpu.memory_space<semaphore_mem>>) src(%arg17 : memref<128x64xf32, #tpu.memory_space<vmem>>) dst(%dma_wait3A_320 : memref<10000x64xf32, #tpu.memory_space<vmem_shared>>)
        %add3A_321 = arith.constant 6 : i32
        %add3A_322 = arith.addi %add3A_291, %add3A_321 : i32
        %dma_start3A_323 = arith.constant 0 : i32
        %dma_start3A_324 = tpu.memref_slice %arg8[%add3A_322, %dma_start3A_323] : memref<78x128xi32, #tpu.memory_space<vmem>> -> memref<1x128xi32, #tpu.memory_space<vmem>>
        %dma_start3A_325 = tpu.memref_squeeze %dma_start3A_324 : memref<1x128xi32, #tpu.memory_space<vmem>> -> memref<128xi32, #tpu.memory_space<vmem>>
        %dma_start3A_326 = arith.constant 0 : i32
        %dma_start3A_327 = arith.constant 0 : i32
        %dma_start3A_328 = tpu.memref_slice %arg6[%scan3A_77, %dma_start3A_326, %dma_start3A_327] : memref<1x10000x64xf32, #tpu.memory_space<hbm>> -> memref<1x10000x64xf32, #tpu.memory_space<hbm>>
        %dma_start3A_329 = tpu.memref_squeeze %dma_start3A_328 : memref<1x10000x64xf32, #tpu.memory_space<hbm>> -> memref<10000x64xf32, #tpu.memory_space<hbm>>
        %dma_start3A_330 = arith.constant 0 : i32
        %dma_start3A_331 = arith.constant 0 : i32
        %dma_start3A_332 = tpu.memref_slice %dma_start3A_329[%dma_start3A_330, %dma_start3A_331] : memref<10000x64xf32, #tpu.memory_space<hbm>> -> memref<10000x64xf32, #tpu.memory_space<hbm>>
        tpu.enqueue_indirect_dma source(%dma_start3A_332 : memref<10000x64xf32, #tpu.memory_space<hbm>>) target(%arg17 : memref<128x64xf32, #tpu.memory_space<vmem>>) offsets(%dma_start3A_325 : memref<128xi32, #tpu.memory_space<vmem>>) semaphore(%arg23 : memref<!tpu.dma_semaphore, #tpu.memory_space<semaphore_mem>>)
      } else {
      }
    }
    %scan3A_82 = arith.constant 13 : i32
    %dma_wait3A = arith.constant 0 : i32
    %dma_wait3A_83 = arith.constant 0 : i32
    %dma_wait3A_84 = tpu.memref_slice %arg9[%dma_wait3A, %dma_wait3A_83] : memref<78x128xi32, #tpu.memory_space<vmem>> -> memref<1x128xi32, #tpu.memory_space<vmem>>
    %dma_wait3A_85 = tpu.memref_squeeze %dma_wait3A_84 : memref<1x128xi32, #tpu.memory_space<vmem>> -> memref<128xi32, #tpu.memory_space<vmem>>
    %dma_wait3A_86 = arith.constant 0 : i32
    %dma_wait3A_87 = arith.constant 0 : i32
    %dma_wait3A_88 = tpu.memref_slice %arg30[%dma_wait3A_86, %dma_wait3A_87] : memref<10000x64xf32, #tpu.memory_space<vmem_shared>> -> memref<10000x64xf32, #tpu.memory_space<vmem_shared>>
    tpu.wait_indirect_dma semaphore(%arg24 : memref<!tpu.dma_semaphore, #tpu.memory_space<semaphore_mem>>) src(%arg12 : memref<128x64xf32, #tpu.memory_space<vmem>>) dst(%dma_wait3A_88 : memref<10000x64xf32, #tpu.memory_space<vmem_shared>>)
    %dma_wait3A_89 = arith.constant 0 : i32
    %dma_wait3A_90 = arith.constant 0 : i32
    %dma_wait3A_91 = tpu.memref_slice %arg9[%dma_wait3A_89, %dma_wait3A_90] : memref<78x128xi32, #tpu.memory_space<vmem>> -> memref<1x128xi32, #tpu.memory_space<vmem>>
    %dma_wait3A_92 = tpu.memref_squeeze %dma_wait3A_91 : memref<1x128xi32, #tpu.memory_space<vmem>> -> memref<128xi32, #tpu.memory_space<vmem>>
    %dma_wait3A_93 = arith.constant 0 : i32
    %dma_wait3A_94 = arith.constant 0 : i32
    %dma_wait3A_95 = tpu.memref_slice %arg30[%dma_wait3A_93, %dma_wait3A_94] : memref<10000x64xf32, #tpu.memory_space<vmem_shared>> -> memref<10000x64xf32, #tpu.memory_space<vmem_shared>>
    tpu.wait_indirect_dma semaphore(%arg25 : memref<!tpu.dma_semaphore, #tpu.memory_space<semaphore_mem>>) src(%arg13 : memref<128x64xf32, #tpu.memory_space<vmem>>) dst(%dma_wait3A_95 : memref<10000x64xf32, #tpu.memory_space<vmem_shared>>)
    %dma_wait3A_96 = arith.constant 0 : i32
    %dma_wait3A_97 = arith.constant 0 : i32
    %dma_wait3A_98 = tpu.memref_slice %arg9[%dma_wait3A_96, %dma_wait3A_97] : memref<78x128xi32, #tpu.memory_space<vmem>> -> memref<1x128xi32, #tpu.memory_space<vmem>>
    %dma_wait3A_99 = tpu.memref_squeeze %dma_wait3A_98 : memref<1x128xi32, #tpu.memory_space<vmem>> -> memref<128xi32, #tpu.memory_space<vmem>>
    %dma_wait3A_100 = arith.constant 0 : i32
    %dma_wait3A_101 = arith.constant 0 : i32
    %dma_wait3A_102 = tpu.memref_slice %arg30[%dma_wait3A_100, %dma_wait3A_101] : memref<10000x64xf32, #tpu.memory_space<vmem_shared>> -> memref<10000x64xf32, #tpu.memory_space<vmem_shared>>
    tpu.wait_indirect_dma semaphore(%arg26 : memref<!tpu.dma_semaphore, #tpu.memory_space<semaphore_mem>>) src(%arg14 : memref<128x64xf32, #tpu.memory_space<vmem>>) dst(%dma_wait3A_102 : memref<10000x64xf32, #tpu.memory_space<vmem_shared>>)
    %dma_wait3A_103 = arith.constant 0 : i32
    %dma_wait3A_104 = arith.constant 0 : i32
    %dma_wait3A_105 = tpu.memref_slice %arg9[%dma_wait3A_103, %dma_wait3A_104] : memref<78x128xi32, #tpu.memory_space<vmem>> -> memref<1x128xi32, #tpu.memory_space<vmem>>
    %dma_wait3A_106 = tpu.memref_squeeze %dma_wait3A_105 : memref<1x128xi32, #tpu.memory_space<vmem>> -> memref<128xi32, #tpu.memory_space<vmem>>
    %dma_wait3A_107 = arith.constant 0 : i32
    %dma_wait3A_108 = arith.constant 0 : i32
    %dma_wait3A_109 = tpu.memref_slice %arg30[%dma_wait3A_107, %dma_wait3A_108] : memref<10000x64xf32, #tpu.memory_space<vmem_shared>> -> memref<10000x64xf32, #tpu.memory_space<vmem_shared>>
    tpu.wait_indirect_dma semaphore(%arg27 : memref<!tpu.dma_semaphore, #tpu.memory_space<semaphore_mem>>) src(%arg15 : memref<128x64xf32, #tpu.memory_space<vmem>>) dst(%dma_wait3A_109 : memref<10000x64xf32, #tpu.memory_space<vmem_shared>>)
    %dma_wait3A_110 = arith.constant 0 : i32
    %dma_wait3A_111 = arith.constant 0 : i32
    %dma_wait3A_112 = tpu.memref_slice %arg9[%dma_wait3A_110, %dma_wait3A_111] : memref<78x128xi32, #tpu.memory_space<vmem>> -> memref<1x128xi32, #tpu.memory_space<vmem>>
    %dma_wait3A_113 = tpu.memref_squeeze %dma_wait3A_112 : memref<1x128xi32, #tpu.memory_space<vmem>> -> memref<128xi32, #tpu.memory_space<vmem>>
    %dma_wait3A_114 = arith.constant 0 : i32
    %dma_wait3A_115 = arith.constant 0 : i32
    %dma_wait3A_116 = tpu.memref_slice %arg30[%dma_wait3A_114, %dma_wait3A_115] : memref<10000x64xf32, #tpu.memory_space<vmem_shared>> -> memref<10000x64xf32, #tpu.memory_space<vmem_shared>>
    tpu.wait_indirect_dma semaphore(%arg28 : memref<!tpu.dma_semaphore, #tpu.memory_space<semaphore_mem>>) src(%arg16 : memref<128x64xf32, #tpu.memory_space<vmem>>) dst(%dma_wait3A_116 : memref<10000x64xf32, #tpu.memory_space<vmem_shared>>)
    %dma_wait3A_117 = arith.constant 0 : i32
    %dma_wait3A_118 = arith.constant 0 : i32
    %dma_wait3A_119 = tpu.memref_slice %arg9[%dma_wait3A_117, %dma_wait3A_118] : memref<78x128xi32, #tpu.memory_space<vmem>> -> memref<1x128xi32, #tpu.memory_space<vmem>>
    %dma_wait3A_120 = tpu.memref_squeeze %dma_wait3A_119 : memref<1x128xi32, #tpu.memory_space<vmem>> -> memref<128xi32, #tpu.memory_space<vmem>>
    %dma_wait3A_121 = arith.constant 0 : i32
    %dma_wait3A_122 = arith.constant 0 : i32
    %dma_wait3A_123 = tpu.memref_slice %arg30[%dma_wait3A_121, %dma_wait3A_122] : memref<10000x64xf32, #tpu.memory_space<vmem_shared>> -> memref<10000x64xf32, #tpu.memory_space<vmem_shared>>
    tpu.wait_indirect_dma semaphore(%arg29 : memref<!tpu.dma_semaphore, #tpu.memory_space<semaphore_mem>>) src(%arg17 : memref<128x64xf32, #tpu.memory_space<vmem>>) dst(%dma_wait3A_123 : memref<10000x64xf32, #tpu.memory_space<vmem_shared>>)
    %dma_start3A_124 = arith.constant 0 : i32
    %dma_start3A_125 = arith.constant 0 : i32
    %dma_start3A_126 = arith.constant 0 : i32
    %dma_start3A_127 = tpu.memref_slice %arg12[%dma_start3A_125, %dma_start3A_126] : memref<128x64xf32, #tpu.memory_space<vmem>> -> memref<16x64xf32, #tpu.memory_space<vmem>>
    %dma_start3A_128 = arith.constant 0 : i32
    %dma_start3A_129 = arith.constant 0 : i32
    %dma_start3A_130 = tpu.memref_slice %arg6[%dma_start3A_124, %dma_start3A_128, %dma_start3A_129] : memref<1x10000x64xf32, #tpu.memory_space<hbm>> -> memref<1x10000x64xf32, #tpu.memory_space<hbm>>
    %dma_start3A_131 = tpu.memref_squeeze %dma_start3A_130 : memref<1x10000x64xf32, #tpu.memory_space<hbm>> -> memref<10000x64xf32, #tpu.memory_space<hbm>>
    %dma_start3A_132 = arith.constant 0 : i32
    %dma_start3A_133 = arith.constant 0 : i32
    %dma_start3A_134 = tpu.memref_slice %dma_start3A_131[%dma_start3A_132, %dma_start3A_133] : memref<10000x64xf32, #tpu.memory_space<hbm>> -> memref<10000x64xf32, #tpu.memory_space<hbm>>
    tpu.enqueue_indirect_dma source(%dma_start3A_134 : memref<10000x64xf32, #tpu.memory_space<hbm>>) target(%dma_start3A_127 : memref<16x64xf32, #tpu.memory_space<vmem>>) offsets(%arg10 : memref<16xi32, #tpu.memory_space<vmem>>) semaphore(%arg18 : memref<!tpu.dma_semaphore, #tpu.memory_space<semaphore_mem>>)
    %dma_wait3A_135 = arith.constant 0 : i32
    %dma_wait3A_136 = arith.constant 0 : i32
    %dma_wait3A_137 = arith.constant 0 : i32
    %dma_wait3A_138 = tpu.memref_slice %arg12[%dma_wait3A_136, %dma_wait3A_137] : memref<128x64xf32, #tpu.memory_space<vmem>> -> memref<16x64xf32, #tpu.memory_space<vmem>>
    %dma_wait3A_139 = arith.constant 0 : i32
    %dma_wait3A_140 = arith.constant 0 : i32
    %dma_wait3A_141 = tpu.memref_slice %arg6[%dma_wait3A_135, %dma_wait3A_139, %dma_wait3A_140] : memref<1x10000x64xf32, #tpu.memory_space<hbm>> -> memref<1x10000x64xf32, #tpu.memory_space<hbm>>
    %dma_wait3A_142 = tpu.memref_squeeze %dma_wait3A_141 : memref<1x10000x64xf32, #tpu.memory_space<hbm>> -> memref<10000x64xf32, #tpu.memory_space<hbm>>
    %dma_wait3A_143 = arith.constant 0 : i32
    %dma_wait3A_144 = arith.constant 0 : i32
    %dma_wait3A_145 = tpu.memref_slice %dma_wait3A_142[%dma_wait3A_143, %dma_wait3A_144] : memref<10000x64xf32, #tpu.memory_space<hbm>> -> memref<10000x64xf32, #tpu.memory_space<hbm>>
    tpu.wait_indirect_dma semaphore(%arg18 : memref<!tpu.dma_semaphore, #tpu.memory_space<semaphore_mem>>) src(%dma_wait3A_145 : memref<10000x64xf32, #tpu.memory_space<hbm>>) dst(%dma_wait3A_138 : memref<16x64xf32, #tpu.memory_space<vmem>>)
    "tpu.region"() ({
      %run_scoped3A_153 = tpu.sem_alloc : memref<!tpu.dma_semaphore, #tpu.memory_space<semaphore_mem>>
      %dma_start3A_154 = arith.constant 0 : i32
      %dma_start3A_155 = arith.constant 0 : i32
      %dma_start3A_156 = tpu.memref_slice %arg12[%dma_start3A_154, %dma_start3A_155] : memref<128x64xf32, #tpu.memory_space<vmem>> -> memref<16x64xf32, #tpu.memory_space<vmem>>
      %dma_start3A_157 = arith.constant 0 : i32
      %dma_start3A_158 = arith.constant 0 : i32
      %dma_start3A_159 = tpu.memref_slice %arg30[%dma_start3A_157, %dma_start3A_158] : memref<10000x64xf32, #tpu.memory_space<vmem_shared>> -> memref<10000x64xf32, #tpu.memory_space<vmem_shared>>
      tpu.enqueue_indirect_dma source(%dma_start3A_156 : memref<16x64xf32, #tpu.memory_space<vmem>>) target(%dma_start3A_159 : memref<10000x64xf32, #tpu.memory_space<vmem_shared>>) offsets(%arg11 : memref<16xi32, #tpu.memory_space<vmem>>) semaphore(%run_scoped3A_153 : memref<!tpu.dma_semaphore, #tpu.memory_space<semaphore_mem>>) {add = true}
      %dma_wait3A_160 = arith.constant 0 : i32
      %dma_wait3A_161 = arith.constant 0 : i32
      %dma_wait3A_162 = tpu.memref_slice %arg12[%dma_wait3A_160, %dma_wait3A_161] : memref<128x64xf32, #tpu.memory_space<vmem>> -> memref<16x64xf32, #tpu.memory_space<vmem>>
      %dma_wait3A_163 = arith.constant 0 : i32
      %dma_wait3A_164 = arith.constant 0 : i32
      %dma_wait3A_165 = tpu.memref_slice %arg30[%dma_wait3A_163, %dma_wait3A_164] : memref<10000x64xf32, #tpu.memory_space<vmem_shared>> -> memref<10000x64xf32, #tpu.memory_space<vmem_shared>>
      tpu.wait_indirect_dma semaphore(%run_scoped3A_153 : memref<!tpu.dma_semaphore, #tpu.memory_space<semaphore_mem>>) src(%dma_wait3A_162 : memref<16x64xf32, #tpu.memory_space<vmem>>) dst(%dma_wait3A_165 : memref<10000x64xf32, #tpu.memory_space<vmem_shared>>)
      tpu.yield
    }) : () -> ()
    %barrier3A_146 = arith.constant 0 : index
    tpu.barrier barrier_id(%barrier3A_146)
    %run_scoped3A_147 = arith.constant 0 : i32
    "tpu.region"() ({
      %run_scoped3A_153 = tpu.sem_alloc : memref<!tpu.dma_semaphore, #tpu.memory_space<semaphore_mem>>
      %dma_start3A_154 = arith.constant 0 : i32
      %dma_start3A_155 = tpu.memref_slice %arg7[%arg0, %run_scoped3A_147, %mul3A_2, %dma_start3A_154] : memref<2x1x10000x64xf32, #tpu.memory_space<hbm>> -> memref<1x1x624x64xf32, #tpu.memory_space<hbm>>
      %dma_start3A_156 = tpu.memref_squeeze %dma_start3A_155 : memref<1x1x624x64xf32, #tpu.memory_space<hbm>> -> memref<624x64xf32, #tpu.memory_space<hbm>>
      %dma_start3A_157 = arith.constant 0 : i32
      %dma_start3A_158 = tpu.memref_slice %arg30[%mul3A_2, %dma_start3A_157] : memref<10000x64xf32, #tpu.memory_space<vmem_shared>> -> memref<624x64xf32, #tpu.memory_space<vmem_shared>>
      tpu.enqueue_dma source(%dma_start3A_158 : memref<624x64xf32, #tpu.memory_space<vmem_shared>>) target(%dma_start3A_156 : memref<624x64xf32, #tpu.memory_space<hbm>>) target_semaphore(%run_scoped3A_153 : memref<!tpu.dma_semaphore, #tpu.memory_space<semaphore_mem>>)
      %dma_wait3A_159 = arith.constant 0 : i32
      %dma_wait3A_160 = tpu.memref_slice %arg7[%arg0, %run_scoped3A_147, %mul3A_2, %dma_wait3A_159] : memref<2x1x10000x64xf32, #tpu.memory_space<hbm>> -> memref<1x1x624x64xf32, #tpu.memory_space<hbm>>
      %dma_wait3A_161 = tpu.memref_squeeze %dma_wait3A_160 : memref<1x1x624x64xf32, #tpu.memory_space<hbm>> -> memref<624x64xf32, #tpu.memory_space<hbm>>
      %dma_wait3A_162 = arith.constant 0 : i32
      %dma_wait3A_163 = tpu.memref_slice %arg30[%mul3A_2, %dma_wait3A_162] : memref<10000x64xf32, #tpu.memory_space<vmem_shared>> -> memref<624x64xf32, #tpu.memory_space<vmem_shared>>
      tpu.wait_dma2 semaphore(%run_scoped3A_153 : memref<!tpu.dma_semaphore, #tpu.memory_space<semaphore_mem>>) src(%dma_wait3A_163 : memref<624x64xf32, #tpu.memory_space<vmem_shared>>) dst(%dma_wait3A_161 : memref<624x64xf32, #tpu.memory_space<hbm>>)
      tpu.yield
    }) : () -> ()
    %eq3A_148 = arith.constant 15 : i32
    %eq3A_149 = arith.cmpi eq, %arg1, %eq3A_148 : i32
    %convert_element_type3A_150 = arith.extui %eq3A_149 : i1 to i32
    %cond3A_151 = arith.constant 0 : i32
    %cond3A_152 = arith.cmpi ne, %convert_element_type3A_150, %cond3A_151 : i32
    scf.if %cond3A_152 {
      %run_scoped3A_153 = arith.constant 0 : i32
      "tpu.region"() ({
        %run_scoped3A_154 = tpu.sem_alloc : memref<!tpu.dma_semaphore, #tpu.memory_space<semaphore_mem>>
        %dma_start3A_155 = arith.constant 9984 : i32
        %dma_start3A_156 = arith.constant 0 : i32
        %dma_start3A_157 = tpu.memref_slice %arg7[%arg0, %run_scoped3A_153, %dma_start3A_155, %dma_start3A_156] : memref<2x1x10000x64xf32, #tpu.memory_space<hbm>> -> memref<1x1x16x64xf32, #tpu.memory_space<hbm>>
        %dma_start3A_158 = tpu.memref_squeeze %dma_start3A_157 : memref<1x1x16x64xf32, #tpu.memory_space<hbm>> -> memref<16x64xf32, #tpu.memory_space<hbm>>
        %dma_start3A_159 = arith.constant 9984 : i32
        %dma_start3A_160 = arith.constant 0 : i32
        %dma_start3A_161 = tpu.memref_slice %arg30[%dma_start3A_159, %dma_start3A_160] : memref<10000x64xf32, #tpu.memory_space<vmem_shared>> -> memref<16x64xf32, #tpu.memory_space<vmem_shared>>
        tpu.enqueue_dma source(%dma_start3A_161 : memref<16x64xf32, #tpu.memory_space<vmem_shared>>) target(%dma_start3A_158 : memref<16x64xf32, #tpu.memory_space<hbm>>) target_semaphore(%run_scoped3A_154 : memref<!tpu.dma_semaphore, #tpu.memory_space<semaphore_mem>>)
        %dma_wait3A_162 = arith.constant 9984 : i32
        %dma_wait3A_163 = arith.constant 0 : i32
        %dma_wait3A_164 = tpu.memref_slice %arg7[%arg0, %run_scoped3A_153, %dma_wait3A_162, %dma_wait3A_163] : memref<2x1x10000x64xf32, #tpu.memory_space<hbm>> -> memref<1x1x16x64xf32, #tpu.memory_space<hbm>>
        %dma_wait3A_165 = tpu.memref_squeeze %dma_wait3A_164 : memref<1x1x16x64xf32, #tpu.memory_space<hbm>> -> memref<16x64xf32, #tpu.memory_space<hbm>>
        %dma_wait3A_166 = arith.constant 9984 : i32
        %dma_wait3A_167 = arith.constant 0 : i32
        %dma_wait3A_168 = tpu.memref_slice %arg30[%dma_wait3A_166, %dma_wait3A_167] : memref<10000x64xf32, #tpu.memory_space<vmem_shared>> -> memref<16x64xf32, #tpu.memory_space<vmem_shared>>
        tpu.wait_dma2 semaphore(%run_scoped3A_154 : memref<!tpu.dma_semaphore, #tpu.memory_space<semaphore_mem>>) src(%dma_wait3A_168 : memref<16x64xf32, #tpu.memory_space<vmem_shared>>) dst(%dma_wait3A_165 : memref<16x64xf32, #tpu.memory_space<hbm>>)
        tpu.yield
      }) : () -> ()
    } else {
    }
    return
  }
}

module attributes {stable_mosaic.version = 14 : i64} {
  func.func @body(%arg0: i32, %arg1: memref<2x1000x32xf32, #tpu.memory_space<vmem>>, %arg2: memref<1000x256xf32, #tpu.memory_space<vmem>>, %arg3: memref<2x256x128xf32, #tpu.memory_space<vmem>>, %arg4: memref<1000x128xf32, #tpu.memory_space<vmem>>, %arg5: memref<2x1000x128xf32, #tpu.memory_space<vmem>>) attributes {dimension_semantics = [#tpu.dimension_semantics<arbitrary>], iteration_bounds = array<i64: 5>, scalar_prefetch = 0 : i64, scratch_operands = 0 : i64, tpu.core_type = #tpu.core_type<tc>, window_params = [{transform_indices = @transform_0, window_bounds = array<i64: 2, 1000, 32>}, {transform_indices = @transform_1, window_bounds = array<i64: 1000, 256>}, {pipeline_mode = #tpu.pipeline_mode<synchronous>, transform_indices = @transform_2, window_bounds = array<i64: 2, 256, 128>}, {transform_indices = @transform_3, window_bounds = array<i64: 1000, 128>}, {transform_indices = @transform_4, window_bounds = array<i64: 2, 1000, 128>}]} {
    %get3A = arith.constant 0 : index
    %get3A_0 = arith.constant 0 : index
    %get3A_1 = arith.constant 0 : index
    %get3A_2 = vector.load %arg1[%get3A, %get3A_0, %get3A_1] : memref<2x1000x32xf32, #tpu.memory_space<vmem>>, vector<1x1000x1xf32>
    %get3A_3 = vector.shape_cast %get3A_2 : vector<1x1000x1xf32> to vector<1000x1xf32>
    %get3A_4 = arith.constant 1 : index
    %get3A_5 = arith.constant 0 : index
    %get3A_6 = arith.constant 0 : index
    %get3A_7 = vector.load %arg1[%get3A_4, %get3A_5, %get3A_6] : memref<2x1000x32xf32, #tpu.memory_space<vmem>>, vector<1x1000x1xf32>
    %get3A_8 = vector.shape_cast %get3A_7 : vector<1x1000x1xf32> to vector<1000x1xf32>
    %add3A = arith.addf %get3A_3, %get3A_8 : vector<1000x1xf32>
    %sub3A = arith.constant 1.000000e+00 : f32
    %sub3A_9 = vector.broadcast %sub3A : f32 to vector<1000x1xf32>
    %sub3A_10 = arith.subf %add3A, %sub3A_9 : vector<1000x1xf32>
    %get3A_11 = arith.constant 0 : index
    %get3A_12 = arith.constant 0 : index
    %get3A_13 = arith.constant 16 : index
    %get3A_14 = vector.load %arg1[%get3A_11, %get3A_12, %get3A_13] : memref<2x1000x32xf32, #tpu.memory_space<vmem>>, vector<1x1000x1xf32>
    %get3A_15 = vector.shape_cast %get3A_14 : vector<1x1000x1xf32> to vector<1000x1xf32>
    %get3A_16 = arith.constant 1 : index
    %get3A_17 = arith.constant 0 : index
    %get3A_18 = arith.constant 16 : index
    %get3A_19 = vector.load %arg1[%get3A_16, %get3A_17, %get3A_18] : memref<2x1000x32xf32, #tpu.memory_space<vmem>>, vector<1x1000x1xf32>
    %get3A_20 = vector.shape_cast %get3A_19 : vector<1x1000x1xf32> to vector<1000x1xf32>
    %add3A_21 = arith.addf %get3A_15, %get3A_20 : vector<1000x1xf32>
    %sub3A_22 = arith.constant 1.000000e+00 : f32
    %sub3A_23 = vector.broadcast %sub3A_22 : f32 to vector<1000x1xf32>
    %sub3A_24 = arith.subf %add3A_21, %sub3A_23 : vector<1000x1xf32>
    %rsqrt3A = math.rsqrt %sub3A_10 : vector<1000x1xf32>
    %broadcast_in_dim3A = vector.shape_cast %rsqrt3A : vector<1000x1xf32> to vector<1000x1xf32>
    %broadcast_in_dim3A_25 = vector.broadcast %broadcast_in_dim3A : vector<1000x1xf32> to vector<1000x64xf32>
    %rsqrt3A_26 = math.rsqrt %sub3A_24 : vector<1000x1xf32>
    %broadcast_in_dim3A_27 = vector.shape_cast %rsqrt3A_26 : vector<1000x1xf32> to vector<1000x1xf32>
    %broadcast_in_dim3A_28 = vector.broadcast %broadcast_in_dim3A_27 : vector<1000x1xf32> to vector<1000x64xf32>
    %concatenate3A = tpu.concatenate %broadcast_in_dim3A_25, %broadcast_in_dim3A_28 in 1 : vector<1000x64xf32>, vector<1000x64xf32> -> vector<1000x128xf32>
    %swap3A = arith.constant 0 : index
    %swap3A_29 = arith.constant 0 : index
    %swap3A_30 = vector.load %arg4[%swap3A, %swap3A_29] : memref<1000x128xf32, #tpu.memory_space<vmem>>, vector<1000x128xf32>
    tpu.vector_store %arg4[%swap3A, %swap3A_29], %concatenate3A {strides = array<i32>} : memref<1000x128xf32, #tpu.memory_space<vmem>>, vector<1000x128xf32>,
    %get3A_31 = arith.constant 0 : index
    %get3A_32 = arith.constant 0 : index
    %get3A_33 = vector.load %arg2[%get3A_31, %get3A_32] : memref<1000x256xf32, #tpu.memory_space<vmem>>, vector<1000x256xf32>
    %get3A_34 = arith.constant 0 : index
    %get3A_35 = arith.constant 0 : index
    %get3A_36 = arith.constant 0 : index
    %get3A_37 = vector.load %arg3[%get3A_34, %get3A_35, %get3A_36] : memref<2x256x128xf32, #tpu.memory_space<vmem>>, vector<1x256x128xf32>
    %get3A_38 = vector.shape_cast %get3A_37 : vector<1x256x128xf32> to vector<256x128xf32>
    %dot_general3A = arith.constant dense<0.000000e+00> : vector<1000x128xf32>
    %dot_general3A_39 = tpu.matmul %get3A_33, %get3A_38, %dot_general3A {dimension_numbers = #tpu.dot_dimension_numbers<[1], [0], [0], [1], [0, 0, 1, 1], [], []>, transpose_lhs_hint = false} : vector<1000x256xf32>, vector<256x128xf32>, vector<1000x128xf32> -> vector<1000x128xf32>
    %mul3A = arith.mulf %dot_general3A_39, %concatenate3A : vector<1000x128xf32>
    %swap3A_40 = arith.constant 0 : index
    %swap3A_41 = arith.constant 0 : index
    %swap3A_42 = arith.constant 0 : index
    %swap3A_43 = vector.load %arg5[%swap3A_40, %swap3A_41, %swap3A_42] : memref<2x1000x128xf32, #tpu.memory_space<vmem>>, vector<1x1000x128xf32>
    %swap3A_44 = vector.shape_cast %swap3A_43 : vector<1x1000x128xf32> to vector<1000x128xf32>
    %swap3A_45 = vector.shape_cast %mul3A : vector<1000x128xf32> to vector<1x1000x128xf32>
    tpu.vector_store %arg5[%swap3A_40, %swap3A_41, %swap3A_42], %swap3A_45 {strides = array<i32>} : memref<2x1000x128xf32, #tpu.memory_space<vmem>>, vector<1x1000x128xf32>,
    %get3A_46 = arith.constant 0 : index
    %get3A_47 = arith.constant 0 : index
    %get3A_48 = vector.load %arg2[%get3A_46, %get3A_47] : memref<1000x256xf32, #tpu.memory_space<vmem>>, vector<1000x256xf32>
    %get3A_49 = arith.constant 1 : index
    %get3A_50 = arith.constant 0 : index
    %get3A_51 = arith.constant 0 : index
    %get3A_52 = vector.load %arg3[%get3A_49, %get3A_50, %get3A_51] : memref<2x256x128xf32, #tpu.memory_space<vmem>>, vector<1x256x128xf32>
    %get3A_53 = vector.shape_cast %get3A_52 : vector<1x256x128xf32> to vector<256x128xf32>
    %dot_general3A_54 = arith.constant dense<0.000000e+00> : vector<1000x128xf32>
    %dot_general3A_55 = tpu.matmul %get3A_48, %get3A_53, %dot_general3A_54 {dimension_numbers = #tpu.dot_dimension_numbers<[1], [0], [0], [1], [0, 0, 1, 1], [], []>, transpose_lhs_hint = false} : vector<1000x256xf32>, vector<256x128xf32>, vector<1000x128xf32> -> vector<1000x128xf32>
    %mul3A_56 = arith.mulf %dot_general3A_55, %concatenate3A : vector<1000x128xf32>
    %swap3A_57 = arith.constant 1 : index
    %swap3A_58 = arith.constant 0 : index
    %swap3A_59 = arith.constant 0 : index
    %swap3A_60 = vector.load %arg5[%swap3A_57, %swap3A_58, %swap3A_59] : memref<2x1000x128xf32, #tpu.memory_space<vmem>>, vector<1x1000x128xf32>
    %swap3A_61 = vector.shape_cast %swap3A_60 : vector<1x1000x128xf32> to vector<1000x128xf32>
    %swap3A_62 = vector.shape_cast %mul3A_56 : vector<1000x128xf32> to vector<1x1000x128xf32>
    tpu.vector_store %arg5[%swap3A_57, %swap3A_58, %swap3A_59], %swap3A_62 {strides = array<i32>} : memref<2x1000x128xf32, #tpu.memory_space<vmem>>, vector<1x1000x128xf32>,
    return
  }
  func.func @transform_0(%arg0: i32) -> (i32, i32, i32) {
    %c0_i32 = arith.constant 0 : i32
    %c0_i32_0 = arith.constant 0 : i32
    %c0_i32_1 = arith.constant 0 : i32
    return %c0_i32, %arg0, %c0_i32_0 : i32, i32, i32
  }
  func.func @transform_1(%arg0: i32) -> (i32, i32) {
    %c0_i32 = arith.constant 0 : i32
    %c0_i32_0 = arith.constant 0 : i32
    return %arg0, %c0_i32 : i32, i32
  }
  func.func @transform_2(%arg0: i32) -> (i32, i32, i32) {
    %c0_i32 = arith.constant 0 : i32
    %c0_i32_0 = arith.constant 0 : i32
    %c0_i32_1 = arith.constant 0 : i32
    %c0_i32_2 = arith.constant 0 : i32
    return %c0_i32, %c0_i32_0, %c0_i32_1 : i32, i32, i32
  }
  func.func @transform_3(%arg0: i32) -> (i32, i32) {
    %c0_i32 = arith.constant 0 : i32
    %c0_i32_0 = arith.constant 0 : i32
    return %arg0, %c0_i32 : i32, i32
  }
  func.func @transform_4(%arg0: i32) -> (i32, i32, i32) {
    %c0_i32 = arith.constant 0 : i32
    %c0_i32_0 = arith.constant 0 : i32
    %c0_i32_1 = arith.constant 0 : i32
    return %c0_i32, %arg0, %c0_i32_0 : i32, i32, i32
  }
}

module attributes {stable_mosaic.version = 14 : i64} {
  func.func @body(%arg0: i32, %arg1: memref<2x2x1000x128xf32, #tpu.memory_space<vmem>>, %arg2: memref<2x1000x128xf32, #tpu.memory_space<vmem>>, %arg3: memref<1000x128xf32, #tpu.memory_space<vmem>>, %arg4: memref<2x1x128xf32, #tpu.memory_space<vmem>>, %arg5: memref<2x128x128xf32, #tpu.memory_space<vmem>>, %arg6: memref<1000x128xf32, #tpu.memory_space<vmem>>) attributes {dimension_semantics = [#tpu.dimension_semantics<arbitrary>], iteration_bounds = array<i64: 5>, scalar_prefetch = 0 : i64, scratch_operands = 0 : i64, tpu.core_type = #tpu.core_type<tc>, window_params = [{transform_indices = @transform_0, window_bounds = array<i64: 2, 2, 1000, 128>}, {transform_indices = @transform_1, window_bounds = array<i64: 2, 1000, 128>}, {transform_indices = @transform_2, window_bounds = array<i64: 1000, 128>}, {pipeline_mode = #tpu.pipeline_mode<synchronous>, transform_indices = @transform_3, window_bounds = array<i64: 2, 1, 128>}, {pipeline_mode = #tpu.pipeline_mode<synchronous>, transform_indices = @transform_4, window_bounds = array<i64: 2, 128, 128>}, {transform_indices = @transform_5, window_bounds = array<i64: 1000, 128>}]} {
    %get3A = arith.constant 0 : index
    %get3A_0 = arith.constant 0 : index
    %get3A_1 = vector.load %arg3[%get3A, %get3A_0] : memref<1000x128xf32, #tpu.memory_space<vmem>>, vector<1000x128xf32>
    %get3A_2 = arith.constant 0 : index
    %get3A_3 = arith.constant 0 : index
    %get3A_4 = arith.constant 0 : index
    %get3A_5 = arith.constant 0 : index
    %get3A_6 = vector.load %arg1[%get3A_2, %get3A_3, %get3A_4, %get3A_5] : memref<2x2x1000x128xf32, #tpu.memory_space<vmem>>, vector<1x1x1000x128xf32>
    %get3A_7 = vector.shape_cast %get3A_6 : vector<1x1x1000x128xf32> to vector<1000x128xf32>
    %get3A_8 = arith.constant 1 : index
    %get3A_9 = arith.constant 0 : index
    %get3A_10 = arith.constant 0 : index
    %get3A_11 = arith.constant 0 : index
    %get3A_12 = vector.load %arg1[%get3A_8, %get3A_9, %get3A_10, %get3A_11] : memref<2x2x1000x128xf32, #tpu.memory_space<vmem>>, vector<1x1x1000x128xf32>
    %get3A_13 = vector.shape_cast %get3A_12 : vector<1x1x1000x128xf32> to vector<1000x128xf32>
    %add3A = arith.addf %get3A_7, %get3A_13 : vector<1000x128xf32>
    %get3A_14 = arith.constant 0 : index
    %get3A_15 = arith.constant 0 : index
    %get3A_16 = arith.constant 0 : index
    %get3A_17 = vector.load %arg2[%get3A_14, %get3A_15, %get3A_16] : memref<2x1000x128xf32, #tpu.memory_space<vmem>>, vector<1x1000x128xf32>
    %get3A_18 = vector.shape_cast %get3A_17 : vector<1x1000x128xf32> to vector<1000x128xf32>
    %sub3A = arith.subf %add3A, %get3A_18 : vector<1000x128xf32>
    %mul3A = arith.mulf %sub3A, %get3A_1 : vector<1000x128xf32>
    %get3A_19 = arith.constant 0 : index
    %get3A_20 = arith.constant 0 : index
    %get3A_21 = arith.constant 0 : index
    %get3A_22 = vector.load %arg4[%get3A_19, %get3A_20, %get3A_21] : memref<2x1x128xf32, #tpu.memory_space<vmem>>, vector<1x1x128xf32>
    %get3A_23 = vector.shape_cast %get3A_22 : vector<1x1x128xf32> to vector<1x128xf32>
    %add3A_24 = vector.broadcast %get3A_23 : vector<1x128xf32> to vector<1000x128xf32>
    %add3A_25 = arith.addf %mul3A, %add3A_24 : vector<1000x128xf32>
    %max3A = arith.constant 0.000000e+00 : f32
    %max3A_26 = vector.broadcast %max3A : f32 to vector<1000x128xf32>
    %max3A_27 = arith.maximumf %add3A_25, %max3A_26 : vector<1000x128xf32>
    %get3A_28 = arith.constant 0 : index
    %get3A_29 = arith.constant 0 : index
    %get3A_30 = arith.constant 0 : index
    %get3A_31 = vector.load %arg5[%get3A_28, %get3A_29, %get3A_30] : memref<2x128x128xf32, #tpu.memory_space<vmem>>, vector<1x128x128xf32>
    %get3A_32 = vector.shape_cast %get3A_31 : vector<1x128x128xf32> to vector<128x128xf32>
    %dot_general3A = arith.constant dense<0.000000e+00> : vector<1000x128xf32>
    %dot_general3A_33 = tpu.matmul %max3A_27, %get3A_32, %dot_general3A {dimension_numbers = #tpu.dot_dimension_numbers<[1], [0], [0], [1], [0, 0, 1, 1], [], []>, transpose_lhs_hint = false} : vector<1000x128xf32>, vector<128x128xf32>, vector<1000x128xf32> -> vector<1000x128xf32>
    %get3A_34 = arith.constant 0 : index
    %get3A_35 = arith.constant 1 : index
    %get3A_36 = arith.constant 0 : index
    %get3A_37 = arith.constant 0 : index
    %get3A_38 = vector.load %arg1[%get3A_34, %get3A_35, %get3A_36, %get3A_37] : memref<2x2x1000x128xf32, #tpu.memory_space<vmem>>, vector<1x1x1000x128xf32>
    %get3A_39 = vector.shape_cast %get3A_38 : vector<1x1x1000x128xf32> to vector<1000x128xf32>
    %get3A_40 = arith.constant 1 : index
    %get3A_41 = arith.constant 1 : index
    %get3A_42 = arith.constant 0 : index
    %get3A_43 = arith.constant 0 : index
    %get3A_44 = vector.load %arg1[%get3A_40, %get3A_41, %get3A_42, %get3A_43] : memref<2x2x1000x128xf32, #tpu.memory_space<vmem>>, vector<1x1x1000x128xf32>
    %get3A_45 = vector.shape_cast %get3A_44 : vector<1x1x1000x128xf32> to vector<1000x128xf32>
    %add3A_46 = arith.addf %get3A_39, %get3A_45 : vector<1000x128xf32>
    %get3A_47 = arith.constant 1 : index
    %get3A_48 = arith.constant 0 : index
    %get3A_49 = arith.constant 0 : index
    %get3A_50 = vector.load %arg2[%get3A_47, %get3A_48, %get3A_49] : memref<2x1000x128xf32, #tpu.memory_space<vmem>>, vector<1x1000x128xf32>
    %get3A_51 = vector.shape_cast %get3A_50 : vector<1x1000x128xf32> to vector<1000x128xf32>
    %sub3A_52 = arith.subf %add3A_46, %get3A_51 : vector<1000x128xf32>
    %mul3A_53 = arith.mulf %sub3A_52, %get3A_1 : vector<1000x128xf32>
    %get3A_54 = arith.constant 1 : index
    %get3A_55 = arith.constant 0 : index
    %get3A_56 = arith.constant 0 : index
    %get3A_57 = vector.load %arg4[%get3A_54, %get3A_55, %get3A_56] : memref<2x1x128xf32, #tpu.memory_space<vmem>>, vector<1x1x128xf32>
    %get3A_58 = vector.shape_cast %get3A_57 : vector<1x1x128xf32> to vector<1x128xf32>
    %add3A_59 = vector.broadcast %get3A_58 : vector<1x128xf32> to vector<1000x128xf32>
    %add3A_60 = arith.addf %mul3A_53, %add3A_59 : vector<1000x128xf32>
    %max3A_61 = arith.constant 0.000000e+00 : f32
    %max3A_62 = vector.broadcast %max3A_61 : f32 to vector<1000x128xf32>
    %max3A_63 = arith.maximumf %add3A_60, %max3A_62 : vector<1000x128xf32>
    %get3A_64 = arith.constant 1 : index
    %get3A_65 = arith.constant 0 : index
    %get3A_66 = arith.constant 0 : index
    %get3A_67 = vector.load %arg5[%get3A_64, %get3A_65, %get3A_66] : memref<2x128x128xf32, #tpu.memory_space<vmem>>, vector<1x128x128xf32>
    %get3A_68 = vector.shape_cast %get3A_67 : vector<1x128x128xf32> to vector<128x128xf32>
    %dot_general3A_69 = arith.constant dense<0.000000e+00> : vector<1000x128xf32>
    %dot_general3A_70 = tpu.matmul %max3A_63, %get3A_68, %dot_general3A_69 {dimension_numbers = #tpu.dot_dimension_numbers<[1], [0], [0], [1], [0, 0, 1, 1], [], []>, transpose_lhs_hint = false} : vector<1000x128xf32>, vector<128x128xf32>, vector<1000x128xf32> -> vector<1000x128xf32>
    %add3A_71 = arith.addf %dot_general3A_33, %dot_general3A_70 : vector<1000x128xf32>
    %mul3A_72 = arith.mulf %add3A_71, %get3A_1 : vector<1000x128xf32>
    %swap3A = arith.constant 0 : index
    %swap3A_73 = arith.constant 0 : index
    %swap3A_74 = vector.load %arg6[%swap3A, %swap3A_73] : memref<1000x128xf32, #tpu.memory_space<vmem>>, vector<1000x128xf32>
    tpu.vector_store %arg6[%swap3A, %swap3A_73], %mul3A_72 {strides = array<i32>} : memref<1000x128xf32, #tpu.memory_space<vmem>>, vector<1000x128xf32>,
    return
  }
  func.func @transform_0(%arg0: i32) -> (i32, i32, i32, i32) {
    %c0_i32 = arith.constant 0 : i32
    %c0_i32_0 = arith.constant 0 : i32
    %c0_i32_1 = arith.constant 0 : i32
    %c0_i32_2 = arith.constant 0 : i32
    return %c0_i32, %c0_i32_0, %arg0, %c0_i32_1 : i32, i32, i32, i32
  }
  func.func @transform_1(%arg0: i32) -> (i32, i32, i32) {
    %c0_i32 = arith.constant 0 : i32
    %c0_i32_0 = arith.constant 0 : i32
    %c0_i32_1 = arith.constant 0 : i32
    return %c0_i32, %arg0, %c0_i32_0 : i32, i32, i32
  }
  func.func @transform_2(%arg0: i32) -> (i32, i32) {
    %c0_i32 = arith.constant 0 : i32
    %c0_i32_0 = arith.constant 0 : i32
    return %arg0, %c0_i32 : i32, i32
  }
  func.func @transform_3(%arg0: i32) -> (i32, i32, i32) {
    %c0_i32 = arith.constant 0 : i32
    %c0_i32_0 = arith.constant 0 : i32
    %c0_i32_1 = arith.constant 0 : i32
    %c0_i32_2 = arith.constant 0 : i32
    return %c0_i32, %c0_i32_0, %c0_i32_1 : i32, i32, i32
  }
  func.func @transform_4(%arg0: i32) -> (i32, i32, i32) {
    %c0_i32 = arith.constant 0 : i32
    %c0_i32_0 = arith.constant 0 : i32
    %c0_i32_1 = arith.constant 0 : i32
    %c0_i32_2 = arith.constant 0 : i32
    return %c0_i32, %c0_i32_0, %c0_i32_1 : i32, i32, i32
  }
  func.func @transform_5(%arg0: i32) -> (i32, i32) {
    %c0_i32 = arith.constant 0 : i32
    %c0_i32_0 = arith.constant 0 : i32
    return %arg0, %c0_i32 : i32, i32
  }
}

module attributes {stable_mosaic.version = 14 : i64} {
  func.func @body(%arg0: i32, %arg1: memref<2x1000x128xf32, #tpu.memory_space<vmem>>, %arg2: memref<1000x128xf32, #tpu.memory_space<vmem>>, %arg3: memref<1000x128xf32, #tpu.memory_space<vmem>>, %arg4: memref<1x128xf32, #tpu.memory_space<vmem>>, %arg5: memref<1000x128xf32, #tpu.memory_space<vmem>>, %arg6: memref<1000x128xf32, #tpu.memory_space<vmem>>) attributes {dimension_semantics = [#tpu.dimension_semantics<arbitrary>], iteration_bounds = array<i64: 5>, scalar_prefetch = 0 : i64, scratch_operands = 0 : i64, tpu.core_type = #tpu.core_type<tc>, window_params = [{transform_indices = @transform_0, window_bounds = array<i64: 2, 1000, 128>}, {transform_indices = @transform_1, window_bounds = array<i64: 1000, 128>}, {transform_indices = @transform_2, window_bounds = array<i64: 1000, 128>}, {pipeline_mode = #tpu.pipeline_mode<synchronous>, transform_indices = @transform_3, window_bounds = array<i64: 1, 128>}, {transform_indices = @transform_4, window_bounds = array<i64: 1000, 128>}, {transform_indices = @transform_5, window_bounds = array<i64: 1000, 128>}]} {
    %get3A = arith.constant 0 : index
    %get3A_0 = arith.constant 0 : index
    %get3A_1 = arith.constant 0 : index
    %get3A_2 = vector.load %arg1[%get3A, %get3A_0, %get3A_1] : memref<2x1000x128xf32, #tpu.memory_space<vmem>>, vector<1x1000x128xf32>
    %get3A_3 = vector.shape_cast %get3A_2 : vector<1x1000x128xf32> to vector<1000x128xf32>
    %get3A_4 = arith.constant 1 : index
    %get3A_5 = arith.constant 0 : index
    %get3A_6 = arith.constant 0 : index
    %get3A_7 = vector.load %arg1[%get3A_4, %get3A_5, %get3A_6] : memref<2x1000x128xf32, #tpu.memory_space<vmem>>, vector<1x1000x128xf32>
    %get3A_8 = vector.shape_cast %get3A_7 : vector<1x1000x128xf32> to vector<1000x128xf32>
    %add3A = arith.addf %get3A_3, %get3A_8 : vector<1000x128xf32>
    %get3A_9 = arith.constant 0 : index
    %get3A_10 = arith.constant 0 : index
    %get3A_11 = vector.load %arg2[%get3A_9, %get3A_10] : memref<1000x128xf32, #tpu.memory_space<vmem>>, vector<1000x128xf32>
    %sub3A = arith.subf %add3A, %get3A_11 : vector<1000x128xf32>
    %get3A_12 = arith.constant 0 : index
    %get3A_13 = arith.constant 0 : index
    %get3A_14 = vector.load %arg3[%get3A_12, %get3A_13] : memref<1000x128xf32, #tpu.memory_space<vmem>>, vector<1000x128xf32>
    %mul3A = arith.mulf %sub3A, %get3A_14 : vector<1000x128xf32>
    %get3A_15 = arith.constant 0 : index
    %get3A_16 = arith.constant 0 : index
    %get3A_17 = vector.load %arg4[%get3A_15, %get3A_16] : memref<1x128xf32, #tpu.memory_space<vmem>>, vector<1x128xf32>
    %add3A_18 = vector.broadcast %get3A_17 : vector<1x128xf32> to vector<1000x128xf32>
    %add3A_19 = arith.addf %mul3A, %add3A_18 : vector<1000x128xf32>
    %swap3A = arith.constant 0 : index
    %swap3A_20 = arith.constant 0 : index
    %swap3A_21 = vector.load %arg5[%swap3A, %swap3A_20] : memref<1000x128xf32, #tpu.memory_space<vmem>>, vector<1000x128xf32>
    tpu.vector_store %arg5[%swap3A, %swap3A_20], %add3A_19 {strides = array<i32>} : memref<1000x128xf32, #tpu.memory_space<vmem>>, vector<1000x128xf32>,
    %slice3A = vector.extract_strided_slice %add3A_19 {offsets = [0, 0], sizes = [1000, 64], strides = [1, 1]} : vector<1000x128xf32> to vector<1000x64xf32>
    %reduce_max3A = arith.constant dense<0xFF800000> : vector<1000xf32>
    %reduce_max3A_22 = vector.multi_reduction <maximumf>, %slice3A, %reduce_max3A [1] : vector<1000x64xf32> to vector<1000xf32>
    %broadcast_in_dim3A = vector.shape_cast %reduce_max3A_22 : vector<1000xf32> to vector<1000x1xf32>
    %sub3A_23 = vector.broadcast %broadcast_in_dim3A : vector<1000x1xf32> to vector<1000x64xf32>
    %sub3A_24 = arith.subf %slice3A, %sub3A_23 : vector<1000x64xf32>
    %exp3A = math.exp %sub3A_24 : vector<1000x64xf32>
    %reduce_sum3A = arith.constant dense<0.000000e+00> : vector<1000xf32>
    %reduce_sum3A_25 = vector.multi_reduction <add>, %exp3A, %reduce_sum3A [1] : vector<1000x64xf32> to vector<1000xf32>
    %broadcast_in_dim3A_26 = vector.shape_cast %reduce_sum3A_25 : vector<1000xf32> to vector<1000x1xf32>
    %log3A = math.log %broadcast_in_dim3A_26 : vector<1000x1xf32>
    %sub3A_27 = vector.broadcast %log3A : vector<1000x1xf32> to vector<1000x64xf32>
    %sub3A_28 = arith.subf %sub3A_24, %sub3A_27 : vector<1000x64xf32>
    %slice3A_29 = vector.extract_strided_slice %add3A_19 {offsets = [0, 64], sizes = [1000, 64], strides = [1, 1]} : vector<1000x128xf32> to vector<1000x64xf32>
    %reduce_max3A_30 = arith.constant dense<0xFF800000> : vector<1000xf32>
    %reduce_max3A_31 = vector.multi_reduction <maximumf>, %slice3A_29, %reduce_max3A_30 [1] : vector<1000x64xf32> to vector<1000xf32>
    %broadcast_in_dim3A_32 = vector.shape_cast %reduce_max3A_31 : vector<1000xf32> to vector<1000x1xf32>
    %sub3A_33 = vector.broadcast %broadcast_in_dim3A_32 : vector<1000x1xf32> to vector<1000x64xf32>
    %sub3A_34 = arith.subf %slice3A_29, %sub3A_33 : vector<1000x64xf32>
    %exp3A_35 = math.exp %sub3A_34 : vector<1000x64xf32>
    %reduce_sum3A_36 = arith.constant dense<0.000000e+00> : vector<1000xf32>
    %reduce_sum3A_37 = vector.multi_reduction <add>, %exp3A_35, %reduce_sum3A_36 [1] : vector<1000x64xf32> to vector<1000xf32>
    %broadcast_in_dim3A_38 = vector.shape_cast %reduce_sum3A_37 : vector<1000xf32> to vector<1000x1xf32>
    %log3A_39 = math.log %broadcast_in_dim3A_38 : vector<1000x1xf32>
    %sub3A_40 = vector.broadcast %log3A_39 : vector<1000x1xf32> to vector<1000x64xf32>
    %sub3A_41 = arith.subf %sub3A_34, %sub3A_40 : vector<1000x64xf32>
    %concatenate3A = tpu.concatenate %sub3A_28, %sub3A_41 in 1 : vector<1000x64xf32>, vector<1000x64xf32> -> vector<1000x128xf32>
    %swap3A_42 = arith.constant 0 : index
    %swap3A_43 = arith.constant 0 : index
    %swap3A_44 = vector.load %arg6[%swap3A_42, %swap3A_43] : memref<1000x128xf32, #tpu.memory_space<vmem>>, vector<1000x128xf32>
    tpu.vector_store %arg6[%swap3A_42, %swap3A_43], %concatenate3A {strides = array<i32>} : memref<1000x128xf32, #tpu.memory_space<vmem>>, vector<1000x128xf32>,
    return
  }
  func.func @transform_0(%arg0: i32) -> (i32, i32, i32) {
    %c0_i32 = arith.constant 0 : i32
    %c0_i32_0 = arith.constant 0 : i32
    %c0_i32_1 = arith.constant 0 : i32
    return %c0_i32, %arg0, %c0_i32_0 : i32, i32, i32
  }
  func.func @transform_1(%arg0: i32) -> (i32, i32) {
    %c0_i32 = arith.constant 0 : i32
    %c0_i32_0 = arith.constant 0 : i32
    return %arg0, %c0_i32 : i32, i32
  }
  func.func @transform_2(%arg0: i32) -> (i32, i32) {
    %c0_i32 = arith.constant 0 : i32
    %c0_i32_0 = arith.constant 0 : i32
    return %arg0, %c0_i32 : i32, i32
  }
  func.func @transform_3(%arg0: i32) -> (i32, i32) {
    %c0_i32 = arith.constant 0 : i32
    %c0_i32_0 = arith.constant 0 : i32
    %c0_i32_1 = arith.constant 0 : i32
    return %c0_i32, %c0_i32_0 : i32, i32
  }
  func.func @transform_4(%arg0: i32) -> (i32, i32) {
    %c0_i32 = arith.constant 0 : i32
    %c0_i32_0 = arith.constant 0 : i32
    return %arg0, %c0_i32 : i32, i32
  }
  func.func @transform_5(%arg0: i32) -> (i32, i32) {
    %c0_i32 = arith.constant 0 : i32
    %c0_i32_0 = arith.constant 0 : i32
    return %arg0, %c0_i32 : i32, i32
  }
}

</mosaic_0001>

<sc_bundles>
// kernel: kernel.11.cloned.1.call-start
scs
__scs_entry_jumppad:
0x0: {  	(pc) =	sbr.rel $0x88, $3  }
0x1: {  	(tag) =	ssettag $0x0;
	lr =	simm.s32 $0x1  }
0x2: {  	[smem:$0x3F9B] =	sst lr;
	_ =	strace $0xD0000000  }
0x3: {  	_ = 	snop  }
0x4: {  	_ = 	snop  }
0x5: {  	_ = 	snop  }
0x6: {  	_ = 	snop  }
0x7: {  	_ = 	snop  }
__scs_overlays_trampoline_lowered:
0x8: {  	[smem:$0x3FAA] =	sst s0  }
0x9: {  	[smem:$0x3FAB] =	sst s1  }
0xa: {  	[smem:$0x3FAC] =	sst s2  }
0xb: {  	[smem:$0x3FAD] =	sst s3  }
0xc: {  	[smem:$0x3FAE] =	sst s4  }
0xd: {  	[smem:$0x3FAF] =	sst s5  }
0xe: {  	[smem:$0x3FB0] =	sst s6  }
0xf: {  	[smem:$0x3FB1] =	sst s7  }
0x10: {  	[smem:$0x3FB2] =	sst s8  }
0x11: {  	[smem:$0x3FB3] =	sst s9;
	s0 =	simm.s32 @!p0 $0x0  }
0x12: {  	s1 =	sld [smem:$0x3F99];
	s0 =	simm.s32 @p0 $0x1  }
0x13: {  	[smem:$0x3FB4] =	sst s0;
	s0 =	simm.s32 @!p1 $0x0  }
0x14: {  	s2 =	sld [smem:$0x3F98];
	s0 =	simm.s32 @p1 $0x1  }
0x15: {  	[smem:$0x3FB5] =	sst s0;
	s0 =	simm.s32 @!p2 $0x0  }
0x16: {  	s3 =	sld [smem:$0x3FDB];
	s0 =	simm.s32 @p2 $0x1  }
0x17: {  	s4 =	simm.s32 $0x1BF5;
	[smem:$0x3FB7] =	sst s0  }
0x18: {  	s0 =	sld [smem:$0x3F9A];
	_ =	swait.ge [sflag:s4], $0x0  }
0x19: {  	s7 =	sld [smem:$0x3F9B]  }
0x1a: {  	s8 =	sadd.s32 $0xFFFFE003, lr  }
0x1b: {  	s9 =	sadd.s32 $0xFFFFFEF7, lr;
	s5 =	simm.s32 $0xFFFFFFFF;
	p2 =	slt.u32 s8, $0xFFFFF086  }
0x1c: {  	p1 =	slt.u32 s9, $0xF7A;
	s5 =	simm.s32 @!p2 $0x0  }
0x1d: {  	s5 =	simm.s32 @p1 $0x1;
	p0 =	seq.s32 s7, s2  }
0x1e: {  	s7 =	smul.u32 @!p0 $0xF7A, s2;
	p2 =	seq.s32 @!p0 s5, $0x0  }
0x1f: {  	s9 =	smul.u32 $0xF7A, s1;
	s8 =	simm.s32 @!p0 $0x1BF5;
	p2 =	por !p2, p0  }
0x20: {  	[sflag:s8] =	ssyncset.s32 @!p0 $0xFFFFF086;
	s6 =	sadd.s32 @!p0 s3, s7;
	s7 =	simm.s32 @!p0 $0x108  }
0x21: {  	s3 =	sadd.s32 s3, s9;
	s6 =	sadd.s32 @!p0 $0x88, s6;
	s7 =	simm.s32 @p2 $0x1082  }
0x22: {  	[simem:s7], [sflag:s8] =	dma.local @!p0 [hbm:s6], $0xF7A  }
0x23: {  	s9 =	sor.u32 $0xD0000000, s2;
	s6 =	simm.s32 $0x108;
	_ =	swait.ge @!p0 [sflag:s8], $0x0  }
0x24: {  	s3 =	sadd.s32 $0x88, s3;
	s6 =	simm.s32 @!p1 $0x1082;
	[sflag:s4] =	ssyncset.s32 $0xFFFFF086  }
0x25: {  	[simem:s6], [sflag:s4] =	dma.local [hbm:s3], $0xF7A  }
0x26: {  	[smem:$0x3F9B] =	sst s1;
	(tag) =	ssettag s2;
	_ =	strace s9  }
0x27: {  	s1 =	sld [smem:$0x3FAB]  }
0x28: {  	s2 =	sld [smem:$0x3FAC]  }
0x29: {  	s4 =	sld [smem:$0x3FAE]  }
0x2a: {  	p0 =	seq.s32 s5, $0x0;
	s5 =	sld [smem:$0x3FAF]  }
0x2b: {  	s6 =	sld [smem:$0x3FB0]  }
0x2c: {  	s7 =	sld [smem:$0x3FB1]  }
0x2d: {  	s3 =	simm.s32 $0x108;
	s8 =	sld [smem:$0x3FB2]  }
0x2e: {  	s3 =	simm.s32 @!p0 $0x1082;
	s9 =	sld [smem:$0x3FB3]  }
0x2f: {  	lr =	sadd.s32 s0, s3;
	s0 =	sld [smem:$0x3FAA]  }
0x30: {  	s3 =	sld [smem:$0x3FAD]  }
0x31: {  	[smem:$0x3FB6] =	sst s10  }
0x32: {  	s10 =	sld [smem:$0x3FB4];
	_ =	sdelay $0x3  }
0x33: {  	p0 =	seq.s32 s10, $0x1;
	s10 =	sld [smem:$0x3FB6];
	_ =	sdelay $0x3  }
0x34: {  	[smem:$0x3FB6] =	sst s10  }
0x35: {  	s10 =	sld [smem:$0x3FB5];
	_ =	sdelay $0x3  }
0x36: {  	p1 =	seq.s32 s10, $0x1;
	s10 =	sld [smem:$0x3FB6];
	_ =	sdelay $0x3  }
0x37: {  	[smem:$0x3FB6] =	sst s10  }
0x38: {  	s10 =	sld [smem:$0x3FB7]  }
0x39: {  	_ = 	snop;
	(pc) =	sbr.ind lr, $3  }
0x3a: {  	_ = 	snop  }
0x3b: {  	_ = 	snop  }
0x3c: {  	p2 =	seq.s32 s10, $0x1;
	s10 =	sld [smem:$0x3FB6]  }
0x3d: {  	_ =	shalt  }
0x3e: {  	_ =	shalt  }
0x3f: {  	_ =	shalt  }
0x40: {  	_ =	shalt  }
0x41: {  	_ =	shalt  }
0x42: {  	_ =	shalt  }
0x43: {  	_ =	shalt  }
0x44: {  	_ =	shalt  }
0x45: {  	_ =	shalt  }
0x46: {  	_ =	shalt  }
0x47: {  	_ =	shalt  }
0x48: {  	_ =	shalt  }
0x49: {  	_ =	shalt  }
0x4a: {  	_ =	shalt  }
0x4b: {  	_ =	shalt  }
0x4c: {  	_ =	shalt  }
0x4d: {  	_ =	shalt  }
0x4e: {  	_ =	shalt  }
0x4f: {  	_ =	shalt  }
0x50: {  	_ =	shalt  }
0x51: {  	_ =	shalt  }
0x52: {  	_ =	shalt  }
0x53: {  	_ =	shalt  }
0x54: {  	_ =	shalt  }
0x55: {  	_ =	shalt  }
0x56: {  	_ =	shalt  }
0x57: {  	_ =	shalt  }
0x58: {  	_ =	shalt  }
0x59: {  	_ =	shalt  }
0x5a: {  	_ =	shalt  }
0x5b: {  	_ =	shalt  }
0x5c: {  	_ =	shalt  }
0x5d: {  	_ =	shalt  }
0x5e: {  	_ =	shalt  }
0x5f: {  	_ =	shalt  }
0x60: {  	_ =	shalt  }
0x61: {  	_ =	shalt  }
0x62: {  	_ =	shalt  }
0x63: {  	_ =	shalt  }
0x64: {  	_ =	shalt  }
0x65: {  	_ =	shalt  }
0x66: {  	_ =	shalt  }
0x67: {  	_ =	shalt  }
0x68: {  	_ =	shalt  }
0x69: {  	_ =	shalt  }
0x6a: {  	_ =	shalt  }
0x6b: {  	_ =	shalt  }
0x6c: {  	_ =	shalt  }
0x6d: {  	_ =	shalt  }
0x6e: {  	_ =	shalt  }
0x6f: {  	_ =	shalt  }
0x70: {  	_ =	shalt  }
0x71: {  	_ =	shalt  }
0x72: {  	_ =	shalt  }
0x73: {  	_ =	shalt  }
0x74: {  	_ =	shalt  }
0x75: {  	_ =	shalt  }
0x76: {  	_ =	shalt  }
0x77: {  	_ =	shalt  }
0x78: {  	_ =	shalt  }
0x79: {  	_ =	shalt  }
0x7a: {  	_ =	shalt  }
0x7b: {  	_ =	shalt  }
0x7c: {  	_ =	shalt  }
0x7d: {  	_ =	shalt  }
0x7e: {  	_ =	shalt  }
0x7f: {  	_ =	shalt  }
0x80: {  	_ =	shalt  }
0x81: {  	_ =	shalt  }
0x82: {  	_ =	shalt  }
0x83: {  	_ =	shalt  }
0x84: {  	_ =	shalt  }
0x85: {  	_ =	shalt  }
0x86: {  	_ =	shalt  }
0x87: {  	_ =	shalt  }
.Lfunc_end0:
.L_simem_size_0:
called_computation.1_lowered:
.L_overlay_start_0:
0x88: {  	s2 =	sld [smem:$0x3FD9]  }
0x89: {  	s3 =	sld [smem:$0x3FFE];
	_ =	sdelay $0x1  }
0x8a: {  	s1 =	srdreg.scid  }
0x8b: {  	s0 =	sand.u32 $0x1, s1  }
0x8c: {  	s14 =	sshll.u32 s0, $0xA;
	s2 =	sadd.s32 s3, s2  }
0x8d: {  	s2 =	sadd.s32 s2, s14  }
0x8e: {  	[smem:$0x3FC2] =	sst s2  }
0x8f: {  	_ = 	snop  }
0x90: {  	s2 =	sld [smem:$0x3FD0];
	_ =	sdelay $0x2  }
0x91: {  	s15 =	simm.s32 $0xA;
	s4 =	simm.s32 $0x10  }
0x92: {  	[smem:s4], [sflag:s15] =	dma.local [hbm:s2], $0x1  }
0x93: {  	_ =	swait.eq [sflag:s15], $0x1  }
0x94: {  	[sflag:s15] =	ssyncset.done $0x0  }
0x95: {  	[sflag:s15] =	ssyncadd.s32 $0xFFFFFFFF  }
0x96: {  	s16 =	sld [smem:$0x10];
	(tm) =	ssettm $0x1  }
0x97: {  	s17 =	sld [smem:$0x3FFB];
	_ =	sdelay $0x3  }
0x98: {  	_ =	strace s17  }
0x99: {  	s3 =	sld [smem:$0x3FFC];
	_ =	sdelay $0x3  }
0x9a: {  	_ =	strace s3  }
0x9b: {  	s3 =	sld [smem:$0x3FFD];
	_ =	sdelay $0x3  }
0x9c: {  	_ =	strace s3  }
0x9d: {  	_ =	strace $0x8FFFFFFF  }
0x9e: {  	s18 =	sld [smem:$0x3FDB];
	_ =	sdelay $0x1  }
0x9f: {  	s19 =	simm.s32 $_scs_section_size  }
0xa0: {  	s5 =	simm.s32 $_size__tile_overlayer_lowered;
	s6 =	simm.s32 $_tile_overlayer_lowered  }
0xa1: {  	s22 =	simm.s32 $0x1BFF;
	s21 =	sshll.u32 s6, $0x1;
	s3 =	sadd.s32 s19, s18  }
0xa2: {  	s7 =	simm.s32 $0x0;
	s20 =	sshll.u32 s5, $0x1;
	s5 =	sadd.s32 s21, s3  }
0xa3: {  	[timem:s7], [sflag:s22] =	dma.local [hbm:s5], s20  }
0xa4: {  	_ =	swait.ge [sflag:s22], s20  }
0xa5: {  	s4 =	ssub.s32 $0x0, s20;
	[sflag:s22] =	ssyncset.done $0x0  }
0xa6: {  	[sflag:s22] =	ssyncadd.s32 s4;
	_ =	sdelay $0x1  }
0xa7: {  	s23 =	simm.s32 $0x1B8B  }
0xa8: {  	_ =	swait.ge [sflag:s23], $0x1  }
0xa9: {  	[sflag:s23] =	ssyncset.done $0x0  }
0xaa: {  	s25 =	simm.s32 $0x1B8E;
	s24 =	sld [smem:$0x3FFE];
	[sflag:s23] =	ssyncadd.s32 $0xFFFFFFFF  }
0xab: {  	s26 =	simm.s32 $execute0_lowered;
	[smem:$0x3FD2] =	sst s25  }
0xac: {  	s5 =	sshll.u32 s26, $0x1;
	_ =	strace $0x80000049;
	[dreg:$0x1] =	wrdreg $0xFFFFFFFF  }
0xad: {  	s28 =	simm.s32 $_size_execute0_lowered;
	s3 =	sadd.s32 s3, s5;
	[dreg:$0x0] =	wrdreg $0x0  }
0xae: {  	s5 =	sshll.u32 s28, $0x1;
	[dreg:$0x2] =	wrdreg s3  }
0xaf: {  	[dreg:$0x3] =	wrdreg s5  }
0xb0: {  	[dreg:$0x4] =	wrdreg $0xC0  }
0xb1: {  	_ =	task [dreg:s7], $0x5FFFF  }
0xb2: {  	[dreg:$0x1] =	wrdreg $0xFFFFFFFF  }
0xb3: {  	[dreg:$0x0] =	wrdreg $0x60  }
0xb4: {  	[dreg:$0x2] =	wrdreg s16  }
0xb5: {  	[dreg:$0x3] =	wrdreg s24  }
0xb6: {  	[dreg:$0x4] =	wrdreg $0x10E200  }
0xb7: {  	[dreg:$0x5] =	wrdreg $0x9  }
0xb8: {  	_ =	task.clear_ibuf [dreg:s7], $0x6FFFF;
	_ =	strace $0x90000049  }
0xb9: {  	s29 =	simm.s32 $0x9;
	_ =	strace $0x8000004B  }
0xba: {  	_ =	swait.ge [sflag:s29], $0x1  }
0xbb: {  	[sflag:s29] =	ssyncadd.s32 $0xFFFFFFFF  }
0xbc: {  	_ =	strace $0x9000004B  }
0xbd: {  	_ =	sfence  }
0xbe: {  	s30 =	sld [smem:$0x0];
	_ =	sdelay $0x2  }
0xbf: {  	s31 =	sshll.u32 s1, $0xD;
	s1 =	sshrl.u32 s1, $0x2  }
0xc0: {  	s3 =	sand.u32 $0x4000, s31;
	s1 =	sadd.s32 s1, s30  }
0xc1: {  	s0 =	sor.u32 s3, s0;
	s1 =	sshll.u32 s1, $0x11  }
0xc2: {  	s0 =	sor.u32 s1, s0  }
0xc3: {  	s0 =	sadd.s32 $0x8F2B, s0  }
0xc4: {  	[sflag:s0] =	ssyncadd.remote.s32 $0x1  }
0xc5: {  	_ =	sfence.sel $0xFFFF  }
0xc6: {  	[dreg:$0x0] =	wrdreg $0xFFFFFFFF;
	(pc) =	sbr.abs _section_cstart, $3  }
0xc7: {  	[dreg:$0x1] =	wrdreg $0xFFFFFFFF  }
0xc8: {  	_ =	task.clear_ibuf [dreg:s7], $0x2FFFF;
	_ =	strace $0x9FFFFFFF  }
0xc9: {  	(tm) =	ssettm $0x7FFFFFFF  }
tec
execute0_lowered:
.L_overlay_start_1:
0x0: {  	(tag) =	ssettag $0x1  }
0x1: {  	s0 =	rddreg [dreg:$0x0];
	s1 =	srdreg.scid  }
0x2: {  	s13 =	stileid.u32;
	s5 =	rddreg [dreg:$0x1]  }
0x3: {  	s2 =	rddreg [dreg:$0x2];
	s30 =	simm.s32 $0x4E10;
	s29 =	simm.s32 $0x8E20  }
0x4: {  	s31 =	simm.s32 $0xAE20;
	s28 =	simm.s32 $0x6;
	s1 =	sand.u32 $0x1, s1  }
0x5: {  	s3 =	sshll.u32 s13, $0x1;
	s10 =	sadd.s32 $0x34A00, s5;
	s12 =	smul.u32 $0x9C00, s13  }
0x6: {  	s22 =	sadd.s32 $0x9C000, s2;
	s24 =	sadd.s32 $0x21000, s5;
	p0 =	sne.s32 s13, $0xF  }
0x7: {  	s13 =	simm.s32 $0x4;
	s4 =	sor.u32 s1, s3;
	s18 =	smul.u32 $0x138800, s1  }
0x8: {  	s3 =	simm.s32 $0x0;
	s9 =	ssub.s32 $0x2, s1;
	s6 =	smul.u32 $0x4E0, s4  }
0x9: {  	[smem:$0x7FF] =	sst s3;
	s4 =	sshll.u32 s4, $0x1;
	s20 =	sadd.s32 s12, s2  }
0xa: {  	s17 =	sshrl.u32 s12, $0x3;
	_ =	strace $0x8000004A;
	[dreg:$0x9] =	wrdreg s20  }
0xb: {  	s11 =	sshrl.u32 s9, $0x1;
	s8 =	sadd.s32 s4, s5;
	[dreg:$0x7] =	wrdreg s17  }
0xc: {  	s4 =	sadd.s32 $0xD800, s5;
	s9 =	ssub.s32 s9, s11;
	[dreg:$0xb] =	wrdreg s22  }
0xd: {  	s23 =	sadd.s32 s12, s18;
	[dreg:$0xc] =	wrdreg s24;
	s20 =	simm.s32 $0xD  }
0xe: {  	s24 =	simm.s32 $0x80;
	s11 =	simm.s32 $0x3;
	s12 =	simm.s32 $0x9  }
0xf: {  	s7 =	sadd.s32 s6, s5;
	s0 =	sadd.s32 s0, s6;
	s16 =	sadd.s32 $0xD600, s8  }
0x10: {  	s19 =	sadd.s32 $0xD400, s8;
	s21 =	sadd.s32 s4, s17;
	s1 =	sshrl.u32 s23, $0x3  }
0x11: {  	s26 =	smax.u32 s9, $0x1;
	s23 =	simm.s32 $0x4E00;
	[dreg:$0x4] =	wrdreg s0  }
0x12: {  	s6 =	simm.s32 $0x1;
	s9 =	simm.s32 $0x2;
	[dreg:$0x6] =	wrdreg s16  }
0x13: {  	s17 =	simm.s32 $0x5;
	s15 =	sadd.s32 $0x3800, s7;
	[dreg:$0x8] =	wrdreg s19  }
0x14: {  	[dreg:$0xa] =	wrdreg s21;
	s0 =	sshrl.u32 s18, $0x3;
	s1 =	sadd.s32 s10, s1  }
0x15: {  	s16 =	sadd.s32 $0x21080, s5;
	[dreg:$0x11] =	wrdreg s26;
	s26 =	simm.s32 $0x6E20  }
0x16: {  	s21 =	simm.s32 $0xCE20;
	s5 =	simm.s32 $0xEE20;
	s7 =	simm.s32 $0x7  }
0x17: {  	s18 =	simm.s32 $0xB;
	s19 =	simm.s32 $0xC;
	[dreg:$0x5] =	wrdreg s15  }
0x18: {  	s0 =	sadd.s32 s10, s0;
	[dreg:$0xd] =	wrdreg s1;
	s1 =	sadd.s32 $0x13880, s1  }
0x19: {  	s10 =	simm.s32 $0x8;
	s25 =	sadd.s32 $0x13800, s0;
	[dreg:$0xf] =	wrdreg s1  }
0x1a: {  	s15 =	simm.s32 $0xA;
	s0 =	sadd.s32 $0x27080, s0;
	[dreg:$0xe] =	wrdreg s25  }
0x1b: {  	s1 =	simm.s32 $0x0;
	[dreg:$0x10] =	wrdreg s0;
	s25 =	simm.s32 $0x4E20  }
.LBB2_1:
0x1c: {  	s0 =	rddreg [dreg:$0x4]  }
0x1d: {  	[tilespmem:s3], [sflag:$0xD] =	stream.linear.gather [hbm4b:s0+s3], $0x2700, $0x38;
	[tilespmem:$0x1AA60] =	vst v63  }
0x1e: {  	_ =	swait.ge [sflag:s20], $0x2700  }
0x1f: {  	[sflag:s20] =	ssyncset.done $0x0  }
0x20: {  	s8 =	simm.s32 $0x2700;
	s14 =	rddreg [dreg:$0x5];
	[sflag:s20] =	ssyncadd.s32 $0xFFFFD900  }
0x21: {  	[tilespmem:s8], [sflag:$0xD] =	stream.linear.gather [hbm4b:s14+s3], $0x2700, $0x38;
	[tilespmem:$0x1AA60] =	vst v63  }
0x22: {  	_ =	swait.ge [sflag:s20], $0x2700  }
0x23: {  	[sflag:s20] =	ssyncset.done $0x0  }
0x24: {  	s22 =	rddreg [dreg:$0x6];
	[sflag:s20] =	ssyncadd.s32 $0xFFFFD900  }
0x25: {  	[tilespmem:s23], [sflag:$0xD] =	stream.linear.gather [hbm4b:s22+s3], $0x10, $0x38;
	[tilespmem:$0x1AA60] =	vst v63  }
0x26: {  	_ =	swait.ge [sflag:s20], $0x10  }
0x27: {  	[sflag:s20] =	ssyncset.done $0x0  }
0x28: {  	s14 =	stileid.u32;
	s8 =	rddreg [dreg:$0x8];
	[sflag:s20] =	ssyncadd.s32 $0xFFFFFFF0  }
0x29: {  	[tilespmem:s30], [sflag:$0xD] =	stream.linear.gather [hbm4b:s8+s3], $0x10, $0x38;
	[tilespmem:$0x1AA60] =	vst v63  }
0x2a: {  	s0 =	sshll.u32 s14, $0x6;
	_ =	swait.ge [sflag:s20], $0x10  }
0x2b: {  	s0 =	sor.u32 $0x1C0D, s0;
	[sflag:s20] =	ssyncset.done $0x0;
	s22 =	rddreg [dreg:$0x9]  }
0x2c: {  	s23 =	rddreg [dreg:$0xa];
	[sflag:s20] =	ssyncadd.s32 $0xFFFFFFF0;
	s14 =	sshrl.u32 s22, $0x3  }
0x2d: {  	[spmem:s14], [sflag:s0] =	dma.local [hbm:s23], $0x1380  }
0x2e: {  	_ =	swait.ge [sflag:s20], $0x1380  }
0x2f: {  	[sflag:s20] =	ssyncset.done $0x0;
	s8 =	rddreg [dreg:$0xb]  }
0x30: {  	s22 =	rddreg [dreg:$0xc];
	[sflag:s20] =	ssyncadd.s32 $0xFFFFEC80;
	s8 =	sshrl.u32 @!p0 s8, $0x3  }
0x31: {  	[spmem:s8], [sflag:s0] =	dma.local @!p0 [hbm:s22], $0x80  }
0x32: {  	s22 =	simm.s32 @!p0 $0xD  }
0x33: {  	_ =	swait.ge @!p0 [sflag:s22], $0x80  }
0x34: {  	[sflag:s22] =	ssyncset.done @!p0 $0x0  }
0x35: {  	[sflag:s22] =	ssyncadd.s32 @!p0 $0xFFFFFF80  }
0x36: {  	[bflag:$0x0] =	sbarrier.arrive $0xFFFF  }
0x37: {  	[tilespmem:s25], [sflag:$0x1] =	stream.indirect.gather [hbm4b:s4+s24], $0x40, s3, s24, $0xb8;
	[tilespmem:$0x1AA60] =	vst v63  }
0x38: {  	_ = 	snop  }
0x39: {  	[tilespmem:s26], [sflag:$0x2] =	stream.indirect.gather [hbm4b:s4+s24], $0x40, s24, s24, $0xb8;
	[tilespmem:$0x1AA60] =	vst v63  }
0x3a: {  	s30 =	simm.s32 $0x100  }
0x3b: {  	[tilespmem:s29], [sflag:$0x3] =	stream.indirect.gather [hbm4b:s4+s24], $0x40, s30, s24, $0xb8;
	[tilespmem:$0x1AA60] =	vst v63  }
0x3c: {  	s23 =	simm.s32 $0x180  }
0x3d: {  	[tilespmem:s31], [sflag:$0x4] =	stream.indirect.gather [hbm4b:s4+s24], $0x40, s23, s24, $0xb8;
	[tilespmem:$0x1AA60] =	vst v63  }
0x3e: {  	s30 =	simm.s32 $0x200  }
0x3f: {  	[tilespmem:s21], [sflag:$0x5] =	stream.indirect.gather [hbm4b:s4+s24], $0x40, s30, s24, $0xb8;
	[tilespmem:$0x1AA60] =	vst v63  }
0x40: {  	s23 =	simm.s32 $0x280  }
0x41: {  	[tilespmem:s5], [sflag:$0x6] =	stream.indirect.gather [hbm4b:s4+s24], $0x40, s23, s24, $0xb8;
	[tilespmem:$0x1AA60] =	vst v63  }
0x42: {  	_ =	swait.ge [sflag:s6], $0x2000  }
0x43: {  	[sflag:s6] =	ssyncset.done $0x0  }
0x44: {  	s30 =	simm.s32 $0x2700;
	[sflag:s6] =	ssyncadd.s32 $0xFFFFE000  }
0x45: {  	[spmem:s2] =	stream.indirect.scatter.add.f32 [tilespmem:s25], [sflag:$0x7], $0x40, s30, s24, $0xb8;
	[tilespmem:$0x1AA60] =	vst v63  }
0x46: {  	_ =	swait.ge [sflag:s7], $0x2000  }
0x47: {  	[sflag:s7] =	ssyncset.done $0x0  }
0x48: {  	s23 =	simm.s32 $0x300;
	[sflag:s7] =	ssyncadd.s32 $0xFFFFE000  }
0x49: {  	[tilespmem:s25], [sflag:$0x1] =	stream.indirect.gather [hbm4b:s4+s24], $0x40, s23, s24, $0xb8;
	[tilespmem:$0x1AA60] =	vst v63  }
0x4a: {  	_ =	swait.ge [sflag:s9], $0x2000  }
0x4b: {  	[sflag:s9] =	ssyncset.done $0x0  }
0x4c: {  	s30 =	simm.s32 $0x2780;
	[sflag:s9] =	ssyncadd.s32 $0xFFFFE000  }
0x4d: {  	[spmem:s2] =	stream.indirect.scatter.add.f32 [tilespmem:s26], [sflag:$0x8], $0x40, s30, s24, $0xb8;
	[tilespmem:$0x1AA60] =	vst v63  }
0x4e: {  	_ =	swait.ge [sflag:s10], $0x2000  }
0x4f: {  	[sflag:s10] =	ssyncset.done $0x0  }
0x50: {  	s23 =	simm.s32 $0x380;
	[sflag:s10] =	ssyncadd.s32 $0xFFFFE000  }
0x51: {  	[tilespmem:s26], [sflag:$0x2] =	stream.indirect.gather [hbm4b:s4+s24], $0x40, s23, s24, $0xb8;
	[tilespmem:$0x1AA60] =	vst v63  }
0x52: {  	_ =	swait.ge [sflag:s11], $0x2000  }
0x53: {  	[sflag:s11] =	ssyncset.done $0x0  }
0x54: {  	s30 =	simm.s32 $0x2800;
	[sflag:s11] =	ssyncadd.s32 $0xFFFFE000  }
0x55: {  	[spmem:s2] =	stream.indirect.scatter.add.f32 [tilespmem:s29], [sflag:$0x9], $0x40, s30, s24, $0xb8;
	[tilespmem:$0x1AA60] =	vst v63  }
0x56: {  	_ =	swait.ge [sflag:s12], $0x2000  }
0x57: {  	[sflag:s12] =	ssyncset.done $0x0  }
0x58: {  	s23 =	simm.s32 $0x400;
	[sflag:s12] =	ssyncadd.s32 $0xFFFFE000  }
0x59: {  	[tilespmem:s29], [sflag:$0x3] =	stream.indirect.gather [hbm4b:s4+s24], $0x40, s23, s24, $0xb8;
	[tilespmem:$0x1AA60] =	vst v63  }
0x5a: {  	_ =	swait.ge [sflag:s13], $0x2000  }
0x5b: {  	[sflag:s13] =	ssyncset.done $0x0  }
0x5c: {  	s30 =	simm.s32 $0x2880;
	[sflag:s13] =	ssyncadd.s32 $0xFFFFE000  }
0x5d: {  	[spmem:s2] =	stream.indirect.scatter.add.f32 [tilespmem:s31], [sflag:$0xA], $0x40, s30, s24, $0xb8;
	[tilespmem:$0x1AA60] =	vst v63  }
0x5e: {  	_ =	swait.ge [sflag:s15], $0x2000  }
0x5f: {  	[sflag:s15] =	ssyncset.done $0x0  }
0x60: {  	s23 =	simm.s32 $0x480;
	[sflag:s15] =	ssyncadd.s32 $0xFFFFE000  }
0x61: {  	[tilespmem:s31], [sflag:$0x4] =	stream.indirect.gather [hbm4b:s4+s24], $0x40, s23, s24, $0xb8;
	[tilespmem:$0x1AA60] =	vst v63  }
0x62: {  	_ =	swait.ge [sflag:s17], $0x2000  }
0x63: {  	[sflag:s17] =	ssyncset.done $0x0  }
0x64: {  	s30 =	simm.s32 $0x2900;
	[sflag:s17] =	ssyncadd.s32 $0xFFFFE000  }
0x65: {  	[spmem:s2] =	stream.indirect.scatter.add.f32 [tilespmem:s21], [sflag:$0xB], $0x40, s30, s24, $0xb8;
	[tilespmem:$0x1AA60] =	vst v63  }
0x66: {  	_ =	swait.ge [sflag:s18], $0x2000  }
0x67: {  	[sflag:s18] =	ssyncset.done $0x0  }
0x68: {  	s23 =	simm.s32 $0x500;
	[sflag:s18] =	ssyncadd.s32 $0xFFFFE000  }
0x69: {  	[tilespmem:s21], [sflag:$0x5] =	stream.indirect.gather [hbm4b:s4+s24], $0x40, s23, s24, $0xb8;
	[tilespmem:$0x1AA60] =	vst v63  }
0x6a: {  	_ =	swait.ge [sflag:s28], $0x2000  }
0x6b: {  	[sflag:s28] =	ssyncset.done $0x0  }
0x6c: {  	s30 =	simm.s32 $0x2980;
	[sflag:s28] =	ssyncadd.s32 $0xFFFFE000  }
0x6d: {  	[spmem:s2] =	stream.indirect.scatter.add.f32 [tilespmem:s5], [sflag:$0xC], $0x40, s30, s24, $0xb8;
	[tilespmem:$0x1AA60] =	vst v63  }
0x6e: {  	_ =	swait.ge [sflag:s19], $0x2000  }
0x6f: {  	[sflag:s19] =	ssyncset.done $0x0  }
0x70: {  	s22 =	simm.s32 $0xC00;
	s23 =	simm.s32 $0x580;
	[sflag:s19] =	ssyncadd.s32 $0xFFFFE000  }
.LBB2_2:
0x71: {  	[tilespmem:s5], [sflag:$0x6] =	stream.indirect.gather [hbm4b:s4+s24], $0x40, s23, s24, $0xb8;
	[tilespmem:$0x1AA60] =	vst v63  }
0x72: {  	s23 =	smov.u32 s22  }
0x73: {  	p1 =	sne.s32 s22, $0x8400;
	s22 =	sadd.s32 $0xC00, s22;
	_ =	swait.ge [sflag:s6], $0x2000  }
0x74: {  	s23 =	sshra.s32 s23, $0x2;
	[sflag:s6] =	ssyncset.done $0x0  }
0x75: {  	s30 =	sadd.s32 $0x2700, s23;
	[sflag:s6] =	ssyncadd.s32 $0xFFFFE000  }
0x76: {  	[spmem:s2] =	stream.indirect.scatter.add.f32 [tilespmem:s25], [sflag:$0x7], $0x40, s30, s24, $0xb8;
	[tilespmem:$0x1AA60] =	vst v63  }
0x77: {  	_ =	swait.ge [sflag:s7], $0x2000  }
0x78: {  	[sflag:s7] =	ssyncset.done $0x0  }
0x79: {  	s30 =	sadd.s32 $0x300, s23;
	[sflag:s7] =	ssyncadd.s32 $0xFFFFE000  }
0x7a: {  	[tilespmem:s25], [sflag:$0x1] =	stream.indirect.gather [hbm4b:s4+s24], $0x40, s30, s24, $0xb8;
	[tilespmem:$0x1AA60] =	vst v63  }
0x7b: {  	_ =	swait.ge [sflag:s9], $0x2000  }
0x7c: {  	[sflag:s9] =	ssyncset.done $0x0  }
0x7d: {  	s30 =	sadd.s32 $0x2780, s23;
	[sflag:s9] =	ssyncadd.s32 $0xFFFFE000  }
0x7e: {  	[spmem:s2] =	stream.indirect.scatter.add.f32 [tilespmem:s26], [sflag:$0x8], $0x40, s30, s24, $0xb8;
	[tilespmem:$0x1AA60] =	vst v63  }
0x7f: {  	_ =	swait.ge [sflag:s10], $0x2000  }
0x80: {  	[sflag:s10] =	ssyncset.done $0x0  }
0x81: {  	s30 =	sadd.s32 $0x380, s23;
	[sflag:s10] =	ssyncadd.s32 $0xFFFFE000  }
0x82: {  	[tilespmem:s26], [sflag:$0x2] =	stream.indirect.gather [hbm4b:s4+s24], $0x40, s30, s24, $0xb8;
	[tilespmem:$0x1AA60] =	vst v63  }
0x83: {  	_ =	swait.ge [sflag:s11], $0x2000  }
0x84: {  	[sflag:s11] =	ssyncset.done $0x0  }
0x85: {  	s30 =	sadd.s32 $0x2800, s23;
	[sflag:s11] =	ssyncadd.s32 $0xFFFFE000  }
0x86: {  	[spmem:s2] =	stream.indirect.scatter.add.f32 [tilespmem:s29], [sflag:$0x9], $0x40, s30, s24, $0xb8;
	[tilespmem:$0x1AA60] =	vst v63  }
0x87: {  	_ =	swait.ge [sflag:s12], $0x2000  }
0x88: {  	[sflag:s12] =	ssyncset.done $0x0  }
0x89: {  	s30 =	sadd.s32 $0x400, s23;
	[sflag:s12] =	ssyncadd.s32 $0xFFFFE000  }
0x8a: {  	[tilespmem:s29], [sflag:$0x3] =	stream.indirect.gather [hbm4b:s4+s24], $0x40, s30, s24, $0xb8;
	[tilespmem:$0x1AA60] =	vst v63  }
0x8b: {  	_ =	swait.ge [sflag:s13], $0x2000  }
0x8c: {  	[sflag:s13] =	ssyncset.done $0x0  }
0x8d: {  	s30 =	sadd.s32 $0x2880, s23;
	[sflag:s13] =	ssyncadd.s32 $0xFFFFE000  }
0x8e: {  	[spmem:s2] =	stream.indirect.scatter.add.f32 [tilespmem:s31], [sflag:$0xA], $0x40, s30, s24, $0xb8;
	[tilespmem:$0x1AA60] =	vst v63  }
0x8f: {  	_ =	swait.ge [sflag:s15], $0x2000  }
0x90: {  	[sflag:s15] =	ssyncset.done $0x0  }
0x91: {  	s30 =	sadd.s32 $0x480, s23;
	[sflag:s15] =	ssyncadd.s32 $0xFFFFE000  }
0x92: {  	[tilespmem:s31], [sflag:$0x4] =	stream.indirect.gather [hbm4b:s4+s24], $0x40, s30, s24, $0xb8;
	[tilespmem:$0x1AA60] =	vst v63  }
0x93: {  	_ =	swait.ge [sflag:s17], $0x2000  }
0x94: {  	[sflag:s17] =	ssyncset.done $0x0  }
0x95: {  	s30 =	sadd.s32 $0x2900, s23;
	[sflag:s17] =	ssyncadd.s32 $0xFFFFE000  }
0x96: {  	[spmem:s2] =	stream.indirect.scatter.add.f32 [tilespmem:s21], [sflag:$0xB], $0x40, s30, s24, $0xb8;
	[tilespmem:$0x1AA60] =	vst v63  }
0x97: {  	_ =	swait.ge [sflag:s18], $0x2000  }
0x98: {  	[sflag:s18] =	ssyncset.done $0x0  }
0x99: {  	s30 =	sadd.s32 $0x500, s23;
	[sflag:s18] =	ssyncadd.s32 $0xFFFFE000  }
0x9a: {  	[tilespmem:s21], [sflag:$0x5] =	stream.indirect.gather [hbm4b:s4+s24], $0x40, s30, s24, $0xb8;
	[tilespmem:$0x1AA60] =	vst v63  }
0x9b: {  	_ =	swait.ge [sflag:s28], $0x2000  }
0x9c: {  	[sflag:s28] =	ssyncset.done $0x0  }
.Ltmp0:
0x9d: {  	s30 =	sadd.s32 $0x2980, s23;
	[sflag:s28] =	ssyncadd.s32 $0xFFFFE000;
	(pc) =	sbr.rel @p1 .LBB2_2-.Ltmp0, $4  }
0x9e: {  	[spmem:s2] =	stream.indirect.scatter.add.f32 [tilespmem:s5], [sflag:$0xC], $0x40, s30, s24, $0xb8;
	[tilespmem:$0x1AA60] =	vst v63  }
0x9f: {  	_ =	swait.ge [sflag:s19], $0x2000  }
0xa0: {  	[sflag:s19] =	ssyncset.done $0x0  }
0xa1: {  	s23 =	sadd.s32 $0x580, s23;
	[sflag:s19] =	ssyncadd.s32 $0xFFFFE000  }
0xa2: {  	[tilespmem:s5], [sflag:$0x6] =	stream.indirect.gather [hbm4b:s4+s24], $0x40, s23, s24, $0xb8;
	[tilespmem:$0x1AA60] =	vst v63  }
0xa3: {  	_ =	swait.ge [sflag:s6], $0x2000  }
0xa4: {  	[sflag:s6] =	ssyncset.done $0x0  }
0xa5: {  	s22 =	simm.s32 $0x4B00;
	[sflag:s6] =	ssyncadd.s32 $0xFFFFE000  }
0xa6: {  	[spmem:s2] =	stream.indirect.scatter.add.f32 [tilespmem:s25], [sflag:$0x7], $0x40, s22, s24, $0xb8;
	[tilespmem:$0x1AA60] =	vst v63  }
0xa7: {  	_ =	swait.ge [sflag:s9], $0x2000  }
0xa8: {  	[sflag:s9] =	ssyncset.done $0x0  }
0xa9: {  	s23 =	simm.s32 $0x4B80;
	[sflag:s9] =	ssyncadd.s32 $0xFFFFE000  }
0xaa: {  	[spmem:s2] =	stream.indirect.scatter.add.f32 [tilespmem:s26], [sflag:$0x8], $0x40, s23, s24, $0xb8;
	[tilespmem:$0x1AA60] =	vst v63  }
0xab: {  	_ =	swait.ge [sflag:s11], $0x2000  }
0xac: {  	[sflag:s11] =	ssyncset.done $0x0  }
0xad: {  	s30 =	simm.s32 $0x4C00;
	[sflag:s11] =	ssyncadd.s32 $0xFFFFE000  }
0xae: {  	[spmem:s2] =	stream.indirect.scatter.add.f32 [tilespmem:s29], [sflag:$0x9], $0x40, s30, s24, $0xb8;
	[tilespmem:$0x1AA60] =	vst v63  }
0xaf: {  	_ =	swait.ge [sflag:s13], $0x2000  }
0xb0: {  	[sflag:s13] =	ssyncset.done $0x0  }
0xb1: {  	s23 =	simm.s32 $0x4C80;
	[sflag:s13] =	ssyncadd.s32 $0xFFFFE000  }
0xb2: {  	[spmem:s2] =	stream.indirect.scatter.add.f32 [tilespmem:s31], [sflag:$0xA], $0x40, s23, s24, $0xb8;
	[tilespmem:$0x1AA60] =	vst v63  }
0xb3: {  	_ =	swait.ge [sflag:s17], $0x2000  }
0xb4: {  	[sflag:s17] =	ssyncset.done $0x0  }
0xb5: {  	s30 =	simm.s32 $0x4D00;
	[sflag:s17] =	ssyncadd.s32 $0xFFFFE000  }
0xb6: {  	[spmem:s2] =	stream.indirect.scatter.add.f32 [tilespmem:s21], [sflag:$0xB], $0x40, s30, s24, $0xb8;
	[tilespmem:$0x1AA60] =	vst v63  }
0xb7: {  	_ =	swait.ge [sflag:s28], $0x2000  }
0xb8: {  	[sflag:s28] =	ssyncset.done $0x0  }
0xb9: {  	s23 =	simm.s32 $0x4D80;
	[sflag:s28] =	ssyncadd.s32 $0xFFFFE000  }
0xba: {  	[spmem:s2] =	stream.indirect.scatter.add.f32 [tilespmem:s5], [sflag:$0xC], $0x40, s23, s24, $0xb8;
	[tilespmem:$0x1AA60] =	vst v63  }
0xbb: {  	_ =	swait.ge [sflag:s7], $0x2000  }
0xbc: {  	[sflag:s7] =	ssyncset.done $0x0  }
0xbd: {  	[sflag:s7] =	ssyncadd.s32 $0xFFFFE000  }
0xbe: {  	_ =	swait.ge [sflag:s10], $0x2000  }
0xbf: {  	[sflag:s10] =	ssyncset.done $0x0  }
0xc0: {  	[sflag:s10] =	ssyncadd.s32 $0xFFFFE000  }
0xc1: {  	_ =	swait.ge [sflag:s12], $0x2000  }
0xc2: {  	[sflag:s12] =	ssyncset.done $0x0  }
0xc3: {  	[sflag:s12] =	ssyncadd.s32 $0xFFFFE000  }
0xc4: {  	_ =	swait.ge [sflag:s15], $0x2000  }
0xc5: {  	[sflag:s15] =	ssyncset.done $0x0  }
0xc6: {  	[sflag:s15] =	ssyncadd.s32 $0xFFFFE000  }
0xc7: {  	_ =	swait.ge [sflag:s18], $0x2000  }
0xc8: {  	[sflag:s18] =	ssyncset.done $0x0  }
0xc9: {  	[sflag:s18] =	ssyncadd.s32 $0xFFFFE000  }
0xca: {  	_ =	swait.ge [sflag:s19], $0x2000  }
0xcb: {  	[sflag:s19] =	ssyncset.done $0x0  }
0xcc: {  	s30 =	simm.s32 $0x4E00;
	s23 =	simm.s32 $0x10;
	[sflag:s19] =	ssyncadd.s32 $0xFFFFE000  }
0xcd: {  	[tilespmem:s25], [sflag:$0x1] =	stream.indirect.gather [hbm4b:s4+s23], $0x40, s30, s23, $0xb8;
	[tilespmem:$0x1AA60] =	vst v63  }
0xce: {  	_ =	swait.ge [sflag:s6], $0x400  }
0xcf: {  	[sflag:s6] =	ssyncset.done $0x0  }
0xd0: {  	s30 =	simm.s32 $0x4E10;
	[sflag:s6] =	ssyncadd.s32 $0xFFFFFC00  }
0xd1: {  	[spmem:s2] =	stream.indirect.scatter.add.f32 [tilespmem:s25], [sflag:$0xD], $0x40, s30, s23, $0xb8;
	[tilespmem:$0x1AA60] =	vst v63  }
0xd2: {  	_ =	swait.ge [sflag:s20], $0x400  }
0xd3: {  	[sflag:s20] =	ssyncset.done $0x0  }
0xd4: {  	[sflag:s20] =	ssyncadd.s32 $0xFFFFFC00  }
0xd5: {  	[bflag:$0x0] =	sbarrier.arrive $0xFFFF  }
0xd6: {  	s23 =	rddreg [dreg:$0xd]  }
0xd7: {  	[hbm:s23], [sflag:s0] =	dma.local [spmem:s14], $0x1380  }
0xd8: {  	_ =	swait.ge [sflag:s20], $0x1380  }
0xd9: {  	[sflag:s20] =	ssyncset.done $0x0  }
0xda: {  	s22 =	rddreg [dreg:$0xe];
	[sflag:s20] =	ssyncadd.s32 $0xFFFFEC80  }
0xdb: {  	[hbm:s22], [sflag:s0] =	dma.local @!p0 [spmem:s8], $0x80  }
0xdc: {  	s22 =	simm.s32 @!p0 $0xD  }
0xdd: {  	_ =	swait.ge @!p0 [sflag:s22], $0x80  }
0xde: {  	[sflag:s22] =	ssyncset.done @!p0 $0x0  }
0xdf: {  	[sflag:s22] =	ssyncadd.s32 @!p0 $0xFFFFFF80  }
0xe0: {  	[bflag:$0x0] =	sbarrier.arrive $0xFFFF  }
0xe1: {  	s30 =	rddreg [dreg:$0x7]  }
0xe2: {  	s23 =	sadd.s32 s30, s16  }
0xe3: {  	[spmem:s14], [sflag:s0] =	dma.local [hbm:s23], $0x1380  }
0xe4: {  	_ =	swait.ge [sflag:s20], $0x1380  }
0xe5: {  	[sflag:s20] =	ssyncset.done $0x0  }
0xe6: {  	s23 =	sadd.s32 @!p0 $0x13800, s16;
	[sflag:s20] =	ssyncadd.s32 $0xFFFFEC80  }
0xe7: {  	[spmem:s8], [sflag:s0] =	dma.local @!p0 [hbm:s23], $0x80  }
0xe8: {  	_ =	swait.ge @!p0 [sflag:s22], $0x80  }
0xe9: {  	[sflag:s22] =	ssyncset.done @!p0 $0x0  }
0xea: {  	[sflag:s22] =	ssyncadd.s32 @!p0 $0xFFFFFF80  }
0xeb: {  	s23 =	simm.s32 $0x0;
	[bflag:$0x0] =	sbarrier.arrive $0xFFFF  }
0xec: {  	[tilespmem:s25], [sflag:$0x1] =	stream.indirect.gather [hbm4b:s16+s24], $0x40, s23, s24, $0xb8;
	[tilespmem:$0x1AA60] =	vst v63  }
0xed: {  	_ = 	snop  }
0xee: {  	[tilespmem:s26], [sflag:$0x2] =	stream.indirect.gather [hbm4b:s16+s24], $0x40, s24, s24, $0xb8;
	[tilespmem:$0x1AA60] =	vst v63  }
0xef: {  	s30 =	simm.s32 $0x100  }
0xf0: {  	[tilespmem:s29], [sflag:$0x3] =	stream.indirect.gather [hbm4b:s16+s24], $0x40, s30, s24, $0xb8;
	[tilespmem:$0x1AA60] =	vst v63  }
0xf1: {  	s23 =	simm.s32 $0x180  }
0xf2: {  	[tilespmem:s31], [sflag:$0x4] =	stream.indirect.gather [hbm4b:s16+s24], $0x40, s23, s24, $0xb8;
	[tilespmem:$0x1AA60] =	vst v63  }
0xf3: {  	s30 =	simm.s32 $0x200  }
0xf4: {  	[tilespmem:s21], [sflag:$0x5] =	stream.indirect.gather [hbm4b:s16+s24], $0x40, s30, s24, $0xb8;
	[tilespmem:$0x1AA60] =	vst v63  }
0xf5: {  	s23 =	simm.s32 $0x280  }
0xf6: {  	[tilespmem:s5], [sflag:$0x6] =	stream.indirect.gather [hbm4b:s16+s24], $0x40, s23, s24, $0xb8;
	[tilespmem:$0x1AA60] =	vst v63  }
0xf7: {  	_ =	swait.ge [sflag:s6], $0x2000  }
0xf8: {  	[sflag:s6] =	ssyncset.done $0x0  }
0xf9: {  	s30 =	simm.s32 $0x2700;
	[sflag:s6] =	ssyncadd.s32 $0xFFFFE000  }
0xfa: {  	[spmem:s2] =	stream.indirect.scatter.add.f32 [tilespmem:s25], [sflag:$0x7], $0x40, s30, s24, $0xb8;
	[tilespmem:$0x1AA60] =	vst v63  }
0xfb: {  	_ =	swait.ge [sflag:s7], $0x2000  }
0xfc: {  	[sflag:s7] =	ssyncset.done $0x0  }
0xfd: {  	s23 =	simm.s32 $0x300;
	[sflag:s7] =	ssyncadd.s32 $0xFFFFE000  }
0xfe: {  	[tilespmem:s25], [sflag:$0x1] =	stream.indirect.gather [hbm4b:s16+s24], $0x40, s23, s24, $0xb8;
	[tilespmem:$0x1AA60] =	vst v63  }
0xff: {  	_ =	swait.ge [sflag:s9], $0x2000  }
0x100: {  	[sflag:s9] =	ssyncset.done $0x0  }
0x101: {  	s30 =	simm.s32 $0x2780;
	[sflag:s9] =	ssyncadd.s32 $0xFFFFE000  }
0x102: {  	[spmem:s2] =	stream.indirect.scatter.add.f32 [tilespmem:s26], [sflag:$0x8], $0x40, s30, s24, $0xb8;
	[tilespmem:$0x1AA60] =	vst v63  }
0x103: {  	_ =	swait.ge [sflag:s10], $0x2000  }
0x104: {  	[sflag:s10] =	ssyncset.done $0x0  }
0x105: {  	s23 =	simm.s32 $0x380;
	[sflag:s10] =	ssyncadd.s32 $0xFFFFE000  }
0x106: {  	[tilespmem:s26], [sflag:$0x2] =	stream.indirect.gather [hbm4b:s16+s24], $0x40, s23, s24, $0xb8;
	[tilespmem:$0x1AA60] =	vst v63  }
0x107: {  	_ =	swait.ge [sflag:s11], $0x2000  }
0x108: {  	[sflag:s11] =	ssyncset.done $0x0  }
0x109: {  	s30 =	simm.s32 $0x2800;
	[sflag:s11] =	ssyncadd.s32 $0xFFFFE000  }
0x10a: {  	[spmem:s2] =	stream.indirect.scatter.add.f32 [tilespmem:s29], [sflag:$0x9], $0x40, s30, s24, $0xb8;
	[tilespmem:$0x1AA60] =	vst v63  }
0x10b: {  	_ =	swait.ge [sflag:s12], $0x2000  }
0x10c: {  	[sflag:s12] =	ssyncset.done $0x0  }
0x10d: {  	s23 =	simm.s32 $0x400;
	[sflag:s12] =	ssyncadd.s32 $0xFFFFE000  }
0x10e: {  	[tilespmem:s29], [sflag:$0x3] =	stream.indirect.gather [hbm4b:s16+s24], $0x40, s23, s24, $0xb8;
	[tilespmem:$0x1AA60] =	vst v63  }
0x10f: {  	_ =	swait.ge [sflag:s13], $0x2000  }
0x110: {  	[sflag:s13] =	ssyncset.done $0x0  }
0x111: {  	s30 =	simm.s32 $0x2880;
	[sflag:s13] =	ssyncadd.s32 $0xFFFFE000  }
0x112: {  	[spmem:s2] =	stream.indirect.scatter.add.f32 [tilespmem:s31], [sflag:$0xA], $0x40, s30, s24, $0xb8;
	[tilespmem:$0x1AA60] =	vst v63  }
0x113: {  	_ =	swait.ge [sflag:s15], $0x2000  }
0x114: {  	[sflag:s15] =	ssyncset.done $0x0  }
0x115: {  	s23 =	simm.s32 $0x480;
	[sflag:s15] =	ssyncadd.s32 $0xFFFFE000  }
0x116: {  	[tilespmem:s31], [sflag:$0x4] =	stream.indirect.gather [hbm4b:s16+s24], $0x40, s23, s24, $0xb8;
	[tilespmem:$0x1AA60] =	vst v63  }
0x117: {  	_ =	swait.ge [sflag:s17], $0x2000  }
0x118: {  	[sflag:s17] =	ssyncset.done $0x0  }
0x119: {  	s30 =	simm.s32 $0x2900;
	[sflag:s17] =	ssyncadd.s32 $0xFFFFE000  }
0x11a: {  	[spmem:s2] =	stream.indirect.scatter.add.f32 [tilespmem:s21], [sflag:$0xB], $0x40, s30, s24, $0xb8;
	[tilespmem:$0x1AA60] =	vst v63  }
0x11b: {  	_ =	swait.ge [sflag:s18], $0x2000  }
0x11c: {  	[sflag:s18] =	ssyncset.done $0x0  }
0x11d: {  	s23 =	simm.s32 $0x500;
	[sflag:s18] =	ssyncadd.s32 $0xFFFFE000  }
0x11e: {  	[tilespmem:s21], [sflag:$0x5] =	stream.indirect.gather [hbm4b:s16+s24], $0x40, s23, s24, $0xb8;
	[tilespmem:$0x1AA60] =	vst v63  }
0x11f: {  	_ =	swait.ge [sflag:s28], $0x2000  }
0x120: {  	[sflag:s28] =	ssyncset.done $0x0  }
0x121: {  	s30 =	simm.s32 $0x2980;
	[sflag:s28] =	ssyncadd.s32 $0xFFFFE000  }
0x122: {  	[spmem:s2] =	stream.indirect.scatter.add.f32 [tilespmem:s5], [sflag:$0xC], $0x40, s30, s24, $0xb8;
	[tilespmem:$0x1AA60] =	vst v63  }
0x123: {  	_ =	swait.ge [sflag:s19], $0x2000  }
0x124: {  	[sflag:s19] =	ssyncset.done $0x0  }
0x125: {  	s22 =	simm.s32 $0xC00;
	s23 =	simm.s32 $0x580;
	[sflag:s19] =	ssyncadd.s32 $0xFFFFE000  }
.LBB2_4:
0x126: {  	[tilespmem:s5], [sflag:$0x6] =	stream.indirect.gather [hbm4b:s16+s24], $0x40, s23, s24, $0xb8;
	[tilespmem:$0x1AA60] =	vst v63  }
0x127: {  	s23 =	smov.u32 s22  }
0x128: {  	p1 =	sne.s32 s22, $0x8400;
	s22 =	sadd.s32 $0xC00, s22;
	_ =	swait.ge [sflag:s6], $0x2000  }
0x129: {  	s23 =	sshra.s32 s23, $0x2;
	[sflag:s6] =	ssyncset.done $0x0  }
0x12a: {  	s30 =	sadd.s32 $0x2700, s23;
	[sflag:s6] =	ssyncadd.s32 $0xFFFFE000  }
0x12b: {  	[spmem:s2] =	stream.indirect.scatter.add.f32 [tilespmem:s25], [sflag:$0x7], $0x40, s30, s24, $0xb8;
	[tilespmem:$0x1AA60] =	vst v63  }
0x12c: {  	_ =	swait.ge [sflag:s7], $0x2000  }
0x12d: {  	[sflag:s7] =	ssyncset.done $0x0  }
0x12e: {  	s30 =	sadd.s32 $0x300, s23;
	[sflag:s7] =	ssyncadd.s32 $0xFFFFE000  }
0x12f: {  	[tilespmem:s25], [sflag:$0x1] =	stream.indirect.gather [hbm4b:s16+s24], $0x40, s30, s24, $0xb8;
	[tilespmem:$0x1AA60] =	vst v63  }
0x130: {  	_ =	swait.ge [sflag:s9], $0x2000  }
0x131: {  	[sflag:s9] =	ssyncset.done $0x0  }
0x132: {  	s30 =	sadd.s32 $0x2780, s23;
	[sflag:s9] =	ssyncadd.s32 $0xFFFFE000  }
0x133: {  	[spmem:s2] =	stream.indirect.scatter.add.f32 [tilespmem:s26], [sflag:$0x8], $0x40, s30, s24, $0xb8;
	[tilespmem:$0x1AA60] =	vst v63  }
0x134: {  	_ =	swait.ge [sflag:s10], $0x2000  }
0x135: {  	[sflag:s10] =	ssyncset.done $0x0  }
0x136: {  	s30 =	sadd.s32 $0x380, s23;
	[sflag:s10] =	ssyncadd.s32 $0xFFFFE000  }
0x137: {  	[tilespmem:s26], [sflag:$0x2] =	stream.indirect.gather [hbm4b:s16+s24], $0x40, s30, s24, $0xb8;
	[tilespmem:$0x1AA60] =	vst v63  }
0x138: {  	_ =	swait.ge [sflag:s11], $0x2000  }
0x139: {  	[sflag:s11] =	ssyncset.done $0x0  }
0x13a: {  	s30 =	sadd.s32 $0x2800, s23;
	[sflag:s11] =	ssyncadd.s32 $0xFFFFE000  }
0x13b: {  	[spmem:s2] =	stream.indirect.scatter.add.f32 [tilespmem:s29], [sflag:$0x9], $0x40, s30, s24, $0xb8;
	[tilespmem:$0x1AA60] =	vst v63  }
0x13c: {  	_ =	swait.ge [sflag:s12], $0x2000  }
0x13d: {  	[sflag:s12] =	ssyncset.done $0x0  }
0x13e: {  	s30 =	sadd.s32 $0x400, s23;
	[sflag:s12] =	ssyncadd.s32 $0xFFFFE000  }
0x13f: {  	[tilespmem:s29], [sflag:$0x3] =	stream.indirect.gather [hbm4b:s16+s24], $0x40, s30, s24, $0xb8;
	[tilespmem:$0x1AA60] =	vst v63  }
0x140: {  	_ =	swait.ge [sflag:s13], $0x2000  }
0x141: {  	[sflag:s13] =	ssyncset.done $0x0  }
0x142: {  	s30 =	sadd.s32 $0x2880, s23;
	[sflag:s13] =	ssyncadd.s32 $0xFFFFE000  }
0x143: {  	[spmem:s2] =	stream.indirect.scatter.add.f32 [tilespmem:s31], [sflag:$0xA], $0x40, s30, s24, $0xb8;
	[tilespmem:$0x1AA60] =	vst v63  }
0x144: {  	_ =	swait.ge [sflag:s15], $0x2000  }
0x145: {  	[sflag:s15] =	ssyncset.done $0x0  }
0x146: {  	s30 =	sadd.s32 $0x480, s23;
	[sflag:s15] =	ssyncadd.s32 $0xFFFFE000  }
0x147: {  	[tilespmem:s31], [sflag:$0x4] =	stream.indirect.gather [hbm4b:s16+s24], $0x40, s30, s24, $0xb8;
	[tilespmem:$0x1AA60] =	vst v63  }
0x148: {  	_ =	swait.ge [sflag:s17], $0x2000  }
0x149: {  	[sflag:s17] =	ssyncset.done $0x0  }
0x14a: {  	s30 =	sadd.s32 $0x2900, s23;
	[sflag:s17] =	ssyncadd.s32 $0xFFFFE000  }
0x14b: {  	[spmem:s2] =	stream.indirect.scatter.add.f32 [tilespmem:s21], [sflag:$0xB], $0x40, s30, s24, $0xb8;
	[tilespmem:$0x1AA60] =	vst v63  }
0x14c: {  	_ =	swait.ge [sflag:s18], $0x2000  }
0x14d: {  	[sflag:s18] =	ssyncset.done $0x0  }
0x14e: {  	s30 =	sadd.s32 $0x500, s23;
	[sflag:s18] =	ssyncadd.s32 $0xFFFFE000  }
0x14f: {  	[tilespmem:s21], [sflag:$0x5] =	stream.indirect.gather [hbm4b:s16+s24], $0x40, s30, s24, $0xb8;
	[tilespmem:$0x1AA60] =	vst v63  }
0x150: {  	_ =	swait.ge [sflag:s28], $0x2000  }
0x151: {  	[sflag:s28] =	ssyncset.done $0x0  }
.Ltmp1:
0x152: {  	s30 =	sadd.s32 $0x2980, s23;
	[sflag:s28] =	ssyncadd.s32 $0xFFFFE000;
	(pc) =	sbr.rel @p1 .LBB2_4-.Ltmp1, $4  }
0x153: {  	[spmem:s2] =	stream.indirect.scatter.add.f32 [tilespmem:s5], [sflag:$0xC], $0x40, s30, s24, $0xb8;
	[tilespmem:$0x1AA60] =	vst v63  }
0x154: {  	_ =	swait.ge [sflag:s19], $0x2000  }
0x155: {  	[sflag:s19] =	ssyncset.done $0x0  }
0x156: {  	s23 =	sadd.s32 $0x580, s23;
	[sflag:s19] =	ssyncadd.s32 $0xFFFFE000  }
0x157: {  	[tilespmem:s5], [sflag:$0x6] =	stream.indirect.gather [hbm4b:s16+s24], $0x40, s23, s24, $0xb8;
	[tilespmem:$0x1AA60] =	vst v63  }
0x158: {  	_ =	swait.ge [sflag:s6], $0x2000  }
0x159: {  	[sflag:s6] =	ssyncset.done $0x0  }
0x15a: {  	s22 =	simm.s32 $0x4B00;
	[sflag:s6] =	ssyncadd.s32 $0xFFFFE000  }
0x15b: {  	[spmem:s2] =	stream.indirect.scatter.add.f32 [tilespmem:s25], [sflag:$0x7], $0x40, s22, s24, $0xb8;
	[tilespmem:$0x1AA60] =	vst v63  }
0x15c: {  	_ =	swait.ge [sflag:s9], $0x2000  }
0x15d: {  	[sflag:s9] =	ssyncset.done $0x0  }
0x15e: {  	s23 =	simm.s32 $0x4B80;
	[sflag:s9] =	ssyncadd.s32 $0xFFFFE000  }
0x15f: {  	[spmem:s2] =	stream.indirect.scatter.add.f32 [tilespmem:s26], [sflag:$0x8], $0x40, s23, s24, $0xb8;
	[tilespmem:$0x1AA60] =	vst v63  }
0x160: {  	_ =	swait.ge [sflag:s11], $0x2000  }
0x161: {  	[sflag:s11] =	ssyncset.done $0x0  }
0x162: {  	s23 =	simm.s32 $0x4C00;
	[sflag:s11] =	ssyncadd.s32 $0xFFFFE000  }
0x163: {  	[spmem:s2] =	stream.indirect.scatter.add.f32 [tilespmem:s29], [sflag:$0x9], $0x40, s23, s24, $0xb8;
	[tilespmem:$0x1AA60] =	vst v63  }
0x164: {  	_ =	swait.ge [sflag:s13], $0x2000  }
0x165: {  	[sflag:s13] =	ssyncset.done $0x0  }
0x166: {  	s23 =	simm.s32 $0x4C80;
	[sflag:s13] =	ssyncadd.s32 $0xFFFFE000  }
0x167: {  	[spmem:s2] =	stream.indirect.scatter.add.f32 [tilespmem:s31], [sflag:$0xA], $0x40, s23, s24, $0xb8;
	[tilespmem:$0x1AA60] =	vst v63  }
0x168: {  	_ =	swait.ge [sflag:s17], $0x2000  }
0x169: {  	[sflag:s17] =	ssyncset.done $0x0  }
0x16a: {  	s23 =	simm.s32 $0x4D00;
	[sflag:s17] =	ssyncadd.s32 $0xFFFFE000  }
0x16b: {  	[spmem:s2] =	stream.indirect.scatter.add.f32 [tilespmem:s21], [sflag:$0xB], $0x40, s23, s24, $0xb8;
	[tilespmem:$0x1AA60] =	vst v63  }
0x16c: {  	_ =	swait.ge [sflag:s28], $0x2000  }
0x16d: {  	[sflag:s28] =	ssyncset.done $0x0  }
0x16e: {  	s23 =	simm.s32 $0x4D80;
	[sflag:s28] =	ssyncadd.s32 $0xFFFFE000  }
0x16f: {  	[spmem:s2] =	stream.indirect.scatter.add.f32 [tilespmem:s5], [sflag:$0xC], $0x40, s23, s24, $0xb8;
	[tilespmem:$0x1AA60] =	vst v63  }
0x170: {  	_ =	swait.ge [sflag:s7], $0x2000  }
0x171: {  	[sflag:s7] =	ssyncset.done $0x0  }
0x172: {  	[sflag:s7] =	ssyncadd.s32 $0xFFFFE000  }
0x173: {  	_ =	swait.ge [sflag:s10], $0x2000  }
0x174: {  	[sflag:s10] =	ssyncset.done $0x0  }
0x175: {  	[sflag:s10] =	ssyncadd.s32 $0xFFFFE000  }
0x176: {  	_ =	swait.ge [sflag:s12], $0x2000  }
0x177: {  	[sflag:s12] =	ssyncset.done $0x0  }
0x178: {  	[sflag:s12] =	ssyncadd.s32 $0xFFFFE000  }
0x179: {  	_ =	swait.ge [sflag:s15], $0x2000  }
0x17a: {  	[sflag:s15] =	ssyncset.done $0x0  }
0x17b: {  	[sflag:s15] =	ssyncadd.s32 $0xFFFFE000  }
0x17c: {  	_ =	swait.ge [sflag:s18], $0x2000  }
0x17d: {  	[sflag:s18] =	ssyncset.done $0x0  }
0x17e: {  	[sflag:s18] =	ssyncadd.s32 $0xFFFFE000  }
0x17f: {  	_ =	swait.ge [sflag:s19], $0x2000  }
0x180: {  	[sflag:s19] =	ssyncset.done $0x0  }
0x181: {  	s22 =	simm.s32 $0x10;
	s23 =	simm.s32 $0x4E00;
	[sflag:s19] =	ssyncadd.s32 $0xFFFFE000  }
0x182: {  	[tilespmem:s25], [sflag:$0x1] =	stream.indirect.gather [hbm4b:s16+s22], $0x40, s23, s22, $0xb8;
	[tilespmem:$0x1AA60] =	vst v63  }
0x183: {  	_ =	swait.ge [sflag:s6], $0x400  }
0x184: {  	[sflag:s6] =	ssyncset.done $0x0  }
0x185: {  	s30 =	simm.s32 $0x4E10;
	[sflag:s6] =	ssyncadd.s32 $0xFFFFFC00  }
0x186: {  	[spmem:s2] =	stream.indirect.scatter.add.f32 [tilespmem:s25], [sflag:$0xD], $0x40, s30, s22, $0xb8;
	[tilespmem:$0x1AA60] =	vst v63  }
0x187: {  	_ =	swait.ge [sflag:s20], $0x400  }
0x188: {  	[sflag:s20] =	ssyncset.done $0x0  }
0x189: {  	[sflag:s20] =	ssyncadd.s32 $0xFFFFFC00  }
0x18a: {  	[bflag:$0x0] =	sbarrier.arrive $0xFFFF  }
0x18b: {  	s22 =	rddreg [dreg:$0xf]  }
0x18c: {  	[hbm:s22], [sflag:s0] =	dma.local [spmem:s14], $0x1380  }
0x18d: {  	_ =	swait.ge [sflag:s20], $0x1380  }
0x18e: {  	[sflag:s20] =	ssyncset.done $0x0  }
0x18f: {  	s14 =	rddreg [dreg:$0x10];
	[sflag:s20] =	ssyncadd.s32 $0xFFFFEC80  }
0x190: {  	[hbm:s14], [sflag:s0] =	dma.local @!p0 [spmem:s8], $0x80  }
0x191: {  	s0 =	simm.s32 @!p0 $0xD  }
0x192: {  	_ =	swait.ge @!p0 [sflag:s0], $0x80  }
0x193: {  	s1 =	sadd.s32 $0x1, s1;
	s22 =	rddreg [dreg:$0x11]  }
0x194: {  	p1 =	sne.s32 s1, s22  }
.Ltmp2:
0x195: {  	_ = 	snop;
	(pc) =	sbr.rel @p1 .LBB2_1-.Ltmp2, $3  }
0x196: {  	_ =	sdelay $0x1  }
0x197: {  	[sflag:s0] =	ssyncset.done @!p0 $0x0  }
0x198: {  	[sflag:s0] =	ssyncadd.s32 @!p0 $0xFFFFFF80  }
0x199: {  	_ =	sfence.sel $0x180000  }
0x19a: {  	[bflag:$0x0] =	sbarrier.arrive $0xFFFF  }
0x19b: {  	_ =	strace $0x9000004A  }
0x19c: {  	s0 =	stileid.u32;
	[bflag:$0x2] =	sbarrier.arrive $0xFFFF  }
0x19d: {  	p0 =	sne.s32 s0, $0x0;
	s0 =	rddreg [dreg:$0x3]  }
0x19e: {  	s0 =	sadd.s32 @!p0 $0x100000, s0  }
0x19f: {  	[sflag:s0] =	ssyncadd.tile.s32 @!p0 $0x1;
	_ =	shalt  }
.Lfunc_end2:
_tile_overlayer_lowered:
.L_overlay_start_2:
0x1a0: {  	(tag) =	ssettag $0x2  }
0x1a1: {  	s0 =	rddreg [dreg:$0x0];
	s2 =	stileid.u32  }
0x1a2: {  	s1 =	rddreg [dreg:$0x1];
	p0 =	sne.s32 s2, $0x0  }
0x1a3: {  	s3 =	rddreg [dreg:$0x2];
	[bflag:$0x3] =	sbarrier.arrive $0xFFFF;
	s2 =	simm.s32 @!p0 $0x1C0D  }
0x1a4: {  	[timem:s3], [sflag:s2] =	dma.local @!p0 [hbm:s0], s1  }
0x1a5: {  	s0 =	simm.s32 @!p0 $0xD  }
0x1a6: {  	_ =	swait.ge @!p0 [sflag:s0], s1  }
0x1a7: {  	s1 =	ssub.s32 @!p0 $0x0, s1;
	[sflag:s0] =	ssyncset.done @!p0 $0x0  }
0x1a8: {  	[sflag:s0] =	ssyncadd.s32 @!p0 s1  }
0x1a9: {  	[bflag:$0x3] =	sbarrier.arrive $0xFFFF  }
0x1aa: {  	_ =	shalt  }

// kernel: kernel.14.cloned.1.call-start
scs
__scs_entry_jumppad:
0x0: {  	(pc) =	sbr.rel $0x88, $3  }
0x1: {  	(tag) =	ssettag $0x0;
	lr =	simm.s32 $0x1  }
0x2: {  	[smem:$0x3F9B] =	sst lr;
	_ =	strace $0xD0000000  }
0x3: {  	_ = 	snop  }
0x4: {  	_ = 	snop  }
0x5: {  	_ = 	snop  }
0x6: {  	_ = 	snop  }
0x7: {  	_ = 	snop  }
__scs_overlays_trampoline_lowered:
0x8: {  	[smem:$0x3FAA] =	sst s0  }
0x9: {  	[smem:$0x3FAB] =	sst s1  }
0xa: {  	[smem:$0x3FAC] =	sst s2  }
0xb: {  	[smem:$0x3FAD] =	sst s3  }
0xc: {  	[smem:$0x3FAE] =	sst s4  }
0xd: {  	[smem:$0x3FAF] =	sst s5  }
0xe: {  	[smem:$0x3FB0] =	sst s6  }
0xf: {  	[smem:$0x3FB1] =	sst s7  }
0x10: {  	[smem:$0x3FB2] =	sst s8  }
0x11: {  	[smem:$0x3FB3] =	sst s9;
	s0 =	simm.s32 @!p0 $0x0  }
0x12: {  	s1 =	sld [smem:$0x3F99];
	s0 =	simm.s32 @p0 $0x1  }
0x13: {  	[smem:$0x3FB4] =	sst s0;
	s0 =	simm.s32 @!p1 $0x0  }
0x14: {  	s2 =	sld [smem:$0x3F98];
	s0 =	simm.s32 @p1 $0x1  }
0x15: {  	[smem:$0x3FB5] =	sst s0;
	s0 =	simm.s32 @!p2 $0x0  }
0x16: {  	s3 =	sld [smem:$0x3FDB];
	s0 =	simm.s32 @p2 $0x1  }
0x17: {  	s4 =	simm.s32 $0x1BF5;
	[smem:$0x3FB7] =	sst s0  }
0x18: {  	s0 =	sld [smem:$0x3F9A];
	_ =	swait.ge [sflag:s4], $0x0  }
0x19: {  	s7 =	sld [smem:$0x3F9B]  }
0x1a: {  	s8 =	sadd.s32 $0xFFFFE003, lr  }
0x1b: {  	s9 =	sadd.s32 $0xFFFFFEF7, lr;
	s5 =	simm.s32 $0xFFFFFFFF;
	p2 =	slt.u32 s8, $0xFFFFF086  }
0x1c: {  	p1 =	slt.u32 s9, $0xF7A;
	s5 =	simm.s32 @!p2 $0x0  }
0x1d: {  	s5 =	simm.s32 @p1 $0x1;
	p0 =	seq.s32 s7, s2  }
0x1e: {  	s7 =	smul.u32 @!p0 $0xF7A, s2;
	p2 =	seq.s32 @!p0 s5, $0x0  }
0x1f: {  	s9 =	smul.u32 $0xF7A, s1;
	s8 =	simm.s32 @!p0 $0x1BF5;
	p2 =	por !p2, p0  }
0x20: {  	[sflag:s8] =	ssyncset.s32 @!p0 $0xFFFFF086;
	s6 =	sadd.s32 @!p0 s3, s7;
	s7 =	simm.s32 @!p0 $0x108  }
0x21: {  	s3 =	sadd.s32 s3, s9;
	s6 =	sadd.s32 @!p0 $0x88, s6;
	s7 =	simm.s32 @p2 $0x1082  }
0x22: {  	[simem:s7], [sflag:s8] =	dma.local @!p0 [hbm:s6], $0xF7A  }
0x23: {  	s9 =	sor.u32 $0xD0000000, s2;
	s6 =	simm.s32 $0x108;
	_ =	swait.ge @!p0 [sflag:s8], $0x0  }
0x24: {  	s3 =	sadd.s32 $0x88, s3;
	s6 =	simm.s32 @!p1 $0x1082;
	[sflag:s4] =	ssyncset.s32 $0xFFFFF086  }
0x25: {  	[simem:s6], [sflag:s4] =	dma.local [hbm:s3], $0xF7A  }
0x26: {  	[smem:$0x3F9B] =	sst s1;
	(tag) =	ssettag s2;
	_ =	strace s9  }
0x27: {  	s1 =	sld [smem:$0x3FAB]  }
0x28: {  	s2 =	sld [smem:$0x3FAC]  }
0x29: {  	s4 =	sld [smem:$0x3FAE]  }
0x2a: {  	p0 =	seq.s32 s5, $0x0;
	s5 =	sld [smem:$0x3FAF]  }
0x2b: {  	s6 =	sld [smem:$0x3FB0]  }
0x2c: {  	s7 =	sld [smem:$0x3FB1]  }
0x2d: {  	s3 =	simm.s32 $0x108;
	s8 =	sld [smem:$0x3FB2]  }
0x2e: {  	s3 =	simm.s32 @!p0 $0x1082;
	s9 =	sld [smem:$0x3FB3]  }
0x2f: {  	lr =	sadd.s32 s0, s3;
	s0 =	sld [smem:$0x3FAA]  }
0x30: {  	s3 =	sld [smem:$0x3FAD]  }
0x31: {  	[smem:$0x3FB6] =	sst s10  }
0x32: {  	s10 =	sld [smem:$0x3FB4];
	_ =	sdelay $0x3  }
0x33: {  	p0 =	seq.s32 s10, $0x1;
	s10 =	sld [smem:$0x3FB6];
	_ =	sdelay $0x3  }
0x34: {  	[smem:$0x3FB6] =	sst s10  }
0x35: {  	s10 =	sld [smem:$0x3FB5];
	_ =	sdelay $0x3  }
0x36: {  	p1 =	seq.s32 s10, $0x1;
	s10 =	sld [smem:$0x3FB6];
	_ =	sdelay $0x3  }
0x37: {  	[smem:$0x3FB6] =	sst s10  }
0x38: {  	s10 =	sld [smem:$0x3FB7]  }
0x39: {  	_ = 	snop;
	(pc) =	sbr.ind lr, $3  }
0x3a: {  	_ = 	snop  }
0x3b: {  	_ = 	snop  }
0x3c: {  	p2 =	seq.s32 s10, $0x1;
	s10 =	sld [smem:$0x3FB6]  }
0x3d: {  	_ =	shalt  }
0x3e: {  	_ =	shalt  }
0x3f: {  	_ =	shalt  }
0x40: {  	_ =	shalt  }
0x41: {  	_ =	shalt  }
0x42: {  	_ =	shalt  }
0x43: {  	_ =	shalt  }
0x44: {  	_ =	shalt  }
0x45: {  	_ =	shalt  }
0x46: {  	_ =	shalt  }
0x47: {  	_ =	shalt  }
0x48: {  	_ =	shalt  }
0x49: {  	_ =	shalt  }
0x4a: {  	_ =	shalt  }
0x4b: {  	_ =	shalt  }
0x4c: {  	_ =	shalt  }
0x4d: {  	_ =	shalt  }
0x4e: {  	_ =	shalt  }
0x4f: {  	_ =	shalt  }
0x50: {  	_ =	shalt  }
0x51: {  	_ =	shalt  }
0x52: {  	_ =	shalt  }
0x53: {  	_ =	shalt  }
0x54: {  	_ =	shalt  }
0x55: {  	_ =	shalt  }
0x56: {  	_ =	shalt  }
0x57: {  	_ =	shalt  }
0x58: {  	_ =	shalt  }
0x59: {  	_ =	shalt  }
0x5a: {  	_ =	shalt  }
0x5b: {  	_ =	shalt  }
0x5c: {  	_ =	shalt  }
0x5d: {  	_ =	shalt  }
0x5e: {  	_ =	shalt  }
0x5f: {  	_ =	shalt  }
0x60: {  	_ =	shalt  }
0x61: {  	_ =	shalt  }
0x62: {  	_ =	shalt  }
0x63: {  	_ =	shalt  }
0x64: {  	_ =	shalt  }
0x65: {  	_ =	shalt  }
0x66: {  	_ =	shalt  }
0x67: {  	_ =	shalt  }
0x68: {  	_ =	shalt  }
0x69: {  	_ =	shalt  }
0x6a: {  	_ =	shalt  }
0x6b: {  	_ =	shalt  }
0x6c: {  	_ =	shalt  }
0x6d: {  	_ =	shalt  }
0x6e: {  	_ =	shalt  }
0x6f: {  	_ =	shalt  }
0x70: {  	_ =	shalt  }
0x71: {  	_ =	shalt  }
0x72: {  	_ =	shalt  }
0x73: {  	_ =	shalt  }
0x74: {  	_ =	shalt  }
0x75: {  	_ =	shalt  }
0x76: {  	_ =	shalt  }
0x77: {  	_ =	shalt  }
0x78: {  	_ =	shalt  }
0x79: {  	_ =	shalt  }
0x7a: {  	_ =	shalt  }
0x7b: {  	_ =	shalt  }
0x7c: {  	_ =	shalt  }
0x7d: {  	_ =	shalt  }
0x7e: {  	_ =	shalt  }
0x7f: {  	_ =	shalt  }
0x80: {  	_ =	shalt  }
0x81: {  	_ =	shalt  }
0x82: {  	_ =	shalt  }
0x83: {  	_ =	shalt  }
0x84: {  	_ =	shalt  }
0x85: {  	_ =	shalt  }
0x86: {  	_ =	shalt  }
0x87: {  	_ =	shalt  }
.Lfunc_end0:
.L_simem_size_0:
called_computation.2_lowered:
.L_overlay_start_0:
0x88: {  	s2 =	sld [smem:$0x3FD9]  }
0x89: {  	s3 =	sld [smem:$0x3FFE];
	_ =	sdelay $0x1  }
0x8a: {  	s1 =	srdreg.scid  }
0x8b: {  	s0 =	sand.u32 $0x1, s1  }
0x8c: {  	s14 =	sshll.u32 s0, $0xA;
	s2 =	sadd.s32 s3, s2  }
0x8d: {  	s2 =	sadd.s32 s2, s14  }
0x8e: {  	[smem:$0x3FC2] =	sst s2  }
0x8f: {  	_ = 	snop  }
0x90: {  	s2 =	sld [smem:$0x3FD0];
	_ =	sdelay $0x2  }
0x91: {  	s15 =	simm.s32 $0xA;
	s4 =	simm.s32 $0x10  }
0x92: {  	[smem:s4], [sflag:s15] =	dma.local [hbm:s2], $0x1  }
0x93: {  	_ =	swait.eq [sflag:s15], $0x1  }
0x94: {  	[sflag:s15] =	ssyncset.done $0x0  }
0x95: {  	s16 =	sld [smem:$0x10];
	[sflag:s15] =	ssyncadd.s32 $0xFFFFFFFF  }
0x96: {  	s17 =	sld [smem:$0x11];
	(tm) =	ssettm $0x1  }
0x97: {  	s18 =	sld [smem:$0x3FFB];
	_ =	sdelay $0x3  }
0x98: {  	_ =	strace s18  }
0x99: {  	s4 =	sld [smem:$0x3FFC];
	_ =	sdelay $0x3  }
0x9a: {  	_ =	strace s4  }
0x9b: {  	s4 =	sld [smem:$0x3FFD];
	_ =	sdelay $0x3  }
0x9c: {  	_ =	strace s4  }
0x9d: {  	_ =	strace $0x8FFFFFFF  }
0x9e: {  	s19 =	sld [smem:$0x3FDB];
	_ =	sdelay $0x1  }
0x9f: {  	s5 =	simm.s32 $_scs_section_size  }
0xa0: {  	s6 =	simm.s32 $_size__tile_overlayer_lowered;
	s7 =	simm.s32 $_tile_overlayer_lowered  }
0xa1: {  	s22 =	simm.s32 $0x1BFF;
	s21 =	sshll.u32 s7, $0x1;
	s4 =	sadd.s32 s5, s19  }
0xa2: {  	s8 =	simm.s32 $0x0;
	s20 =	sshll.u32 s6, $0x1;
	s6 =	sadd.s32 s21, s4  }
0xa3: {  	[timem:s8], [sflag:s22] =	dma.local [hbm:s6], s20  }
0xa4: {  	_ =	swait.ge [sflag:s22], s20  }
0xa5: {  	s5 =	ssub.s32 $0x0, s20;
	[sflag:s22] =	ssyncset.done $0x0  }
0xa6: {  	[sflag:s22] =	ssyncadd.s32 s5;
	_ =	sdelay $0x1  }
0xa7: {  	s23 =	simm.s32 $0x1B8B  }
0xa8: {  	_ =	swait.ge [sflag:s23], $0x1  }
0xa9: {  	[sflag:s23] =	ssyncset.done $0x0  }
0xaa: {  	s25 =	simm.s32 $0x1B8E;
	s24 =	sld [smem:$0x3FFE];
	[sflag:s23] =	ssyncadd.s32 $0xFFFFFFFF  }
0xab: {  	s26 =	simm.s32 $execute0_lowered;
	[smem:$0x3FD2] =	sst s25  }
0xac: {  	s6 =	sshll.u32 s26, $0x1;
	_ =	strace $0x8000004C;
	[dreg:$0x1] =	wrdreg $0xFFFFFFFF  }
0xad: {  	s28 =	simm.s32 $_size_execute0_lowered;
	s4 =	sadd.s32 s4, s6;
	[dreg:$0x0] =	wrdreg $0x0  }
0xae: {  	s6 =	sshll.u32 s28, $0x1;
	[dreg:$0x2] =	wrdreg s4  }
0xaf: {  	[dreg:$0x3] =	wrdreg s6  }
0xb0: {  	[dreg:$0x4] =	wrdreg $0xC0  }
0xb1: {  	_ =	task [dreg:s8], $0x5FFFF  }
0xb2: {  	[dreg:$0x1] =	wrdreg $0xFFFFFFFF  }
0xb3: {  	[dreg:$0x0] =	wrdreg $0x60  }
0xb4: {  	[dreg:$0x2] =	wrdreg s16  }
0xb5: {  	[dreg:$0x3] =	wrdreg s24  }
0xb6: {  	[dreg:$0x4] =	wrdreg s17  }
0xb7: {  	[dreg:$0x5] =	wrdreg $0x10E200  }
0xb8: {  	[dreg:$0x6] =	wrdreg $0x9  }
0xb9: {  	_ =	task.clear_ibuf [dreg:s8], $0x7FFFF;
	_ =	strace $0x9000004C  }
0xba: {  	s29 =	simm.s32 $0x9;
	_ =	strace $0x8000004E  }
0xbb: {  	_ =	swait.ge [sflag:s29], $0x1  }
0xbc: {  	[sflag:s29] =	ssyncadd.s32 $0xFFFFFFFF  }
0xbd: {  	_ =	strace $0x9000004E  }
0xbe: {  	_ =	sfence  }
0xbf: {  	s30 =	sld [smem:$0x0];
	_ =	sdelay $0x2  }
0xc0: {  	s31 =	sshll.u32 s1, $0xD;
	s1 =	sshrl.u32 s1, $0x2  }
0xc1: {  	s3 =	sand.u32 $0x4000, s31;
	s1 =	sadd.s32 s1, s30  }
0xc2: {  	s0 =	sor.u32 s3, s0;
	s1 =	sshll.u32 s1, $0x11  }
0xc3: {  	s0 =	sor.u32 s1, s0  }
0xc4: {  	s0 =	sadd.s32 $0x8F2B, s0  }
0xc5: {  	[sflag:s0] =	ssyncadd.remote.s32 $0x1  }
0xc6: {  	_ =	sfence.sel $0xFFFF  }
0xc7: {  	[dreg:$0x0] =	wrdreg $0xFFFFFFFF;
	(pc) =	sbr.abs _section_cstart, $3  }
0xc8: {  	[dreg:$0x1] =	wrdreg $0xFFFFFFFF  }
0xc9: {  	_ =	task.clear_ibuf [dreg:s8], $0x2FFFF;
	_ =	strace $0x9FFFFFFF  }
0xca: {  	(tm) =	ssettm $0x7FFFFFFF  }
0xcb: {  	_ =	shalt  }
tec
execute0_lowered:
.L_overlay_start_1:
0x0: {  	(tag) =	ssettag $0x1  }
0x1: {  	s0 =	rddreg [dreg:$0x0]  }
0x2: {  	s1 =	rddreg [dreg:$0x1]  }
0x3: {  	s2 =	rddreg [dreg:$0x2];
	s4 =	srdreg.scid  }
0x4: {  	s12 =	stileid.u32;
	s3 =	rddreg [dreg:$0x3];
	s15 =	simm.s32 $0xD  }
0x5: {  	s28 =	simm.s32 $0xAE20;
	s30 =	simm.s32 $0xCE20;
	s16 =	simm.s32 $0x7  }
0x6: {  	s29 =	simm.s32 $0x3;
	s31 =	simm.s32 $0x9;
	s5 =	sand.u32 $0x1, s4  }
0x7: {  	s6 =	sshll.u32 s12, $0x1;
	s4 =	simm.s32 $0x0;
	s11 =	smul.u32 $0x9C00, s12  }
0x8: {  	s21 =	sadd.s32 $0x9C000, s3;
	s23 =	sadd.s32 $0x13800, s2;
	p0 =	sne.s32 s12, $0xF  }
0x9: {  	s26 =	sshll.u32 s12, $0x6;
	s12 =	simm.s32 $0x0;
	s6 =	sor.u32 s5, s6  }
0xa: {  	[smem:$0x7FF] =	sst s4;
	s9 =	ssub.s32 $0x2, s5;
	s5 =	smul.u32 $0x9C400, s5  }
0xb: {  	s7 =	smul.u32 $0x4E0, s6;
	_ =	strace $0x8000004D;
	s6 =	sshll.u32 s6, $0x1  }
0xc: {  	s10 =	sshrl.u32 s9, $0x1;
	s19 =	sshrl.u32 s11, $0x3;
	[dreg:$0xa] =	wrdreg s21  }
0xd: {  	s20 =	sadd.s32 s11, s3;
	[dreg:$0xb] =	wrdreg s23;
	s21 =	simm.s32 $0x80  }
0xe: {  	s23 =	simm.s32 $0x6E20;
	s6 =	sadd.s32 s6, s1;
	s9 =	ssub.s32 s9, s10  }
0xf: {  	s22 =	sadd.s32 s11, s5;
	s5 =	sshrl.u32 s5, $0x3;
	s20 =	sshrl.u32 s20, $0x3  }
0x10: {  	s10 =	simm.s32 $0xC;
	s11 =	simm.s32 $0x10;
	s8 =	sadd.s32 s7, s1  }
0x11: {  	s1 =	sadd.s32 $0xD800, s1;
	s0 =	sadd.s32 s0, s7;
	s18 =	sadd.s32 $0xD600, s6  }
0x12: {  	s6 =	sadd.s32 $0xD400, s6;
	s25 =	smax.u32 s9, $0x1;
	[dreg:$0x5] =	wrdreg s0  }
0x13: {  	s7 =	simm.s32 $0x5;
	s9 =	simm.s32 $0x6;
	[dreg:$0x7] =	wrdreg s18  }
0x14: {  	s17 =	sadd.s32 $0x3800, s8;
	[dreg:$0x8] =	wrdreg s6;
	s0 =	sadd.s32 s2, s19  }
0x15: {  	s5 =	sadd.s32 s1, s5;
	[dreg:$0xe] =	wrdreg s25;
	s18 =	simm.s32 $0x4E00  }
0x16: {  	s19 =	sor.u32 $0x1C0D, s26;
	s25 =	simm.s32 $0x8E20;
	s26 =	simm.s32 $0x8  }
0x17: {  	s6 =	simm.s32 $0xA;
	s8 =	simm.s32 $0xB;
	[dreg:$0x6] =	wrdreg s17  }
0x18: {  	[dreg:$0x9] =	wrdreg s0;
	s0 =	sshrl.u32 s22, $0x3;
	s24 =	sadd.s32 $0x13800, s5  }
0x19: {  	s17 =	simm.s32 $0x4E10;
	s22 =	simm.s32 $0x4E20;
	s5 =	simm.s32 $0x4  }
0x1a: {  	s0 =	sadd.s32 s1, s0;
	[dreg:$0xd] =	wrdreg s24;
	s1 =	simm.s32 $0xEE20  }
0x1b: {  	s24 =	simm.s32 $0x2;
	[dreg:$0xc] =	wrdreg s0;
	s0 =	simm.s32 $0x1  }
.LBB2_1:
0x1c: {  	s13 =	rddreg [dreg:$0x5]  }
0x1d: {  	[tilespmem:s4], [sflag:$0xD] =	stream.linear.gather [hbm4b:s13+s4], $0x2700, $0x38;
	[tilespmem:$0x1AA60] =	vst v63  }
0x1e: {  	_ =	swait.ge [sflag:s15], $0x2700  }
0x1f: {  	[sflag:s15] =	ssyncset.done $0x0  }
0x20: {  	s14 =	simm.s32 $0x2700;
	s13 =	rddreg [dreg:$0x6];
	[sflag:s15] =	ssyncadd.s32 $0xFFFFD900  }
0x21: {  	[tilespmem:s14], [sflag:$0xD] =	stream.linear.gather [hbm4b:s13+s4], $0x2700, $0x38;
	[tilespmem:$0x1AA60] =	vst v63  }
0x22: {  	_ =	swait.ge [sflag:s15], $0x2700  }
0x23: {  	[sflag:s15] =	ssyncset.done $0x0  }
0x24: {  	s14 =	rddreg [dreg:$0x7];
	[sflag:s15] =	ssyncadd.s32 $0xFFFFD900  }
0x25: {  	[tilespmem:s18], [sflag:$0xD] =	stream.linear.gather [hbm4b:s14+s4], $0x10, $0x38;
	[tilespmem:$0x1AA60] =	vst v63  }
0x26: {  	_ =	swait.ge [sflag:s15], $0x10  }
0x27: {  	[sflag:s15] =	ssyncset.done $0x0  }
0x28: {  	s14 =	rddreg [dreg:$0x8];
	[sflag:s15] =	ssyncadd.s32 $0xFFFFFFF0  }
0x29: {  	[tilespmem:s17], [sflag:$0xD] =	stream.linear.gather [hbm4b:s14+s4], $0x10, $0x38;
	[tilespmem:$0x1AA60] =	vst v63  }
0x2a: {  	_ =	swait.ge [sflag:s15], $0x10  }
0x2b: {  	[sflag:s15] =	ssyncset.done $0x0  }
0x2c: {  	s17 =	rddreg [dreg:$0x9];
	[sflag:s15] =	ssyncadd.s32 $0xFFFFFFF0  }
0x2d: {  	[spmem:s20], [sflag:s19] =	dma.local [hbm:s17], $0x1380  }
0x2e: {  	_ =	swait.ge [sflag:s15], $0x1380  }
0x2f: {  	[sflag:s15] =	ssyncset.done $0x0;
	s13 =	rddreg [dreg:$0xa]  }
0x30: {  	[sflag:s15] =	ssyncadd.s32 $0xFFFFEC80;
	s17 =	sshrl.u32 @!p0 s13, $0x3;
	s13 =	rddreg [dreg:$0xb]  }
0x31: {  	[spmem:s17], [sflag:s19] =	dma.local @!p0 [hbm:s13], $0x80  }
0x32: {  	s13 =	simm.s32 @!p0 $0xD  }
0x33: {  	_ =	swait.ge @!p0 [sflag:s13], $0x80  }
0x34: {  	[sflag:s13] =	ssyncset.done @!p0 $0x0  }
0x35: {  	[sflag:s13] =	ssyncadd.s32 @!p0 $0xFFFFFF80  }
0x36: {  	[bflag:$0x0] =	sbarrier.arrive $0xFFFF  }
0x37: {  	[tilespmem:s22], [sflag:$0x1] =	stream.indirect.gather [hbm4b:s2+s21], $0x40, s4, s21, $0xb8;
	[tilespmem:$0x1AA60] =	vst v63  }
0x38: {  	_ = 	snop  }
0x39: {  	[tilespmem:s23], [sflag:$0x2] =	stream.indirect.gather [hbm4b:s2+s21], $0x40, s21, s21, $0xb8;
	[tilespmem:$0x1AA60] =	vst v63  }
0x3a: {  	s18 =	simm.s32 $0x100  }
0x3b: {  	[tilespmem:s25], [sflag:$0x3] =	stream.indirect.gather [hbm4b:s2+s21], $0x40, s18, s21, $0xb8;
	[tilespmem:$0x1AA60] =	vst v63  }
0x3c: {  	s14 =	simm.s32 $0x180  }
0x3d: {  	[tilespmem:s28], [sflag:$0x4] =	stream.indirect.gather [hbm4b:s2+s21], $0x40, s14, s21, $0xb8;
	[tilespmem:$0x1AA60] =	vst v63  }
0x3e: {  	s18 =	simm.s32 $0x200  }
0x3f: {  	[tilespmem:s30], [sflag:$0x5] =	stream.indirect.gather [hbm4b:s2+s21], $0x40, s18, s21, $0xb8;
	[tilespmem:$0x1AA60] =	vst v63  }
0x40: {  	s14 =	simm.s32 $0x280  }
0x41: {  	[tilespmem:s1], [sflag:$0x6] =	stream.indirect.gather [hbm4b:s2+s21], $0x40, s14, s21, $0xb8;
	[tilespmem:$0x1AA60] =	vst v63  }
0x42: {  	_ =	swait.ge [sflag:s0], $0x2000  }
0x43: {  	[sflag:s0] =	ssyncset.done $0x0  }
0x44: {  	s18 =	simm.s32 $0x2700;
	[sflag:s0] =	ssyncadd.s32 $0xFFFFE000  }
0x45: {  	[spmem:s3] =	stream.indirect.scatter.add.f32 [tilespmem:s22], [sflag:$0x7], $0x40, s18, s21, $0xb8;
	[tilespmem:$0x1AA60] =	vst v63  }
0x46: {  	_ =	swait.ge [sflag:s16], $0x2000  }
0x47: {  	[sflag:s16] =	ssyncset.done $0x0  }
0x48: {  	s14 =	simm.s32 $0x300;
	[sflag:s16] =	ssyncadd.s32 $0xFFFFE000  }
0x49: {  	[tilespmem:s22], [sflag:$0x1] =	stream.indirect.gather [hbm4b:s2+s21], $0x40, s14, s21, $0xb8;
	[tilespmem:$0x1AA60] =	vst v63  }
0x4a: {  	_ =	swait.ge [sflag:s24], $0x2000  }
0x4b: {  	[sflag:s24] =	ssyncset.done $0x0  }
0x4c: {  	s18 =	simm.s32 $0x2780;
	[sflag:s24] =	ssyncadd.s32 $0xFFFFE000  }
0x4d: {  	[spmem:s3] =	stream.indirect.scatter.add.f32 [tilespmem:s23], [sflag:$0x8], $0x40, s18, s21, $0xb8;
	[tilespmem:$0x1AA60] =	vst v63  }
0x4e: {  	_ =	swait.ge [sflag:s26], $0x2000  }
0x4f: {  	[sflag:s26] =	ssyncset.done $0x0  }
0x50: {  	s14 =	simm.s32 $0x380;
	[sflag:s26] =	ssyncadd.s32 $0xFFFFE000  }
0x51: {  	[tilespmem:s23], [sflag:$0x2] =	stream.indirect.gather [hbm4b:s2+s21], $0x40, s14, s21, $0xb8;
	[tilespmem:$0x1AA60] =	vst v63  }
0x52: {  	_ =	swait.ge [sflag:s29], $0x2000  }
0x53: {  	[sflag:s29] =	ssyncset.done $0x0  }
0x54: {  	s18 =	simm.s32 $0x2800;
	[sflag:s29] =	ssyncadd.s32 $0xFFFFE000  }
0x55: {  	[spmem:s3] =	stream.indirect.scatter.add.f32 [tilespmem:s25], [sflag:$0x9], $0x40, s18, s21, $0xb8;
	[tilespmem:$0x1AA60] =	vst v63  }
0x56: {  	_ =	swait.ge [sflag:s31], $0x2000  }
0x57: {  	[sflag:s31] =	ssyncset.done $0x0  }
0x58: {  	s14 =	simm.s32 $0x400;
	[sflag:s31] =	ssyncadd.s32 $0xFFFFE000  }
0x59: {  	[tilespmem:s25], [sflag:$0x3] =	stream.indirect.gather [hbm4b:s2+s21], $0x40, s14, s21, $0xb8;
	[tilespmem:$0x1AA60] =	vst v63  }
0x5a: {  	_ =	swait.ge [sflag:s5], $0x2000  }
0x5b: {  	[sflag:s5] =	ssyncset.done $0x0  }
0x5c: {  	s18 =	simm.s32 $0x2880;
	[sflag:s5] =	ssyncadd.s32 $0xFFFFE000  }
0x5d: {  	[spmem:s3] =	stream.indirect.scatter.add.f32 [tilespmem:s28], [sflag:$0xA], $0x40, s18, s21, $0xb8;
	[tilespmem:$0x1AA60] =	vst v63  }
0x5e: {  	_ =	swait.ge [sflag:s6], $0x2000  }
0x5f: {  	[sflag:s6] =	ssyncset.done $0x0  }
0x60: {  	s14 =	simm.s32 $0x480;
	[sflag:s6] =	ssyncadd.s32 $0xFFFFE000  }
0x61: {  	[tilespmem:s28], [sflag:$0x4] =	stream.indirect.gather [hbm4b:s2+s21], $0x40, s14, s21, $0xb8;
	[tilespmem:$0x1AA60] =	vst v63  }
0x62: {  	_ =	swait.ge [sflag:s7], $0x2000  }
0x63: {  	[sflag:s7] =	ssyncset.done $0x0  }
0x64: {  	s18 =	simm.s32 $0x2900;
	[sflag:s7] =	ssyncadd.s32 $0xFFFFE000  }
0x65: {  	[spmem:s3] =	stream.indirect.scatter.add.f32 [tilespmem:s30], [sflag:$0xB], $0x40, s18, s21, $0xb8;
	[tilespmem:$0x1AA60] =	vst v63  }
0x66: {  	_ =	swait.ge [sflag:s8], $0x2000  }
0x67: {  	[sflag:s8] =	ssyncset.done $0x0  }
0x68: {  	s14 =	simm.s32 $0x500;
	[sflag:s8] =	ssyncadd.s32 $0xFFFFE000  }
0x69: {  	[tilespmem:s30], [sflag:$0x5] =	stream.indirect.gather [hbm4b:s2+s21], $0x40, s14, s21, $0xb8;
	[tilespmem:$0x1AA60] =	vst v63  }
0x6a: {  	_ =	swait.ge [sflag:s9], $0x2000  }
0x6b: {  	[sflag:s9] =	ssyncset.done $0x0  }
0x6c: {  	s18 =	simm.s32 $0x2980;
	[sflag:s9] =	ssyncadd.s32 $0xFFFFE000  }
0x6d: {  	[spmem:s3] =	stream.indirect.scatter.add.f32 [tilespmem:s1], [sflag:$0xC], $0x40, s18, s21, $0xb8;
	[tilespmem:$0x1AA60] =	vst v63  }
0x6e: {  	_ =	swait.ge [sflag:s10], $0x2000  }
0x6f: {  	[sflag:s10] =	ssyncset.done $0x0  }
0x70: {  	s13 =	simm.s32 $0xC00;
	s18 =	simm.s32 $0x580;
	[sflag:s10] =	ssyncadd.s32 $0xFFFFE000  }
.LBB2_2:
0x71: {  	[tilespmem:s1], [sflag:$0x6] =	stream.indirect.gather [hbm4b:s2+s21], $0x40, s18, s21, $0xb8;
	[tilespmem:$0x1AA60] =	vst v63  }
0x72: {  	s18 =	smov.u32 s13  }
0x73: {  	p1 =	sne.s32 s13, $0x8400;
	s13 =	sadd.s32 $0xC00, s13;
	_ =	swait.ge [sflag:s0], $0x2000  }
0x74: {  	s18 =	sshra.s32 s18, $0x2;
	[sflag:s0] =	ssyncset.done $0x0  }
0x75: {  	s14 =	sadd.s32 $0x2700, s18;
	[sflag:s0] =	ssyncadd.s32 $0xFFFFE000  }
0x76: {  	[spmem:s3] =	stream.indirect.scatter.add.f32 [tilespmem:s22], [sflag:$0x7], $0x40, s14, s21, $0xb8;
	[tilespmem:$0x1AA60] =	vst v63  }
0x77: {  	_ =	swait.ge [sflag:s16], $0x2000  }
0x78: {  	[sflag:s16] =	ssyncset.done $0x0  }
0x79: {  	s14 =	sadd.s32 $0x300, s18;
	[sflag:s16] =	ssyncadd.s32 $0xFFFFE000  }
0x7a: {  	[tilespmem:s22], [sflag:$0x1] =	stream.indirect.gather [hbm4b:s2+s21], $0x40, s14, s21, $0xb8;
	[tilespmem:$0x1AA60] =	vst v63  }
0x7b: {  	_ =	swait.ge [sflag:s24], $0x2000  }
0x7c: {  	[sflag:s24] =	ssyncset.done $0x0  }
0x7d: {  	s14 =	sadd.s32 $0x2780, s18;
	[sflag:s24] =	ssyncadd.s32 $0xFFFFE000  }
0x7e: {  	[spmem:s3] =	stream.indirect.scatter.add.f32 [tilespmem:s23], [sflag:$0x8], $0x40, s14, s21, $0xb8;
	[tilespmem:$0x1AA60] =	vst v63  }
0x7f: {  	_ =	swait.ge [sflag:s26], $0x2000  }
0x80: {  	[sflag:s26] =	ssyncset.done $0x0  }
0x81: {  	s14 =	sadd.s32 $0x380, s18;
	[sflag:s26] =	ssyncadd.s32 $0xFFFFE000  }
0x82: {  	[tilespmem:s23], [sflag:$0x2] =	stream.indirect.gather [hbm4b:s2+s21], $0x40, s14, s21, $0xb8;
	[tilespmem:$0x1AA60] =	vst v63  }
0x83: {  	_ =	swait.ge [sflag:s29], $0x2000  }
0x84: {  	[sflag:s29] =	ssyncset.done $0x0  }
0x85: {  	s14 =	sadd.s32 $0x2800, s18;
	[sflag:s29] =	ssyncadd.s32 $0xFFFFE000  }
0x86: {  	[spmem:s3] =	stream.indirect.scatter.add.f32 [tilespmem:s25], [sflag:$0x9], $0x40, s14, s21, $0xb8;
	[tilespmem:$0x1AA60] =	vst v63  }
0x87: {  	_ =	swait.ge [sflag:s31], $0x2000  }
0x88: {  	[sflag:s31] =	ssyncset.done $0x0  }
0x89: {  	s14 =	sadd.s32 $0x400, s18;
	[sflag:s31] =	ssyncadd.s32 $0xFFFFE000  }
0x8a: {  	[tilespmem:s25], [sflag:$0x3] =	stream.indirect.gather [hbm4b:s2+s21], $0x40, s14, s21, $0xb8;
	[tilespmem:$0x1AA60] =	vst v63  }
0x8b: {  	_ =	swait.ge [sflag:s5], $0x2000  }
0x8c: {  	[sflag:s5] =	ssyncset.done $0x0  }
0x8d: {  	s14 =	sadd.s32 $0x2880, s18;
	[sflag:s5] =	ssyncadd.s32 $0xFFFFE000  }
0x8e: {  	[spmem:s3] =	stream.indirect.scatter.add.f32 [tilespmem:s28], [sflag:$0xA], $0x40, s14, s21, $0xb8;
	[tilespmem:$0x1AA60] =	vst v63  }
0x8f: {  	_ =	swait.ge [sflag:s6], $0x2000  }
0x90: {  	[sflag:s6] =	ssyncset.done $0x0  }
0x91: {  	s14 =	sadd.s32 $0x480, s18;
	[sflag:s6] =	ssyncadd.s32 $0xFFFFE000  }
0x92: {  	[tilespmem:s28], [sflag:$0x4] =	stream.indirect.gather [hbm4b:s2+s21], $0x40, s14, s21, $0xb8;
	[tilespmem:$0x1AA60] =	vst v63  }
0x93: {  	_ =	swait.ge [sflag:s7], $0x2000  }
0x94: {  	[sflag:s7] =	ssyncset.done $0x0  }
0x95: {  	s14 =	sadd.s32 $0x2900, s18;
	[sflag:s7] =	ssyncadd.s32 $0xFFFFE000  }
0x96: {  	[spmem:s3] =	stream.indirect.scatter.add.f32 [tilespmem:s30], [sflag:$0xB], $0x40, s14, s21, $0xb8;
	[tilespmem:$0x1AA60] =	vst v63  }
0x97: {  	_ =	swait.ge [sflag:s8], $0x2000  }
0x98: {  	[sflag:s8] =	ssyncset.done $0x0  }
0x99: {  	s14 =	sadd.s32 $0x500, s18;
	[sflag:s8] =	ssyncadd.s32 $0xFFFFE000  }
0x9a: {  	[tilespmem:s30], [sflag:$0x5] =	stream.indirect.gather [hbm4b:s2+s21], $0x40, s14, s21, $0xb8;
	[tilespmem:$0x1AA60] =	vst v63  }
0x9b: {  	_ =	swait.ge [sflag:s9], $0x2000  }
0x9c: {  	[sflag:s9] =	ssyncset.done $0x0  }
.Ltmp0:
0x9d: {  	s14 =	sadd.s32 $0x2980, s18;
	[sflag:s9] =	ssyncadd.s32 $0xFFFFE000;
	(pc) =	sbr.rel @p1 .LBB2_2-.Ltmp0, $4  }
0x9e: {  	[spmem:s3] =	stream.indirect.scatter.add.f32 [tilespmem:s1], [sflag:$0xC], $0x40, s14, s21, $0xb8;
	[tilespmem:$0x1AA60] =	vst v63  }
0x9f: {  	_ =	swait.ge [sflag:s10], $0x2000  }
0xa0: {  	[sflag:s10] =	ssyncset.done $0x0  }
0xa1: {  	s18 =	sadd.s32 $0x580, s18;
	[sflag:s10] =	ssyncadd.s32 $0xFFFFE000  }
0xa2: {  	[tilespmem:s1], [sflag:$0x6] =	stream.indirect.gather [hbm4b:s2+s21], $0x40, s18, s21, $0xb8;
	[tilespmem:$0x1AA60] =	vst v63  }
0xa3: {  	_ =	swait.ge [sflag:s0], $0x2000  }
0xa4: {  	[sflag:s0] =	ssyncset.done $0x0  }
0xa5: {  	s13 =	simm.s32 $0x4B00;
	[sflag:s0] =	ssyncadd.s32 $0xFFFFE000  }
0xa6: {  	[spmem:s3] =	stream.indirect.scatter.add.f32 [tilespmem:s22], [sflag:$0x7], $0x40, s13, s21, $0xb8;
	[tilespmem:$0x1AA60] =	vst v63  }
0xa7: {  	_ =	swait.ge [sflag:s24], $0x2000  }
0xa8: {  	[sflag:s24] =	ssyncset.done $0x0  }
0xa9: {  	s18 =	simm.s32 $0x4B80;
	[sflag:s24] =	ssyncadd.s32 $0xFFFFE000  }
0xaa: {  	[spmem:s3] =	stream.indirect.scatter.add.f32 [tilespmem:s23], [sflag:$0x8], $0x40, s18, s21, $0xb8;
	[tilespmem:$0x1AA60] =	vst v63  }
0xab: {  	_ =	swait.ge [sflag:s29], $0x2000  }
0xac: {  	[sflag:s29] =	ssyncset.done $0x0  }
0xad: {  	s14 =	simm.s32 $0x4C00;
	[sflag:s29] =	ssyncadd.s32 $0xFFFFE000  }
0xae: {  	[spmem:s3] =	stream.indirect.scatter.add.f32 [tilespmem:s25], [sflag:$0x9], $0x40, s14, s21, $0xb8;
	[tilespmem:$0x1AA60] =	vst v63  }
0xaf: {  	_ =	swait.ge [sflag:s5], $0x2000  }
0xb0: {  	[sflag:s5] =	ssyncset.done $0x0  }
0xb1: {  	s18 =	simm.s32 $0x4C80;
	[sflag:s5] =	ssyncadd.s32 $0xFFFFE000  }
0xb2: {  	[spmem:s3] =	stream.indirect.scatter.add.f32 [tilespmem:s28], [sflag:$0xA], $0x40, s18, s21, $0xb8;
	[tilespmem:$0x1AA60] =	vst v63  }
0xb3: {  	_ =	swait.ge [sflag:s7], $0x2000  }
0xb4: {  	[sflag:s7] =	ssyncset.done $0x0  }
0xb5: {  	s14 =	simm.s32 $0x4D00;
	[sflag:s7] =	ssyncadd.s32 $0xFFFFE000  }
0xb6: {  	[spmem:s3] =	stream.indirect.scatter.add.f32 [tilespmem:s30], [sflag:$0xB], $0x40, s14, s21, $0xb8;
	[tilespmem:$0x1AA60] =	vst v63  }
0xb7: {  	_ =	swait.ge [sflag:s9], $0x2000  }
0xb8: {  	[sflag:s9] =	ssyncset.done $0x0  }
0xb9: {  	s18 =	simm.s32 $0x4D80;
	[sflag:s9] =	ssyncadd.s32 $0xFFFFE000  }
0xba: {  	[spmem:s3] =	stream.indirect.scatter.add.f32 [tilespmem:s1], [sflag:$0xC], $0x40, s18, s21, $0xb8;
	[tilespmem:$0x1AA60] =	vst v63  }
0xbb: {  	_ =	swait.ge [sflag:s16], $0x2000  }
0xbc: {  	[sflag:s16] =	ssyncset.done $0x0  }
0xbd: {  	[sflag:s16] =	ssyncadd.s32 $0xFFFFE000  }
0xbe: {  	_ =	swait.ge [sflag:s26], $0x2000  }
0xbf: {  	[sflag:s26] =	ssyncset.done $0x0  }
0xc0: {  	[sflag:s26] =	ssyncadd.s32 $0xFFFFE000  }
0xc1: {  	_ =	swait.ge [sflag:s31], $0x2000  }
0xc2: {  	[sflag:s31] =	ssyncset.done $0x0  }
0xc3: {  	[sflag:s31] =	ssyncadd.s32 $0xFFFFE000  }
0xc4: {  	_ =	swait.ge [sflag:s6], $0x2000  }
0xc5: {  	[sflag:s6] =	ssyncset.done $0x0  }
0xc6: {  	[sflag:s6] =	ssyncadd.s32 $0xFFFFE000  }
0xc7: {  	_ =	swait.ge [sflag:s8], $0x2000  }
0xc8: {  	[sflag:s8] =	ssyncset.done $0x0  }
0xc9: {  	[sflag:s8] =	ssyncadd.s32 $0xFFFFE000  }
0xca: {  	_ =	swait.ge [sflag:s10], $0x2000  }
0xcb: {  	[sflag:s10] =	ssyncset.done $0x0  }
0xcc: {  	s18 =	simm.s32 $0x4E00;
	[sflag:s10] =	ssyncadd.s32 $0xFFFFE000  }
0xcd: {  	[tilespmem:s22], [sflag:$0x1] =	stream.indirect.gather [hbm4b:s2+s11], $0x40, s18, s11, $0xb8;
	[tilespmem:$0x1AA60] =	vst v63  }
0xce: {  	_ =	swait.ge [sflag:s0], $0x400  }
0xcf: {  	[sflag:s0] =	ssyncset.done $0x0  }
0xd0: {  	s14 =	simm.s32 $0x4E10;
	[sflag:s0] =	ssyncadd.s32 $0xFFFFFC00  }
0xd1: {  	[spmem:s3] =	stream.indirect.scatter.add.f32 [tilespmem:s22], [sflag:$0xD], $0x40, s14, s11, $0xb8;
	[tilespmem:$0x1AA60] =	vst v63  }
0xd2: {  	_ =	swait.ge [sflag:s15], $0x400  }
0xd3: {  	[sflag:s15] =	ssyncset.done $0x0  }
0xd4: {  	[sflag:s15] =	ssyncadd.s32 $0xFFFFFC00  }
0xd5: {  	[bflag:$0x0] =	sbarrier.arrive $0xFFFF  }
0xd6: {  	s14 =	rddreg [dreg:$0xc]  }
0xd7: {  	[hbm:s14], [sflag:s19] =	dma.local [spmem:s20], $0x1380  }
0xd8: {  	_ =	swait.ge [sflag:s15], $0x1380  }
0xd9: {  	[sflag:s15] =	ssyncset.done $0x0  }
0xda: {  	s13 =	rddreg [dreg:$0xd];
	[sflag:s15] =	ssyncadd.s32 $0xFFFFEC80  }
0xdb: {  	[hbm:s13], [sflag:s19] =	dma.local @!p0 [spmem:s17], $0x80  }
0xdc: {  	s13 =	simm.s32 @!p0 $0xD  }
0xdd: {  	_ =	swait.ge @!p0 [sflag:s13], $0x80  }
0xde: {  	s12 =	sadd.s32 $0x1, s12;
	s14 =	rddreg [dreg:$0xe]  }
0xdf: {  	p1 =	sne.s32 s12, s14  }
.Ltmp1:
0xe0: {  	_ = 	snop;
	(pc) =	sbr.rel @p1 .LBB2_1-.Ltmp1, $3  }
0xe1: {  	_ =	sdelay $0x1  }
0xe2: {  	[sflag:s13] =	ssyncset.done @!p0 $0x0  }
0xe3: {  	s17 =	simm.s32 $0x4E10;
	[sflag:s13] =	ssyncadd.s32 @!p0 $0xFFFFFF80  }
0xe4: {  	_ =	sfence.sel $0x180000  }
0xe5: {  	[bflag:$0x0] =	sbarrier.arrive $0xFFFF  }
0xe6: {  	_ =	strace $0x9000004D  }
0xe7: {  	s0 =	stileid.u32;
	[bflag:$0x2] =	sbarrier.arrive $0xFFFF  }
0xe8: {  	p0 =	sne.s32 s0, $0x0;
	s0 =	rddreg [dreg:$0x4]  }
0xe9: {  	s0 =	sadd.s32 @!p0 $0x100000, s0  }
0xea: {  	[sflag:s0] =	ssyncadd.tile.s32 @!p0 $0x1;
	_ =	shalt  }
.Lfunc_end2:
_tile_overlayer_lowered:
.L_overlay_start_2:
0xeb: {  	(tag) =	ssettag $0x2  }
0xec: {  	s0 =	rddreg [dreg:$0x0];
	s2 =	stileid.u32  }
0xed: {  	s1 =	rddreg [dreg:$0x1];
	p0 =	sne.s32 s2, $0x0  }
0xee: {  	s3 =	rddreg [dreg:$0x2];
	[bflag:$0x3] =	sbarrier.arrive $0xFFFF;
	s2 =	simm.s32 @!p0 $0x1C0D  }
0xef: {  	[timem:s3], [sflag:s2] =	dma.local @!p0 [hbm:s0], s1  }
0xf0: {  	s0 =	simm.s32 @!p0 $0xD  }
0xf1: {  	_ =	swait.ge @!p0 [sflag:s0], s1  }
0xf2: {  	s1 =	ssub.s32 @!p0 $0x0, s1;
	[sflag:s0] =	ssyncset.done @!p0 $0x0  }
0xf3: {  	[sflag:s0] =	ssyncadd.s32 @!p0 s1  }
0xf4: {  	[bflag:$0x3] =	sbarrier.arrive $0xFFFF  }
0xf5: {  	_ =	shalt  }

// kernel: kernel.8.cloned.1.call-start
scs
__scs_entry_jumppad:
0x0: {  	(pc) =	sbr.rel $0x88, $3  }
0x1: {  	(tag) =	ssettag $0x0;
	lr =	simm.s32 $0x1  }
0x2: {  	[smem:$0x3F9B] =	sst lr;
	_ =	strace $0xD0000000  }
0x3: {  	_ = 	snop  }
0x4: {  	_ = 	snop  }
0x5: {  	_ = 	snop  }
0x6: {  	_ = 	snop  }
0x7: {  	_ = 	snop  }
__scs_overlays_trampoline_lowered:
0x8: {  	[smem:$0x3FAA] =	sst s0  }
0x9: {  	[smem:$0x3FAB] =	sst s1  }
0xa: {  	[smem:$0x3FAC] =	sst s2  }
0xb: {  	[smem:$0x3FAD] =	sst s3  }
0xc: {  	[smem:$0x3FAE] =	sst s4  }
0xd: {  	[smem:$0x3FAF] =	sst s5  }
0xe: {  	[smem:$0x3FB0] =	sst s6  }
0xf: {  	[smem:$0x3FB1] =	sst s7  }
0x10: {  	[smem:$0x3FB2] =	sst s8  }
0x11: {  	[smem:$0x3FB3] =	sst s9;
	s0 =	simm.s32 @!p0 $0x0  }
0x12: {  	s1 =	sld [smem:$0x3F99];
	s0 =	simm.s32 @p0 $0x1  }
0x13: {  	[smem:$0x3FB4] =	sst s0;
	s0 =	simm.s32 @!p1 $0x0  }
0x14: {  	s2 =	sld [smem:$0x3F98];
	s0 =	simm.s32 @p1 $0x1  }
0x15: {  	[smem:$0x3FB5] =	sst s0;
	s0 =	simm.s32 @!p2 $0x0  }
0x16: {  	s3 =	sld [smem:$0x3FDB];
	s0 =	simm.s32 @p2 $0x1  }
0x17: {  	s4 =	simm.s32 $0x1BF5;
	[smem:$0x3FB7] =	sst s0  }
0x18: {  	s0 =	sld [smem:$0x3F9A];
	_ =	swait.ge [sflag:s4], $0x0  }
0x19: {  	s7 =	sld [smem:$0x3F9B]  }
0x1a: {  	s8 =	sadd.s32 $0xFFFFE003, lr  }
0x1b: {  	s9 =	sadd.s32 $0xFFFFFEF7, lr;
	s5 =	simm.s32 $0xFFFFFFFF;
	p2 =	slt.u32 s8, $0xFFFFF086  }
0x1c: {  	p1 =	slt.u32 s9, $0xF7A;
	s5 =	simm.s32 @!p2 $0x0  }
0x1d: {  	s5 =	simm.s32 @p1 $0x1;
	p0 =	seq.s32 s7, s2  }
0x1e: {  	s7 =	smul.u32 @!p0 $0xF7A, s2;
	p2 =	seq.s32 @!p0 s5, $0x0  }
0x1f: {  	s9 =	smul.u32 $0xF7A, s1;
	s8 =	simm.s32 @!p0 $0x1BF5;
	p2 =	por !p2, p0  }
0x20: {  	[sflag:s8] =	ssyncset.s32 @!p0 $0xFFFFF086;
	s6 =	sadd.s32 @!p0 s3, s7;
	s7 =	simm.s32 @!p0 $0x108  }
0x21: {  	s3 =	sadd.s32 s3, s9;
	s6 =	sadd.s32 @!p0 $0x88, s6;
	s7 =	simm.s32 @p2 $0x1082  }
0x22: {  	[simem:s7], [sflag:s8] =	dma.local @!p0 [hbm:s6], $0xF7A  }
0x23: {  	s9 =	sor.u32 $0xD0000000, s2;
	s6 =	simm.s32 $0x108;
	_ =	swait.ge @!p0 [sflag:s8], $0x0  }
0x24: {  	s3 =	sadd.s32 $0x88, s3;
	s6 =	simm.s32 @!p1 $0x1082;
	[sflag:s4] =	ssyncset.s32 $0xFFFFF086  }
0x25: {  	[simem:s6], [sflag:s4] =	dma.local [hbm:s3], $0xF7A  }
0x26: {  	[smem:$0x3F9B] =	sst s1;
	(tag) =	ssettag s2;
	_ =	strace s9  }
0x27: {  	s1 =	sld [smem:$0x3FAB]  }
0x28: {  	s2 =	sld [smem:$0x3FAC]  }
0x29: {  	s4 =	sld [smem:$0x3FAE]  }
0x2a: {  	p0 =	seq.s32 s5, $0x0;
	s5 =	sld [smem:$0x3FAF]  }
0x2b: {  	s6 =	sld [smem:$0x3FB0]  }
0x2c: {  	s7 =	sld [smem:$0x3FB1]  }
0x2d: {  	s3 =	simm.s32 $0x108;
	s8 =	sld [smem:$0x3FB2]  }
0x2e: {  	s3 =	simm.s32 @!p0 $0x1082;
	s9 =	sld [smem:$0x3FB3]  }
0x2f: {  	lr =	sadd.s32 s0, s3;
	s0 =	sld [smem:$0x3FAA]  }
0x30: {  	s3 =	sld [smem:$0x3FAD]  }
0x31: {  	[smem:$0x3FB6] =	sst s10  }
0x32: {  	s10 =	sld [smem:$0x3FB4];
	_ =	sdelay $0x3  }
0x33: {  	p0 =	seq.s32 s10, $0x1;
	s10 =	sld [smem:$0x3FB6];
	_ =	sdelay $0x3  }
0x34: {  	[smem:$0x3FB6] =	sst s10  }
0x35: {  	s10 =	sld [smem:$0x3FB5];
	_ =	sdelay $0x3  }
0x36: {  	p1 =	seq.s32 s10, $0x1;
	s10 =	sld [smem:$0x3FB6];
	_ =	sdelay $0x3  }
0x37: {  	[smem:$0x3FB6] =	sst s10  }
0x38: {  	s10 =	sld [smem:$0x3FB7]  }
0x39: {  	_ = 	snop;
	(pc) =	sbr.ind lr, $3  }
0x3a: {  	_ = 	snop  }
0x3b: {  	_ = 	snop  }
0x3c: {  	p2 =	seq.s32 s10, $0x1;
	s10 =	sld [smem:$0x3FB6]  }
0x3d: {  	_ =	shalt  }
0x3e: {  	_ =	shalt  }
0x3f: {  	_ =	shalt  }
0x40: {  	_ =	shalt  }
0x41: {  	_ =	shalt  }
0x42: {  	_ =	shalt  }
0x43: {  	_ =	shalt  }
0x44: {  	_ =	shalt  }
0x45: {  	_ =	shalt  }
0x46: {  	_ =	shalt  }
0x47: {  	_ =	shalt  }
0x48: {  	_ =	shalt  }
0x49: {  	_ =	shalt  }
0x4a: {  	_ =	shalt  }
0x4b: {  	_ =	shalt  }
0x4c: {  	_ =	shalt  }
0x4d: {  	_ =	shalt  }
0x4e: {  	_ =	shalt  }
0x4f: {  	_ =	shalt  }
0x50: {  	_ =	shalt  }
0x51: {  	_ =	shalt  }
0x52: {  	_ =	shalt  }
0x53: {  	_ =	shalt  }
0x54: {  	_ =	shalt  }
0x55: {  	_ =	shalt  }
0x56: {  	_ =	shalt  }
0x57: {  	_ =	shalt  }
0x58: {  	_ =	shalt  }
0x59: {  	_ =	shalt  }
0x5a: {  	_ =	shalt  }
0x5b: {  	_ =	shalt  }
0x5c: {  	_ =	shalt  }
0x5d: {  	_ =	shalt  }
0x5e: {  	_ =	shalt  }
0x5f: {  	_ =	shalt  }
0x60: {  	_ =	shalt  }
0x61: {  	_ =	shalt  }
0x62: {  	_ =	shalt  }
0x63: {  	_ =	shalt  }
0x64: {  	_ =	shalt  }
0x65: {  	_ =	shalt  }
0x66: {  	_ =	shalt  }
0x67: {  	_ =	shalt  }
0x68: {  	_ =	shalt  }
0x69: {  	_ =	shalt  }
0x6a: {  	_ =	shalt  }
0x6b: {  	_ =	shalt  }
0x6c: {  	_ =	shalt  }
0x6d: {  	_ =	shalt  }
0x6e: {  	_ =	shalt  }
0x6f: {  	_ =	shalt  }
0x70: {  	_ =	shalt  }
0x71: {  	_ =	shalt  }
0x72: {  	_ =	shalt  }
0x73: {  	_ =	shalt  }
0x74: {  	_ =	shalt  }
0x75: {  	_ =	shalt  }
0x76: {  	_ =	shalt  }
0x77: {  	_ =	shalt  }
0x78: {  	_ =	shalt  }
0x79: {  	_ =	shalt  }
0x7a: {  	_ =	shalt  }
0x7b: {  	_ =	shalt  }
0x7c: {  	_ =	shalt  }
0x7d: {  	_ =	shalt  }
0x7e: {  	_ =	shalt  }
0x7f: {  	_ =	shalt  }
0x80: {  	_ =	shalt  }
0x81: {  	_ =	shalt  }
0x82: {  	_ =	shalt  }
0x83: {  	_ =	shalt  }
0x84: {  	_ =	shalt  }
0x85: {  	_ =	shalt  }
0x86: {  	_ =	shalt  }
0x87: {  	_ =	shalt  }
.Lfunc_end0:
.L_simem_size_0:
called_computation_lowered:
.L_overlay_start_0:
0x88: {  	s2 =	sld [smem:$0x3FD9]  }
0x89: {  	s3 =	sld [smem:$0x3FFE];
	_ =	sdelay $0x1  }
0x8a: {  	s1 =	srdreg.scid  }
0x8b: {  	s0 =	sand.u32 $0x1, s1  }
0x8c: {  	s14 =	sshll.u32 s0, $0xA;
	s2 =	sadd.s32 s3, s2  }
0x8d: {  	s2 =	sadd.s32 s2, s14  }
0x8e: {  	[smem:$0x3FC2] =	sst s2  }
0x8f: {  	_ = 	snop  }
0x90: {  	s2 =	sld [smem:$0x3FD0];
	_ =	sdelay $0x2  }
0x91: {  	s15 =	simm.s32 $0xA;
	s4 =	simm.s32 $0x10  }
0x92: {  	[smem:s4], [sflag:s15] =	dma.local [hbm:s2], $0x1  }
0x93: {  	_ =	swait.eq [sflag:s15], $0x1  }
0x94: {  	[sflag:s15] =	ssyncset.done $0x0  }
0x95: {  	[sflag:s15] =	ssyncadd.s32 $0xFFFFFFFF  }
0x96: {  	s16 =	sld [smem:$0x11];
	(tm) =	ssettm $0x1  }
0x97: {  	s17 =	sld [smem:$0x3FFB];
	_ =	sdelay $0x3  }
0x98: {  	_ =	strace s17  }
0x99: {  	s3 =	sld [smem:$0x3FFC];
	_ =	sdelay $0x3  }
0x9a: {  	_ =	strace s3  }
0x9b: {  	s3 =	sld [smem:$0x3FFD];
	_ =	sdelay $0x3  }
0x9c: {  	_ =	strace s3  }
0x9d: {  	_ =	strace $0x8FFFFFFF  }
0x9e: {  	s18 =	sld [smem:$0x3FDB];
	_ =	sdelay $0x1  }
0x9f: {  	s19 =	simm.s32 $_scs_section_size  }
0xa0: {  	s5 =	simm.s32 $_size__tile_overlayer_lowered;
	s6 =	simm.s32 $_tile_overlayer_lowered  }
0xa1: {  	s22 =	simm.s32 $0x1BFF;
	s21 =	sshll.u32 s6, $0x1;
	s3 =	sadd.s32 s19, s18  }
0xa2: {  	s7 =	simm.s32 $0x0;
	s20 =	sshll.u32 s5, $0x1;
	s5 =	sadd.s32 s21, s3  }
0xa3: {  	[timem:s7], [sflag:s22] =	dma.local [hbm:s5], s20  }
0xa4: {  	_ =	swait.ge [sflag:s22], s20  }
0xa5: {  	s4 =	ssub.s32 $0x0, s20;
	[sflag:s22] =	ssyncset.done $0x0  }
0xa6: {  	[sflag:s22] =	ssyncadd.s32 s4;
	_ =	sdelay $0x1  }
0xa7: {  	s23 =	simm.s32 $0x1B8B  }
0xa8: {  	_ =	swait.ge [sflag:s23], $0x1  }
0xa9: {  	[sflag:s23] =	ssyncset.done $0x0  }
0xaa: {  	s25 =	simm.s32 $0x1B8E;
	s24 =	sld [smem:$0x3FFE];
	[sflag:s23] =	ssyncadd.s32 $0xFFFFFFFF  }
0xab: {  	s26 =	simm.s32 $execute0_lowered;
	[smem:$0x3FD2] =	sst s25  }
0xac: {  	s5 =	sshll.u32 s26, $0x1;
	_ =	strace $0x80000046;
	[dreg:$0x1] =	wrdreg $0xFFFFFFFF  }
0xad: {  	s28 =	simm.s32 $_size_execute0_lowered;
	s3 =	sadd.s32 s3, s5;
	[dreg:$0x0] =	wrdreg $0x0  }
0xae: {  	s5 =	sshll.u32 s28, $0x1;
	[dreg:$0x2] =	wrdreg s3  }
0xaf: {  	[dreg:$0x3] =	wrdreg s5  }
0xb0: {  	[dreg:$0x4] =	wrdreg $0xC0  }
0xb1: {  	_ =	task [dreg:s7], $0x5FFFF  }
0xb2: {  	[dreg:$0x1] =	wrdreg $0xFFFFFFFF  }
0xb3: {  	[dreg:$0x0] =	wrdreg $0x60  }
0xb4: {  	[dreg:$0x2] =	wrdreg s24  }
0xb5: {  	[dreg:$0x3] =	wrdreg s16  }
0xb6: {  	[dreg:$0x4] =	wrdreg $0x2F100  }
0xb7: {  	[dreg:$0x5] =	wrdreg $0x9  }
0xb8: {  	_ =	task.clear_ibuf [dreg:s7], $0x6FFFF;
	_ =	strace $0x90000046  }
0xb9: {  	s29 =	simm.s32 $0x9;
	_ =	strace $0x80000048  }
0xba: {  	_ =	swait.ge [sflag:s29], $0x1  }
0xbb: {  	[sflag:s29] =	ssyncadd.s32 $0xFFFFFFFF  }
0xbc: {  	_ =	strace $0x90000048  }
0xbd: {  	_ =	sfence  }
0xbe: {  	s30 =	sld [smem:$0x0];
	_ =	sdelay $0x2  }
0xbf: {  	s31 =	sshll.u32 s1, $0xD;
	s1 =	sshrl.u32 s1, $0x2  }
0xc0: {  	s3 =	sand.u32 $0x4000, s31;
	s1 =	sadd.s32 s1, s30  }
0xc1: {  	s0 =	sor.u32 s3, s0;
	s1 =	sshll.u32 s1, $0x11  }
0xc2: {  	s0 =	sor.u32 s1, s0  }
0xc3: {  	s0 =	sadd.s32 $0x8F2B, s0  }
0xc4: {  	[sflag:s0] =	ssyncadd.remote.s32 $0x1  }
0xc5: {  	_ =	sfence.sel $0xFFFF  }
0xc6: {  	[dreg:$0x0] =	wrdreg $0xFFFFFFFF;
	(pc) =	sbr.abs _section_cstart, $3  }
0xc7: {  	[dreg:$0x1] =	wrdreg $0xFFFFFFFF  }
0xc8: {  	_ =	task.clear_ibuf [dreg:s7], $0x2FFFF;
	_ =	strace $0x9FFFFFFF  }
0xc9: {  	(tm) =	ssettm $0x7FFFFFFF  }
tec
execute0_lowered:
.L_overlay_start_1:
0x0: {  	(tag) =	ssettag $0x1  }
0x1: {  	s4 =	rddreg [dreg:$0x0]  }
0x2: {  	s1 =	srdreg.scid;
	s12 =	rddreg [dreg:$0x1]  }
0x3: {  	s0 =	stileid.u32;
	s2 =	rddreg [dreg:$0x2];
	s3 =	simm.s32 $0x0  }
0x4: {  	s16 =	simm.s32 $0x2700;
	s17 =	simm.s32 $0x2710;
	s18 =	simm.s32 $0x80  }
0x5: {  	s19 =	simm.s32 $0x100;
	s20 =	simm.s32 $0x180;
	s21 =	simm.s32 $0x200  }
0x6: {  	s22 =	simm.s32 $0x280;
	s23 =	simm.s32 $0x1;
	s24 =	simm.s32 $0x10  }
0x7: {  	s25 =	simm.s32 $0x0;
	s7 =	sand.u32 $0x1, s1;
	s1 =	rddreg [dreg:$0x3]  }
0x8: {  	s30 =	sshll.u32 s0, $0x1;
	[smem:$0x7FF] =	sst s3;
	s10 =	smul.u32 $0x9C00, s0  }
0x9: {  	s11 =	smul.u32 $0x2700, s0;
	p0 =	sne.s32 s0, $0xF;
	s5 =	sor.u32 s7, s30  }
0xa: {  	_ =	strace $0x80000047;
	s8 =	ssub.s32 $0x2, s7;
	s13 =	smul.u32 $0x27100, s7  }
0xb: {  	s6 =	smul.u32 $0x4E0, s5;
	s5 =	sshll.u32 s5, $0x1;
	s9 =	sshrl.u32 s8, $0x1  }
0xc: {  	s31 =	sshrl.u32 s10, $0x2;
	s5 =	sadd.s32 s5, s4;
	s14 =	ssub.s32 s8, s9  }
0xd: {  	s10 =	sadd.s32 s31, s2;
	s15 =	sadd.s32 s11, s13;
	s13 =	sshrl.u32 s13, $0x3  }
0xe: {  	s6 =	sadd.s32 s6, s4;
	s5 =	sadd.s32 $0xD400, s5;
	s7 =	sadd.s32 $0x800, s10  }
0xf: {  	s8 =	sadd.s32 $0x1000, s10;
	s9 =	sadd.s32 $0x1800, s10;
	s10 =	sadd.s32 $0x2000, s10  }
0x10: {  	s15 =	sshrl.u32 s15, $0x3;
	s13 =	sadd.s32 s12, s13;
	s14 =	smax.u32 s14, $0x1  }
0x11: {  	s4 =	sadd.s32 $0x3800, s6;
	s6 =	sadd.s32 s11, s2;
	s11 =	sadd.s32 $0x27000, s2  }
0x12: {  	v0 =	vimm.f32 $1.000000000e+00;
	s12 =	sadd.s32 s12, s15;
	s13 =	sadd.s32 $0x4E00, s13;
	s15 =	simm.s32 $0x2  }
.LBB2_1:
0x13: {  	s26 =	simm.s32 $0x40;
	s28 =	simm.s32 $0x0  }
.LBB2_2:
0x14: {  	p1 =	sne.s32 s26, $0x1FC0;
	[tilespmem:s28+$0x2710] =	vst v0;
	s28 =	smov.u32 s26;
	s26 =	sadd.s32 $0x40, s26  }
.Ltmp0:
0x15: {  	(pc) =	sbr.rel @p1 .LBB2_2-.Ltmp0, $2  }
0x16: {  	_ =	sdelay $0x2  }
0x17: {  	s28 =	sshra.s32 s28, $0x2  }
0x18: {  	[tilespmem:s28+$0x2710] =	vst v0  }
0x19: {  	[tilespmem:s3], [sflag:$0x2] =	stream.linear.gather [hbm4b:s4+s3], $0x2700, $0x38;
	[tilespmem:$0x5620] =	vst v63  }
0x1a: {  	_ =	swait.ge [sflag:s15], $0x2700  }
0x1b: {  	[sflag:s15] =	ssyncset.done $0x0  }
0x1c: {  	[sflag:s15] =	ssyncadd.s32 $0xFFFFD900  }
0x1d: {  	[tilespmem:s16], [sflag:$0x2] =	stream.linear.gather [hbm4b:s5+s3], $0x10, $0x38;
	[tilespmem:$0x5620] =	vst v63  }
0x1e: {  	_ =	swait.ge [sflag:s15], $0x10  }
0x1f: {  	[sflag:s15] =	ssyncset.done $0x0  }
0x20: {  	[sflag:s15] =	ssyncadd.s32 $0xFFFFFFF0  }
0x21: {  	[spmem:s6] =	stream.linear.scatter [tilespmem:s17], [sflag:$0x2], $0x800, $0x38;
	[tilespmem:$0x5620] =	vst v63  }
0x22: {  	_ =	swait.ge [sflag:s15], $0x800  }
0x23: {  	[sflag:s15] =	ssyncset.done $0x0  }
0x24: {  	[sflag:s15] =	ssyncadd.s32 $0xFFFFF800  }
0x25: {  	[spmem:s7] =	stream.linear.scatter [tilespmem:s17], [sflag:$0x2], $0x800, $0x38;
	[tilespmem:$0x5620] =	vst v63  }
0x26: {  	_ =	swait.ge [sflag:s15], $0x800  }
0x27: {  	[sflag:s15] =	ssyncset.done $0x0  }
0x28: {  	[sflag:s15] =	ssyncadd.s32 $0xFFFFF800  }
0x29: {  	[spmem:s8] =	stream.linear.scatter [tilespmem:s17], [sflag:$0x2], $0x800, $0x38;
	[tilespmem:$0x5620] =	vst v63  }
0x2a: {  	_ =	swait.ge [sflag:s15], $0x800  }
0x2b: {  	[sflag:s15] =	ssyncset.done $0x0  }
0x2c: {  	[sflag:s15] =	ssyncadd.s32 $0xFFFFF800  }
0x2d: {  	[spmem:s9] =	stream.linear.scatter [tilespmem:s17], [sflag:$0x2], $0x800, $0x38;
	[tilespmem:$0x5620] =	vst v63  }
0x2e: {  	_ =	swait.ge [sflag:s15], $0x800  }
0x2f: {  	[sflag:s15] =	ssyncset.done $0x0  }
0x30: {  	[sflag:s15] =	ssyncadd.s32 $0xFFFFF800  }
0x31: {  	[spmem:s10] =	stream.linear.scatter [tilespmem:s17], [sflag:$0x2], $0x700, $0x38;
	[tilespmem:$0x5620] =	vst v63  }
0x32: {  	_ =	swait.ge [sflag:s15], $0x700  }
0x33: {  	[sflag:s15] =	ssyncset.done $0x0  }
0x34: {  	s26 =	simm.s32 @!p0 $0x2710;
	[sflag:s15] =	ssyncadd.s32 $0xFFFFF900  }
0x35: {  	[spmem:s11] =	stream.linear.scatter @!p0 [tilespmem:s26], [sflag:$0x2], $0x100, $0x38;
	[tilespmem:$0x5620] =	vst v63  }
0x36: {  	s26 =	simm.s32 @!p0 $0x2  }
0x37: {  	_ =	swait.ge @!p0 [sflag:s26], $0x100  }
0x38: {  	[sflag:s26] =	ssyncset.done @!p0 $0x0  }
0x39: {  	[sflag:s26] =	ssyncadd.s32 @!p0 $0xFFFFFF00  }
0x3a: {  	[bflag:$0x0] =	sbarrier.arrive $0xFFFF  }
0x3b: {  	[spmem:s2] =	stream.indirect.scatter.add.f32 [tilespmem:s17], [sflag:$0x1], $0x10, s3, s18, $0xb8;
	[tilespmem:$0x5620] =	vst v63  }
0x3c: {  	_ = 	snop  }
0x3d: {  	[spmem:s2] =	stream.indirect.scatter.add.f32 [tilespmem:s17], [sflag:$0x1], $0x10, s18, s18, $0xb8;
	[tilespmem:$0x5620] =	vst v63  }
0x3e: {  	_ = 	snop  }
0x3f: {  	[spmem:s2] =	stream.indirect.scatter.add.f32 [tilespmem:s17], [sflag:$0x1], $0x10, s19, s18, $0xb8;
	[tilespmem:$0x5620] =	vst v63  }
0x40: {  	_ = 	snop  }
0x41: {  	[spmem:s2] =	stream.indirect.scatter.add.f32 [tilespmem:s17], [sflag:$0x1], $0x10, s20, s18, $0xb8;
	[tilespmem:$0x5620] =	vst v63  }
0x42: {  	_ = 	snop  }
0x43: {  	[spmem:s2] =	stream.indirect.scatter.add.f32 [tilespmem:s17], [sflag:$0x1], $0x10, s21, s18, $0xb8;
	[tilespmem:$0x5620] =	vst v63  }
0x44: {  	_ = 	snop  }
0x45: {  	[spmem:s2] =	stream.indirect.scatter.add.f32 [tilespmem:s17], [sflag:$0x1], $0x10, s22, s18, $0xb8;
	[tilespmem:$0x5620] =	vst v63  }
0x46: {  	s31 =	simm.s32 $0x300  }
0x47: {  	[spmem:s2] =	stream.indirect.scatter.add.f32 [tilespmem:s17], [sflag:$0x1], $0x10, s31, s18, $0xb8;
	[tilespmem:$0x5620] =	vst v63  }
0x48: {  	_ =	swait.ge [sflag:s23], $0x800  }
0x49: {  	s26 =	simm.s32 $0xE00;
	[sflag:s23] =	ssyncset.done $0x0  }
.LBB2_4:
0x4a: {  	s28 =	sshra.s32 s26, $0x2;
	[sflag:s23] =	ssyncadd.s32 $0xFFFFF800;
	p1 =	sne.s32 s26, $0x9A00  }
0x4b: {  	[spmem:s2] =	stream.indirect.scatter.add.f32 [tilespmem:s17], [sflag:$0x1], $0x10, s28, s18, $0xb8;
	[tilespmem:$0x5620] =	vst v63  }
.Ltmp1:
0x4c: {  	_ = 	snop;
	(pc) =	sbr.rel @p1 .LBB2_4-.Ltmp1, $4  }
0x4d: {  	_ = 	snop  }
0x4e: {  	s26 =	sadd.s32 $0x200, s26  }
0x4f: {  	_ =	swait.ge [sflag:s23], $0x800  }
0x50: {  	[sflag:s23] =	ssyncset.done $0x0  }
0x51: {  	[sflag:s23] =	ssyncadd.s32 $0xFFFFF800  }
0x52: {  	_ =	swait.ge [sflag:s23], $0x800  }
0x53: {  	[sflag:s23] =	ssyncset.done $0x0  }
0x54: {  	[sflag:s23] =	ssyncadd.s32 $0xFFFFF800  }
0x55: {  	_ =	swait.ge [sflag:s23], $0x800  }
0x56: {  	[sflag:s23] =	ssyncset.done $0x0  }
0x57: {  	[sflag:s23] =	ssyncadd.s32 $0xFFFFF800  }
0x58: {  	_ =	swait.ge [sflag:s23], $0x800  }
0x59: {  	[sflag:s23] =	ssyncset.done $0x0  }
0x5a: {  	[sflag:s23] =	ssyncadd.s32 $0xFFFFF800  }
0x5b: {  	_ =	swait.ge [sflag:s23], $0x800  }
0x5c: {  	[sflag:s23] =	ssyncset.done $0x0  }
0x5d: {  	[sflag:s23] =	ssyncadd.s32 $0xFFFFF800  }
0x5e: {  	_ =	swait.ge [sflag:s23], $0x800  }
0x5f: {  	[sflag:s23] =	ssyncset.done $0x0  }
0x60: {  	[sflag:s23] =	ssyncadd.s32 $0xFFFFF800  }
0x61: {  	_ =	swait.ge [sflag:s23], $0x800  }
0x62: {  	[sflag:s23] =	ssyncset.done $0x0  }
0x63: {  	[sflag:s23] =	ssyncadd.s32 $0xFFFFF800  }
0x64: {  	[spmem:s2] =	stream.indirect.scatter.add.f32 [tilespmem:s17], [sflag:$0x2], $0x10, s16, s24, $0xb8;
	[tilespmem:$0x5620] =	vst v63  }
0x65: {  	_ =	swait.ge [sflag:s15], $0x100  }
0x66: {  	[sflag:s15] =	ssyncset.done $0x0  }
0x67: {  	s26 =	sshll.u32 s0, $0x6;
	[sflag:s15] =	ssyncadd.s32 $0xFFFFFF00  }
0x68: {  	s28 =	sshrl.u32 s6, $0x3;
	s26 =	sor.u32 $0x1C02, s26;
	[bflag:$0x0] =	sbarrier.arrive $0xFFFF  }
0x69: {  	[hbm:s12], [sflag:s26] =	dma.local [spmem:s28], $0x4E0  }
0x6a: {  	_ =	swait.ge [sflag:s15], $0x4E0  }
0x6b: {  	s25 =	sadd.s32 $0x1, s25;
	[sflag:s15] =	ssyncset.done $0x0  }
0x6c: {  	p1 =	sne.s32 s25, s14;
	s28 =	sshrl.u32 @!p0 s11, $0x3;
	[sflag:s15] =	ssyncadd.s32 $0xFFFFFB20  }
0x6d: {  	[hbm:s13], [sflag:s26] =	dma.local @!p0 [spmem:s28], $0x20  }
.Ltmp2:
0x6e: {  	_ = 	snop;
	(pc) =	sbr.rel @p1 .LBB2_1-.Ltmp2, $4  }
0x6f: {  	s26 =	simm.s32 @!p0 $0x2  }
0x70: {  	_ =	swait.ge @!p0 [sflag:s26], $0x20  }
0x71: {  	[sflag:s26] =	ssyncset.done @!p0 $0x0  }
0x72: {  	[sflag:s26] =	ssyncadd.s32 @!p0 $0xFFFFFFE0  }
0x73: {  	_ =	sfence.sel $0x180000  }
0x74: {  	[bflag:$0x0] =	sbarrier.arrive $0xFFFF  }
0x75: {  	p0 =	sne.s32 s0, $0x0;
	_ =	strace $0x90000047  }
0x76: {  	s0 =	sadd.s32 @!p0 $0x100000, s1;
	[bflag:$0x2] =	sbarrier.arrive $0xFFFF  }
0x77: {  	[sflag:s0] =	ssyncadd.tile.s32 @!p0 $0x1;
	_ =	shalt  }
.Lfunc_end2:
_tile_overlayer_lowered:
.L_overlay_start_2:
0x78: {  	(tag) =	ssettag $0x2  }
0x79: {  	s0 =	rddreg [dreg:$0x0];
	s2 =	stileid.u32  }
0x7a: {  	s1 =	rddreg [dreg:$0x1];
	p0 =	sne.s32 s2, $0x0  }
0x7b: {  	s3 =	rddreg [dreg:$0x2];
	[bflag:$0x3] =	sbarrier.arrive $0xFFFF;
	s2 =	simm.s32 @!p0 $0x1C02  }
0x7c: {  	[timem:s3], [sflag:s2] =	dma.local @!p0 [hbm:s0], s1  }
0x7d: {  	s0 =	simm.s32 @!p0 $0x2  }
0x7e: {  	_ =	swait.ge @!p0 [sflag:s0], s1  }
0x7f: {  	s1 =	ssub.s32 @!p0 $0x0, s1;
	[sflag:s0] =	ssyncset.done @!p0 $0x0  }
0x80: {  	[sflag:s0] =	ssyncadd.s32 @!p0 s1  }
0x81: {  	[bflag:$0x3] =	sbarrier.arrive $0xFFFF  }
0x82: {  	_ =	shalt  }

</sc_bundles>
